<compile_context>
chip_gen: v7x
topology: tpu7x:2x2x1
jax: 0.10.2.dev20260603
libtpu: 0.0.44.dev20260713+nightly
codegen_flags: <defaults>
</compile_context>

<pallas_src>
import functools

import jax
import jax.numpy as jnp
from jax import lax
from jax.experimental import pallas as pl
from jax.experimental.pallas import tpu as pltpu
from jax.experimental.pallas import tpu_sc as plsc

N = 4096
D_GATE = 2304
D_EXP = 2304
H = 1024
O = 512
E = 8
K = 2

BN = 1024
NBLK = N // BN
BR = 256
P = N * K + E * BR
NB = P // BR

NC = 2
NS = 16
NW = NC * NS
TS = 16
TOK_W = N // NW
PAIR_W = (N * K) // NW
PS = 64


def _gate_body(gx_ref, gw_ref, gb_ref, wts_ref, d01_ref, be_ref,
               run_ref, rank_sc, e_sc):
    i = pl.program_id(0)

    @pl.when(i == 0)
    def _():
        run_ref[...] = jnp.zeros_like(run_ref)

    logits = jnp.dot(gx_ref[...], gw_ref[...],
                     preferred_element_type=jnp.float32) + gb_ref[...]
    iota8 = lax.broadcasted_iota(jnp.int32, logits.shape, 1)
    m1 = jnp.max(logits, axis=-1, keepdims=True)
    i1 = jnp.min(jnp.where(logits == m1, iota8, E), axis=-1, keepdims=True)
    l2 = jnp.where(iota8 == i1, -jnp.inf, logits)
    m2 = jnp.max(l2, axis=-1, keepdims=True)
    i2 = jnp.min(jnp.where(l2 == m2, iota8, E), axis=-1, keepdims=True)
    e2 = jnp.exp(m2 - m1)
    denom = 1.0 + e2
    wts_ref[...] = jnp.concatenate([1.0 / denom, e2 / denom], axis=1)

    r_io = lax.broadcasted_iota(jnp.int32, (BN, BN), 0)
    c_io = lax.broadcasted_iota(jnp.int32, (BN, BN), 1)
    tri = (r_io >= c_io).astype(jnp.float32)

    run = run_ref[...]
    for kk, ik in ((0, i1), (1, i2)):
        oh = (iota8 == ik).astype(jnp.float32)
        cum = lax.dot(tri, oh)
        cum_i = (cum + 0.5).astype(jnp.int32)
        rank = jnp.sum(jnp.where(iota8 == ik, cum_i - 1 + run, 0),
                       axis=1, keepdims=True)
        rank_sc[kk, pl.ds(i * BN, BN), :] = rank
        e_sc[kk, pl.ds(i * BN, BN), :] = ik
        run = run + lax.slice(cum_i, (BN - 1, 0), (BN, E))
    run_ref[...] = run

    @pl.when(i == NBLK - 1)
    def _():
        used = lax.shift_right_logical(run + (BR - 1),
                                       BR.bit_length() - 1)
        r8 = lax.broadcasted_iota(jnp.int32, (E, E), 0)
        c8 = lax.broadcasted_iota(jnp.int32, (E, E), 1)
        inc = (r8 <= c8).astype(jnp.float32)
        blk_end = (lax.dot(used.astype(jnp.float32), inc)
                   + 0.5).astype(jnp.int32)
        base = (blk_end - used) * BR
        for kk in (0, 1):
            dstv = rank_sc[kk]
            e_arr = e_sc[kk]
            for e in range(E):
                base_e = lax.slice(base, (0, e), (1, e + 1))
                dstv = dstv + jnp.where(e_arr == e, base_e, 0)
            d01_ref[kk] = dstv
        bids = lax.broadcasted_iota(jnp.int32, (1, NB), 1)
        acc = jnp.zeros((1, NB), jnp.int32)
        for e in range(E):
            be_e = lax.slice(blk_end, (0, e), (1, e + 1))
            acc = acc + jnp.where(bids >= be_e, 1, 0)
        be_ref[...] = jnp.clip(acc, 0, E - 1)


def _scatter_body(x_ref, d01_ref, out_ref, bufs, idx0s, idx1s,
                  rsem, wsem0, wsem1):
    wid = lax.axis_index("s") * NC + lax.axis_index("c")
    nch = TOK_W // TS

    def start_read(c):
        b = c % 2
        base = wid * TOK_W + c * TS
        return (
            pltpu.async_copy(x_ref.at[pl.ds(base, TS)], bufs.at[b], rsem),
            pltpu.async_copy(d01_ref.at[0, pl.ds(base, TS)], idx0s.at[b], rsem),
            pltpu.async_copy(d01_ref.at[1, pl.ds(base, TS)], idx1s.at[b], rsem),
        )

    def start_scatter(c):
        b = c % 2
        return (
            pltpu.async_copy(bufs.at[b], out_ref.at[idx0s.at[b]], wsem0),
            pltpu.async_copy(bufs.at[b], out_ref.at[idx1s.at[b]], wsem1),
        )

    rh = {0: start_read(0)}
    wh = {}
    for c in range(nch):
        for h in rh[c]:
            h.wait()
        wh[c] = start_scatter(c)
        if c + 1 < nch:
            if c >= 1:
                for h in wh[c - 1]:
                    h.wait()
            rh[c + 1] = start_read(c + 1)
    for c in (nch - 2, nch - 1):
        for h in wh[c]:
            h.wait()


def _mlp_body(be_ref, x_ref, w1_ref, b1_ref, w2_ref, b2_ref, o_ref):
    h = jnp.maximum(
        jnp.dot(x_ref[...], w1_ref[0], preferred_element_type=jnp.float32)
        + b1_ref[0], 0.0)
    o_ref[...] = jnp.dot(h, w2_ref[0],
                         preferred_element_type=jnp.float32) + b2_ref[0]


def _combine_gather_body(outg_ref, dst_ref, pairs_ref, bufs, idxs,
                         rsem, gsem, wsem):
    wid = lax.axis_index("s") * NC + lax.axis_index("c")
    nch = PAIR_W // PS

    def start_idx(c):
        base = wid * PAIR_W + c * PS
        return pltpu.async_copy(dst_ref.at[pl.ds(base, PS)],
                                idxs.at[c % 2], rsem)

    rh = {0: start_idx(0)}
    wh = {}
    for c in range(nch):
        if c >= 2:
            wh[c - 2].wait()
        rh[c].wait()
        gh = pltpu.async_copy(outg_ref.at[idxs.at[c % 2]], bufs.at[c % 2],
                              gsem)
        if c + 1 < nch:
            rh[c + 1] = start_idx(c + 1)
        gh.wait()
        base = wid * PAIR_W + c * PS
        wh[c] = pltpu.async_copy(bufs.at[c % 2],
                                 pairs_ref.at[pl.ds(base, PS)], wsem)
    for c in (nch - 2, nch - 1):
        wh[c].wait()


def _final_body(p0_ref, p1_ref, w_ref, y_ref):
    w = w_ref[...]
    y_ref[...] = w[:, 0:1] * p0_ref[...] + w[:, 1:2] * p1_ref[...]


def kernel(x_expert_input, gate_input, gate_W, gate_b, W1, b1, W2, b2):
    wts, d01, be = pl.pallas_call(
        _gate_body,
        grid=(NBLK,),
        in_specs=[
            pl.BlockSpec((BN, D_GATE), lambda i: (i, 0)),
            pl.BlockSpec((D_GATE, E), lambda i: (0, 0)),
            pl.BlockSpec((1, E), lambda i: (0, 0)),
        ],
        out_specs=[
            pl.BlockSpec((BN, K), lambda i: (i, 0)),
            pl.BlockSpec((K, N, 1), lambda i: (0, 0, 0)),
            pl.BlockSpec((1, NB), lambda i: (0, 0)),
        ],
        out_shape=[
            jax.ShapeDtypeStruct((N, K), jnp.float32),
            jax.ShapeDtypeStruct((K, N, 1), jnp.int32),
            jax.ShapeDtypeStruct((1, NB), jnp.int32),
        ],
        scratch_shapes=[
            pltpu.VMEM((1, E), jnp.int32),
            pltpu.VMEM((K, N, 1), jnp.int32),
            pltpu.VMEM((K, N, 1), jnp.int32),
        ],
    )(gate_input, gate_W, gate_b.reshape(1, E))
    d01_2d = d01.reshape(K, N)

    x_gb = pl.kernel(
        _scatter_body,
        out_type=jax.ShapeDtypeStruct((P, D_EXP), jnp.float32),
        mesh=plsc.VectorSubcoreMesh(core_axis_name="c", subcore_axis_name="s"),
        scratch_types=[
            pltpu.VMEM((2, TS, D_EXP), jnp.float32),
            pltpu.VMEM((2, TS), jnp.int32),
            pltpu.VMEM((2, TS), jnp.int32),
            pltpu.SemaphoreType.DMA,
            pltpu.SemaphoreType.DMA,
            pltpu.SemaphoreType.DMA,
        ],
    )(x_expert_input, d01_2d)

    out_g = pl.pallas_call(
        _mlp_body,
        grid_spec=pltpu.PrefetchScalarGridSpec(
            num_scalar_prefetch=1,
            grid=(NB,),
            in_specs=[
                pl.BlockSpec((BR, D_EXP), lambda i, be: (i, 0)),
                pl.BlockSpec((1, D_EXP, H), lambda i, be: (be[i], 0, 0)),
                pl.BlockSpec((1, 1, H), lambda i, be: (be[i], 0, 0)),
                pl.BlockSpec((1, H, O), lambda i, be: (be[i], 0, 0)),
                pl.BlockSpec((1, 1, O), lambda i, be: (be[i], 0, 0)),
            ],
            out_specs=pl.BlockSpec((BR, O), lambda i, be: (i, 0)),
        ),
        out_shape=jax.ShapeDtypeStruct((P, O), jnp.float32),
        compiler_params=pltpu.CompilerParams(
            dimension_semantics=("arbitrary",)),
    )(be.reshape(NB), x_gb, W1, b1.reshape(E, 1, H), W2, b2.reshape(E, 1, O))

    pairs = pl.kernel(
        _combine_gather_body,
        out_type=jax.ShapeDtypeStruct((K * N, O), jnp.float32),
        mesh=plsc.VectorSubcoreMesh(core_axis_name="c", subcore_axis_name="s"),
        scratch_types=[
            pltpu.VMEM((2, PS, O), jnp.float32),
            pltpu.VMEM((2, PS), jnp.int32),
            pltpu.SemaphoreType.DMA,
            pltpu.SemaphoreType.DMA,
            pltpu.SemaphoreType.DMA,
        ],
    )(out_g, d01_2d.reshape(K * N))

    y = pl.pallas_call(
        _final_body,
        grid=(N // BN,),
        in_specs=[
            pl.BlockSpec((BN, O), lambda i: (i, 0)),
            pl.BlockSpec((BN, O), lambda i: (i + N // BN, 0)),
            pl.BlockSpec((BN, K), lambda i: (i, 0)),
        ],
        out_specs=pl.BlockSpec((BN, O), lambda i: (i, 0)),
        out_shape=jax.ShapeDtypeStruct((N, O), jnp.float32),
    )(pairs, pairs, wts)
    return y

# --- scband reference (transcript-rebuilt; emitter-appended) ---
"""Pipeline reference for scband-foundational-time-series-model-63359357550973 (READ-ONLY COPY).

The authoritative reference and input builder live on the scoring server;
editing this copy changes nothing except your own understanding.
"""

import jax, jax.numpy as jnp
import numpy as np

N = 4096
D_GATE = 2304
D_EXP = 2304
H = 1024
O = 512
E = 8
K = 2


def setup_inputs(seed: int = 0) -> dict:
    key = jax.random.key(seed)
    ks = jax.random.split(key, 8)
    x_expert_input = jax.random.normal(ks[0], (N, D_EXP), dtype=jnp.float32)
    gate_input = jax.random.normal(ks[1], (N, D_GATE), dtype=jnp.float32)
    gate_W = jax.random.normal(ks[2], (D_GATE, E), dtype=jnp.float32) * (1.0 / np.sqrt(D_GATE))
    gate_b = jnp.zeros((E,), dtype=jnp.float32)
    W1 = jax.random.normal(ks[3], (E, D_EXP, H), dtype=jnp.float32) * (1.0 / np.sqrt(D_EXP))
    b1 = jnp.zeros((E, H), dtype=jnp.float32)
    W2 = jax.random.normal(ks[4], (E, H, O), dtype=jnp.float32) * (1.0 / np.sqrt(H))
    b2 = jnp.zeros((E, O), dtype=jnp.float32)
    return {
        "x_expert_input": x_expert_input,
        "gate_input": gate_input,
        "gate_W": gate_W,
        "gate_b": gate_b,
        "W1": W1,
        "b1": b1,
        "W2": W2,
        "b2": b2,
    }


def reference(x_expert_input, gate_input, gate_W, gate_b, W1, b1, W2, b2):
    # GatingNetwork: logits = Linear(gate_input)
    logits = gate_input @ gate_W + gate_b  # [N, E]
    # eval mode: no gating noise (self.training is False)
    eff_k = min(K, E)
    topk_val, topk_idx = jax.lax.top_k(logits, eff_k)  # [N, k]
    topk_w = jax.nn.softmax(topk_val, axis=-1)  # [N, k]
    # all_out = torch.stack([e(x_expert_input) for e in experts], dim=1)
    # Expert: Linear -> ReLU -> Linear, computed densely for all experts
    h = jax.nn.relu(jnp.einsum('nd,edh->enh', x_expert_input, W1) + b1[:, None, :])  # [E, N, H]
    all_out = jnp.einsum('enh,eho->eno', h, W2) + b2[:, None, :]  # [E, N, O]
    all_out = jnp.transpose(all_out, (1, 0, 2))  # [N, E, O]
    # gather top-k expert outputs and weighted-combine
    sel = jnp.take_along_axis(all_out, topk_idx[:, :, None], axis=1)  # [N, k, O]
    y = jnp.sum(topk_w[:, :, None] * sel, axis=1)  # [N, O]
    return y

if __name__ == "__main__":
    import jax
    _d = setup_inputs()
    print(jax.jit(kernel)(*tuple(_d.values())))

</pallas_src>

<mosaic_0001>
#map = affine_map<(d0, d1) -> (0, 0)>
#map1 = affine_map<(d0, d1) -> (0)>
module attributes {stable_mosaic.version = 14 : i64} {
  func.func @_combine_gather_body(%arg0: i32, %arg1: i32, %arg2: memref<10240x512xf32, #tpu.memory_space<hbm>>, %arg3: memref<8192xi32, #tpu.memory_space<hbm>>, %arg4: memref<8192x512xf32, #tpu.memory_space<hbm>>, %arg5: memref<2x64x512xf32, #tpu.memory_space<vmem>>, %arg6: memref<2x64xi32, #tpu.memory_space<vmem>>, %arg7: memref<!tpu.dma_semaphore, #tpu.memory_space<semaphore_mem>>, %arg8: memref<!tpu.dma_semaphore, #tpu.memory_space<semaphore_mem>>, %arg9: memref<!tpu.dma_semaphore, #tpu.memory_space<semaphore_mem>>) attributes {dimension_semantics = [#tpu.dimension_semantics<core_parallel>, #tpu.dimension_semantics<subcore_parallel>], iteration_bounds = array<i64: 2, 16>, scalar_prefetch = 0 : i64, scratch_operands = 5 : i64, tpu.core_type = #tpu.core_type<sc_vector_subcore>, window_params = [{transform_indices = #map}, {transform_indices = #map1}, {transform_indices = #map}]} {
    %mul3A = arith.constant 2 : i32
    %mul3A_0 = arith.muli %arg1, %mul3A : i32
    %add3A = arith.addi %mul3A_0, %arg0 : i32
    %mul3A_1 = arith.constant 256 : i32
    %mul3A_2 = arith.muli %add3A, %mul3A_1 : i32
    %add3A_3 = arith.constant 0 : i32
    %add3A_4 = arith.addi %mul3A_2, %add3A_3 : i32
    %dma_start3A = arith.constant 0 : i32
    %dma_start3A_5 = arith.constant 0 : i32
    %dma_start3A_6 = tpu.memref_slice %arg6[%dma_start3A, %dma_start3A_5] : memref<2x64xi32, #tpu.memory_space<vmem>> -> memref<1x64xi32, #tpu.memory_space<vmem>>
    %dma_start3A_7 = tpu.memref_squeeze %dma_start3A_6 : memref<1x64xi32, #tpu.memory_space<vmem>> -> memref<64xi32, #tpu.memory_space<vmem>>
    %dma_start3A_8 = tpu.memref_slice %arg3[%add3A_4] : memref<8192xi32, #tpu.memory_space<hbm>> -> memref<64xi32, #tpu.memory_space<hbm>>
    %dma_start3A_9 = arith.constant 0 : i32
    %dma_start3A_10 = tpu.memref_slice %arg6[%dma_start3A, %dma_start3A_9] : memref<2x64xi32, #tpu.memory_space<vmem>> -> memref<1x64xi32, #tpu.memory_space<vmem>>
    %dma_start3A_11 = tpu.memref_squeeze %dma_start3A_10 : memref<1x64xi32, #tpu.memory_space<vmem>> -> memref<64xi32, #tpu.memory_space<vmem>>
    %dma_start3A_12 = tpu.memref_slice %arg3[%add3A_4] : memref<8192xi32, #tpu.memory_space<hbm>> -> memref<64xi32, #tpu.memory_space<hbm>>
    tpu.enqueue_dma source(%dma_start3A_12 : memref<64xi32, #tpu.memory_space<hbm>>) target(%dma_start3A_11 : memref<64xi32, #tpu.memory_space<vmem>>) target_semaphore(%arg7 : memref<!tpu.dma_semaphore, #tpu.memory_space<semaphore_mem>>)
    %dma_wait3A = arith.constant 0 : i32
    %dma_wait3A_13 = arith.constant 0 : i32
    %dma_wait3A_14 = tpu.memref_slice %arg6[%dma_wait3A, %dma_wait3A_13] : memref<2x64xi32, #tpu.memory_space<vmem>> -> memref<1x64xi32, #tpu.memory_space<vmem>>
    %dma_wait3A_15 = tpu.memref_squeeze %dma_wait3A_14 : memref<1x64xi32, #tpu.memory_space<vmem>> -> memref<64xi32, #tpu.memory_space<vmem>>
    %dma_wait3A_16 = tpu.memref_slice %arg3[%add3A_4] : memref<8192xi32, #tpu.memory_space<hbm>> -> memref<64xi32, #tpu.memory_space<hbm>>
    %dma_wait3A_17 = arith.constant 0 : i32
    %dma_wait3A_18 = tpu.memref_slice %arg6[%dma_wait3A, %dma_wait3A_17] : memref<2x64xi32, #tpu.memory_space<vmem>> -> memref<1x64xi32, #tpu.memory_space<vmem>>
    %dma_wait3A_19 = tpu.memref_squeeze %dma_wait3A_18 : memref<1x64xi32, #tpu.memory_space<vmem>> -> memref<64xi32, #tpu.memory_space<vmem>>
    %dma_wait3A_20 = tpu.memref_slice %arg3[%add3A_4] : memref<8192xi32, #tpu.memory_space<hbm>> -> memref<64xi32, #tpu.memory_space<hbm>>
    tpu.wait_dma2 semaphore(%arg7 : memref<!tpu.dma_semaphore, #tpu.memory_space<semaphore_mem>>) src(%dma_wait3A_20 : memref<64xi32, #tpu.memory_space<hbm>>) dst(%dma_wait3A_19 : memref<64xi32, #tpu.memory_space<vmem>>)
    %dma_start3A_21 = arith.constant 0 : i32
    %dma_start3A_22 = arith.constant 0 : i32
    %dma_start3A_23 = arith.constant 0 : i32
    %dma_start3A_24 = arith.constant 0 : i32
    %dma_start3A_25 = tpu.memref_slice %arg5[%dma_start3A_22, %dma_start3A_23, %dma_start3A_24] : memref<2x64x512xf32, #tpu.memory_space<vmem>> -> memref<1x64x512xf32, #tpu.memory_space<vmem>>
    %dma_start3A_26 = tpu.memref_squeeze %dma_start3A_25 : memref<1x64x512xf32, #tpu.memory_space<vmem>> -> memref<64x512xf32, #tpu.memory_space<vmem>>
    %dma_start3A_27 = arith.constant 0 : i32
    %dma_start3A_28 = tpu.memref_slice %arg6[%dma_start3A_21, %dma_start3A_27] : memref<2x64xi32, #tpu.memory_space<vmem>> -> memref<1x64xi32, #tpu.memory_space<vmem>>
    %dma_start3A_29 = tpu.memref_squeeze %dma_start3A_28 : memref<1x64xi32, #tpu.memory_space<vmem>> -> memref<64xi32, #tpu.memory_space<vmem>>
    %dma_start3A_30 = arith.constant 0 : i32
    %dma_start3A_31 = arith.constant 0 : i32
    %dma_start3A_32 = tpu.memref_slice %arg2[%dma_start3A_30, %dma_start3A_31] : memref<10240x512xf32, #tpu.memory_space<hbm>> -> memref<10240x512xf32, #tpu.memory_space<hbm>>
    tpu.enqueue_indirect_dma source(%dma_start3A_32 : memref<10240x512xf32, #tpu.memory_space<hbm>>) target(%dma_start3A_26 : memref<64x512xf32, #tpu.memory_space<vmem>>) offsets(%dma_start3A_29 : memref<64xi32, #tpu.memory_space<vmem>>) semaphore(%arg8 : memref<!tpu.dma_semaphore, #tpu.memory_space<semaphore_mem>>)
    %mul3A_33 = arith.constant 256 : i32
    %mul3A_34 = arith.muli %add3A, %mul3A_33 : i32
    %add3A_35 = arith.constant 64 : i32
    %add3A_36 = arith.addi %mul3A_34, %add3A_35 : i32
    %dma_start3A_37 = arith.constant 1 : i32
    %dma_start3A_38 = arith.constant 0 : i32
    %dma_start3A_39 = tpu.memref_slice %arg6[%dma_start3A_37, %dma_start3A_38] : memref<2x64xi32, #tpu.memory_space<vmem>> -> memref<1x64xi32, #tpu.memory_space<vmem>>
    %dma_start3A_40 = tpu.memref_squeeze %dma_start3A_39 : memref<1x64xi32, #tpu.memory_space<vmem>> -> memref<64xi32, #tpu.memory_space<vmem>>
    %dma_start3A_41 = tpu.memref_slice %arg3[%add3A_36] : memref<8192xi32, #tpu.memory_space<hbm>> -> memref<64xi32, #tpu.memory_space<hbm>>
    %dma_start3A_42 = arith.constant 0 : i32
    %dma_start3A_43 = tpu.memref_slice %arg6[%dma_start3A_37, %dma_start3A_42] : memref<2x64xi32, #tpu.memory_space<vmem>> -> memref<1x64xi32, #tpu.memory_space<vmem>>
    %dma_start3A_44 = tpu.memref_squeeze %dma_start3A_43 : memref<1x64xi32, #tpu.memory_space<vmem>> -> memref<64xi32, #tpu.memory_space<vmem>>
    %dma_start3A_45 = tpu.memref_slice %arg3[%add3A_36] : memref<8192xi32, #tpu.memory_space<hbm>> -> memref<64xi32, #tpu.memory_space<hbm>>
    tpu.enqueue_dma source(%dma_start3A_45 : memref<64xi32, #tpu.memory_space<hbm>>) target(%dma_start3A_44 : memref<64xi32, #tpu.memory_space<vmem>>) target_semaphore(%arg7 : memref<!tpu.dma_semaphore, #tpu.memory_space<semaphore_mem>>)
    %dma_wait3A_46 = arith.constant 0 : i32
    %dma_wait3A_47 = arith.constant 0 : i32
    %dma_wait3A_48 = arith.constant 0 : i32
    %dma_wait3A_49 = arith.constant 0 : i32
    %dma_wait3A_50 = tpu.memref_slice %arg5[%dma_wait3A_47, %dma_wait3A_48, %dma_wait3A_49] : memref<2x64x512xf32, #tpu.memory_space<vmem>> -> memref<1x64x512xf32, #tpu.memory_space<vmem>>
    %dma_wait3A_51 = tpu.memref_squeeze %dma_wait3A_50 : memref<1x64x512xf32, #tpu.memory_space<vmem>> -> memref<64x512xf32, #tpu.memory_space<vmem>>
    %dma_wait3A_52 = arith.constant 0 : i32
    %dma_wait3A_53 = tpu.memref_slice %arg6[%dma_wait3A_46, %dma_wait3A_52] : memref<2x64xi32, #tpu.memory_space<vmem>> -> memref<1x64xi32, #tpu.memory_space<vmem>>
    %dma_wait3A_54 = tpu.memref_squeeze %dma_wait3A_53 : memref<1x64xi32, #tpu.memory_space<vmem>> -> memref<64xi32, #tpu.memory_space<vmem>>
    %dma_wait3A_55 = arith.constant 0 : i32
    %dma_wait3A_56 = arith.constant 0 : i32
    %dma_wait3A_57 = tpu.memref_slice %arg2[%dma_wait3A_55, %dma_wait3A_56] : memref<10240x512xf32, #tpu.memory_space<hbm>> -> memref<10240x512xf32, #tpu.memory_space<hbm>>
    tpu.wait_indirect_dma semaphore(%arg8 : memref<!tpu.dma_semaphore, #tpu.memory_space<semaphore_mem>>) src(%dma_wait3A_57 : memref<10240x512xf32, #tpu.memory_space<hbm>>) dst(%dma_wait3A_51 : memref<64x512xf32, #tpu.memory_space<vmem>>)
    %mul3A_58 = arith.constant 256 : i32
    %mul3A_59 = arith.muli %add3A, %mul3A_58 : i32
    %add3A_60 = arith.constant 0 : i32
    %add3A_61 = arith.addi %mul3A_59, %add3A_60 : i32
    %dma_start3A_62 = arith.constant 0 : i32
    %dma_start3A_63 = arith.constant 0 : i32
    %dma_start3A_64 = arith.constant 0 : i32
    %dma_start3A_65 = tpu.memref_slice %arg5[%dma_start3A_62, %dma_start3A_63, %dma_start3A_64] : memref<2x64x512xf32, #tpu.memory_space<vmem>> -> memref<1x64x512xf32, #tpu.memory_space<vmem>>
    %dma_start3A_66 = tpu.memref_squeeze %dma_start3A_65 : memref<1x64x512xf32, #tpu.memory_space<vmem>> -> memref<64x512xf32, #tpu.memory_space<vmem>>
    %dma_start3A_67 = arith.constant 0 : i32
    %dma_start3A_68 = tpu.memref_slice %arg4[%add3A_61, %dma_start3A_67] : memref<8192x512xf32, #tpu.memory_space<hbm>> -> memref<64x512xf32, #tpu.memory_space<hbm>>
    %dma_start3A_69 = arith.constant 0 : i32
    %dma_start3A_70 = tpu.memref_slice %arg4[%add3A_61, %dma_start3A_69] : memref<8192x512xf32, #tpu.memory_space<hbm>> -> memref<64x512xf32, #tpu.memory_space<hbm>>
    %dma_start3A_71 = arith.constant 0 : i32
    %dma_start3A_72 = arith.constant 0 : i32
    %dma_start3A_73 = tpu.memref_slice %arg5[%dma_start3A_62, %dma_start3A_71, %dma_start3A_72] : memref<2x64x512xf32, #tpu.memory_space<vmem>> -> memref<1x64x512xf32, #tpu.memory_space<vmem>>
    %dma_start3A_74 = tpu.memref_squeeze %dma_start3A_73 : memref<1x64x512xf32, #tpu.memory_space<vmem>> -> memref<64x512xf32, #tpu.memory_space<vmem>>
    tpu.enqueue_dma source(%dma_start3A_74 : memref<64x512xf32, #tpu.memory_space<vmem>>) target(%dma_start3A_70 : memref<64x512xf32, #tpu.memory_space<hbm>>) target_semaphore(%arg9 : memref<!tpu.dma_semaphore, #tpu.memory_space<semaphore_mem>>)
    %dma_wait3A_75 = arith.constant 1 : i32
    %dma_wait3A_76 = arith.constant 0 : i32
    %dma_wait3A_77 = tpu.memref_slice %arg6[%dma_wait3A_75, %dma_wait3A_76] : memref<2x64xi32, #tpu.memory_space<vmem>> -> memref<1x64xi32, #tpu.memory_space<vmem>>
    %dma_wait3A_78 = tpu.memref_squeeze %dma_wait3A_77 : memref<1x64xi32, #tpu.memory_space<vmem>> -> memref<64xi32, #tpu.memory_space<vmem>>
    %dma_wait3A_79 = tpu.memref_slice %arg3[%add3A_36] : memref<8192xi32, #tpu.memory_space<hbm>> -> memref<64xi32, #tpu.memory_space<hbm>>
    %dma_wait3A_80 = arith.constant 0 : i32
    %dma_wait3A_81 = tpu.memref_slice %arg6[%dma_wait3A_75, %dma_wait3A_80] : memref<2x64xi32, #tpu.memory_space<vmem>> -> memref<1x64xi32, #tpu.memory_space<vmem>>
    %dma_wait3A_82 = tpu.memref_squeeze %dma_wait3A_81 : memref<1x64xi32, #tpu.memory_space<vmem>> -> memref<64xi32, #tpu.memory_space<vmem>>
    %dma_wait3A_83 = tpu.memref_slice %arg3[%add3A_36] : memref<8192xi32, #tpu.memory_space<hbm>> -> memref<64xi32, #tpu.memory_space<hbm>>
    tpu.wait_dma2 semaphore(%arg7 : memref<!tpu.dma_semaphore, #tpu.memory_space<semaphore_mem>>) src(%dma_wait3A_83 : memref<64xi32, #tpu.memory_space<hbm>>) dst(%dma_wait3A_82 : memref<64xi32, #tpu.memory_space<vmem>>)
    %dma_start3A_84 = arith.constant 1 : i32
    %dma_start3A_85 = arith.constant 1 : i32
    %dma_start3A_86 = arith.constant 0 : i32
    %dma_start3A_87 = arith.constant 0 : i32
    %dma_start3A_88 = tpu.memref_slice %arg5[%dma_start3A_85, %dma_start3A_86, %dma_start3A_87] : memref<2x64x512xf32, #tpu.memory_space<vmem>> -> memref<1x64x512xf32, #tpu.memory_space<vmem>>
    %dma_start3A_89 = tpu.memref_squeeze %dma_start3A_88 : memref<1x64x512xf32, #tpu.memory_space<vmem>> -> memref<64x512xf32, #tpu.memory_space<vmem>>
    %dma_start3A_90 = arith.constant 0 : i32
    %dma_start3A_91 = tpu.memref_slice %arg6[%dma_start3A_84, %dma_start3A_90] : memref<2x64xi32, #tpu.memory_space<vmem>> -> memref<1x64xi32, #tpu.memory_space<vmem>>
    %dma_start3A_92 = tpu.memref_squeeze %dma_start3A_91 : memref<1x64xi32, #tpu.memory_space<vmem>> -> memref<64xi32, #tpu.memory_space<vmem>>
    %dma_start3A_93 = arith.constant 0 : i32
    %dma_start3A_94 = arith.constant 0 : i32
    %dma_start3A_95 = tpu.memref_slice %arg2[%dma_start3A_93, %dma_start3A_94] : memref<10240x512xf32, #tpu.memory_space<hbm>> -> memref<10240x512xf32, #tpu.memory_space<hbm>>
    tpu.enqueue_indirect_dma source(%dma_start3A_95 : memref<10240x512xf32, #tpu.memory_space<hbm>>) target(%dma_start3A_89 : memref<64x512xf32, #tpu.memory_space<vmem>>) offsets(%dma_start3A_92 : memref<64xi32, #tpu.memory_space<vmem>>) semaphore(%arg8 : memref<!tpu.dma_semaphore, #tpu.memory_space<semaphore_mem>>)
    %mul3A_96 = arith.constant 256 : i32
    %mul3A_97 = arith.muli %add3A, %mul3A_96 : i32
    %add3A_98 = arith.constant 128 : i32
    %add3A_99 = arith.addi %mul3A_97, %add3A_98 : i32
    %dma_start3A_100 = arith.constant 0 : i32
    %dma_start3A_101 = arith.constant 0 : i32
    %dma_start3A_102 = tpu.memref_slice %arg6[%dma_start3A_100, %dma_start3A_101] : memref<2x64xi32, #tpu.memory_space<vmem>> -> memref<1x64xi32, #tpu.memory_space<vmem>>
    %dma_start3A_103 = tpu.memref_squeeze %dma_start3A_102 : memref<1x64xi32, #tpu.memory_space<vmem>> -> memref<64xi32, #tpu.memory_space<vmem>>
    %dma_start3A_104 = tpu.memref_slice %arg3[%add3A_99] : memref<8192xi32, #tpu.memory_space<hbm>> -> memref<64xi32, #tpu.memory_space<hbm>>
    %dma_start3A_105 = arith.constant 0 : i32
    %dma_start3A_106 = tpu.memref_slice %arg6[%dma_start3A_100, %dma_start3A_105] : memref<2x64xi32, #tpu.memory_space<vmem>> -> memref<1x64xi32, #tpu.memory_space<vmem>>
    %dma_start3A_107 = tpu.memref_squeeze %dma_start3A_106 : memref<1x64xi32, #tpu.memory_space<vmem>> -> memref<64xi32, #tpu.memory_space<vmem>>
    %dma_start3A_108 = tpu.memref_slice %arg3[%add3A_99] : memref<8192xi32, #tpu.memory_space<hbm>> -> memref<64xi32, #tpu.memory_space<hbm>>
    tpu.enqueue_dma source(%dma_start3A_108 : memref<64xi32, #tpu.memory_space<hbm>>) target(%dma_start3A_107 : memref<64xi32, #tpu.memory_space<vmem>>) target_semaphore(%arg7 : memref<!tpu.dma_semaphore, #tpu.memory_space<semaphore_mem>>)
    %dma_wait3A_109 = arith.constant 1 : i32
    %dma_wait3A_110 = arith.constant 1 : i32
    %dma_wait3A_111 = arith.constant 0 : i32
    %dma_wait3A_112 = arith.constant 0 : i32
    %dma_wait3A_113 = tpu.memref_slice %arg5[%dma_wait3A_110, %dma_wait3A_111, %dma_wait3A_112] : memref<2x64x512xf32, #tpu.memory_space<vmem>> -> memref<1x64x512xf32, #tpu.memory_space<vmem>>
    %dma_wait3A_114 = tpu.memref_squeeze %dma_wait3A_113 : memref<1x64x512xf32, #tpu.memory_space<vmem>> -> memref<64x512xf32, #tpu.memory_space<vmem>>
    %dma_wait3A_115 = arith.constant 0 : i32
    %dma_wait3A_116 = tpu.memref_slice %arg6[%dma_wait3A_109, %dma_wait3A_115] : memref<2x64xi32, #tpu.memory_space<vmem>> -> memref<1x64xi32, #tpu.memory_space<vmem>>
    %dma_wait3A_117 = tpu.memref_squeeze %dma_wait3A_116 : memref<1x64xi32, #tpu.memory_space<vmem>> -> memref<64xi32, #tpu.memory_space<vmem>>
    %dma_wait3A_118 = arith.constant 0 : i32
    %dma_wait3A_119 = arith.constant 0 : i32
    %dma_wait3A_120 = tpu.memref_slice %arg2[%dma_wait3A_118, %dma_wait3A_119] : memref<10240x512xf32, #tpu.memory_space<hbm>> -> memref<10240x512xf32, #tpu.memory_space<hbm>>
    tpu.wait_indirect_dma semaphore(%arg8 : memref<!tpu.dma_semaphore, #tpu.memory_space<semaphore_mem>>) src(%dma_wait3A_120 : memref<10240x512xf32, #tpu.memory_space<hbm>>) dst(%dma_wait3A_114 : memref<64x512xf32, #tpu.memory_space<vmem>>)
    %mul3A_121 = arith.constant 256 : i32
    %mul3A_122 = arith.muli %add3A, %mul3A_121 : i32
    %add3A_123 = arith.constant 64 : i32
    %add3A_124 = arith.addi %mul3A_122, %add3A_123 : i32
    %dma_start3A_125 = arith.constant 1 : i32
    %dma_start3A_126 = arith.constant 0 : i32
    %dma_start3A_127 = arith.constant 0 : i32
    %dma_start3A_128 = tpu.memref_slice %arg5[%dma_start3A_125, %dma_start3A_126, %dma_start3A_127] : memref<2x64x512xf32, #tpu.memory_space<vmem>> -> memref<1x64x512xf32, #tpu.memory_space<vmem>>
    %dma_start3A_129 = tpu.memref_squeeze %dma_start3A_128 : memref<1x64x512xf32, #tpu.memory_space<vmem>> -> memref<64x512xf32, #tpu.memory_space<vmem>>
    %dma_start3A_130 = arith.constant 0 : i32
    %dma_start3A_131 = tpu.memref_slice %arg4[%add3A_124, %dma_start3A_130] : memref<8192x512xf32, #tpu.memory_space<hbm>> -> memref<64x512xf32, #tpu.memory_space<hbm>>
    %dma_start3A_132 = arith.constant 0 : i32
    %dma_start3A_133 = tpu.memref_slice %arg4[%add3A_124, %dma_start3A_132] : memref<8192x512xf32, #tpu.memory_space<hbm>> -> memref<64x512xf32, #tpu.memory_space<hbm>>
    %dma_start3A_134 = arith.constant 0 : i32
    %dma_start3A_135 = arith.constant 0 : i32
    %dma_start3A_136 = tpu.memref_slice %arg5[%dma_start3A_125, %dma_start3A_134, %dma_start3A_135] : memref<2x64x512xf32, #tpu.memory_space<vmem>> -> memref<1x64x512xf32, #tpu.memory_space<vmem>>
    %dma_start3A_137 = tpu.memref_squeeze %dma_start3A_136 : memref<1x64x512xf32, #tpu.memory_space<vmem>> -> memref<64x512xf32, #tpu.memory_space<vmem>>
    tpu.enqueue_dma source(%dma_start3A_137 : memref<64x512xf32, #tpu.memory_space<vmem>>) target(%dma_start3A_133 : memref<64x512xf32, #tpu.memory_space<hbm>>) target_semaphore(%arg9 : memref<!tpu.dma_semaphore, #tpu.memory_space<semaphore_mem>>)
    %dma_wait3A_138 = arith.constant 0 : i32
    %dma_wait3A_139 = arith.constant 0 : i32
    %dma_wait3A_140 = arith.constant 0 : i32
    %dma_wait3A_141 = tpu.memref_slice %arg5[%dma_wait3A_138, %dma_wait3A_139, %dma_wait3A_140] : memref<2x64x512xf32, #tpu.memory_space<vmem>> -> memref<1x64x512xf32, #tpu.memory_space<vmem>>
    %dma_wait3A_142 = tpu.memref_squeeze %dma_wait3A_141 : memref<1x64x512xf32, #tpu.memory_space<vmem>> -> memref<64x512xf32, #tpu.memory_space<vmem>>
    %dma_wait3A_143 = arith.constant 0 : i32
    %dma_wait3A_144 = tpu.memref_slice %arg4[%add3A_61, %dma_wait3A_143] : memref<8192x512xf32, #tpu.memory_space<hbm>> -> memref<64x512xf32, #tpu.memory_space<hbm>>
    %dma_wait3A_145 = arith.constant 0 : i32
    %dma_wait3A_146 = tpu.memref_slice %arg4[%add3A_61, %dma_wait3A_145] : memref<8192x512xf32, #tpu.memory_space<hbm>> -> memref<64x512xf32, #tpu.memory_space<hbm>>
    %dma_wait3A_147 = arith.constant 0 : i32
    %dma_wait3A_148 = arith.constant 0 : i32
    %dma_wait3A_149 = tpu.memref_slice %arg5[%dma_wait3A_138, %dma_wait3A_147, %dma_wait3A_148] : memref<2x64x512xf32, #tpu.memory_space<vmem>> -> memref<1x64x512xf32, #tpu.memory_space<vmem>>
    %dma_wait3A_150 = tpu.memref_squeeze %dma_wait3A_149 : memref<1x64x512xf32, #tpu.memory_space<vmem>> -> memref<64x512xf32, #tpu.memory_space<vmem>>
    tpu.wait_dma2 semaphore(%arg9 : memref<!tpu.dma_semaphore, #tpu.memory_space<semaphore_mem>>) src(%dma_wait3A_150 : memref<64x512xf32, #tpu.memory_space<vmem>>) dst(%dma_wait3A_146 : memref<64x512xf32, #tpu.memory_space<hbm>>)
    %dma_wait3A_151 = arith.constant 0 : i32
    %dma_wait3A_152 = arith.constant 0 : i32
    %dma_wait3A_153 = tpu.memref_slice %arg6[%dma_wait3A_151, %dma_wait3A_152] : memref<2x64xi32, #tpu.memory_space<vmem>> -> memref<1x64xi32, #tpu.memory_space<vmem>>
    %dma_wait3A_154 = tpu.memref_squeeze %dma_wait3A_153 : memref<1x64xi32, #tpu.memory_space<vmem>> -> memref<64xi32, #tpu.memory_space<vmem>>
    %dma_wait3A_155 = tpu.memref_slice %arg3[%add3A_99] : memref<8192xi32, #tpu.memory_space<hbm>> -> memref<64xi32, #tpu.memory_space<hbm>>
    %dma_wait3A_156 = arith.constant 0 : i32
    %dma_wait3A_157 = tpu.memref_slice %arg6[%dma_wait3A_151, %dma_wait3A_156] : memref<2x64xi32, #tpu.memory_space<vmem>> -> memref<1x64xi32, #tpu.memory_space<vmem>>
    %dma_wait3A_158 = tpu.memref_squeeze %dma_wait3A_157 : memref<1x64xi32, #tpu.memory_space<vmem>> -> memref<64xi32, #tpu.memory_space<vmem>>
    %dma_wait3A_159 = tpu.memref_slice %arg3[%add3A_99] : memref<8192xi32, #tpu.memory_space<hbm>> -> memref<64xi32, #tpu.memory_space<hbm>>
    tpu.wait_dma2 semaphore(%arg7 : memref<!tpu.dma_semaphore, #tpu.memory_space<semaphore_mem>>) src(%dma_wait3A_159 : memref<64xi32, #tpu.memory_space<hbm>>) dst(%dma_wait3A_158 : memref<64xi32, #tpu.memory_space<vmem>>)
    %dma_start3A_160 = arith.constant 0 : i32
    %dma_start3A_161 = arith.constant 0 : i32
    %dma_start3A_162 = arith.constant 0 : i32
    %dma_start3A_163 = arith.constant 0 : i32
    %dma_start3A_164 = tpu.memref_slice %arg5[%dma_start3A_161, %dma_start3A_162, %dma_start3A_163] : memref<2x64x512xf32, #tpu.memory_space<vmem>> -> memref<1x64x512xf32, #tpu.memory_space<vmem>>
    %dma_start3A_165 = tpu.memref_squeeze %dma_start3A_164 : memref<1x64x512xf32, #tpu.memory_space<vmem>> -> memref<64x512xf32, #tpu.memory_space<vmem>>
    %dma_start3A_166 = arith.constant 0 : i32
    %dma_start3A_167 = tpu.memref_slice %arg6[%dma_start3A_160, %dma_start3A_166] : memref<2x64xi32, #tpu.memory_space<vmem>> -> memref<1x64xi32, #tpu.memory_space<vmem>>
    %dma_start3A_168 = tpu.memref_squeeze %dma_start3A_167 : memref<1x64xi32, #tpu.memory_space<vmem>> -> memref<64xi32, #tpu.memory_space<vmem>>
    %dma_start3A_169 = arith.constant 0 : i32
    %dma_start3A_170 = arith.constant 0 : i32
    %dma_start3A_171 = tpu.memref_slice %arg2[%dma_start3A_169, %dma_start3A_170] : memref<10240x512xf32, #tpu.memory_space<hbm>> -> memref<10240x512xf32, #tpu.memory_space<hbm>>
    tpu.enqueue_indirect_dma source(%dma_start3A_171 : memref<10240x512xf32, #tpu.memory_space<hbm>>) target(%dma_start3A_165 : memref<64x512xf32, #tpu.memory_space<vmem>>) offsets(%dma_start3A_168 : memref<64xi32, #tpu.memory_space<vmem>>) semaphore(%arg8 : memref<!tpu.dma_semaphore, #tpu.memory_space<semaphore_mem>>)
    %mul3A_172 = arith.constant 256 : i32
    %mul3A_173 = arith.muli %add3A, %mul3A_172 : i32
    %add3A_174 = arith.constant 192 : i32
    %add3A_175 = arith.addi %mul3A_173, %add3A_174 : i32
    %dma_start3A_176 = arith.constant 1 : i32
    %dma_start3A_177 = arith.constant 0 : i32
    %dma_start3A_178 = tpu.memref_slice %arg6[%dma_start3A_176, %dma_start3A_177] : memref<2x64xi32, #tpu.memory_space<vmem>> -> memref<1x64xi32, #tpu.memory_space<vmem>>
    %dma_start3A_179 = tpu.memref_squeeze %dma_start3A_178 : memref<1x64xi32, #tpu.memory_space<vmem>> -> memref<64xi32, #tpu.memory_space<vmem>>
    %dma_start3A_180 = tpu.memref_slice %arg3[%add3A_175] : memref<8192xi32, #tpu.memory_space<hbm>> -> memref<64xi32, #tpu.memory_space<hbm>>
    %dma_start3A_181 = arith.constant 0 : i32
    %dma_start3A_182 = tpu.memref_slice %arg6[%dma_start3A_176, %dma_start3A_181] : memref<2x64xi32, #tpu.memory_space<vmem>> -> memref<1x64xi32, #tpu.memory_space<vmem>>
    %dma_start3A_183 = tpu.memref_squeeze %dma_start3A_182 : memref<1x64xi32, #tpu.memory_space<vmem>> -> memref<64xi32, #tpu.memory_space<vmem>>
    %dma_start3A_184 = tpu.memref_slice %arg3[%add3A_175] : memref<8192xi32, #tpu.memory_space<hbm>> -> memref<64xi32, #tpu.memory_space<hbm>>
    tpu.enqueue_dma source(%dma_start3A_184 : memref<64xi32, #tpu.memory_space<hbm>>) target(%dma_start3A_183 : memref<64xi32, #tpu.memory_space<vmem>>) target_semaphore(%arg7 : memref<!tpu.dma_semaphore, #tpu.memory_space<semaphore_mem>>)
    %dma_wait3A_185 = arith.constant 0 : i32
    %dma_wait3A_186 = arith.constant 0 : i32
    %dma_wait3A_187 = arith.constant 0 : i32
    %dma_wait3A_188 = arith.constant 0 : i32
    %dma_wait3A_189 = tpu.memref_slice %arg5[%dma_wait3A_186, %dma_wait3A_187, %dma_wait3A_188] : memref<2x64x512xf32, #tpu.memory_space<vmem>> -> memref<1x64x512xf32, #tpu.memory_space<vmem>>
    %dma_wait3A_190 = tpu.memref_squeeze %dma_wait3A_189 : memref<1x64x512xf32, #tpu.memory_space<vmem>> -> memref<64x512xf32, #tpu.memory_space<vmem>>
    %dma_wait3A_191 = arith.constant 0 : i32
    %dma_wait3A_192 = tpu.memref_slice %arg6[%dma_wait3A_185, %dma_wait3A_191] : memref<2x64xi32, #tpu.memory_space<vmem>> -> memref<1x64xi32, #tpu.memory_space<vmem>>
    %dma_wait3A_193 = tpu.memref_squeeze %dma_wait3A_192 : memref<1x64xi32, #tpu.memory_space<vmem>> -> memref<64xi32, #tpu.memory_space<vmem>>
    %dma_wait3A_194 = arith.constant 0 : i32
    %dma_wait3A_195 = arith.constant 0 : i32
    %dma_wait3A_196 = tpu.memref_slice %arg2[%dma_wait3A_194, %dma_wait3A_195] : memref<10240x512xf32, #tpu.memory_space<hbm>> -> memref<10240x512xf32, #tpu.memory_space<hbm>>
    tpu.wait_indirect_dma semaphore(%arg8 : memref<!tpu.dma_semaphore, #tpu.memory_space<semaphore_mem>>) src(%dma_wait3A_196 : memref<10240x512xf32, #tpu.memory_space<hbm>>) dst(%dma_wait3A_190 : memref<64x512xf32, #tpu.memory_space<vmem>>)
    %mul3A_197 = arith.constant 256 : i32
    %mul3A_198 = arith.muli %add3A, %mul3A_197 : i32
    %add3A_199 = arith.constant 128 : i32
    %add3A_200 = arith.addi %mul3A_198, %add3A_199 : i32
    %dma_start3A_201 = arith.constant 0 : i32
    %dma_start3A_202 = arith.constant 0 : i32
    %dma_start3A_203 = arith.constant 0 : i32
    %dma_start3A_204 = tpu.memref_slice %arg5[%dma_start3A_201, %dma_start3A_202, %dma_start3A_203] : memref<2x64x512xf32, #tpu.memory_space<vmem>> -> memref<1x64x512xf32, #tpu.memory_space<vmem>>
    %dma_start3A_205 = tpu.memref_squeeze %dma_start3A_204 : memref<1x64x512xf32, #tpu.memory_space<vmem>> -> memref<64x512xf32, #tpu.memory_space<vmem>>
    %dma_start3A_206 = arith.constant 0 : i32
    %dma_start3A_207 = tpu.memref_slice %arg4[%add3A_200, %dma_start3A_206] : memref<8192x512xf32, #tpu.memory_space<hbm>> -> memref<64x512xf32, #tpu.memory_space<hbm>>
    %dma_start3A_208 = arith.constant 0 : i32
    %dma_start3A_209 = tpu.memref_slice %arg4[%add3A_200, %dma_start3A_208] : memref<8192x512xf32, #tpu.memory_space<hbm>> -> memref<64x512xf32, #tpu.memory_space<hbm>>
    %dma_start3A_210 = arith.constant 0 : i32
    %dma_start3A_211 = arith.constant 0 : i32
    %dma_start3A_212 = tpu.memref_slice %arg5[%dma_start3A_201, %dma_start3A_210, %dma_start3A_211] : memref<2x64x512xf32, #tpu.memory_space<vmem>> -> memref<1x64x512xf32, #tpu.memory_space<vmem>>
    %dma_start3A_213 = tpu.memref_squeeze %dma_start3A_212 : memref<1x64x512xf32, #tpu.memory_space<vmem>> -> memref<64x512xf32, #tpu.memory_space<vmem>>
    tpu.enqueue_dma source(%dma_start3A_213 : memref<64x512xf32, #tpu.memory_space<vmem>>) target(%dma_start3A_209 : memref<64x512xf32, #tpu.memory_space<hbm>>) target_semaphore(%arg9 : memref<!tpu.dma_semaphore, #tpu.memory_space<semaphore_mem>>)
    %dma_wait3A_214 = arith.constant 1 : i32
    %dma_wait3A_215 = arith.constant 0 : i32
    %dma_wait3A_216 = arith.constant 0 : i32
    %dma_wait3A_217 = tpu.memref_slice %arg5[%dma_wait3A_214, %dma_wait3A_215, %dma_wait3A_216] : memref<2x64x512xf32, #tpu.memory_space<vmem>> -> memref<1x64x512xf32, #tpu.memory_space<vmem>>
    %dma_wait3A_218 = tpu.memref_squeeze %dma_wait3A_217 : memref<1x64x512xf32, #tpu.memory_space<vmem>> -> memref<64x512xf32, #tpu.memory_space<vmem>>
    %dma_wait3A_219 = arith.constant 0 : i32
    %dma_wait3A_220 = tpu.memref_slice %arg4[%add3A_124, %dma_wait3A_219] : memref<8192x512xf32, #tpu.memory_space<hbm>> -> memref<64x512xf32, #tpu.memory_space<hbm>>
    %dma_wait3A_221 = arith.constant 0 : i32
    %dma_wait3A_222 = tpu.memref_slice %arg4[%add3A_124, %dma_wait3A_221] : memref<8192x512xf32, #tpu.memory_space<hbm>> -> memref<64x512xf32, #tpu.memory_space<hbm>>
    %dma_wait3A_223 = arith.constant 0 : i32
    %dma_wait3A_224 = arith.constant 0 : i32
    %dma_wait3A_225 = tpu.memref_slice %arg5[%dma_wait3A_214, %dma_wait3A_223, %dma_wait3A_224] : memref<2x64x512xf32, #tpu.memory_space<vmem>> -> memref<1x64x512xf32, #tpu.memory_space<vmem>>
    %dma_wait3A_226 = tpu.memref_squeeze %dma_wait3A_225 : memref<1x64x512xf32, #tpu.memory_space<vmem>> -> memref<64x512xf32, #tpu.memory_space<vmem>>
    tpu.wait_dma2 semaphore(%arg9 : memref<!tpu.dma_semaphore, #tpu.memory_space<semaphore_mem>>) src(%dma_wait3A_226 : memref<64x512xf32, #tpu.memory_space<vmem>>) dst(%dma_wait3A_222 : memref<64x512xf32, #tpu.memory_space<hbm>>)
    %dma_wait3A_227 = arith.constant 1 : i32
    %dma_wait3A_228 = arith.constant 0 : i32
    %dma_wait3A_229 = tpu.memref_slice %arg6[%dma_wait3A_227, %dma_wait3A_228] : memref<2x64xi32, #tpu.memory_space<vmem>> -> memref<1x64xi32, #tpu.memory_space<vmem>>
    %dma_wait3A_230 = tpu.memref_squeeze %dma_wait3A_229 : memref<1x64xi32, #tpu.memory_space<vmem>> -> memref<64xi32, #tpu.memory_space<vmem>>
    %dma_wait3A_231 = tpu.memref_slice %arg3[%add3A_175] : memref<8192xi32, #tpu.memory_space<hbm>> -> memref<64xi32, #tpu.memory_space<hbm>>
    %dma_wait3A_232 = arith.constant 0 : i32
    %dma_wait3A_233 = tpu.memref_slice %arg6[%dma_wait3A_227, %dma_wait3A_232] : memref<2x64xi32, #tpu.memory_space<vmem>> -> memref<1x64xi32, #tpu.memory_space<vmem>>
    %dma_wait3A_234 = tpu.memref_squeeze %dma_wait3A_233 : memref<1x64xi32, #tpu.memory_space<vmem>> -> memref<64xi32, #tpu.memory_space<vmem>>
    %dma_wait3A_235 = tpu.memref_slice %arg3[%add3A_175] : memref<8192xi32, #tpu.memory_space<hbm>> -> memref<64xi32, #tpu.memory_space<hbm>>
    tpu.wait_dma2 semaphore(%arg7 : memref<!tpu.dma_semaphore, #tpu.memory_space<semaphore_mem>>) src(%dma_wait3A_235 : memref<64xi32, #tpu.memory_space<hbm>>) dst(%dma_wait3A_234 : memref<64xi32, #tpu.memory_space<vmem>>)
    %dma_start3A_236 = arith.constant 1 : i32
    %dma_start3A_237 = arith.constant 1 : i32
    %dma_start3A_238 = arith.constant 0 : i32
    %dma_start3A_239 = arith.constant 0 : i32
    %dma_start3A_240 = tpu.memref_slice %arg5[%dma_start3A_237, %dma_start3A_238, %dma_start3A_239] : memref<2x64x512xf32, #tpu.memory_space<vmem>> -> memref<1x64x512xf32, #tpu.memory_space<vmem>>
    %dma_start3A_241 = tpu.memref_squeeze %dma_start3A_240 : memref<1x64x512xf32, #tpu.memory_space<vmem>> -> memref<64x512xf32, #tpu.memory_space<vmem>>
    %dma_start3A_242 = arith.constant 0 : i32
    %dma_start3A_243 = tpu.memref_slice %arg6[%dma_start3A_236, %dma_start3A_242] : memref<2x64xi32, #tpu.memory_space<vmem>> -> memref<1x64xi32, #tpu.memory_space<vmem>>
    %dma_start3A_244 = tpu.memref_squeeze %dma_start3A_243 : memref<1x64xi32, #tpu.memory_space<vmem>> -> memref<64xi32, #tpu.memory_space<vmem>>
    %dma_start3A_245 = arith.constant 0 : i32
    %dma_start3A_246 = arith.constant 0 : i32
    %dma_start3A_247 = tpu.memref_slice %arg2[%dma_start3A_245, %dma_start3A_246] : memref<10240x512xf32, #tpu.memory_space<hbm>> -> memref<10240x512xf32, #tpu.memory_space<hbm>>
    tpu.enqueue_indirect_dma source(%dma_start3A_247 : memref<10240x512xf32, #tpu.memory_space<hbm>>) target(%dma_start3A_241 : memref<64x512xf32, #tpu.memory_space<vmem>>) offsets(%dma_start3A_244 : memref<64xi32, #tpu.memory_space<vmem>>) semaphore(%arg8 : memref<!tpu.dma_semaphore, #tpu.memory_space<semaphore_mem>>)
    %dma_wait3A_248 = arith.constant 1 : i32
    %dma_wait3A_249 = arith.constant 1 : i32
    %dma_wait3A_250 = arith.constant 0 : i32
    %dma_wait3A_251 = arith.constant 0 : i32
    %dma_wait3A_252 = tpu.memref_slice %arg5[%dma_wait3A_249, %dma_wait3A_250, %dma_wait3A_251] : memref<2x64x512xf32, #tpu.memory_space<vmem>> -> memref<1x64x512xf32, #tpu.memory_space<vmem>>
    %dma_wait3A_253 = tpu.memref_squeeze %dma_wait3A_252 : memref<1x64x512xf32, #tpu.memory_space<vmem>> -> memref<64x512xf32, #tpu.memory_space<vmem>>
    %dma_wait3A_254 = arith.constant 0 : i32
    %dma_wait3A_255 = tpu.memref_slice %arg6[%dma_wait3A_248, %dma_wait3A_254] : memref<2x64xi32, #tpu.memory_space<vmem>> -> memref<1x64xi32, #tpu.memory_space<vmem>>
    %dma_wait3A_256 = tpu.memref_squeeze %dma_wait3A_255 : memref<1x64xi32, #tpu.memory_space<vmem>> -> memref<64xi32, #tpu.memory_space<vmem>>
    %dma_wait3A_257 = arith.constant 0 : i32
    %dma_wait3A_258 = arith.constant 0 : i32
    %dma_wait3A_259 = tpu.memref_slice %arg2[%dma_wait3A_257, %dma_wait3A_258] : memref<10240x512xf32, #tpu.memory_space<hbm>> -> memref<10240x512xf32, #tpu.memory_space<hbm>>
    tpu.wait_indirect_dma semaphore(%arg8 : memref<!tpu.dma_semaphore, #tpu.memory_space<semaphore_mem>>) src(%dma_wait3A_259 : memref<10240x512xf32, #tpu.memory_space<hbm>>) dst(%dma_wait3A_253 : memref<64x512xf32, #tpu.memory_space<vmem>>)
    %mul3A_260 = arith.constant 256 : i32
    %mul3A_261 = arith.muli %add3A, %mul3A_260 : i32
    %add3A_262 = arith.constant 192 : i32
    %add3A_263 = arith.addi %mul3A_261, %add3A_262 : i32
    %dma_start3A_264 = arith.constant 1 : i32
    %dma_start3A_265 = arith.constant 0 : i32
    %dma_start3A_266 = arith.constant 0 : i32
    %dma_start3A_267 = tpu.memref_slice %arg5[%dma_start3A_264, %dma_start3A_265, %dma_start3A_266] : memref<2x64x512xf32, #tpu.memory_space<vmem>> -> memref<1x64x512xf32, #tpu.memory_space<vmem>>
    %dma_start3A_268 = tpu.memref_squeeze %dma_start3A_267 : memref<1x64x512xf32, #tpu.memory_space<vmem>> -> memref<64x512xf32, #tpu.memory_space<vmem>>
    %dma_start3A_269 = arith.constant 0 : i32
    %dma_start3A_270 = tpu.memref_slice %arg4[%add3A_263, %dma_start3A_269] : memref<8192x512xf32, #tpu.memory_space<hbm>> -> memref<64x512xf32, #tpu.memory_space<hbm>>
    %dma_start3A_271 = arith.constant 0 : i32
    %dma_start3A_272 = tpu.memref_slice %arg4[%add3A_263, %dma_start3A_271] : memref<8192x512xf32, #tpu.memory_space<hbm>> -> memref<64x512xf32, #tpu.memory_space<hbm>>
    %dma_start3A_273 = arith.constant 0 : i32
    %dma_start3A_274 = arith.constant 0 : i32
    %dma_start3A_275 = tpu.memref_slice %arg5[%dma_start3A_264, %dma_start3A_273, %dma_start3A_274] : memref<2x64x512xf32, #tpu.memory_space<vmem>> -> memref<1x64x512xf32, #tpu.memory_space<vmem>>
    %dma_start3A_276 = tpu.memref_squeeze %dma_start3A_275 : memref<1x64x512xf32, #tpu.memory_space<vmem>> -> memref<64x512xf32, #tpu.memory_space<vmem>>
    tpu.enqueue_dma source(%dma_start3A_276 : memref<64x512xf32, #tpu.memory_space<vmem>>) target(%dma_start3A_272 : memref<64x512xf32, #tpu.memory_space<hbm>>) target_semaphore(%arg9 : memref<!tpu.dma_semaphore, #tpu.memory_space<semaphore_mem>>)
    %dma_wait3A_277 = arith.constant 0 : i32
    %dma_wait3A_278 = arith.constant 0 : i32
    %dma_wait3A_279 = arith.constant 0 : i32
    %dma_wait3A_280 = tpu.memref_slice %arg5[%dma_wait3A_277, %dma_wait3A_278, %dma_wait3A_279] : memref<2x64x512xf32, #tpu.memory_space<vmem>> -> memref<1x64x512xf32, #tpu.memory_space<vmem>>
    %dma_wait3A_281 = tpu.memref_squeeze %dma_wait3A_280 : memref<1x64x512xf32, #tpu.memory_space<vmem>> -> memref<64x512xf32, #tpu.memory_space<vmem>>
    %dma_wait3A_282 = arith.constant 0 : i32
    %dma_wait3A_283 = tpu.memref_slice %arg4[%add3A_200, %dma_wait3A_282] : memref<8192x512xf32, #tpu.memory_space<hbm>> -> memref<64x512xf32, #tpu.memory_space<hbm>>
    %dma_wait3A_284 = arith.constant 0 : i32
    %dma_wait3A_285 = tpu.memref_slice %arg4[%add3A_200, %dma_wait3A_284] : memref<8192x512xf32, #tpu.memory_space<hbm>> -> memref<64x512xf32, #tpu.memory_space<hbm>>
    %dma_wait3A_286 = arith.constant 0 : i32
    %dma_wait3A_287 = arith.constant 0 : i32
    %dma_wait3A_288 = tpu.memref_slice %arg5[%dma_wait3A_277, %dma_wait3A_286, %dma_wait3A_287] : memref<2x64x512xf32, #tpu.memory_space<vmem>> -> memref<1x64x512xf32, #tpu.memory_space<vmem>>
    %dma_wait3A_289 = tpu.memref_squeeze %dma_wait3A_288 : memref<1x64x512xf32, #tpu.memory_space<vmem>> -> memref<64x512xf32, #tpu.memory_space<vmem>>
    tpu.wait_dma2 semaphore(%arg9 : memref<!tpu.dma_semaphore, #tpu.memory_space<semaphore_mem>>) src(%dma_wait3A_289 : memref<64x512xf32, #tpu.memory_space<vmem>>) dst(%dma_wait3A_285 : memref<64x512xf32, #tpu.memory_space<hbm>>)
    %dma_wait3A_290 = arith.constant 1 : i32
    %dma_wait3A_291 = arith.constant 0 : i32
    %dma_wait3A_292 = arith.constant 0 : i32
    %dma_wait3A_293 = tpu.memref_slice %arg5[%dma_wait3A_290, %dma_wait3A_291, %dma_wait3A_292] : memref<2x64x512xf32, #tpu.memory_space<vmem>> -> memref<1x64x512xf32, #tpu.memory_space<vmem>>
    %dma_wait3A_294 = tpu.memref_squeeze %dma_wait3A_293 : memref<1x64x512xf32, #tpu.memory_space<vmem>> -> memref<64x512xf32, #tpu.memory_space<vmem>>
    %dma_wait3A_295 = arith.constant 0 : i32
    %dma_wait3A_296 = tpu.memref_slice %arg4[%add3A_263, %dma_wait3A_295] : memref<8192x512xf32, #tpu.memory_space<hbm>> -> memref<64x512xf32, #tpu.memory_space<hbm>>
    %dma_wait3A_297 = arith.constant 0 : i32
    %dma_wait3A_298 = tpu.memref_slice %arg4[%add3A_263, %dma_wait3A_297] : memref<8192x512xf32, #tpu.memory_space<hbm>> -> memref<64x512xf32, #tpu.memory_space<hbm>>
    %dma_wait3A_299 = arith.constant 0 : i32
    %dma_wait3A_300 = arith.constant 0 : i32
    %dma_wait3A_301 = tpu.memref_slice %arg5[%dma_wait3A_290, %dma_wait3A_299, %dma_wait3A_300] : memref<2x64x512xf32, #tpu.memory_space<vmem>> -> memref<1x64x512xf32, #tpu.memory_space<vmem>>
    %dma_wait3A_302 = tpu.memref_squeeze %dma_wait3A_301 : memref<1x64x512xf32, #tpu.memory_space<vmem>> -> memref<64x512xf32, #tpu.memory_space<vmem>>
    tpu.wait_dma2 semaphore(%arg9 : memref<!tpu.dma_semaphore, #tpu.memory_space<semaphore_mem>>) src(%dma_wait3A_302 : memref<64x512xf32, #tpu.memory_space<vmem>>) dst(%dma_wait3A_298 : memref<64x512xf32, #tpu.memory_space<hbm>>)
    return
  }
}

#map = affine_map<(d0, d1) -> (0, 0)>
module attributes {stable_mosaic.version = 14 : i64} {
  func.func @_scatter_body(%arg0: i32, %arg1: i32, %arg2: memref<4096x2304xf32, #tpu.memory_space<hbm>>, %arg3: memref<2x4096xi32, #tpu.memory_space<hbm>>, %arg4: memref<10240x2304xf32, #tpu.memory_space<hbm>>, %arg5: memref<2x16x2304xf32, #tpu.memory_space<vmem>>, %arg6: memref<2x16xi32, #tpu.memory_space<vmem>>, %arg7: memref<2x16xi32, #tpu.memory_space<vmem>>, %arg8: memref<!tpu.dma_semaphore, #tpu.memory_space<semaphore_mem>>, %arg9: memref<!tpu.dma_semaphore, #tpu.memory_space<semaphore_mem>>, %arg10: memref<!tpu.dma_semaphore, #tpu.memory_space<semaphore_mem>>) attributes {dimension_semantics = [#tpu.dimension_semantics<core_parallel>, #tpu.dimension_semantics<subcore_parallel>], iteration_bounds = array<i64: 2, 16>, scalar_prefetch = 0 : i64, scratch_operands = 6 : i64, tpu.core_type = #tpu.core_type<sc_vector_subcore>, window_params = [{transform_indices = #map}, {transform_indices = #map}, {transform_indices = #map}]} {
    %mul3A = arith.constant 2 : i32
    %mul3A_0 = arith.muli %arg1, %mul3A : i32
    %add3A = arith.addi %mul3A_0, %arg0 : i32
    %mul3A_1 = arith.constant 128 : i32
    %mul3A_2 = arith.muli %add3A, %mul3A_1 : i32
    %add3A_3 = arith.constant 0 : i32
    %add3A_4 = arith.addi %mul3A_2, %add3A_3 : i32
    %dma_start3A = arith.constant 0 : i32
    %dma_start3A_5 = arith.constant 0 : i32
    %dma_start3A_6 = arith.constant 0 : i32
    %dma_start3A_7 = tpu.memref_slice %arg5[%dma_start3A, %dma_start3A_5, %dma_start3A_6] : memref<2x16x2304xf32, #tpu.memory_space<vmem>> -> memref<1x16x2304xf32, #tpu.memory_space<vmem>>
    %dma_start3A_8 = tpu.memref_squeeze %dma_start3A_7 : memref<1x16x2304xf32, #tpu.memory_space<vmem>> -> memref<16x2304xf32, #tpu.memory_space<vmem>>
    %dma_start3A_9 = arith.constant 0 : i32
    %dma_start3A_10 = tpu.memref_slice %arg2[%add3A_4, %dma_start3A_9] : memref<4096x2304xf32, #tpu.memory_space<hbm>> -> memref<16x2304xf32, #tpu.memory_space<hbm>>
    %dma_start3A_11 = arith.constant 0 : i32
    %dma_start3A_12 = arith.constant 0 : i32
    %dma_start3A_13 = tpu.memref_slice %arg5[%dma_start3A, %dma_start3A_11, %dma_start3A_12] : memref<2x16x2304xf32, #tpu.memory_space<vmem>> -> memref<1x16x2304xf32, #tpu.memory_space<vmem>>
    %dma_start3A_14 = tpu.memref_squeeze %dma_start3A_13 : memref<1x16x2304xf32, #tpu.memory_space<vmem>> -> memref<16x2304xf32, #tpu.memory_space<vmem>>
    %dma_start3A_15 = arith.constant 0 : i32
    %dma_start3A_16 = tpu.memref_slice %arg2[%add3A_4, %dma_start3A_15] : memref<4096x2304xf32, #tpu.memory_space<hbm>> -> memref<16x2304xf32, #tpu.memory_space<hbm>>
    tpu.enqueue_dma source(%dma_start3A_16 : memref<16x2304xf32, #tpu.memory_space<hbm>>) target(%dma_start3A_14 : memref<16x2304xf32, #tpu.memory_space<vmem>>) target_semaphore(%arg8 : memref<!tpu.dma_semaphore, #tpu.memory_space<semaphore_mem>>)
    %dma_start3A_17 = arith.constant 0 : i32
    %dma_start3A_18 = arith.constant 0 : i32
    %dma_start3A_19 = arith.constant 0 : i32
    %dma_start3A_20 = tpu.memref_slice %arg6[%dma_start3A_18, %dma_start3A_19] : memref<2x16xi32, #tpu.memory_space<vmem>> -> memref<1x16xi32, #tpu.memory_space<vmem>>
    %dma_start3A_21 = tpu.memref_squeeze %dma_start3A_20 : memref<1x16xi32, #tpu.memory_space<vmem>> -> memref<16xi32, #tpu.memory_space<vmem>>
    %dma_start3A_22 = tpu.memref_slice %arg3[%dma_start3A_17, %add3A_4] : memref<2x4096xi32, #tpu.memory_space<hbm>> -> memref<1x16xi32, #tpu.memory_space<hbm>>
    %dma_start3A_23 = tpu.memref_squeeze %dma_start3A_22 : memref<1x16xi32, #tpu.memory_space<hbm>> -> memref<16xi32, #tpu.memory_space<hbm>>
    %dma_start3A_24 = arith.constant 0 : i32
    %dma_start3A_25 = tpu.memref_slice %arg6[%dma_start3A_18, %dma_start3A_24] : memref<2x16xi32, #tpu.memory_space<vmem>> -> memref<1x16xi32, #tpu.memory_space<vmem>>
    %dma_start3A_26 = tpu.memref_squeeze %dma_start3A_25 : memref<1x16xi32, #tpu.memory_space<vmem>> -> memref<16xi32, #tpu.memory_space<vmem>>
    %dma_start3A_27 = tpu.memref_slice %arg3[%dma_start3A_17, %add3A_4] : memref<2x4096xi32, #tpu.memory_space<hbm>> -> memref<1x16xi32, #tpu.memory_space<hbm>>
    %dma_start3A_28 = tpu.memref_squeeze %dma_start3A_27 : memref<1x16xi32, #tpu.memory_space<hbm>> -> memref<16xi32, #tpu.memory_space<hbm>>
    tpu.enqueue_dma source(%dma_start3A_28 : memref<16xi32, #tpu.memory_space<hbm>>) target(%dma_start3A_26 : memref<16xi32, #tpu.memory_space<vmem>>) target_semaphore(%arg8 : memref<!tpu.dma_semaphore, #tpu.memory_space<semaphore_mem>>)
    %dma_start3A_29 = arith.constant 1 : i32
    %dma_start3A_30 = arith.constant 0 : i32
    %dma_start3A_31 = arith.constant 0 : i32
    %dma_start3A_32 = tpu.memref_slice %arg7[%dma_start3A_30, %dma_start3A_31] : memref<2x16xi32, #tpu.memory_space<vmem>> -> memref<1x16xi32, #tpu.memory_space<vmem>>
    %dma_start3A_33 = tpu.memref_squeeze %dma_start3A_32 : memref<1x16xi32, #tpu.memory_space<vmem>> -> memref<16xi32, #tpu.memory_space<vmem>>
    %dma_start3A_34 = tpu.memref_slice %arg3[%dma_start3A_29, %add3A_4] : memref<2x4096xi32, #tpu.memory_space<hbm>> -> memref<1x16xi32, #tpu.memory_space<hbm>>
    %dma_start3A_35 = tpu.memref_squeeze %dma_start3A_34 : memref<1x16xi32, #tpu.memory_space<hbm>> -> memref<16xi32, #tpu.memory_space<hbm>>
    %dma_start3A_36 = arith.constant 0 : i32
    %dma_start3A_37 = tpu.memref_slice %arg7[%dma_start3A_30, %dma_start3A_36] : memref<2x16xi32, #tpu.memory_space<vmem>> -> memref<1x16xi32, #tpu.memory_space<vmem>>
    %dma_start3A_38 = tpu.memref_squeeze %dma_start3A_37 : memref<1x16xi32, #tpu.memory_space<vmem>> -> memref<16xi32, #tpu.memory_space<vmem>>
    %dma_start3A_39 = tpu.memref_slice %arg3[%dma_start3A_29, %add3A_4] : memref<2x4096xi32, #tpu.memory_space<hbm>> -> memref<1x16xi32, #tpu.memory_space<hbm>>
    %dma_start3A_40 = tpu.memref_squeeze %dma_start3A_39 : memref<1x16xi32, #tpu.memory_space<hbm>> -> memref<16xi32, #tpu.memory_space<hbm>>
    tpu.enqueue_dma source(%dma_start3A_40 : memref<16xi32, #tpu.memory_space<hbm>>) target(%dma_start3A_38 : memref<16xi32, #tpu.memory_space<vmem>>) target_semaphore(%arg8 : memref<!tpu.dma_semaphore, #tpu.memory_space<semaphore_mem>>)
    %dma_wait3A = arith.constant 0 : i32
    %dma_wait3A_41 = arith.constant 0 : i32
    %dma_wait3A_42 = arith.constant 0 : i32
    %dma_wait3A_43 = tpu.memref_slice %arg5[%dma_wait3A, %dma_wait3A_41, %dma_wait3A_42] : memref<2x16x2304xf32, #tpu.memory_space<vmem>> -> memref<1x16x2304xf32, #tpu.memory_space<vmem>>
    %dma_wait3A_44 = tpu.memref_squeeze %dma_wait3A_43 : memref<1x16x2304xf32, #tpu.memory_space<vmem>> -> memref<16x2304xf32, #tpu.memory_space<vmem>>
    %dma_wait3A_45 = arith.constant 0 : i32
    %dma_wait3A_46 = tpu.memref_slice %arg2[%add3A_4, %dma_wait3A_45] : memref<4096x2304xf32, #tpu.memory_space<hbm>> -> memref<16x2304xf32, #tpu.memory_space<hbm>>
    %dma_wait3A_47 = arith.constant 0 : i32
    %dma_wait3A_48 = arith.constant 0 : i32
    %dma_wait3A_49 = tpu.memref_slice %arg5[%dma_wait3A, %dma_wait3A_47, %dma_wait3A_48] : memref<2x16x2304xf32, #tpu.memory_space<vmem>> -> memref<1x16x2304xf32, #tpu.memory_space<vmem>>
    %dma_wait3A_50 = tpu.memref_squeeze %dma_wait3A_49 : memref<1x16x2304xf32, #tpu.memory_space<vmem>> -> memref<16x2304xf32, #tpu.memory_space<vmem>>
    %dma_wait3A_51 = arith.constant 0 : i32
    %dma_wait3A_52 = tpu.memref_slice %arg2[%add3A_4, %dma_wait3A_51] : memref<4096x2304xf32, #tpu.memory_space<hbm>> -> memref<16x2304xf32, #tpu.memory_space<hbm>>
    tpu.wait_dma2 semaphore(%arg8 : memref<!tpu.dma_semaphore, #tpu.memory_space<semaphore_mem>>) src(%dma_wait3A_52 : memref<16x2304xf32, #tpu.memory_space<hbm>>) dst(%dma_wait3A_50 : memref<16x2304xf32, #tpu.memory_space<vmem>>)
    %dma_wait3A_53 = arith.constant 0 : i32
    %dma_wait3A_54 = arith.constant 0 : i32
    %dma_wait3A_55 = arith.constant 0 : i32
    %dma_wait3A_56 = tpu.memref_slice %arg6[%dma_wait3A_54, %dma_wait3A_55] : memref<2x16xi32, #tpu.memory_space<vmem>> -> memref<1x16xi32, #tpu.memory_space<vmem>>
    %dma_wait3A_57 = tpu.memref_squeeze %dma_wait3A_56 : memref<1x16xi32, #tpu.memory_space<vmem>> -> memref<16xi32, #tpu.memory_space<vmem>>
    %dma_wait3A_58 = tpu.memref_slice %arg3[%dma_wait3A_53, %add3A_4] : memref<2x4096xi32, #tpu.memory_space<hbm>> -> memref<1x16xi32, #tpu.memory_space<hbm>>
    %dma_wait3A_59 = tpu.memref_squeeze %dma_wait3A_58 : memref<1x16xi32, #tpu.memory_space<hbm>> -> memref<16xi32, #tpu.memory_space<hbm>>
    %dma_wait3A_60 = arith.constant 0 : i32
    %dma_wait3A_61 = tpu.memref_slice %arg6[%dma_wait3A_54, %dma_wait3A_60] : memref<2x16xi32, #tpu.memory_space<vmem>> -> memref<1x16xi32, #tpu.memory_space<vmem>>
    %dma_wait3A_62 = tpu.memref_squeeze %dma_wait3A_61 : memref<1x16xi32, #tpu.memory_space<vmem>> -> memref<16xi32, #tpu.memory_space<vmem>>
    %dma_wait3A_63 = tpu.memref_slice %arg3[%dma_wait3A_53, %add3A_4] : memref<2x4096xi32, #tpu.memory_space<hbm>> -> memref<1x16xi32, #tpu.memory_space<hbm>>
    %dma_wait3A_64 = tpu.memref_squeeze %dma_wait3A_63 : memref<1x16xi32, #tpu.memory_space<hbm>> -> memref<16xi32, #tpu.memory_space<hbm>>
    tpu.wait_dma2 semaphore(%arg8 : memref<!tpu.dma_semaphore, #tpu.memory_space<semaphore_mem>>) src(%dma_wait3A_64 : memref<16xi32, #tpu.memory_space<hbm>>) dst(%dma_wait3A_62 : memref<16xi32, #tpu.memory_space<vmem>>)
    %dma_wait3A_65 = arith.constant 1 : i32
    %dma_wait3A_66 = arith.constant 0 : i32
    %dma_wait3A_67 = arith.constant 0 : i32
    %dma_wait3A_68 = tpu.memref_slice %arg7[%dma_wait3A_66, %dma_wait3A_67] : memref<2x16xi32, #tpu.memory_space<vmem>> -> memref<1x16xi32, #tpu.memory_space<vmem>>
    %dma_wait3A_69 = tpu.memref_squeeze %dma_wait3A_68 : memref<1x16xi32, #tpu.memory_space<vmem>> -> memref<16xi32, #tpu.memory_space<vmem>>
    %dma_wait3A_70 = tpu.memref_slice %arg3[%dma_wait3A_65, %add3A_4] : memref<2x4096xi32, #tpu.memory_space<hbm>> -> memref<1x16xi32, #tpu.memory_space<hbm>>
    %dma_wait3A_71 = tpu.memref_squeeze %dma_wait3A_70 : memref<1x16xi32, #tpu.memory_space<hbm>> -> memref<16xi32, #tpu.memory_space<hbm>>
    %dma_wait3A_72 = arith.constant 0 : i32
    %dma_wait3A_73 = tpu.memref_slice %arg7[%dma_wait3A_66, %dma_wait3A_72] : memref<2x16xi32, #tpu.memory_space<vmem>> -> memref<1x16xi32, #tpu.memory_space<vmem>>
    %dma_wait3A_74 = tpu.memref_squeeze %dma_wait3A_73 : memref<1x16xi32, #tpu.memory_space<vmem>> -> memref<16xi32, #tpu.memory_space<vmem>>
    %dma_wait3A_75 = tpu.memref_slice %arg3[%dma_wait3A_65, %add3A_4] : memref<2x4096xi32, #tpu.memory_space<hbm>> -> memref<1x16xi32, #tpu.memory_space<hbm>>
    %dma_wait3A_76 = tpu.memref_squeeze %dma_wait3A_75 : memref<1x16xi32, #tpu.memory_space<hbm>> -> memref<16xi32, #tpu.memory_space<hbm>>
    tpu.wait_dma2 semaphore(%arg8 : memref<!tpu.dma_semaphore, #tpu.memory_space<semaphore_mem>>) src(%dma_wait3A_76 : memref<16xi32, #tpu.memory_space<hbm>>) dst(%dma_wait3A_74 : memref<16xi32, #tpu.memory_space<vmem>>)
    %dma_start3A_77 = arith.constant 0 : i32
    %dma_start3A_78 = arith.constant 0 : i32
    %dma_start3A_79 = arith.constant 0 : i32
    %dma_start3A_80 = arith.constant 0 : i32
    %dma_start3A_81 = tpu.memref_slice %arg5[%dma_start3A_77, %dma_start3A_79, %dma_start3A_80] : memref<2x16x2304xf32, #tpu.memory_space<vmem>> -> memref<1x16x2304xf32, #tpu.memory_space<vmem>>
    %dma_start3A_82 = tpu.memref_squeeze %dma_start3A_81 : memref<1x16x2304xf32, #tpu.memory_space<vmem>> -> memref<16x2304xf32, #tpu.memory_space<vmem>>
    %dma_start3A_83 = arith.constant 0 : i32
    %dma_start3A_84 = tpu.memref_slice %arg6[%dma_start3A_78, %dma_start3A_83] : memref<2x16xi32, #tpu.memory_space<vmem>> -> memref<1x16xi32, #tpu.memory_space<vmem>>
    %dma_start3A_85 = tpu.memref_squeeze %dma_start3A_84 : memref<1x16xi32, #tpu.memory_space<vmem>> -> memref<16xi32, #tpu.memory_space<vmem>>
    %dma_start3A_86 = arith.constant 0 : i32
    %dma_start3A_87 = arith.constant 0 : i32
    %dma_start3A_88 = tpu.memref_slice %arg4[%dma_start3A_86, %dma_start3A_87] : memref<10240x2304xf32, #tpu.memory_space<hbm>> -> memref<10240x2304xf32, #tpu.memory_space<hbm>>
    tpu.enqueue_indirect_dma source(%dma_start3A_82 : memref<16x2304xf32, #tpu.memory_space<vmem>>) target(%dma_start3A_88 : memref<10240x2304xf32, #tpu.memory_space<hbm>>) offsets(%dma_start3A_85 : memref<16xi32, #tpu.memory_space<vmem>>) semaphore(%arg9 : memref<!tpu.dma_semaphore, #tpu.memory_space<semaphore_mem>>)
    %dma_start3A_89 = arith.constant 0 : i32
    %dma_start3A_90 = arith.constant 0 : i32
    %dma_start3A_91 = arith.constant 0 : i32
    %dma_start3A_92 = arith.constant 0 : i32
    %dma_start3A_93 = tpu.memref_slice %arg5[%dma_start3A_89, %dma_start3A_91, %dma_start3A_92] : memref<2x16x2304xf32, #tpu.memory_space<vmem>> -> memref<1x16x2304xf32, #tpu.memory_space<vmem>>
    %dma_start3A_94 = tpu.memref_squeeze %dma_start3A_93 : memref<1x16x2304xf32, #tpu.memory_space<vmem>> -> memref<16x2304xf32, #tpu.memory_space<vmem>>
    %dma_start3A_95 = arith.constant 0 : i32
    %dma_start3A_96 = tpu.memref_slice %arg7[%dma_start3A_90, %dma_start3A_95] : memref<2x16xi32, #tpu.memory_space<vmem>> -> memref<1x16xi32, #tpu.memory_space<vmem>>
    %dma_start3A_97 = tpu.memref_squeeze %dma_start3A_96 : memref<1x16xi32, #tpu.memory_space<vmem>> -> memref<16xi32, #tpu.memory_space<vmem>>
    %dma_start3A_98 = arith.constant 0 : i32
    %dma_start3A_99 = arith.constant 0 : i32
    %dma_start3A_100 = tpu.memref_slice %arg4[%dma_start3A_98, %dma_start3A_99] : memref<10240x2304xf32, #tpu.memory_space<hbm>> -> memref<10240x2304xf32, #tpu.memory_space<hbm>>
    tpu.enqueue_indirect_dma source(%dma_start3A_94 : memref<16x2304xf32, #tpu.memory_space<vmem>>) target(%dma_start3A_100 : memref<10240x2304xf32, #tpu.memory_space<hbm>>) offsets(%dma_start3A_97 : memref<16xi32, #tpu.memory_space<vmem>>) semaphore(%arg10 : memref<!tpu.dma_semaphore, #tpu.memory_space<semaphore_mem>>)
    %mul3A_101 = arith.constant 128 : i32
    %mul3A_102 = arith.muli %add3A, %mul3A_101 : i32
    %add3A_103 = arith.constant 16 : i32
    %add3A_104 = arith.addi %mul3A_102, %add3A_103 : i32
    %dma_start3A_105 = arith.constant 1 : i32
    %dma_start3A_106 = arith.constant 0 : i32
    %dma_start3A_107 = arith.constant 0 : i32
    %dma_start3A_108 = tpu.memref_slice %arg5[%dma_start3A_105, %dma_start3A_106, %dma_start3A_107] : memref<2x16x2304xf32, #tpu.memory_space<vmem>> -> memref<1x16x2304xf32, #tpu.memory_space<vmem>>
    %dma_start3A_109 = tpu.memref_squeeze %dma_start3A_108 : memref<1x16x2304xf32, #tpu.memory_space<vmem>> -> memref<16x2304xf32, #tpu.memory_space<vmem>>
    %dma_start3A_110 = arith.constant 0 : i32
    %dma_start3A_111 = tpu.memref_slice %arg2[%add3A_104, %dma_start3A_110] : memref<4096x2304xf32, #tpu.memory_space<hbm>> -> memref<16x2304xf32, #tpu.memory_space<hbm>>
    %dma_start3A_112 = arith.constant 0 : i32
    %dma_start3A_113 = arith.constant 0 : i32
    %dma_start3A_114 = tpu.memref_slice %arg5[%dma_start3A_105, %dma_start3A_112, %dma_start3A_113] : memref<2x16x2304xf32, #tpu.memory_space<vmem>> -> memref<1x16x2304xf32, #tpu.memory_space<vmem>>
    %dma_start3A_115 = tpu.memref_squeeze %dma_start3A_114 : memref<1x16x2304xf32, #tpu.memory_space<vmem>> -> memref<16x2304xf32, #tpu.memory_space<vmem>>
    %dma_start3A_116 = arith.constant 0 : i32
    %dma_start3A_117 = tpu.memref_slice %arg2[%add3A_104, %dma_start3A_116] : memref<4096x2304xf32, #tpu.memory_space<hbm>> -> memref<16x2304xf32, #tpu.memory_space<hbm>>
    tpu.enqueue_dma source(%dma_start3A_117 : memref<16x2304xf32, #tpu.memory_space<hbm>>) target(%dma_start3A_115 : memref<16x2304xf32, #tpu.memory_space<vmem>>) target_semaphore(%arg8 : memref<!tpu.dma_semaphore, #tpu.memory_space<semaphore_mem>>)
    %dma_start3A_118 = arith.constant 0 : i32
    %dma_start3A_119 = arith.constant 1 : i32
    %dma_start3A_120 = arith.constant 0 : i32
    %dma_start3A_121 = tpu.memref_slice %arg6[%dma_start3A_119, %dma_start3A_120] : memref<2x16xi32, #tpu.memory_space<vmem>> -> memref<1x16xi32, #tpu.memory_space<vmem>>
    %dma_start3A_122 = tpu.memref_squeeze %dma_start3A_121 : memref<1x16xi32, #tpu.memory_space<vmem>> -> memref<16xi32, #tpu.memory_space<vmem>>
    %dma_start3A_123 = tpu.memref_slice %arg3[%dma_start3A_118, %add3A_104] : memref<2x4096xi32, #tpu.memory_space<hbm>> -> memref<1x16xi32, #tpu.memory_space<hbm>>
    %dma_start3A_124 = tpu.memref_squeeze %dma_start3A_123 : memref<1x16xi32, #tpu.memory_space<hbm>> -> memref<16xi32, #tpu.memory_space<hbm>>
    %dma_start3A_125 = arith.constant 0 : i32
    %dma_start3A_126 = tpu.memref_slice %arg6[%dma_start3A_119, %dma_start3A_125] : memref<2x16xi32, #tpu.memory_space<vmem>> -> memref<1x16xi32, #tpu.memory_space<vmem>>
    %dma_start3A_127 = tpu.memref_squeeze %dma_start3A_126 : memref<1x16xi32, #tpu.memory_space<vmem>> -> memref<16xi32, #tpu.memory_space<vmem>>
    %dma_start3A_128 = tpu.memref_slice %arg3[%dma_start3A_118, %add3A_104] : memref<2x4096xi32, #tpu.memory_space<hbm>> -> memref<1x16xi32, #tpu.memory_space<hbm>>
    %dma_start3A_129 = tpu.memref_squeeze %dma_start3A_128 : memref<1x16xi32, #tpu.memory_space<hbm>> -> memref<16xi32, #tpu.memory_space<hbm>>
    tpu.enqueue_dma source(%dma_start3A_129 : memref<16xi32, #tpu.memory_space<hbm>>) target(%dma_start3A_127 : memref<16xi32, #tpu.memory_space<vmem>>) target_semaphore(%arg8 : memref<!tpu.dma_semaphore, #tpu.memory_space<semaphore_mem>>)
    %dma_start3A_130 = arith.constant 1 : i32
    %dma_start3A_131 = arith.constant 1 : i32
    %dma_start3A_132 = arith.constant 0 : i32
    %dma_start3A_133 = tpu.memref_slice %arg7[%dma_start3A_131, %dma_start3A_132] : memref<2x16xi32, #tpu.memory_space<vmem>> -> memref<1x16xi32, #tpu.memory_space<vmem>>
    %dma_start3A_134 = tpu.memref_squeeze %dma_start3A_133 : memref<1x16xi32, #tpu.memory_space<vmem>> -> memref<16xi32, #tpu.memory_space<vmem>>
    %dma_start3A_135 = tpu.memref_slice %arg3[%dma_start3A_130, %add3A_104] : memref<2x4096xi32, #tpu.memory_space<hbm>> -> memref<1x16xi32, #tpu.memory_space<hbm>>
    %dma_start3A_136 = tpu.memref_squeeze %dma_start3A_135 : memref<1x16xi32, #tpu.memory_space<hbm>> -> memref<16xi32, #tpu.memory_space<hbm>>
    %dma_start3A_137 = arith.constant 0 : i32
    %dma_start3A_138 = tpu.memref_slice %arg7[%dma_start3A_131, %dma_start3A_137] : memref<2x16xi32, #tpu.memory_space<vmem>> -> memref<1x16xi32, #tpu.memory_space<vmem>>
    %dma_start3A_139 = tpu.memref_squeeze %dma_start3A_138 : memref<1x16xi32, #tpu.memory_space<vmem>> -> memref<16xi32, #tpu.memory_space<vmem>>
    %dma_start3A_140 = tpu.memref_slice %arg3[%dma_start3A_130, %add3A_104] : memref<2x4096xi32, #tpu.memory_space<hbm>> -> memref<1x16xi32, #tpu.memory_space<hbm>>
    %dma_start3A_141 = tpu.memref_squeeze %dma_start3A_140 : memref<1x16xi32, #tpu.memory_space<hbm>> -> memref<16xi32, #tpu.memory_space<hbm>>
    tpu.enqueue_dma source(%dma_start3A_141 : memref<16xi32, #tpu.memory_space<hbm>>) target(%dma_start3A_139 : memref<16xi32, #tpu.memory_space<vmem>>) target_semaphore(%arg8 : memref<!tpu.dma_semaphore, #tpu.memory_space<semaphore_mem>>)
    %dma_wait3A_142 = arith.constant 1 : i32
    %dma_wait3A_143 = arith.constant 0 : i32
    %dma_wait3A_144 = arith.constant 0 : i32
    %dma_wait3A_145 = tpu.memref_slice %arg5[%dma_wait3A_142, %dma_wait3A_143, %dma_wait3A_144] : memref<2x16x2304xf32, #tpu.memory_space<vmem>> -> memref<1x16x2304xf32, #tpu.memory_space<vmem>>
    %dma_wait3A_146 = tpu.memref_squeeze %dma_wait3A_145 : memref<1x16x2304xf32, #tpu.memory_space<vmem>> -> memref<16x2304xf32, #tpu.memory_space<vmem>>
    %dma_wait3A_147 = arith.constant 0 : i32
    %dma_wait3A_148 = tpu.memref_slice %arg2[%add3A_104, %dma_wait3A_147] : memref<4096x2304xf32, #tpu.memory_space<hbm>> -> memref<16x2304xf32, #tpu.memory_space<hbm>>
    %dma_wait3A_149 = arith.constant 0 : i32
    %dma_wait3A_150 = arith.constant 0 : i32
    %dma_wait3A_151 = tpu.memref_slice %arg5[%dma_wait3A_142, %dma_wait3A_149, %dma_wait3A_150] : memref<2x16x2304xf32, #tpu.memory_space<vmem>> -> memref<1x16x2304xf32, #tpu.memory_space<vmem>>
    %dma_wait3A_152 = tpu.memref_squeeze %dma_wait3A_151 : memref<1x16x2304xf32, #tpu.memory_space<vmem>> -> memref<16x2304xf32, #tpu.memory_space<vmem>>
    %dma_wait3A_153 = arith.constant 0 : i32
    %dma_wait3A_154 = tpu.memref_slice %arg2[%add3A_104, %dma_wait3A_153] : memref<4096x2304xf32, #tpu.memory_space<hbm>> -> memref<16x2304xf32, #tpu.memory_space<hbm>>
    tpu.wait_dma2 semaphore(%arg8 : memref<!tpu.dma_semaphore, #tpu.memory_space<semaphore_mem>>) src(%dma_wait3A_154 : memref<16x2304xf32, #tpu.memory_space<hbm>>) dst(%dma_wait3A_152 : memref<16x2304xf32, #tpu.memory_space<vmem>>)
    %dma_wait3A_155 = arith.constant 0 : i32
    %dma_wait3A_156 = arith.constant 1 : i32
    %dma_wait3A_157 = arith.constant 0 : i32
    %dma_wait3A_158 = tpu.memref_slice %arg6[%dma_wait3A_156, %dma_wait3A_157] : memref<2x16xi32, #tpu.memory_space<vmem>> -> memref<1x16xi32, #tpu.memory_space<vmem>>
    %dma_wait3A_159 = tpu.memref_squeeze %dma_wait3A_158 : memref<1x16xi32, #tpu.memory_space<vmem>> -> memref<16xi32, #tpu.memory_space<vmem>>
    %dma_wait3A_160 = tpu.memref_slice %arg3[%dma_wait3A_155, %add3A_104] : memref<2x4096xi32, #tpu.memory_space<hbm>> -> memref<1x16xi32, #tpu.memory_space<hbm>>
    %dma_wait3A_161 = tpu.memref_squeeze %dma_wait3A_160 : memref<1x16xi32, #tpu.memory_space<hbm>> -> memref<16xi32, #tpu.memory_space<hbm>>
    %dma_wait3A_162 = arith.constant 0 : i32
    %dma_wait3A_163 = tpu.memref_slice %arg6[%dma_wait3A_156, %dma_wait3A_162] : memref<2x16xi32, #tpu.memory_space<vmem>> -> memref<1x16xi32, #tpu.memory_space<vmem>>
    %dma_wait3A_164 = tpu.memref_squeeze %dma_wait3A_163 : memref<1x16xi32, #tpu.memory_space<vmem>> -> memref<16xi32, #tpu.memory_space<vmem>>
    %dma_wait3A_165 = tpu.memref_slice %arg3[%dma_wait3A_155, %add3A_104] : memref<2x4096xi32, #tpu.memory_space<hbm>> -> memref<1x16xi32, #tpu.memory_space<hbm>>
    %dma_wait3A_166 = tpu.memref_squeeze %dma_wait3A_165 : memref<1x16xi32, #tpu.memory_space<hbm>> -> memref<16xi32, #tpu.memory_space<hbm>>
    tpu.wait_dma2 semaphore(%arg8 : memref<!tpu.dma_semaphore, #tpu.memory_space<semaphore_mem>>) src(%dma_wait3A_166 : memref<16xi32, #tpu.memory_space<hbm>>) dst(%dma_wait3A_164 : memref<16xi32, #tpu.memory_space<vmem>>)
    %dma_wait3A_167 = arith.constant 1 : i32
    %dma_wait3A_168 = arith.constant 1 : i32
    %dma_wait3A_169 = arith.constant 0 : i32
    %dma_wait3A_170 = tpu.memref_slice %arg7[%dma_wait3A_168, %dma_wait3A_169] : memref<2x16xi32, #tpu.memory_space<vmem>> -> memref<1x16xi32, #tpu.memory_space<vmem>>
    %dma_wait3A_171 = tpu.memref_squeeze %dma_wait3A_170 : memref<1x16xi32, #tpu.memory_space<vmem>> -> memref<16xi32, #tpu.memory_space<vmem>>
    %dma_wait3A_172 = tpu.memref_slice %arg3[%dma_wait3A_167, %add3A_104] : memref<2x4096xi32, #tpu.memory_space<hbm>> -> memref<1x16xi32, #tpu.memory_space<hbm>>
    %dma_wait3A_173 = tpu.memref_squeeze %dma_wait3A_172 : memref<1x16xi32, #tpu.memory_space<hbm>> -> memref<16xi32, #tpu.memory_space<hbm>>
    %dma_wait3A_174 = arith.constant 0 : i32
    %dma_wait3A_175 = tpu.memref_slice %arg7[%dma_wait3A_168, %dma_wait3A_174] : memref<2x16xi32, #tpu.memory_space<vmem>> -> memref<1x16xi32, #tpu.memory_space<vmem>>
    %dma_wait3A_176 = tpu.memref_squeeze %dma_wait3A_175 : memref<1x16xi32, #tpu.memory_space<vmem>> -> memref<16xi32, #tpu.memory_space<vmem>>
    %dma_wait3A_177 = tpu.memref_slice %arg3[%dma_wait3A_167, %add3A_104] : memref<2x4096xi32, #tpu.memory_space<hbm>> -> memref<1x16xi32, #tpu.memory_space<hbm>>
    %dma_wait3A_178 = tpu.memref_squeeze %dma_wait3A_177 : memref<1x16xi32, #tpu.memory_space<hbm>> -> memref<16xi32, #tpu.memory_space<hbm>>
    tpu.wait_dma2 semaphore(%arg8 : memref<!tpu.dma_semaphore, #tpu.memory_space<semaphore_mem>>) src(%dma_wait3A_178 : memref<16xi32, #tpu.memory_space<hbm>>) dst(%dma_wait3A_176 : memref<16xi32, #tpu.memory_space<vmem>>)
    %dma_start3A_179 = arith.constant 1 : i32
    %dma_start3A_180 = arith.constant 1 : i32
    %dma_start3A_181 = arith.constant 0 : i32
    %dma_start3A_182 = arith.constant 0 : i32
    %dma_start3A_183 = tpu.memref_slice %arg5[%dma_start3A_179, %dma_start3A_181, %dma_start3A_182] : memref<2x16x2304xf32, #tpu.memory_space<vmem>> -> memref<1x16x2304xf32, #tpu.memory_space<vmem>>
    %dma_start3A_184 = tpu.memref_squeeze %dma_start3A_183 : memref<1x16x2304xf32, #tpu.memory_space<vmem>> -> memref<16x2304xf32, #tpu.memory_space<vmem>>
    %dma_start3A_185 = arith.constant 0 : i32
    %dma_start3A_186 = tpu.memref_slice %arg6[%dma_start3A_180, %dma_start3A_185] : memref<2x16xi32, #tpu.memory_space<vmem>> -> memref<1x16xi32, #tpu.memory_space<vmem>>
    %dma_start3A_187 = tpu.memref_squeeze %dma_start3A_186 : memref<1x16xi32, #tpu.memory_space<vmem>> -> memref<16xi32, #tpu.memory_space<vmem>>
    %dma_start3A_188 = arith.constant 0 : i32
    %dma_start3A_189 = arith.constant 0 : i32
    %dma_start3A_190 = tpu.memref_slice %arg4[%dma_start3A_188, %dma_start3A_189] : memref<10240x2304xf32, #tpu.memory_space<hbm>> -> memref<10240x2304xf32, #tpu.memory_space<hbm>>
    tpu.enqueue_indirect_dma source(%dma_start3A_184 : memref<16x2304xf32, #tpu.memory_space<vmem>>) target(%dma_start3A_190 : memref<10240x2304xf32, #tpu.memory_space<hbm>>) offsets(%dma_start3A_187 : memref<16xi32, #tpu.memory_space<vmem>>) semaphore(%arg9 : memref<!tpu.dma_semaphore, #tpu.memory_space<semaphore_mem>>)
    %dma_start3A_191 = arith.constant 1 : i32
    %dma_start3A_192 = arith.constant 1 : i32
    %dma_start3A_193 = arith.constant 0 : i32
    %dma_start3A_194 = arith.constant 0 : i32
    %dma_start3A_195 = tpu.memref_slice %arg5[%dma_start3A_191, %dma_start3A_193, %dma_start3A_194] : memref<2x16x2304xf32, #tpu.memory_space<vmem>> -> memref<1x16x2304xf32, #tpu.memory_space<vmem>>
    %dma_start3A_196 = tpu.memref_squeeze %dma_start3A_195 : memref<1x16x2304xf32, #tpu.memory_space<vmem>> -> memref<16x2304xf32, #tpu.memory_space<vmem>>
    %dma_start3A_197 = arith.constant 0 : i32
    %dma_start3A_198 = tpu.memref_slice %arg7[%dma_start3A_192, %dma_start3A_197] : memref<2x16xi32, #tpu.memory_space<vmem>> -> memref<1x16xi32, #tpu.memory_space<vmem>>
    %dma_start3A_199 = tpu.memref_squeeze %dma_start3A_198 : memref<1x16xi32, #tpu.memory_space<vmem>> -> memref<16xi32, #tpu.memory_space<vmem>>
    %dma_start3A_200 = arith.constant 0 : i32
    %dma_start3A_201 = arith.constant 0 : i32
    %dma_start3A_202 = tpu.memref_slice %arg4[%dma_start3A_200, %dma_start3A_201] : memref<10240x2304xf32, #tpu.memory_space<hbm>> -> memref<10240x2304xf32, #tpu.memory_space<hbm>>
    tpu.enqueue_indirect_dma source(%dma_start3A_196 : memref<16x2304xf32, #tpu.memory_space<vmem>>) target(%dma_start3A_202 : memref<10240x2304xf32, #tpu.memory_space<hbm>>) offsets(%dma_start3A_199 : memref<16xi32, #tpu.memory_space<vmem>>) semaphore(%arg10 : memref<!tpu.dma_semaphore, #tpu.memory_space<semaphore_mem>>)
    %dma_wait3A_203 = arith.constant 0 : i32
    %dma_wait3A_204 = arith.constant 0 : i32
    %dma_wait3A_205 = arith.constant 0 : i32
    %dma_wait3A_206 = arith.constant 0 : i32
    %dma_wait3A_207 = tpu.memref_slice %arg5[%dma_wait3A_203, %dma_wait3A_205, %dma_wait3A_206] : memref<2x16x2304xf32, #tpu.memory_space<vmem>> -> memref<1x16x2304xf32, #tpu.memory_space<vmem>>
    %dma_wait3A_208 = tpu.memref_squeeze %dma_wait3A_207 : memref<1x16x2304xf32, #tpu.memory_space<vmem>> -> memref<16x2304xf32, #tpu.memory_space<vmem>>
    %dma_wait3A_209 = arith.constant 0 : i32
    %dma_wait3A_210 = tpu.memref_slice %arg6[%dma_wait3A_204, %dma_wait3A_209] : memref<2x16xi32, #tpu.memory_space<vmem>> -> memref<1x16xi32, #tpu.memory_space<vmem>>
    %dma_wait3A_211 = tpu.memref_squeeze %dma_wait3A_210 : memref<1x16xi32, #tpu.memory_space<vmem>> -> memref<16xi32, #tpu.memory_space<vmem>>
    %dma_wait3A_212 = arith.constant 0 : i32
    %dma_wait3A_213 = arith.constant 0 : i32
    %dma_wait3A_214 = tpu.memref_slice %arg4[%dma_wait3A_212, %dma_wait3A_213] : memref<10240x2304xf32, #tpu.memory_space<hbm>> -> memref<10240x2304xf32, #tpu.memory_space<hbm>>
    tpu.wait_indirect_dma semaphore(%arg9 : memref<!tpu.dma_semaphore, #tpu.memory_space<semaphore_mem>>) src(%dma_wait3A_208 : memref<16x2304xf32, #tpu.memory_space<vmem>>) dst(%dma_wait3A_214 : memref<10240x2304xf32, #tpu.memory_space<hbm>>)
    %dma_wait3A_215 = arith.constant 0 : i32
    %dma_wait3A_216 = arith.constant 0 : i32
    %dma_wait3A_217 = arith.constant 0 : i32
    %dma_wait3A_218 = arith.constant 0 : i32
    %dma_wait3A_219 = tpu.memref_slice %arg5[%dma_wait3A_215, %dma_wait3A_217, %dma_wait3A_218] : memref<2x16x2304xf32, #tpu.memory_space<vmem>> -> memref<1x16x2304xf32, #tpu.memory_space<vmem>>
    %dma_wait3A_220 = tpu.memref_squeeze %dma_wait3A_219 : memref<1x16x2304xf32, #tpu.memory_space<vmem>> -> memref<16x2304xf32, #tpu.memory_space<vmem>>
    %dma_wait3A_221 = arith.constant 0 : i32
    %dma_wait3A_222 = tpu.memref_slice %arg7[%dma_wait3A_216, %dma_wait3A_221] : memref<2x16xi32, #tpu.memory_space<vmem>> -> memref<1x16xi32, #tpu.memory_space<vmem>>
    %dma_wait3A_223 = tpu.memref_squeeze %dma_wait3A_222 : memref<1x16xi32, #tpu.memory_space<vmem>> -> memref<16xi32, #tpu.memory_space<vmem>>
    %dma_wait3A_224 = arith.constant 0 : i32
    %dma_wait3A_225 = arith.constant 0 : i32
    %dma_wait3A_226 = tpu.memref_slice %arg4[%dma_wait3A_224, %dma_wait3A_225] : memref<10240x2304xf32, #tpu.memory_space<hbm>> -> memref<10240x2304xf32, #tpu.memory_space<hbm>>
    tpu.wait_indirect_dma semaphore(%arg10 : memref<!tpu.dma_semaphore, #tpu.memory_space<semaphore_mem>>) src(%dma_wait3A_220 : memref<16x2304xf32, #tpu.memory_space<vmem>>) dst(%dma_wait3A_226 : memref<10240x2304xf32, #tpu.memory_space<hbm>>)
    %mul3A_227 = arith.constant 128 : i32
    %mul3A_228 = arith.muli %add3A, %mul3A_227 : i32
    %add3A_229 = arith.constant 32 : i32
    %add3A_230 = arith.addi %mul3A_228, %add3A_229 : i32
    %dma_start3A_231 = arith.constant 0 : i32
    %dma_start3A_232 = arith.constant 0 : i32
    %dma_start3A_233 = arith.constant 0 : i32
    %dma_start3A_234 = tpu.memref_slice %arg5[%dma_start3A_231, %dma_start3A_232, %dma_start3A_233] : memref<2x16x2304xf32, #tpu.memory_space<vmem>> -> memref<1x16x2304xf32, #tpu.memory_space<vmem>>
    %dma_start3A_235 = tpu.memref_squeeze %dma_start3A_234 : memref<1x16x2304xf32, #tpu.memory_space<vmem>> -> memref<16x2304xf32, #tpu.memory_space<vmem>>
    %dma_start3A_236 = arith.constant 0 : i32
    %dma_start3A_237 = tpu.memref_slice %arg2[%add3A_230, %dma_start3A_236] : memref<4096x2304xf32, #tpu.memory_space<hbm>> -> memref<16x2304xf32, #tpu.memory_space<hbm>>
    %dma_start3A_238 = arith.constant 0 : i32
    %dma_start3A_239 = arith.constant 0 : i32
    %dma_start3A_240 = tpu.memref_slice %arg5[%dma_start3A_231, %dma_start3A_238, %dma_start3A_239] : memref<2x16x2304xf32, #tpu.memory_space<vmem>> -> memref<1x16x2304xf32, #tpu.memory_space<vmem>>
    %dma_start3A_241 = tpu.memref_squeeze %dma_start3A_240 : memref<1x16x2304xf32, #tpu.memory_space<vmem>> -> memref<16x2304xf32, #tpu.memory_space<vmem>>
    %dma_start3A_242 = arith.constant 0 : i32
    %dma_start3A_243 = tpu.memref_slice %arg2[%add3A_230, %dma_start3A_242] : memref<4096x2304xf32, #tpu.memory_space<hbm>> -> memref<16x2304xf32, #tpu.memory_space<hbm>>
    tpu.enqueue_dma source(%dma_start3A_243 : memref<16x2304xf32, #tpu.memory_space<hbm>>) target(%dma_start3A_241 : memref<16x2304xf32, #tpu.memory_space<vmem>>) target_semaphore(%arg8 : memref<!tpu.dma_semaphore, #tpu.memory_space<semaphore_mem>>)
    %dma_start3A_244 = arith.constant 0 : i32
    %dma_start3A_245 = arith.constant 0 : i32
    %dma_start3A_246 = arith.constant 0 : i32
    %dma_start3A_247 = tpu.memref_slice %arg6[%dma_start3A_245, %dma_start3A_246] : memref<2x16xi32, #tpu.memory_space<vmem>> -> memref<1x16xi32, #tpu.memory_space<vmem>>
    %dma_start3A_248 = tpu.memref_squeeze %dma_start3A_247 : memref<1x16xi32, #tpu.memory_space<vmem>> -> memref<16xi32, #tpu.memory_space<vmem>>
    %dma_start3A_249 = tpu.memref_slice %arg3[%dma_start3A_244, %add3A_230] : memref<2x4096xi32, #tpu.memory_space<hbm>> -> memref<1x16xi32, #tpu.memory_space<hbm>>
    %dma_start3A_250 = tpu.memref_squeeze %dma_start3A_249 : memref<1x16xi32, #tpu.memory_space<hbm>> -> memref<16xi32, #tpu.memory_space<hbm>>
    %dma_start3A_251 = arith.constant 0 : i32
    %dma_start3A_252 = tpu.memref_slice %arg6[%dma_start3A_245, %dma_start3A_251] : memref<2x16xi32, #tpu.memory_space<vmem>> -> memref<1x16xi32, #tpu.memory_space<vmem>>
    %dma_start3A_253 = tpu.memref_squeeze %dma_start3A_252 : memref<1x16xi32, #tpu.memory_space<vmem>> -> memref<16xi32, #tpu.memory_space<vmem>>
    %dma_start3A_254 = tpu.memref_slice %arg3[%dma_start3A_244, %add3A_230] : memref<2x4096xi32, #tpu.memory_space<hbm>> -> memref<1x16xi32, #tpu.memory_space<hbm>>
    %dma_start3A_255 = tpu.memref_squeeze %dma_start3A_254 : memref<1x16xi32, #tpu.memory_space<hbm>> -> memref<16xi32, #tpu.memory_space<hbm>>
    tpu.enqueue_dma source(%dma_start3A_255 : memref<16xi32, #tpu.memory_space<hbm>>) target(%dma_start3A_253 : memref<16xi32, #tpu.memory_space<vmem>>) target_semaphore(%arg8 : memref<!tpu.dma_semaphore, #tpu.memory_space<semaphore_mem>>)
    %dma_start3A_256 = arith.constant 1 : i32
    %dma_start3A_257 = arith.constant 0 : i32
    %dma_start3A_258 = arith.constant 0 : i32
    %dma_start3A_259 = tpu.memref_slice %arg7[%dma_start3A_257, %dma_start3A_258] : memref<2x16xi32, #tpu.memory_space<vmem>> -> memref<1x16xi32, #tpu.memory_space<vmem>>
    %dma_start3A_260 = tpu.memref_squeeze %dma_start3A_259 : memref<1x16xi32, #tpu.memory_space<vmem>> -> memref<16xi32, #tpu.memory_space<vmem>>
    %dma_start3A_261 = tpu.memref_slice %arg3[%dma_start3A_256, %add3A_230] : memref<2x4096xi32, #tpu.memory_space<hbm>> -> memref<1x16xi32, #tpu.memory_space<hbm>>
    %dma_start3A_262 = tpu.memref_squeeze %dma_start3A_261 : memref<1x16xi32, #tpu.memory_space<hbm>> -> memref<16xi32, #tpu.memory_space<hbm>>
    %dma_start3A_263 = arith.constant 0 : i32
    %dma_start3A_264 = tpu.memref_slice %arg7[%dma_start3A_257, %dma_start3A_263] : memref<2x16xi32, #tpu.memory_space<vmem>> -> memref<1x16xi32, #tpu.memory_space<vmem>>
    %dma_start3A_265 = tpu.memref_squeeze %dma_start3A_264 : memref<1x16xi32, #tpu.memory_space<vmem>> -> memref<16xi32, #tpu.memory_space<vmem>>
    %dma_start3A_266 = tpu.memref_slice %arg3[%dma_start3A_256, %add3A_230] : memref<2x4096xi32, #tpu.memory_space<hbm>> -> memref<1x16xi32, #tpu.memory_space<hbm>>
    %dma_start3A_267 = tpu.memref_squeeze %dma_start3A_266 : memref<1x16xi32, #tpu.memory_space<hbm>> -> memref<16xi32, #tpu.memory_space<hbm>>
    tpu.enqueue_dma source(%dma_start3A_267 : memref<16xi32, #tpu.memory_space<hbm>>) target(%dma_start3A_265 : memref<16xi32, #tpu.memory_space<vmem>>) target_semaphore(%arg8 : memref<!tpu.dma_semaphore, #tpu.memory_space<semaphore_mem>>)
    %dma_wait3A_268 = arith.constant 0 : i32
    %dma_wait3A_269 = arith.constant 0 : i32
    %dma_wait3A_270 = arith.constant 0 : i32
    %dma_wait3A_271 = tpu.memref_slice %arg5[%dma_wait3A_268, %dma_wait3A_269, %dma_wait3A_270] : memref<2x16x2304xf32, #tpu.memory_space<vmem>> -> memref<1x16x2304xf32, #tpu.memory_space<vmem>>
    %dma_wait3A_272 = tpu.memref_squeeze %dma_wait3A_271 : memref<1x16x2304xf32, #tpu.memory_space<vmem>> -> memref<16x2304xf32, #tpu.memory_space<vmem>>
    %dma_wait3A_273 = arith.constant 0 : i32
    %dma_wait3A_274 = tpu.memref_slice %arg2[%add3A_230, %dma_wait3A_273] : memref<4096x2304xf32, #tpu.memory_space<hbm>> -> memref<16x2304xf32, #tpu.memory_space<hbm>>
    %dma_wait3A_275 = arith.constant 0 : i32
    %dma_wait3A_276 = arith.constant 0 : i32
    %dma_wait3A_277 = tpu.memref_slice %arg5[%dma_wait3A_268, %dma_wait3A_275, %dma_wait3A_276] : memref<2x16x2304xf32, #tpu.memory_space<vmem>> -> memref<1x16x2304xf32, #tpu.memory_space<vmem>>
    %dma_wait3A_278 = tpu.memref_squeeze %dma_wait3A_277 : memref<1x16x2304xf32, #tpu.memory_space<vmem>> -> memref<16x2304xf32, #tpu.memory_space<vmem>>
    %dma_wait3A_279 = arith.constant 0 : i32
    %dma_wait3A_280 = tpu.memref_slice %arg2[%add3A_230, %dma_wait3A_279] : memref<4096x2304xf32, #tpu.memory_space<hbm>> -> memref<16x2304xf32, #tpu.memory_space<hbm>>
    tpu.wait_dma2 semaphore(%arg8 : memref<!tpu.dma_semaphore, #tpu.memory_space<semaphore_mem>>) src(%dma_wait3A_280 : memref<16x2304xf32, #tpu.memory_space<hbm>>) dst(%dma_wait3A_278 : memref<16x2304xf32, #tpu.memory_space<vmem>>)
    %dma_wait3A_281 = arith.constant 0 : i32
    %dma_wait3A_282 = arith.constant 0 : i32
    %dma_wait3A_283 = arith.constant 0 : i32
    %dma_wait3A_284 = tpu.memref_slice %arg6[%dma_wait3A_282, %dma_wait3A_283] : memref<2x16xi32, #tpu.memory_space<vmem>> -> memref<1x16xi32, #tpu.memory_space<vmem>>
    %dma_wait3A_285 = tpu.memref_squeeze %dma_wait3A_284 : memref<1x16xi32, #tpu.memory_space<vmem>> -> memref<16xi32, #tpu.memory_space<vmem>>
    %dma_wait3A_286 = tpu.memref_slice %arg3[%dma_wait3A_281, %add3A_230] : memref<2x4096xi32, #tpu.memory_space<hbm>> -> memref<1x16xi32, #tpu.memory_space<hbm>>
    %dma_wait3A_287 = tpu.memref_squeeze %dma_wait3A_286 : memref<1x16xi32, #tpu.memory_space<hbm>> -> memref<16xi32, #tpu.memory_space<hbm>>
    %dma_wait3A_288 = arith.constant 0 : i32
    %dma_wait3A_289 = tpu.memref_slice %arg6[%dma_wait3A_282, %dma_wait3A_288] : memref<2x16xi32, #tpu.memory_space<vmem>> -> memref<1x16xi32, #tpu.memory_space<vmem>>
    %dma_wait3A_290 = tpu.memref_squeeze %dma_wait3A_289 : memref<1x16xi32, #tpu.memory_space<vmem>> -> memref<16xi32, #tpu.memory_space<vmem>>
    %dma_wait3A_291 = tpu.memref_slice %arg3[%dma_wait3A_281, %add3A_230] : memref<2x4096xi32, #tpu.memory_space<hbm>> -> memref<1x16xi32, #tpu.memory_space<hbm>>
    %dma_wait3A_292 = tpu.memref_squeeze %dma_wait3A_291 : memref<1x16xi32, #tpu.memory_space<hbm>> -> memref<16xi32, #tpu.memory_space<hbm>>
    tpu.wait_dma2 semaphore(%arg8 : memref<!tpu.dma_semaphore, #tpu.memory_space<semaphore_mem>>) src(%dma_wait3A_292 : memref<16xi32, #tpu.memory_space<hbm>>) dst(%dma_wait3A_290 : memref<16xi32, #tpu.memory_space<vmem>>)
    %dma_wait3A_293 = arith.constant 1 : i32
    %dma_wait3A_294 = arith.constant 0 : i32
    %dma_wait3A_295 = arith.constant 0 : i32
    %dma_wait3A_296 = tpu.memref_slice %arg7[%dma_wait3A_294, %dma_wait3A_295] : memref<2x16xi32, #tpu.memory_space<vmem>> -> memref<1x16xi32, #tpu.memory_space<vmem>>
    %dma_wait3A_297 = tpu.memref_squeeze %dma_wait3A_296 : memref<1x16xi32, #tpu.memory_space<vmem>> -> memref<16xi32, #tpu.memory_space<vmem>>
    %dma_wait3A_298 = tpu.memref_slice %arg3[%dma_wait3A_293, %add3A_230] : memref<2x4096xi32, #tpu.memory_space<hbm>> -> memref<1x16xi32, #tpu.memory_space<hbm>>
    %dma_wait3A_299 = tpu.memref_squeeze %dma_wait3A_298 : memref<1x16xi32, #tpu.memory_space<hbm>> -> memref<16xi32, #tpu.memory_space<hbm>>
    %dma_wait3A_300 = arith.constant 0 : i32
    %dma_wait3A_301 = tpu.memref_slice %arg7[%dma_wait3A_294, %dma_wait3A_300] : memref<2x16xi32, #tpu.memory_space<vmem>> -> memref<1x16xi32, #tpu.memory_space<vmem>>
    %dma_wait3A_302 = tpu.memref_squeeze %dma_wait3A_301 : memref<1x16xi32, #tpu.memory_space<vmem>> -> memref<16xi32, #tpu.memory_space<vmem>>
    %dma_wait3A_303 = tpu.memref_slice %arg3[%dma_wait3A_293, %add3A_230] : memref<2x4096xi32, #tpu.memory_space<hbm>> -> memref<1x16xi32, #tpu.memory_space<hbm>>
    %dma_wait3A_304 = tpu.memref_squeeze %dma_wait3A_303 : memref<1x16xi32, #tpu.memory_space<hbm>> -> memref<16xi32, #tpu.memory_space<hbm>>
    tpu.wait_dma2 semaphore(%arg8 : memref<!tpu.dma_semaphore, #tpu.memory_space<semaphore_mem>>) src(%dma_wait3A_304 : memref<16xi32, #tpu.memory_space<hbm>>) dst(%dma_wait3A_302 : memref<16xi32, #tpu.memory_space<vmem>>)
    %dma_start3A_305 = arith.constant 0 : i32
    %dma_start3A_306 = arith.constant 0 : i32
    %dma_start3A_307 = arith.constant 0 : i32
    %dma_start3A_308 = arith.constant 0 : i32
    %dma_start3A_309 = tpu.memref_slice %arg5[%dma_start3A_305, %dma_start3A_307, %dma_start3A_308] : memref<2x16x2304xf32, #tpu.memory_space<vmem>> -> memref<1x16x2304xf32, #tpu.memory_space<vmem>>
    %dma_start3A_310 = tpu.memref_squeeze %dma_start3A_309 : memref<1x16x2304xf32, #tpu.memory_space<vmem>> -> memref<16x2304xf32, #tpu.memory_space<vmem>>
    %dma_start3A_311 = arith.constant 0 : i32
    %dma_start3A_312 = tpu.memref_slice %arg6[%dma_start3A_306, %dma_start3A_311] : memref<2x16xi32, #tpu.memory_space<vmem>> -> memref<1x16xi32, #tpu.memory_space<vmem>>
    %dma_start3A_313 = tpu.memref_squeeze %dma_start3A_312 : memref<1x16xi32, #tpu.memory_space<vmem>> -> memref<16xi32, #tpu.memory_space<vmem>>
    %dma_start3A_314 = arith.constant 0 : i32
    %dma_start3A_315 = arith.constant 0 : i32
    %dma_start3A_316 = tpu.memref_slice %arg4[%dma_start3A_314, %dma_start3A_315] : memref<10240x2304xf32, #tpu.memory_space<hbm>> -> memref<10240x2304xf32, #tpu.memory_space<hbm>>
    tpu.enqueue_indirect_dma source(%dma_start3A_310 : memref<16x2304xf32, #tpu.memory_space<vmem>>) target(%dma_start3A_316 : memref<10240x2304xf32, #tpu.memory_space<hbm>>) offsets(%dma_start3A_313 : memref<16xi32, #tpu.memory_space<vmem>>) semaphore(%arg9 : memref<!tpu.dma_semaphore, #tpu.memory_space<semaphore_mem>>)
    %dma_start3A_317 = arith.constant 0 : i32
    %dma_start3A_318 = arith.constant 0 : i32
    %dma_start3A_319 = arith.constant 0 : i32
    %dma_start3A_320 = arith.constant 0 : i32
    %dma_start3A_321 = tpu.memref_slice %arg5[%dma_start3A_317, %dma_start3A_319, %dma_start3A_320] : memref<2x16x2304xf32, #tpu.memory_space<vmem>> -> memref<1x16x2304xf32, #tpu.memory_space<vmem>>
    %dma_start3A_322 = tpu.memref_squeeze %dma_start3A_321 : memref<1x16x2304xf32, #tpu.memory_space<vmem>> -> memref<16x2304xf32, #tpu.memory_space<vmem>>
    %dma_start3A_323 = arith.constant 0 : i32
    %dma_start3A_324 = tpu.memref_slice %arg7[%dma_start3A_318, %dma_start3A_323] : memref<2x16xi32, #tpu.memory_space<vmem>> -> memref<1x16xi32, #tpu.memory_space<vmem>>
    %dma_start3A_325 = tpu.memref_squeeze %dma_start3A_324 : memref<1x16xi32, #tpu.memory_space<vmem>> -> memref<16xi32, #tpu.memory_space<vmem>>
    %dma_start3A_326 = arith.constant 0 : i32
    %dma_start3A_327 = arith.constant 0 : i32
    %dma_start3A_328 = tpu.memref_slice %arg4[%dma_start3A_326, %dma_start3A_327] : memref<10240x2304xf32, #tpu.memory_space<hbm>> -> memref<10240x2304xf32, #tpu.memory_space<hbm>>
    tpu.enqueue_indirect_dma source(%dma_start3A_322 : memref<16x2304xf32, #tpu.memory_space<vmem>>) target(%dma_start3A_328 : memref<10240x2304xf32, #tpu.memory_space<hbm>>) offsets(%dma_start3A_325 : memref<16xi32, #tpu.memory_space<vmem>>) semaphore(%arg10 : memref<!tpu.dma_semaphore, #tpu.memory_space<semaphore_mem>>)
    %dma_wait3A_329 = arith.constant 1 : i32
    %dma_wait3A_330 = arith.constant 1 : i32
    %dma_wait3A_331 = arith.constant 0 : i32
    %dma_wait3A_332 = arith.constant 0 : i32
    %dma_wait3A_333 = tpu.memref_slice %arg5[%dma_wait3A_329, %dma_wait3A_331, %dma_wait3A_332] : memref<2x16x2304xf32, #tpu.memory_space<vmem>> -> memref<1x16x2304xf32, #tpu.memory_space<vmem>>
    %dma_wait3A_334 = tpu.memref_squeeze %dma_wait3A_333 : memref<1x16x2304xf32, #tpu.memory_space<vmem>> -> memref<16x2304xf32, #tpu.memory_space<vmem>>
    %dma_wait3A_335 = arith.constant 0 : i32
    %dma_wait3A_336 = tpu.memref_slice %arg6[%dma_wait3A_330, %dma_wait3A_335] : memref<2x16xi32, #tpu.memory_space<vmem>> -> memref<1x16xi32, #tpu.memory_space<vmem>>
    %dma_wait3A_337 = tpu.memref_squeeze %dma_wait3A_336 : memref<1x16xi32, #tpu.memory_space<vmem>> -> memref<16xi32, #tpu.memory_space<vmem>>
    %dma_wait3A_338 = arith.constant 0 : i32
    %dma_wait3A_339 = arith.constant 0 : i32
    %dma_wait3A_340 = tpu.memref_slice %arg4[%dma_wait3A_338, %dma_wait3A_339] : memref<10240x2304xf32, #tpu.memory_space<hbm>> -> memref<10240x2304xf32, #tpu.memory_space<hbm>>
    tpu.wait_indirect_dma semaphore(%arg9 : memref<!tpu.dma_semaphore, #tpu.memory_space<semaphore_mem>>) src(%dma_wait3A_334 : memref<16x2304xf32, #tpu.memory_space<vmem>>) dst(%dma_wait3A_340 : memref<10240x2304xf32, #tpu.memory_space<hbm>>)
    %dma_wait3A_341 = arith.constant 1 : i32
    %dma_wait3A_342 = arith.constant 1 : i32
    %dma_wait3A_343 = arith.constant 0 : i32
    %dma_wait3A_344 = arith.constant 0 : i32
    %dma_wait3A_345 = tpu.memref_slice %arg5[%dma_wait3A_341, %dma_wait3A_343, %dma_wait3A_344] : memref<2x16x2304xf32, #tpu.memory_space<vmem>> -> memref<1x16x2304xf32, #tpu.memory_space<vmem>>
    %dma_wait3A_346 = tpu.memref_squeeze %dma_wait3A_345 : memref<1x16x2304xf32, #tpu.memory_space<vmem>> -> memref<16x2304xf32, #tpu.memory_space<vmem>>
    %dma_wait3A_347 = arith.constant 0 : i32
    %dma_wait3A_348 = tpu.memref_slice %arg7[%dma_wait3A_342, %dma_wait3A_347] : memref<2x16xi32, #tpu.memory_space<vmem>> -> memref<1x16xi32, #tpu.memory_space<vmem>>
    %dma_wait3A_349 = tpu.memref_squeeze %dma_wait3A_348 : memref<1x16xi32, #tpu.memory_space<vmem>> -> memref<16xi32, #tpu.memory_space<vmem>>
    %dma_wait3A_350 = arith.constant 0 : i32
    %dma_wait3A_351 = arith.constant 0 : i32
    %dma_wait3A_352 = tpu.memref_slice %arg4[%dma_wait3A_350, %dma_wait3A_351] : memref<10240x2304xf32, #tpu.memory_space<hbm>> -> memref<10240x2304xf32, #tpu.memory_space<hbm>>
    tpu.wait_indirect_dma semaphore(%arg10 : memref<!tpu.dma_semaphore, #tpu.memory_space<semaphore_mem>>) src(%dma_wait3A_346 : memref<16x2304xf32, #tpu.memory_space<vmem>>) dst(%dma_wait3A_352 : memref<10240x2304xf32, #tpu.memory_space<hbm>>)
    %mul3A_353 = arith.constant 128 : i32
    %mul3A_354 = arith.muli %add3A, %mul3A_353 : i32
    %add3A_355 = arith.constant 48 : i32
    %add3A_356 = arith.addi %mul3A_354, %add3A_355 : i32
    %dma_start3A_357 = arith.constant 1 : i32
    %dma_start3A_358 = arith.constant 0 : i32
    %dma_start3A_359 = arith.constant 0 : i32
    %dma_start3A_360 = tpu.memref_slice %arg5[%dma_start3A_357, %dma_start3A_358, %dma_start3A_359] : memref<2x16x2304xf32, #tpu.memory_space<vmem>> -> memref<1x16x2304xf32, #tpu.memory_space<vmem>>
    %dma_start3A_361 = tpu.memref_squeeze %dma_start3A_360 : memref<1x16x2304xf32, #tpu.memory_space<vmem>> -> memref<16x2304xf32, #tpu.memory_space<vmem>>
    %dma_start3A_362 = arith.constant 0 : i32
    %dma_start3A_363 = tpu.memref_slice %arg2[%add3A_356, %dma_start3A_362] : memref<4096x2304xf32, #tpu.memory_space<hbm>> -> memref<16x2304xf32, #tpu.memory_space<hbm>>
    %dma_start3A_364 = arith.constant 0 : i32
    %dma_start3A_365 = arith.constant 0 : i32
    %dma_start3A_366 = tpu.memref_slice %arg5[%dma_start3A_357, %dma_start3A_364, %dma_start3A_365] : memref<2x16x2304xf32, #tpu.memory_space<vmem>> -> memref<1x16x2304xf32, #tpu.memory_space<vmem>>
    %dma_start3A_367 = tpu.memref_squeeze %dma_start3A_366 : memref<1x16x2304xf32, #tpu.memory_space<vmem>> -> memref<16x2304xf32, #tpu.memory_space<vmem>>
    %dma_start3A_368 = arith.constant 0 : i32
    %dma_start3A_369 = tpu.memref_slice %arg2[%add3A_356, %dma_start3A_368] : memref<4096x2304xf32, #tpu.memory_space<hbm>> -> memref<16x2304xf32, #tpu.memory_space<hbm>>
    tpu.enqueue_dma source(%dma_start3A_369 : memref<16x2304xf32, #tpu.memory_space<hbm>>) target(%dma_start3A_367 : memref<16x2304xf32, #tpu.memory_space<vmem>>) target_semaphore(%arg8 : memref<!tpu.dma_semaphore, #tpu.memory_space<semaphore_mem>>)
    %dma_start3A_370 = arith.constant 0 : i32
    %dma_start3A_371 = arith.constant 1 : i32
    %dma_start3A_372 = arith.constant 0 : i32
    %dma_start3A_373 = tpu.memref_slice %arg6[%dma_start3A_371, %dma_start3A_372] : memref<2x16xi32, #tpu.memory_space<vmem>> -> memref<1x16xi32, #tpu.memory_space<vmem>>
    %dma_start3A_374 = tpu.memref_squeeze %dma_start3A_373 : memref<1x16xi32, #tpu.memory_space<vmem>> -> memref<16xi32, #tpu.memory_space<vmem>>
    %dma_start3A_375 = tpu.memref_slice %arg3[%dma_start3A_370, %add3A_356] : memref<2x4096xi32, #tpu.memory_space<hbm>> -> memref<1x16xi32, #tpu.memory_space<hbm>>
    %dma_start3A_376 = tpu.memref_squeeze %dma_start3A_375 : memref<1x16xi32, #tpu.memory_space<hbm>> -> memref<16xi32, #tpu.memory_space<hbm>>
    %dma_start3A_377 = arith.constant 0 : i32
    %dma_start3A_378 = tpu.memref_slice %arg6[%dma_start3A_371, %dma_start3A_377] : memref<2x16xi32, #tpu.memory_space<vmem>> -> memref<1x16xi32, #tpu.memory_space<vmem>>
    %dma_start3A_379 = tpu.memref_squeeze %dma_start3A_378 : memref<1x16xi32, #tpu.memory_space<vmem>> -> memref<16xi32, #tpu.memory_space<vmem>>
    %dma_start3A_380 = tpu.memref_slice %arg3[%dma_start3A_370, %add3A_356] : memref<2x4096xi32, #tpu.memory_space<hbm>> -> memref<1x16xi32, #tpu.memory_space<hbm>>
    %dma_start3A_381 = tpu.memref_squeeze %dma_start3A_380 : memref<1x16xi32, #tpu.memory_space<hbm>> -> memref<16xi32, #tpu.memory_space<hbm>>
    tpu.enqueue_dma source(%dma_start3A_381 : memref<16xi32, #tpu.memory_space<hbm>>) target(%dma_start3A_379 : memref<16xi32, #tpu.memory_space<vmem>>) target_semaphore(%arg8 : memref<!tpu.dma_semaphore, #tpu.memory_space<semaphore_mem>>)
    %dma_start3A_382 = arith.constant 1 : i32
    %dma_start3A_383 = arith.constant 1 : i32
    %dma_start3A_384 = arith.constant 0 : i32
    %dma_start3A_385 = tpu.memref_slice %arg7[%dma_start3A_383, %dma_start3A_384] : memref<2x16xi32, #tpu.memory_space<vmem>> -> memref<1x16xi32, #tpu.memory_space<vmem>>
    %dma_start3A_386 = tpu.memref_squeeze %dma_start3A_385 : memref<1x16xi32, #tpu.memory_space<vmem>> -> memref<16xi32, #tpu.memory_space<vmem>>
    %dma_start3A_387 = tpu.memref_slice %arg3[%dma_start3A_382, %add3A_356] : memref<2x4096xi32, #tpu.memory_space<hbm>> -> memref<1x16xi32, #tpu.memory_space<hbm>>
    %dma_start3A_388 = tpu.memref_squeeze %dma_start3A_387 : memref<1x16xi32, #tpu.memory_space<hbm>> -> memref<16xi32, #tpu.memory_space<hbm>>
    %dma_start3A_389 = arith.constant 0 : i32
    %dma_start3A_390 = tpu.memref_slice %arg7[%dma_start3A_383, %dma_start3A_389] : memref<2x16xi32, #tpu.memory_space<vmem>> -> memref<1x16xi32, #tpu.memory_space<vmem>>
    %dma_start3A_391 = tpu.memref_squeeze %dma_start3A_390 : memref<1x16xi32, #tpu.memory_space<vmem>> -> memref<16xi32, #tpu.memory_space<vmem>>
    %dma_start3A_392 = tpu.memref_slice %arg3[%dma_start3A_382, %add3A_356] : memref<2x4096xi32, #tpu.memory_space<hbm>> -> memref<1x16xi32, #tpu.memory_space<hbm>>
    %dma_start3A_393 = tpu.memref_squeeze %dma_start3A_392 : memref<1x16xi32, #tpu.memory_space<hbm>> -> memref<16xi32, #tpu.memory_space<hbm>>
    tpu.enqueue_dma source(%dma_start3A_393 : memref<16xi32, #tpu.memory_space<hbm>>) target(%dma_start3A_391 : memref<16xi32, #tpu.memory_space<vmem>>) target_semaphore(%arg8 : memref<!tpu.dma_semaphore, #tpu.memory_space<semaphore_mem>>)
    %dma_wait3A_394 = arith.constant 1 : i32
    %dma_wait3A_395 = arith.constant 0 : i32
    %dma_wait3A_396 = arith.constant 0 : i32
    %dma_wait3A_397 = tpu.memref_slice %arg5[%dma_wait3A_394, %dma_wait3A_395, %dma_wait3A_396] : memref<2x16x2304xf32, #tpu.memory_space<vmem>> -> memref<1x16x2304xf32, #tpu.memory_space<vmem>>
    %dma_wait3A_398 = tpu.memref_squeeze %dma_wait3A_397 : memref<1x16x2304xf32, #tpu.memory_space<vmem>> -> memref<16x2304xf32, #tpu.memory_space<vmem>>
    %dma_wait3A_399 = arith.constant 0 : i32
    %dma_wait3A_400 = tpu.memref_slice %arg2[%add3A_356, %dma_wait3A_399] : memref<4096x2304xf32, #tpu.memory_space<hbm>> -> memref<16x2304xf32, #tpu.memory_space<hbm>>
    %dma_wait3A_401 = arith.constant 0 : i32
    %dma_wait3A_402 = arith.constant 0 : i32
    %dma_wait3A_403 = tpu.memref_slice %arg5[%dma_wait3A_394, %dma_wait3A_401, %dma_wait3A_402] : memref<2x16x2304xf32, #tpu.memory_space<vmem>> -> memref<1x16x2304xf32, #tpu.memory_space<vmem>>
    %dma_wait3A_404 = tpu.memref_squeeze %dma_wait3A_403 : memref<1x16x2304xf32, #tpu.memory_space<vmem>> -> memref<16x2304xf32, #tpu.memory_space<vmem>>
    %dma_wait3A_405 = arith.constant 0 : i32
    %dma_wait3A_406 = tpu.memref_slice %arg2[%add3A_356, %dma_wait3A_405] : memref<4096x2304xf32, #tpu.memory_space<hbm>> -> memref<16x2304xf32, #tpu.memory_space<hbm>>
    tpu.wait_dma2 semaphore(%arg8 : memref<!tpu.dma_semaphore, #tpu.memory_space<semaphore_mem>>) src(%dma_wait3A_406 : memref<16x2304xf32, #tpu.memory_space<hbm>>) dst(%dma_wait3A_404 : memref<16x2304xf32, #tpu.memory_space<vmem>>)
    %dma_wait3A_407 = arith.constant 0 : i32
    %dma_wait3A_408 = arith.constant 1 : i32
    %dma_wait3A_409 = arith.constant 0 : i32
    %dma_wait3A_410 = tpu.memref_slice %arg6[%dma_wait3A_408, %dma_wait3A_409] : memref<2x16xi32, #tpu.memory_space<vmem>> -> memref<1x16xi32, #tpu.memory_space<vmem>>
    %dma_wait3A_411 = tpu.memref_squeeze %dma_wait3A_410 : memref<1x16xi32, #tpu.memory_space<vmem>> -> memref<16xi32, #tpu.memory_space<vmem>>
    %dma_wait3A_412 = tpu.memref_slice %arg3[%dma_wait3A_407, %add3A_356] : memref<2x4096xi32, #tpu.memory_space<hbm>> -> memref<1x16xi32, #tpu.memory_space<hbm>>
    %dma_wait3A_413 = tpu.memref_squeeze %dma_wait3A_412 : memref<1x16xi32, #tpu.memory_space<hbm>> -> memref<16xi32, #tpu.memory_space<hbm>>
    %dma_wait3A_414 = arith.constant 0 : i32
    %dma_wait3A_415 = tpu.memref_slice %arg6[%dma_wait3A_408, %dma_wait3A_414] : memref<2x16xi32, #tpu.memory_space<vmem>> -> memref<1x16xi32, #tpu.memory_space<vmem>>
    %dma_wait3A_416 = tpu.memref_squeeze %dma_wait3A_415 : memref<1x16xi32, #tpu.memory_space<vmem>> -> memref<16xi32, #tpu.memory_space<vmem>>
    %dma_wait3A_417 = tpu.memref_slice %arg3[%dma_wait3A_407, %add3A_356] : memref<2x4096xi32, #tpu.memory_space<hbm>> -> memref<1x16xi32, #tpu.memory_space<hbm>>
    %dma_wait3A_418 = tpu.memref_squeeze %dma_wait3A_417 : memref<1x16xi32, #tpu.memory_space<hbm>> -> memref<16xi32, #tpu.memory_space<hbm>>
    tpu.wait_dma2 semaphore(%arg8 : memref<!tpu.dma_semaphore, #tpu.memory_space<semaphore_mem>>) src(%dma_wait3A_418 : memref<16xi32, #tpu.memory_space<hbm>>) dst(%dma_wait3A_416 : memref<16xi32, #tpu.memory_space<vmem>>)
    %dma_wait3A_419 = arith.constant 1 : i32
    %dma_wait3A_420 = arith.constant 1 : i32
    %dma_wait3A_421 = arith.constant 0 : i32
    %dma_wait3A_422 = tpu.memref_slice %arg7[%dma_wait3A_420, %dma_wait3A_421] : memref<2x16xi32, #tpu.memory_space<vmem>> -> memref<1x16xi32, #tpu.memory_space<vmem>>
    %dma_wait3A_423 = tpu.memref_squeeze %dma_wait3A_422 : memref<1x16xi32, #tpu.memory_space<vmem>> -> memref<16xi32, #tpu.memory_space<vmem>>
    %dma_wait3A_424 = tpu.memref_slice %arg3[%dma_wait3A_419, %add3A_356] : memref<2x4096xi32, #tpu.memory_space<hbm>> -> memref<1x16xi32, #tpu.memory_space<hbm>>
    %dma_wait3A_425 = tpu.memref_squeeze %dma_wait3A_424 : memref<1x16xi32, #tpu.memory_space<hbm>> -> memref<16xi32, #tpu.memory_space<hbm>>
    %dma_wait3A_426 = arith.constant 0 : i32
    %dma_wait3A_427 = tpu.memref_slice %arg7[%dma_wait3A_420, %dma_wait3A_426] : memref<2x16xi32, #tpu.memory_space<vmem>> -> memref<1x16xi32, #tpu.memory_space<vmem>>
    %dma_wait3A_428 = tpu.memref_squeeze %dma_wait3A_427 : memref<1x16xi32, #tpu.memory_space<vmem>> -> memref<16xi32, #tpu.memory_space<vmem>>
    %dma_wait3A_429 = tpu.memref_slice %arg3[%dma_wait3A_419, %add3A_356] : memref<2x4096xi32, #tpu.memory_space<hbm>> -> memref<1x16xi32, #tpu.memory_space<hbm>>
    %dma_wait3A_430 = tpu.memref_squeeze %dma_wait3A_429 : memref<1x16xi32, #tpu.memory_space<hbm>> -> memref<16xi32, #tpu.memory_space<hbm>>
    tpu.wait_dma2 semaphore(%arg8 : memref<!tpu.dma_semaphore, #tpu.memory_space<semaphore_mem>>) src(%dma_wait3A_430 : memref<16xi32, #tpu.memory_space<hbm>>) dst(%dma_wait3A_428 : memref<16xi32, #tpu.memory_space<vmem>>)
    %dma_start3A_431 = arith.constant 1 : i32
    %dma_start3A_432 = arith.constant 1 : i32
    %dma_start3A_433 = arith.constant 0 : i32
    %dma_start3A_434 = arith.constant 0 : i32
    %dma_start3A_435 = tpu.memref_slice %arg5[%dma_start3A_431, %dma_start3A_433, %dma_start3A_434] : memref<2x16x2304xf32, #tpu.memory_space<vmem>> -> memref<1x16x2304xf32, #tpu.memory_space<vmem>>
    %dma_start3A_436 = tpu.memref_squeeze %dma_start3A_435 : memref<1x16x2304xf32, #tpu.memory_space<vmem>> -> memref<16x2304xf32, #tpu.memory_space<vmem>>
    %dma_start3A_437 = arith.constant 0 : i32
    %dma_start3A_438 = tpu.memref_slice %arg6[%dma_start3A_432, %dma_start3A_437] : memref<2x16xi32, #tpu.memory_space<vmem>> -> memref<1x16xi32, #tpu.memory_space<vmem>>
    %dma_start3A_439 = tpu.memref_squeeze %dma_start3A_438 : memref<1x16xi32, #tpu.memory_space<vmem>> -> memref<16xi32, #tpu.memory_space<vmem>>
    %dma_start3A_440 = arith.constant 0 : i32
    %dma_start3A_441 = arith.constant 0 : i32
    %dma_start3A_442 = tpu.memref_slice %arg4[%dma_start3A_440, %dma_start3A_441] : memref<10240x2304xf32, #tpu.memory_space<hbm>> -> memref<10240x2304xf32, #tpu.memory_space<hbm>>
    tpu.enqueue_indirect_dma source(%dma_start3A_436 : memref<16x2304xf32, #tpu.memory_space<vmem>>) target(%dma_start3A_442 : memref<10240x2304xf32, #tpu.memory_space<hbm>>) offsets(%dma_start3A_439 : memref<16xi32, #tpu.memory_space<vmem>>) semaphore(%arg9 : memref<!tpu.dma_semaphore, #tpu.memory_space<semaphore_mem>>)
    %dma_start3A_443 = arith.constant 1 : i32
    %dma_start3A_444 = arith.constant 1 : i32
    %dma_start3A_445 = arith.constant 0 : i32
    %dma_start3A_446 = arith.constant 0 : i32
    %dma_start3A_447 = tpu.memref_slice %arg5[%dma_start3A_443, %dma_start3A_445, %dma_start3A_446] : memref<2x16x2304xf32, #tpu.memory_space<vmem>> -> memref<1x16x2304xf32, #tpu.memory_space<vmem>>
    %dma_start3A_448 = tpu.memref_squeeze %dma_start3A_447 : memref<1x16x2304xf32, #tpu.memory_space<vmem>> -> memref<16x2304xf32, #tpu.memory_space<vmem>>
    %dma_start3A_449 = arith.constant 0 : i32
    %dma_start3A_450 = tpu.memref_slice %arg7[%dma_start3A_444, %dma_start3A_449] : memref<2x16xi32, #tpu.memory_space<vmem>> -> memref<1x16xi32, #tpu.memory_space<vmem>>
    %dma_start3A_451 = tpu.memref_squeeze %dma_start3A_450 : memref<1x16xi32, #tpu.memory_space<vmem>> -> memref<16xi32, #tpu.memory_space<vmem>>
    %dma_start3A_452 = arith.constant 0 : i32
    %dma_start3A_453 = arith.constant 0 : i32
    %dma_start3A_454 = tpu.memref_slice %arg4[%dma_start3A_452, %dma_start3A_453] : memref<10240x2304xf32, #tpu.memory_space<hbm>> -> memref<10240x2304xf32, #tpu.memory_space<hbm>>
    tpu.enqueue_indirect_dma source(%dma_start3A_448 : memref<16x2304xf32, #tpu.memory_space<vmem>>) target(%dma_start3A_454 : memref<10240x2304xf32, #tpu.memory_space<hbm>>) offsets(%dma_start3A_451 : memref<16xi32, #tpu.memory_space<vmem>>) semaphore(%arg10 : memref<!tpu.dma_semaphore, #tpu.memory_space<semaphore_mem>>)
    %dma_wait3A_455 = arith.constant 0 : i32
    %dma_wait3A_456 = arith.constant 0 : i32
    %dma_wait3A_457 = arith.constant 0 : i32
    %dma_wait3A_458 = arith.constant 0 : i32
    %dma_wait3A_459 = tpu.memref_slice %arg5[%dma_wait3A_455, %dma_wait3A_457, %dma_wait3A_458] : memref<2x16x2304xf32, #tpu.memory_space<vmem>> -> memref<1x16x2304xf32, #tpu.memory_space<vmem>>
    %dma_wait3A_460 = tpu.memref_squeeze %dma_wait3A_459 : memref<1x16x2304xf32, #tpu.memory_space<vmem>> -> memref<16x2304xf32, #tpu.memory_space<vmem>>
    %dma_wait3A_461 = arith.constant 0 : i32
    %dma_wait3A_462 = tpu.memref_slice %arg6[%dma_wait3A_456, %dma_wait3A_461] : memref<2x16xi32, #tpu.memory_space<vmem>> -> memref<1x16xi32, #tpu.memory_space<vmem>>
    %dma_wait3A_463 = tpu.memref_squeeze %dma_wait3A_462 : memref<1x16xi32, #tpu.memory_space<vmem>> -> memref<16xi32, #tpu.memory_space<vmem>>
    %dma_wait3A_464 = arith.constant 0 : i32
    %dma_wait3A_465 = arith.constant 0 : i32
    %dma_wait3A_466 = tpu.memref_slice %arg4[%dma_wait3A_464, %dma_wait3A_465] : memref<10240x2304xf32, #tpu.memory_space<hbm>> -> memref<10240x2304xf32, #tpu.memory_space<hbm>>
    tpu.wait_indirect_dma semaphore(%arg9 : memref<!tpu.dma_semaphore, #tpu.memory_space<semaphore_mem>>) src(%dma_wait3A_460 : memref<16x2304xf32, #tpu.memory_space<vmem>>) dst(%dma_wait3A_466 : memref<10240x2304xf32, #tpu.memory_space<hbm>>)
    %dma_wait3A_467 = arith.constant 0 : i32
    %dma_wait3A_468 = arith.constant 0 : i32
    %dma_wait3A_469 = arith.constant 0 : i32
    %dma_wait3A_470 = arith.constant 0 : i32
    %dma_wait3A_471 = tpu.memref_slice %arg5[%dma_wait3A_467, %dma_wait3A_469, %dma_wait3A_470] : memref<2x16x2304xf32, #tpu.memory_space<vmem>> -> memref<1x16x2304xf32, #tpu.memory_space<vmem>>
    %dma_wait3A_472 = tpu.memref_squeeze %dma_wait3A_471 : memref<1x16x2304xf32, #tpu.memory_space<vmem>> -> memref<16x2304xf32, #tpu.memory_space<vmem>>
    %dma_wait3A_473 = arith.constant 0 : i32
    %dma_wait3A_474 = tpu.memref_slice %arg7[%dma_wait3A_468, %dma_wait3A_473] : memref<2x16xi32, #tpu.memory_space<vmem>> -> memref<1x16xi32, #tpu.memory_space<vmem>>
    %dma_wait3A_475 = tpu.memref_squeeze %dma_wait3A_474 : memref<1x16xi32, #tpu.memory_space<vmem>> -> memref<16xi32, #tpu.memory_space<vmem>>
    %dma_wait3A_476 = arith.constant 0 : i32
    %dma_wait3A_477 = arith.constant 0 : i32
    %dma_wait3A_478 = tpu.memref_slice %arg4[%dma_wait3A_476, %dma_wait3A_477] : memref<10240x2304xf32, #tpu.memory_space<hbm>> -> memref<10240x2304xf32, #tpu.memory_space<hbm>>
    tpu.wait_indirect_dma semaphore(%arg10 : memref<!tpu.dma_semaphore, #tpu.memory_space<semaphore_mem>>) src(%dma_wait3A_472 : memref<16x2304xf32, #tpu.memory_space<vmem>>) dst(%dma_wait3A_478 : memref<10240x2304xf32, #tpu.memory_space<hbm>>)
    %mul3A_479 = arith.constant 128 : i32
    %mul3A_480 = arith.muli %add3A, %mul3A_479 : i32
    %add3A_481 = arith.constant 64 : i32
    %add3A_482 = arith.addi %mul3A_480, %add3A_481 : i32
    %dma_start3A_483 = arith.constant 0 : i32
    %dma_start3A_484 = arith.constant 0 : i32
    %dma_start3A_485 = arith.constant 0 : i32
    %dma_start3A_486 = tpu.memref_slice %arg5[%dma_start3A_483, %dma_start3A_484, %dma_start3A_485] : memref<2x16x2304xf32, #tpu.memory_space<vmem>> -> memref<1x16x2304xf32, #tpu.memory_space<vmem>>
    %dma_start3A_487 = tpu.memref_squeeze %dma_start3A_486 : memref<1x16x2304xf32, #tpu.memory_space<vmem>> -> memref<16x2304xf32, #tpu.memory_space<vmem>>
    %dma_start3A_488 = arith.constant 0 : i32
    %dma_start3A_489 = tpu.memref_slice %arg2[%add3A_482, %dma_start3A_488] : memref<4096x2304xf32, #tpu.memory_space<hbm>> -> memref<16x2304xf32, #tpu.memory_space<hbm>>
    %dma_start3A_490 = arith.constant 0 : i32
    %dma_start3A_491 = arith.constant 0 : i32
    %dma_start3A_492 = tpu.memref_slice %arg5[%dma_start3A_483, %dma_start3A_490, %dma_start3A_491] : memref<2x16x2304xf32, #tpu.memory_space<vmem>> -> memref<1x16x2304xf32, #tpu.memory_space<vmem>>
    %dma_start3A_493 = tpu.memref_squeeze %dma_start3A_492 : memref<1x16x2304xf32, #tpu.memory_space<vmem>> -> memref<16x2304xf32, #tpu.memory_space<vmem>>
    %dma_start3A_494 = arith.constant 0 : i32
    %dma_start3A_495 = tpu.memref_slice %arg2[%add3A_482, %dma_start3A_494] : memref<4096x2304xf32, #tpu.memory_space<hbm>> -> memref<16x2304xf32, #tpu.memory_space<hbm>>
    tpu.enqueue_dma source(%dma_start3A_495 : memref<16x2304xf32, #tpu.memory_space<hbm>>) target(%dma_start3A_493 : memref<16x2304xf32, #tpu.memory_space<vmem>>) target_semaphore(%arg8 : memref<!tpu.dma_semaphore, #tpu.memory_space<semaphore_mem>>)
    %dma_start3A_496 = arith.constant 0 : i32
    %dma_start3A_497 = arith.constant 0 : i32
    %dma_start3A_498 = arith.constant 0 : i32
    %dma_start3A_499 = tpu.memref_slice %arg6[%dma_start3A_497, %dma_start3A_498] : memref<2x16xi32, #tpu.memory_space<vmem>> -> memref<1x16xi32, #tpu.memory_space<vmem>>
    %dma_start3A_500 = tpu.memref_squeeze %dma_start3A_499 : memref<1x16xi32, #tpu.memory_space<vmem>> -> memref<16xi32, #tpu.memory_space<vmem>>
    %dma_start3A_501 = tpu.memref_slice %arg3[%dma_start3A_496, %add3A_482] : memref<2x4096xi32, #tpu.memory_space<hbm>> -> memref<1x16xi32, #tpu.memory_space<hbm>>
    %dma_start3A_502 = tpu.memref_squeeze %dma_start3A_501 : memref<1x16xi32, #tpu.memory_space<hbm>> -> memref<16xi32, #tpu.memory_space<hbm>>
    %dma_start3A_503 = arith.constant 0 : i32
    %dma_start3A_504 = tpu.memref_slice %arg6[%dma_start3A_497, %dma_start3A_503] : memref<2x16xi32, #tpu.memory_space<vmem>> -> memref<1x16xi32, #tpu.memory_space<vmem>>
    %dma_start3A_505 = tpu.memref_squeeze %dma_start3A_504 : memref<1x16xi32, #tpu.memory_space<vmem>> -> memref<16xi32, #tpu.memory_space<vmem>>
    %dma_start3A_506 = tpu.memref_slice %arg3[%dma_start3A_496, %add3A_482] : memref<2x4096xi32, #tpu.memory_space<hbm>> -> memref<1x16xi32, #tpu.memory_space<hbm>>
    %dma_start3A_507 = tpu.memref_squeeze %dma_start3A_506 : memref<1x16xi32, #tpu.memory_space<hbm>> -> memref<16xi32, #tpu.memory_space<hbm>>
    tpu.enqueue_dma source(%dma_start3A_507 : memref<16xi32, #tpu.memory_space<hbm>>) target(%dma_start3A_505 : memref<16xi32, #tpu.memory_space<vmem>>) target_semaphore(%arg8 : memref<!tpu.dma_semaphore, #tpu.memory_space<semaphore_mem>>)
    %dma_start3A_508 = arith.constant 1 : i32
    %dma_start3A_509 = arith.constant 0 : i32
    %dma_start3A_510 = arith.constant 0 : i32
    %dma_start3A_511 = tpu.memref_slice %arg7[%dma_start3A_509, %dma_start3A_510] : memref<2x16xi32, #tpu.memory_space<vmem>> -> memref<1x16xi32, #tpu.memory_space<vmem>>
    %dma_start3A_512 = tpu.memref_squeeze %dma_start3A_511 : memref<1x16xi32, #tpu.memory_space<vmem>> -> memref<16xi32, #tpu.memory_space<vmem>>
    %dma_start3A_513 = tpu.memref_slice %arg3[%dma_start3A_508, %add3A_482] : memref<2x4096xi32, #tpu.memory_space<hbm>> -> memref<1x16xi32, #tpu.memory_space<hbm>>
    %dma_start3A_514 = tpu.memref_squeeze %dma_start3A_513 : memref<1x16xi32, #tpu.memory_space<hbm>> -> memref<16xi32, #tpu.memory_space<hbm>>
    %dma_start3A_515 = arith.constant 0 : i32
    %dma_start3A_516 = tpu.memref_slice %arg7[%dma_start3A_509, %dma_start3A_515] : memref<2x16xi32, #tpu.memory_space<vmem>> -> memref<1x16xi32, #tpu.memory_space<vmem>>
    %dma_start3A_517 = tpu.memref_squeeze %dma_start3A_516 : memref<1x16xi32, #tpu.memory_space<vmem>> -> memref<16xi32, #tpu.memory_space<vmem>>
    %dma_start3A_518 = tpu.memref_slice %arg3[%dma_start3A_508, %add3A_482] : memref<2x4096xi32, #tpu.memory_space<hbm>> -> memref<1x16xi32, #tpu.memory_space<hbm>>
    %dma_start3A_519 = tpu.memref_squeeze %dma_start3A_518 : memref<1x16xi32, #tpu.memory_space<hbm>> -> memref<16xi32, #tpu.memory_space<hbm>>
    tpu.enqueue_dma source(%dma_start3A_519 : memref<16xi32, #tpu.memory_space<hbm>>) target(%dma_start3A_517 : memref<16xi32, #tpu.memory_space<vmem>>) target_semaphore(%arg8 : memref<!tpu.dma_semaphore, #tpu.memory_space<semaphore_mem>>)
    %dma_wait3A_520 = arith.constant 0 : i32
    %dma_wait3A_521 = arith.constant 0 : i32
    %dma_wait3A_522 = arith.constant 0 : i32
    %dma_wait3A_523 = tpu.memref_slice %arg5[%dma_wait3A_520, %dma_wait3A_521, %dma_wait3A_522] : memref<2x16x2304xf32, #tpu.memory_space<vmem>> -> memref<1x16x2304xf32, #tpu.memory_space<vmem>>
    %dma_wait3A_524 = tpu.memref_squeeze %dma_wait3A_523 : memref<1x16x2304xf32, #tpu.memory_space<vmem>> -> memref<16x2304xf32, #tpu.memory_space<vmem>>
    %dma_wait3A_525 = arith.constant 0 : i32
    %dma_wait3A_526 = tpu.memref_slice %arg2[%add3A_482, %dma_wait3A_525] : memref<4096x2304xf32, #tpu.memory_space<hbm>> -> memref<16x2304xf32, #tpu.memory_space<hbm>>
    %dma_wait3A_527 = arith.constant 0 : i32
    %dma_wait3A_528 = arith.constant 0 : i32
    %dma_wait3A_529 = tpu.memref_slice %arg5[%dma_wait3A_520, %dma_wait3A_527, %dma_wait3A_528] : memref<2x16x2304xf32, #tpu.memory_space<vmem>> -> memref<1x16x2304xf32, #tpu.memory_space<vmem>>
    %dma_wait3A_530 = tpu.memref_squeeze %dma_wait3A_529 : memref<1x16x2304xf32, #tpu.memory_space<vmem>> -> memref<16x2304xf32, #tpu.memory_space<vmem>>
    %dma_wait3A_531 = arith.constant 0 : i32
    %dma_wait3A_532 = tpu.memref_slice %arg2[%add3A_482, %dma_wait3A_531] : memref<4096x2304xf32, #tpu.memory_space<hbm>> -> memref<16x2304xf32, #tpu.memory_space<hbm>>
    tpu.wait_dma2 semaphore(%arg8 : memref<!tpu.dma_semaphore, #tpu.memory_space<semaphore_mem>>) src(%dma_wait3A_532 : memref<16x2304xf32, #tpu.memory_space<hbm>>) dst(%dma_wait3A_530 : memref<16x2304xf32, #tpu.memory_space<vmem>>)
    %dma_wait3A_533 = arith.constant 0 : i32
    %dma_wait3A_534 = arith.constant 0 : i32
    %dma_wait3A_535 = arith.constant 0 : i32
    %dma_wait3A_536 = tpu.memref_slice %arg6[%dma_wait3A_534, %dma_wait3A_535] : memref<2x16xi32, #tpu.memory_space<vmem>> -> memref<1x16xi32, #tpu.memory_space<vmem>>
    %dma_wait3A_537 = tpu.memref_squeeze %dma_wait3A_536 : memref<1x16xi32, #tpu.memory_space<vmem>> -> memref<16xi32, #tpu.memory_space<vmem>>
    %dma_wait3A_538 = tpu.memref_slice %arg3[%dma_wait3A_533, %add3A_482] : memref<2x4096xi32, #tpu.memory_space<hbm>> -> memref<1x16xi32, #tpu.memory_space<hbm>>
    %dma_wait3A_539 = tpu.memref_squeeze %dma_wait3A_538 : memref<1x16xi32, #tpu.memory_space<hbm>> -> memref<16xi32, #tpu.memory_space<hbm>>
    %dma_wait3A_540 = arith.constant 0 : i32
    %dma_wait3A_541 = tpu.memref_slice %arg6[%dma_wait3A_534, %dma_wait3A_540] : memref<2x16xi32, #tpu.memory_space<vmem>> -> memref<1x16xi32, #tpu.memory_space<vmem>>
    %dma_wait3A_542 = tpu.memref_squeeze %dma_wait3A_541 : memref<1x16xi32, #tpu.memory_space<vmem>> -> memref<16xi32, #tpu.memory_space<vmem>>
    %dma_wait3A_543 = tpu.memref_slice %arg3[%dma_wait3A_533, %add3A_482] : memref<2x4096xi32, #tpu.memory_space<hbm>> -> memref<1x16xi32, #tpu.memory_space<hbm>>
    %dma_wait3A_544 = tpu.memref_squeeze %dma_wait3A_543 : memref<1x16xi32, #tpu.memory_space<hbm>> -> memref<16xi32, #tpu.memory_space<hbm>>
    tpu.wait_dma2 semaphore(%arg8 : memref<!tpu.dma_semaphore, #tpu.memory_space<semaphore_mem>>) src(%dma_wait3A_544 : memref<16xi32, #tpu.memory_space<hbm>>) dst(%dma_wait3A_542 : memref<16xi32, #tpu.memory_space<vmem>>)
    %dma_wait3A_545 = arith.constant 1 : i32
    %dma_wait3A_546 = arith.constant 0 : i32
    %dma_wait3A_547 = arith.constant 0 : i32
    %dma_wait3A_548 = tpu.memref_slice %arg7[%dma_wait3A_546, %dma_wait3A_547] : memref<2x16xi32, #tpu.memory_space<vmem>> -> memref<1x16xi32, #tpu.memory_space<vmem>>
    %dma_wait3A_549 = tpu.memref_squeeze %dma_wait3A_548 : memref<1x16xi32, #tpu.memory_space<vmem>> -> memref<16xi32, #tpu.memory_space<vmem>>
    %dma_wait3A_550 = tpu.memref_slice %arg3[%dma_wait3A_545, %add3A_482] : memref<2x4096xi32, #tpu.memory_space<hbm>> -> memref<1x16xi32, #tpu.memory_space<hbm>>
    %dma_wait3A_551 = tpu.memref_squeeze %dma_wait3A_550 : memref<1x16xi32, #tpu.memory_space<hbm>> -> memref<16xi32, #tpu.memory_space<hbm>>
    %dma_wait3A_552 = arith.constant 0 : i32
    %dma_wait3A_553 = tpu.memref_slice %arg7[%dma_wait3A_546, %dma_wait3A_552] : memref<2x16xi32, #tpu.memory_space<vmem>> -> memref<1x16xi32, #tpu.memory_space<vmem>>
    %dma_wait3A_554 = tpu.memref_squeeze %dma_wait3A_553 : memref<1x16xi32, #tpu.memory_space<vmem>> -> memref<16xi32, #tpu.memory_space<vmem>>
    %dma_wait3A_555 = tpu.memref_slice %arg3[%dma_wait3A_545, %add3A_482] : memref<2x4096xi32, #tpu.memory_space<hbm>> -> memref<1x16xi32, #tpu.memory_space<hbm>>
    %dma_wait3A_556 = tpu.memref_squeeze %dma_wait3A_555 : memref<1x16xi32, #tpu.memory_space<hbm>> -> memref<16xi32, #tpu.memory_space<hbm>>
    tpu.wait_dma2 semaphore(%arg8 : memref<!tpu.dma_semaphore, #tpu.memory_space<semaphore_mem>>) src(%dma_wait3A_556 : memref<16xi32, #tpu.memory_space<hbm>>) dst(%dma_wait3A_554 : memref<16xi32, #tpu.memory_space<vmem>>)
    %dma_start3A_557 = arith.constant 0 : i32
    %dma_start3A_558 = arith.constant 0 : i32
    %dma_start3A_559 = arith.constant 0 : i32
    %dma_start3A_560 = arith.constant 0 : i32
    %dma_start3A_561 = tpu.memref_slice %arg5[%dma_start3A_557, %dma_start3A_559, %dma_start3A_560] : memref<2x16x2304xf32, #tpu.memory_space<vmem>> -> memref<1x16x2304xf32, #tpu.memory_space<vmem>>
    %dma_start3A_562 = tpu.memref_squeeze %dma_start3A_561 : memref<1x16x2304xf32, #tpu.memory_space<vmem>> -> memref<16x2304xf32, #tpu.memory_space<vmem>>
    %dma_start3A_563 = arith.constant 0 : i32
    %dma_start3A_564 = tpu.memref_slice %arg6[%dma_start3A_558, %dma_start3A_563] : memref<2x16xi32, #tpu.memory_space<vmem>> -> memref<1x16xi32, #tpu.memory_space<vmem>>
    %dma_start3A_565 = tpu.memref_squeeze %dma_start3A_564 : memref<1x16xi32, #tpu.memory_space<vmem>> -> memref<16xi32, #tpu.memory_space<vmem>>
    %dma_start3A_566 = arith.constant 0 : i32
    %dma_start3A_567 = arith.constant 0 : i32
    %dma_start3A_568 = tpu.memref_slice %arg4[%dma_start3A_566, %dma_start3A_567] : memref<10240x2304xf32, #tpu.memory_space<hbm>> -> memref<10240x2304xf32, #tpu.memory_space<hbm>>
    tpu.enqueue_indirect_dma source(%dma_start3A_562 : memref<16x2304xf32, #tpu.memory_space<vmem>>) target(%dma_start3A_568 : memref<10240x2304xf32, #tpu.memory_space<hbm>>) offsets(%dma_start3A_565 : memref<16xi32, #tpu.memory_space<vmem>>) semaphore(%arg9 : memref<!tpu.dma_semaphore, #tpu.memory_space<semaphore_mem>>)
    %dma_start3A_569 = arith.constant 0 : i32
    %dma_start3A_570 = arith.constant 0 : i32
    %dma_start3A_571 = arith.constant 0 : i32
    %dma_start3A_572 = arith.constant 0 : i32
    %dma_start3A_573 = tpu.memref_slice %arg5[%dma_start3A_569, %dma_start3A_571, %dma_start3A_572] : memref<2x16x2304xf32, #tpu.memory_space<vmem>> -> memref<1x16x2304xf32, #tpu.memory_space<vmem>>
    %dma_start3A_574 = tpu.memref_squeeze %dma_start3A_573 : memref<1x16x2304xf32, #tpu.memory_space<vmem>> -> memref<16x2304xf32, #tpu.memory_space<vmem>>
    %dma_start3A_575 = arith.constant 0 : i32
    %dma_start3A_576 = tpu.memref_slice %arg7[%dma_start3A_570, %dma_start3A_575] : memref<2x16xi32, #tpu.memory_space<vmem>> -> memref<1x16xi32, #tpu.memory_space<vmem>>
    %dma_start3A_577 = tpu.memref_squeeze %dma_start3A_576 : memref<1x16xi32, #tpu.memory_space<vmem>> -> memref<16xi32, #tpu.memory_space<vmem>>
    %dma_start3A_578 = arith.constant 0 : i32
    %dma_start3A_579 = arith.constant 0 : i32
    %dma_start3A_580 = tpu.memref_slice %arg4[%dma_start3A_578, %dma_start3A_579] : memref<10240x2304xf32, #tpu.memory_space<hbm>> -> memref<10240x2304xf32, #tpu.memory_space<hbm>>
    tpu.enqueue_indirect_dma source(%dma_start3A_574 : memref<16x2304xf32, #tpu.memory_space<vmem>>) target(%dma_start3A_580 : memref<10240x2304xf32, #tpu.memory_space<hbm>>) offsets(%dma_start3A_577 : memref<16xi32, #tpu.memory_space<vmem>>) semaphore(%arg10 : memref<!tpu.dma_semaphore, #tpu.memory_space<semaphore_mem>>)
    %dma_wait3A_581 = arith.constant 1 : i32
    %dma_wait3A_582 = arith.constant 1 : i32
    %dma_wait3A_583 = arith.constant 0 : i32
    %dma_wait3A_584 = arith.constant 0 : i32
    %dma_wait3A_585 = tpu.memref_slice %arg5[%dma_wait3A_581, %dma_wait3A_583, %dma_wait3A_584] : memref<2x16x2304xf32, #tpu.memory_space<vmem>> -> memref<1x16x2304xf32, #tpu.memory_space<vmem>>
    %dma_wait3A_586 = tpu.memref_squeeze %dma_wait3A_585 : memref<1x16x2304xf32, #tpu.memory_space<vmem>> -> memref<16x2304xf32, #tpu.memory_space<vmem>>
    %dma_wait3A_587 = arith.constant 0 : i32
    %dma_wait3A_588 = tpu.memref_slice %arg6[%dma_wait3A_582, %dma_wait3A_587] : memref<2x16xi32, #tpu.memory_space<vmem>> -> memref<1x16xi32, #tpu.memory_space<vmem>>
    %dma_wait3A_589 = tpu.memref_squeeze %dma_wait3A_588 : memref<1x16xi32, #tpu.memory_space<vmem>> -> memref<16xi32, #tpu.memory_space<vmem>>
    %dma_wait3A_590 = arith.constant 0 : i32
    %dma_wait3A_591 = arith.constant 0 : i32
    %dma_wait3A_592 = tpu.memref_slice %arg4[%dma_wait3A_590, %dma_wait3A_591] : memref<10240x2304xf32, #tpu.memory_space<hbm>> -> memref<10240x2304xf32, #tpu.memory_space<hbm>>
    tpu.wait_indirect_dma semaphore(%arg9 : memref<!tpu.dma_semaphore, #tpu.memory_space<semaphore_mem>>) src(%dma_wait3A_586 : memref<16x2304xf32, #tpu.memory_space<vmem>>) dst(%dma_wait3A_592 : memref<10240x2304xf32, #tpu.memory_space<hbm>>)
    %dma_wait3A_593 = arith.constant 1 : i32
    %dma_wait3A_594 = arith.constant 1 : i32
    %dma_wait3A_595 = arith.constant 0 : i32
    %dma_wait3A_596 = arith.constant 0 : i32
    %dma_wait3A_597 = tpu.memref_slice %arg5[%dma_wait3A_593, %dma_wait3A_595, %dma_wait3A_596] : memref<2x16x2304xf32, #tpu.memory_space<vmem>> -> memref<1x16x2304xf32, #tpu.memory_space<vmem>>
    %dma_wait3A_598 = tpu.memref_squeeze %dma_wait3A_597 : memref<1x16x2304xf32, #tpu.memory_space<vmem>> -> memref<16x2304xf32, #tpu.memory_space<vmem>>
    %dma_wait3A_599 = arith.constant 0 : i32
    %dma_wait3A_600 = tpu.memref_slice %arg7[%dma_wait3A_594, %dma_wait3A_599] : memref<2x16xi32, #tpu.memory_space<vmem>> -> memref<1x16xi32, #tpu.memory_space<vmem>>
    %dma_wait3A_601 = tpu.memref_squeeze %dma_wait3A_600 : memref<1x16xi32, #tpu.memory_space<vmem>> -> memref<16xi32, #tpu.memory_space<vmem>>
    %dma_wait3A_602 = arith.constant 0 : i32
    %dma_wait3A_603 = arith.constant 0 : i32
    %dma_wait3A_604 = tpu.memref_slice %arg4[%dma_wait3A_602, %dma_wait3A_603] : memref<10240x2304xf32, #tpu.memory_space<hbm>> -> memref<10240x2304xf32, #tpu.memory_space<hbm>>
    tpu.wait_indirect_dma semaphore(%arg10 : memref<!tpu.dma_semaphore, #tpu.memory_space<semaphore_mem>>) src(%dma_wait3A_598 : memref<16x2304xf32, #tpu.memory_space<vmem>>) dst(%dma_wait3A_604 : memref<10240x2304xf32, #tpu.memory_space<hbm>>)
    %mul3A_605 = arith.constant 128 : i32
    %mul3A_606 = arith.muli %add3A, %mul3A_605 : i32
    %add3A_607 = arith.constant 80 : i32
    %add3A_608 = arith.addi %mul3A_606, %add3A_607 : i32
    %dma_start3A_609 = arith.constant 1 : i32
    %dma_start3A_610 = arith.constant 0 : i32
    %dma_start3A_611 = arith.constant 0 : i32
    %dma_start3A_612 = tpu.memref_slice %arg5[%dma_start3A_609, %dma_start3A_610, %dma_start3A_611] : memref<2x16x2304xf32, #tpu.memory_space<vmem>> -> memref<1x16x2304xf32, #tpu.memory_space<vmem>>
    %dma_start3A_613 = tpu.memref_squeeze %dma_start3A_612 : memref<1x16x2304xf32, #tpu.memory_space<vmem>> -> memref<16x2304xf32, #tpu.memory_space<vmem>>
    %dma_start3A_614 = arith.constant 0 : i32
    %dma_start3A_615 = tpu.memref_slice %arg2[%add3A_608, %dma_start3A_614] : memref<4096x2304xf32, #tpu.memory_space<hbm>> -> memref<16x2304xf32, #tpu.memory_space<hbm>>
    %dma_start3A_616 = arith.constant 0 : i32
    %dma_start3A_617 = arith.constant 0 : i32
    %dma_start3A_618 = tpu.memref_slice %arg5[%dma_start3A_609, %dma_start3A_616, %dma_start3A_617] : memref<2x16x2304xf32, #tpu.memory_space<vmem>> -> memref<1x16x2304xf32, #tpu.memory_space<vmem>>
    %dma_start3A_619 = tpu.memref_squeeze %dma_start3A_618 : memref<1x16x2304xf32, #tpu.memory_space<vmem>> -> memref<16x2304xf32, #tpu.memory_space<vmem>>
    %dma_start3A_620 = arith.constant 0 : i32
    %dma_start3A_621 = tpu.memref_slice %arg2[%add3A_608, %dma_start3A_620] : memref<4096x2304xf32, #tpu.memory_space<hbm>> -> memref<16x2304xf32, #tpu.memory_space<hbm>>
    tpu.enqueue_dma source(%dma_start3A_621 : memref<16x2304xf32, #tpu.memory_space<hbm>>) target(%dma_start3A_619 : memref<16x2304xf32, #tpu.memory_space<vmem>>) target_semaphore(%arg8 : memref<!tpu.dma_semaphore, #tpu.memory_space<semaphore_mem>>)
    %dma_start3A_622 = arith.constant 0 : i32
    %dma_start3A_623 = arith.constant 1 : i32
    %dma_start3A_624 = arith.constant 0 : i32
    %dma_start3A_625 = tpu.memref_slice %arg6[%dma_start3A_623, %dma_start3A_624] : memref<2x16xi32, #tpu.memory_space<vmem>> -> memref<1x16xi32, #tpu.memory_space<vmem>>
    %dma_start3A_626 = tpu.memref_squeeze %dma_start3A_625 : memref<1x16xi32, #tpu.memory_space<vmem>> -> memref<16xi32, #tpu.memory_space<vmem>>
    %dma_start3A_627 = tpu.memref_slice %arg3[%dma_start3A_622, %add3A_608] : memref<2x4096xi32, #tpu.memory_space<hbm>> -> memref<1x16xi32, #tpu.memory_space<hbm>>
    %dma_start3A_628 = tpu.memref_squeeze %dma_start3A_627 : memref<1x16xi32, #tpu.memory_space<hbm>> -> memref<16xi32, #tpu.memory_space<hbm>>
    %dma_start3A_629 = arith.constant 0 : i32
    %dma_start3A_630 = tpu.memref_slice %arg6[%dma_start3A_623, %dma_start3A_629] : memref<2x16xi32, #tpu.memory_space<vmem>> -> memref<1x16xi32, #tpu.memory_space<vmem>>
    %dma_start3A_631 = tpu.memref_squeeze %dma_start3A_630 : memref<1x16xi32, #tpu.memory_space<vmem>> -> memref<16xi32, #tpu.memory_space<vmem>>
    %dma_start3A_632 = tpu.memref_slice %arg3[%dma_start3A_622, %add3A_608] : memref<2x4096xi32, #tpu.memory_space<hbm>> -> memref<1x16xi32, #tpu.memory_space<hbm>>
    %dma_start3A_633 = tpu.memref_squeeze %dma_start3A_632 : memref<1x16xi32, #tpu.memory_space<hbm>> -> memref<16xi32, #tpu.memory_space<hbm>>
    tpu.enqueue_dma source(%dma_start3A_633 : memref<16xi32, #tpu.memory_space<hbm>>) target(%dma_start3A_631 : memref<16xi32, #tpu.memory_space<vmem>>) target_semaphore(%arg8 : memref<!tpu.dma_semaphore, #tpu.memory_space<semaphore_mem>>)
    %dma_start3A_634 = arith.constant 1 : i32
    %dma_start3A_635 = arith.constant 1 : i32
    %dma_start3A_636 = arith.constant 0 : i32
    %dma_start3A_637 = tpu.memref_slice %arg7[%dma_start3A_635, %dma_start3A_636] : memref<2x16xi32, #tpu.memory_space<vmem>> -> memref<1x16xi32, #tpu.memory_space<vmem>>
    %dma_start3A_638 = tpu.memref_squeeze %dma_start3A_637 : memref<1x16xi32, #tpu.memory_space<vmem>> -> memref<16xi32, #tpu.memory_space<vmem>>
    %dma_start3A_639 = tpu.memref_slice %arg3[%dma_start3A_634, %add3A_608] : memref<2x4096xi32, #tpu.memory_space<hbm>> -> memref<1x16xi32, #tpu.memory_space<hbm>>
    %dma_start3A_640 = tpu.memref_squeeze %dma_start3A_639 : memref<1x16xi32, #tpu.memory_space<hbm>> -> memref<16xi32, #tpu.memory_space<hbm>>
    %dma_start3A_641 = arith.constant 0 : i32
    %dma_start3A_642 = tpu.memref_slice %arg7[%dma_start3A_635, %dma_start3A_641] : memref<2x16xi32, #tpu.memory_space<vmem>> -> memref<1x16xi32, #tpu.memory_space<vmem>>
    %dma_start3A_643 = tpu.memref_squeeze %dma_start3A_642 : memref<1x16xi32, #tpu.memory_space<vmem>> -> memref<16xi32, #tpu.memory_space<vmem>>
    %dma_start3A_644 = tpu.memref_slice %arg3[%dma_start3A_634, %add3A_608] : memref<2x4096xi32, #tpu.memory_space<hbm>> -> memref<1x16xi32, #tpu.memory_space<hbm>>
    %dma_start3A_645 = tpu.memref_squeeze %dma_start3A_644 : memref<1x16xi32, #tpu.memory_space<hbm>> -> memref<16xi32, #tpu.memory_space<hbm>>
    tpu.enqueue_dma source(%dma_start3A_645 : memref<16xi32, #tpu.memory_space<hbm>>) target(%dma_start3A_643 : memref<16xi32, #tpu.memory_space<vmem>>) target_semaphore(%arg8 : memref<!tpu.dma_semaphore, #tpu.memory_space<semaphore_mem>>)
    %dma_wait3A_646 = arith.constant 1 : i32
    %dma_wait3A_647 = arith.constant 0 : i32
    %dma_wait3A_648 = arith.constant 0 : i32
    %dma_wait3A_649 = tpu.memref_slice %arg5[%dma_wait3A_646, %dma_wait3A_647, %dma_wait3A_648] : memref<2x16x2304xf32, #tpu.memory_space<vmem>> -> memref<1x16x2304xf32, #tpu.memory_space<vmem>>
    %dma_wait3A_650 = tpu.memref_squeeze %dma_wait3A_649 : memref<1x16x2304xf32, #tpu.memory_space<vmem>> -> memref<16x2304xf32, #tpu.memory_space<vmem>>
    %dma_wait3A_651 = arith.constant 0 : i32
    %dma_wait3A_652 = tpu.memref_slice %arg2[%add3A_608, %dma_wait3A_651] : memref<4096x2304xf32, #tpu.memory_space<hbm>> -> memref<16x2304xf32, #tpu.memory_space<hbm>>
    %dma_wait3A_653 = arith.constant 0 : i32
    %dma_wait3A_654 = arith.constant 0 : i32
    %dma_wait3A_655 = tpu.memref_slice %arg5[%dma_wait3A_646, %dma_wait3A_653, %dma_wait3A_654] : memref<2x16x2304xf32, #tpu.memory_space<vmem>> -> memref<1x16x2304xf32, #tpu.memory_space<vmem>>
    %dma_wait3A_656 = tpu.memref_squeeze %dma_wait3A_655 : memref<1x16x2304xf32, #tpu.memory_space<vmem>> -> memref<16x2304xf32, #tpu.memory_space<vmem>>
    %dma_wait3A_657 = arith.constant 0 : i32
    %dma_wait3A_658 = tpu.memref_slice %arg2[%add3A_608, %dma_wait3A_657] : memref<4096x2304xf32, #tpu.memory_space<hbm>> -> memref<16x2304xf32, #tpu.memory_space<hbm>>
    tpu.wait_dma2 semaphore(%arg8 : memref<!tpu.dma_semaphore, #tpu.memory_space<semaphore_mem>>) src(%dma_wait3A_658 : memref<16x2304xf32, #tpu.memory_space<hbm>>) dst(%dma_wait3A_656 : memref<16x2304xf32, #tpu.memory_space<vmem>>)
    %dma_wait3A_659 = arith.constant 0 : i32
    %dma_wait3A_660 = arith.constant 1 : i32
    %dma_wait3A_661 = arith.constant 0 : i32
    %dma_wait3A_662 = tpu.memref_slice %arg6[%dma_wait3A_660, %dma_wait3A_661] : memref<2x16xi32, #tpu.memory_space<vmem>> -> memref<1x16xi32, #tpu.memory_space<vmem>>
    %dma_wait3A_663 = tpu.memref_squeeze %dma_wait3A_662 : memref<1x16xi32, #tpu.memory_space<vmem>> -> memref<16xi32, #tpu.memory_space<vmem>>
    %dma_wait3A_664 = tpu.memref_slice %arg3[%dma_wait3A_659, %add3A_608] : memref<2x4096xi32, #tpu.memory_space<hbm>> -> memref<1x16xi32, #tpu.memory_space<hbm>>
    %dma_wait3A_665 = tpu.memref_squeeze %dma_wait3A_664 : memref<1x16xi32, #tpu.memory_space<hbm>> -> memref<16xi32, #tpu.memory_space<hbm>>
    %dma_wait3A_666 = arith.constant 0 : i32
    %dma_wait3A_667 = tpu.memref_slice %arg6[%dma_wait3A_660, %dma_wait3A_666] : memref<2x16xi32, #tpu.memory_space<vmem>> -> memref<1x16xi32, #tpu.memory_space<vmem>>
    %dma_wait3A_668 = tpu.memref_squeeze %dma_wait3A_667 : memref<1x16xi32, #tpu.memory_space<vmem>> -> memref<16xi32, #tpu.memory_space<vmem>>
    %dma_wait3A_669 = tpu.memref_slice %arg3[%dma_wait3A_659, %add3A_608] : memref<2x4096xi32, #tpu.memory_space<hbm>> -> memref<1x16xi32, #tpu.memory_space<hbm>>
    %dma_wait3A_670 = tpu.memref_squeeze %dma_wait3A_669 : memref<1x16xi32, #tpu.memory_space<hbm>> -> memref<16xi32, #tpu.memory_space<hbm>>
    tpu.wait_dma2 semaphore(%arg8 : memref<!tpu.dma_semaphore, #tpu.memory_space<semaphore_mem>>) src(%dma_wait3A_670 : memref<16xi32, #tpu.memory_space<hbm>>) dst(%dma_wait3A_668 : memref<16xi32, #tpu.memory_space<vmem>>)
    %dma_wait3A_671 = arith.constant 1 : i32
    %dma_wait3A_672 = arith.constant 1 : i32
    %dma_wait3A_673 = arith.constant 0 : i32
    %dma_wait3A_674 = tpu.memref_slice %arg7[%dma_wait3A_672, %dma_wait3A_673] : memref<2x16xi32, #tpu.memory_space<vmem>> -> memref<1x16xi32, #tpu.memory_space<vmem>>
    %dma_wait3A_675 = tpu.memref_squeeze %dma_wait3A_674 : memref<1x16xi32, #tpu.memory_space<vmem>> -> memref<16xi32, #tpu.memory_space<vmem>>
    %dma_wait3A_676 = tpu.memref_slice %arg3[%dma_wait3A_671, %add3A_608] : memref<2x4096xi32, #tpu.memory_space<hbm>> -> memref<1x16xi32, #tpu.memory_space<hbm>>
    %dma_wait3A_677 = tpu.memref_squeeze %dma_wait3A_676 : memref<1x16xi32, #tpu.memory_space<hbm>> -> memref<16xi32, #tpu.memory_space<hbm>>
    %dma_wait3A_678 = arith.constant 0 : i32
    %dma_wait3A_679 = tpu.memref_slice %arg7[%dma_wait3A_672, %dma_wait3A_678] : memref<2x16xi32, #tpu.memory_space<vmem>> -> memref<1x16xi32, #tpu.memory_space<vmem>>
    %dma_wait3A_680 = tpu.memref_squeeze %dma_wait3A_679 : memref<1x16xi32, #tpu.memory_space<vmem>> -> memref<16xi32, #tpu.memory_space<vmem>>
    %dma_wait3A_681 = tpu.memref_slice %arg3[%dma_wait3A_671, %add3A_608] : memref<2x4096xi32, #tpu.memory_space<hbm>> -> memref<1x16xi32, #tpu.memory_space<hbm>>
    %dma_wait3A_682 = tpu.memref_squeeze %dma_wait3A_681 : memref<1x16xi32, #tpu.memory_space<hbm>> -> memref<16xi32, #tpu.memory_space<hbm>>
    tpu.wait_dma2 semaphore(%arg8 : memref<!tpu.dma_semaphore, #tpu.memory_space<semaphore_mem>>) src(%dma_wait3A_682 : memref<16xi32, #tpu.memory_space<hbm>>) dst(%dma_wait3A_680 : memref<16xi32, #tpu.memory_space<vmem>>)
    %dma_start3A_683 = arith.constant 1 : i32
    %dma_start3A_684 = arith.constant 1 : i32
    %dma_start3A_685 = arith.constant 0 : i32
    %dma_start3A_686 = arith.constant 0 : i32
    %dma_start3A_687 = tpu.memref_slice %arg5[%dma_start3A_683, %dma_start3A_685, %dma_start3A_686] : memref<2x16x2304xf32, #tpu.memory_space<vmem>> -> memref<1x16x2304xf32, #tpu.memory_space<vmem>>
    %dma_start3A_688 = tpu.memref_squeeze %dma_start3A_687 : memref<1x16x2304xf32, #tpu.memory_space<vmem>> -> memref<16x2304xf32, #tpu.memory_space<vmem>>
    %dma_start3A_689 = arith.constant 0 : i32
    %dma_start3A_690 = tpu.memref_slice %arg6[%dma_start3A_684, %dma_start3A_689] : memref<2x16xi32, #tpu.memory_space<vmem>> -> memref<1x16xi32, #tpu.memory_space<vmem>>
    %dma_start3A_691 = tpu.memref_squeeze %dma_start3A_690 : memref<1x16xi32, #tpu.memory_space<vmem>> -> memref<16xi32, #tpu.memory_space<vmem>>
    %dma_start3A_692 = arith.constant 0 : i32
    %dma_start3A_693 = arith.constant 0 : i32
    %dma_start3A_694 = tpu.memref_slice %arg4[%dma_start3A_692, %dma_start3A_693] : memref<10240x2304xf32, #tpu.memory_space<hbm>> -> memref<10240x2304xf32, #tpu.memory_space<hbm>>
    tpu.enqueue_indirect_dma source(%dma_start3A_688 : memref<16x2304xf32, #tpu.memory_space<vmem>>) target(%dma_start3A_694 : memref<10240x2304xf32, #tpu.memory_space<hbm>>) offsets(%dma_start3A_691 : memref<16xi32, #tpu.memory_space<vmem>>) semaphore(%arg9 : memref<!tpu.dma_semaphore, #tpu.memory_space<semaphore_mem>>)
    %dma_start3A_695 = arith.constant 1 : i32
    %dma_start3A_696 = arith.constant 1 : i32
    %dma_start3A_697 = arith.constant 0 : i32
    %dma_start3A_698 = arith.constant 0 : i32
    %dma_start3A_699 = tpu.memref_slice %arg5[%dma_start3A_695, %dma_start3A_697, %dma_start3A_698] : memref<2x16x2304xf32, #tpu.memory_space<vmem>> -> memref<1x16x2304xf32, #tpu.memory_space<vmem>>
    %dma_start3A_700 = tpu.memref_squeeze %dma_start3A_699 : memref<1x16x2304xf32, #tpu.memory_space<vmem>> -> memref<16x2304xf32, #tpu.memory_space<vmem>>
    %dma_start3A_701 = arith.constant 0 : i32
    %dma_start3A_702 = tpu.memref_slice %arg7[%dma_start3A_696, %dma_start3A_701] : memref<2x16xi32, #tpu.memory_space<vmem>> -> memref<1x16xi32, #tpu.memory_space<vmem>>
    %dma_start3A_703 = tpu.memref_squeeze %dma_start3A_702 : memref<1x16xi32, #tpu.memory_space<vmem>> -> memref<16xi32, #tpu.memory_space<vmem>>
    %dma_start3A_704 = arith.constant 0 : i32
    %dma_start3A_705 = arith.constant 0 : i32
    %dma_start3A_706 = tpu.memref_slice %arg4[%dma_start3A_704, %dma_start3A_705] : memref<10240x2304xf32, #tpu.memory_space<hbm>> -> memref<10240x2304xf32, #tpu.memory_space<hbm>>
    tpu.enqueue_indirect_dma source(%dma_start3A_700 : memref<16x2304xf32, #tpu.memory_space<vmem>>) target(%dma_start3A_706 : memref<10240x2304xf32, #tpu.memory_space<hbm>>) offsets(%dma_start3A_703 : memref<16xi32, #tpu.memory_space<vmem>>) semaphore(%arg10 : memref<!tpu.dma_semaphore, #tpu.memory_space<semaphore_mem>>)
    %dma_wait3A_707 = arith.constant 0 : i32
    %dma_wait3A_708 = arith.constant 0 : i32
    %dma_wait3A_709 = arith.constant 0 : i32
    %dma_wait3A_710 = arith.constant 0 : i32
    %dma_wait3A_711 = tpu.memref_slice %arg5[%dma_wait3A_707, %dma_wait3A_709, %dma_wait3A_710] : memref<2x16x2304xf32, #tpu.memory_space<vmem>> -> memref<1x16x2304xf32, #tpu.memory_space<vmem>>
    %dma_wait3A_712 = tpu.memref_squeeze %dma_wait3A_711 : memref<1x16x2304xf32, #tpu.memory_space<vmem>> -> memref<16x2304xf32, #tpu.memory_space<vmem>>
    %dma_wait3A_713 = arith.constant 0 : i32
    %dma_wait3A_714 = tpu.memref_slice %arg6[%dma_wait3A_708, %dma_wait3A_713] : memref<2x16xi32, #tpu.memory_space<vmem>> -> memref<1x16xi32, #tpu.memory_space<vmem>>
    %dma_wait3A_715 = tpu.memref_squeeze %dma_wait3A_714 : memref<1x16xi32, #tpu.memory_space<vmem>> -> memref<16xi32, #tpu.memory_space<vmem>>
    %dma_wait3A_716 = arith.constant 0 : i32
    %dma_wait3A_717 = arith.constant 0 : i32
    %dma_wait3A_718 = tpu.memref_slice %arg4[%dma_wait3A_716, %dma_wait3A_717] : memref<10240x2304xf32, #tpu.memory_space<hbm>> -> memref<10240x2304xf32, #tpu.memory_space<hbm>>
    tpu.wait_indirect_dma semaphore(%arg9 : memref<!tpu.dma_semaphore, #tpu.memory_space<semaphore_mem>>) src(%dma_wait3A_712 : memref<16x2304xf32, #tpu.memory_space<vmem>>) dst(%dma_wait3A_718 : memref<10240x2304xf32, #tpu.memory_space<hbm>>)
    %dma_wait3A_719 = arith.constant 0 : i32
    %dma_wait3A_720 = arith.constant 0 : i32
    %dma_wait3A_721 = arith.constant 0 : i32
    %dma_wait3A_722 = arith.constant 0 : i32
    %dma_wait3A_723 = tpu.memref_slice %arg5[%dma_wait3A_719, %dma_wait3A_721, %dma_wait3A_722] : memref<2x16x2304xf32, #tpu.memory_space<vmem>> -> memref<1x16x2304xf32, #tpu.memory_space<vmem>>
    %dma_wait3A_724 = tpu.memref_squeeze %dma_wait3A_723 : memref<1x16x2304xf32, #tpu.memory_space<vmem>> -> memref<16x2304xf32, #tpu.memory_space<vmem>>
    %dma_wait3A_725 = arith.constant 0 : i32
    %dma_wait3A_726 = tpu.memref_slice %arg7[%dma_wait3A_720, %dma_wait3A_725] : memref<2x16xi32, #tpu.memory_space<vmem>> -> memref<1x16xi32, #tpu.memory_space<vmem>>
    %dma_wait3A_727 = tpu.memref_squeeze %dma_wait3A_726 : memref<1x16xi32, #tpu.memory_space<vmem>> -> memref<16xi32, #tpu.memory_space<vmem>>
    %dma_wait3A_728 = arith.constant 0 : i32
    %dma_wait3A_729 = arith.constant 0 : i32
    %dma_wait3A_730 = tpu.memref_slice %arg4[%dma_wait3A_728, %dma_wait3A_729] : memref<10240x2304xf32, #tpu.memory_space<hbm>> -> memref<10240x2304xf32, #tpu.memory_space<hbm>>
    tpu.wait_indirect_dma semaphore(%arg10 : memref<!tpu.dma_semaphore, #tpu.memory_space<semaphore_mem>>) src(%dma_wait3A_724 : memref<16x2304xf32, #tpu.memory_space<vmem>>) dst(%dma_wait3A_730 : memref<10240x2304xf32, #tpu.memory_space<hbm>>)
    %mul3A_731 = arith.constant 128 : i32
    %mul3A_732 = arith.muli %add3A, %mul3A_731 : i32
    %add3A_733 = arith.constant 96 : i32
    %add3A_734 = arith.addi %mul3A_732, %add3A_733 : i32
    %dma_start3A_735 = arith.constant 0 : i32
    %dma_start3A_736 = arith.constant 0 : i32
    %dma_start3A_737 = arith.constant 0 : i32
    %dma_start3A_738 = tpu.memref_slice %arg5[%dma_start3A_735, %dma_start3A_736, %dma_start3A_737] : memref<2x16x2304xf32, #tpu.memory_space<vmem>> -> memref<1x16x2304xf32, #tpu.memory_space<vmem>>
    %dma_start3A_739 = tpu.memref_squeeze %dma_start3A_738 : memref<1x16x2304xf32, #tpu.memory_space<vmem>> -> memref<16x2304xf32, #tpu.memory_space<vmem>>
    %dma_start3A_740 = arith.constant 0 : i32
    %dma_start3A_741 = tpu.memref_slice %arg2[%add3A_734, %dma_start3A_740] : memref<4096x2304xf32, #tpu.memory_space<hbm>> -> memref<16x2304xf32, #tpu.memory_space<hbm>>
    %dma_start3A_742 = arith.constant 0 : i32
    %dma_start3A_743 = arith.constant 0 : i32
    %dma_start3A_744 = tpu.memref_slice %arg5[%dma_start3A_735, %dma_start3A_742, %dma_start3A_743] : memref<2x16x2304xf32, #tpu.memory_space<vmem>> -> memref<1x16x2304xf32, #tpu.memory_space<vmem>>
    %dma_start3A_745 = tpu.memref_squeeze %dma_start3A_744 : memref<1x16x2304xf32, #tpu.memory_space<vmem>> -> memref<16x2304xf32, #tpu.memory_space<vmem>>
    %dma_start3A_746 = arith.constant 0 : i32
    %dma_start3A_747 = tpu.memref_slice %arg2[%add3A_734, %dma_start3A_746] : memref<4096x2304xf32, #tpu.memory_space<hbm>> -> memref<16x2304xf32, #tpu.memory_space<hbm>>
    tpu.enqueue_dma source(%dma_start3A_747 : memref<16x2304xf32, #tpu.memory_space<hbm>>) target(%dma_start3A_745 : memref<16x2304xf32, #tpu.memory_space<vmem>>) target_semaphore(%arg8 : memref<!tpu.dma_semaphore, #tpu.memory_space<semaphore_mem>>)
    %dma_start3A_748 = arith.constant 0 : i32
    %dma_start3A_749 = arith.constant 0 : i32
    %dma_start3A_750 = arith.constant 0 : i32
    %dma_start3A_751 = tpu.memref_slice %arg6[%dma_start3A_749, %dma_start3A_750] : memref<2x16xi32, #tpu.memory_space<vmem>> -> memref<1x16xi32, #tpu.memory_space<vmem>>
    %dma_start3A_752 = tpu.memref_squeeze %dma_start3A_751 : memref<1x16xi32, #tpu.memory_space<vmem>> -> memref<16xi32, #tpu.memory_space<vmem>>
    %dma_start3A_753 = tpu.memref_slice %arg3[%dma_start3A_748, %add3A_734] : memref<2x4096xi32, #tpu.memory_space<hbm>> -> memref<1x16xi32, #tpu.memory_space<hbm>>
    %dma_start3A_754 = tpu.memref_squeeze %dma_start3A_753 : memref<1x16xi32, #tpu.memory_space<hbm>> -> memref<16xi32, #tpu.memory_space<hbm>>
    %dma_start3A_755 = arith.constant 0 : i32
    %dma_start3A_756 = tpu.memref_slice %arg6[%dma_start3A_749, %dma_start3A_755] : memref<2x16xi32, #tpu.memory_space<vmem>> -> memref<1x16xi32, #tpu.memory_space<vmem>>
    %dma_start3A_757 = tpu.memref_squeeze %dma_start3A_756 : memref<1x16xi32, #tpu.memory_space<vmem>> -> memref<16xi32, #tpu.memory_space<vmem>>
    %dma_start3A_758 = tpu.memref_slice %arg3[%dma_start3A_748, %add3A_734] : memref<2x4096xi32, #tpu.memory_space<hbm>> -> memref<1x16xi32, #tpu.memory_space<hbm>>
    %dma_start3A_759 = tpu.memref_squeeze %dma_start3A_758 : memref<1x16xi32, #tpu.memory_space<hbm>> -> memref<16xi32, #tpu.memory_space<hbm>>
    tpu.enqueue_dma source(%dma_start3A_759 : memref<16xi32, #tpu.memory_space<hbm>>) target(%dma_start3A_757 : memref<16xi32, #tpu.memory_space<vmem>>) target_semaphore(%arg8 : memref<!tpu.dma_semaphore, #tpu.memory_space<semaphore_mem>>)
    %dma_start3A_760 = arith.constant 1 : i32
    %dma_start3A_761 = arith.constant 0 : i32
    %dma_start3A_762 = arith.constant 0 : i32
    %dma_start3A_763 = tpu.memref_slice %arg7[%dma_start3A_761, %dma_start3A_762] : memref<2x16xi32, #tpu.memory_space<vmem>> -> memref<1x16xi32, #tpu.memory_space<vmem>>
    %dma_start3A_764 = tpu.memref_squeeze %dma_start3A_763 : memref<1x16xi32, #tpu.memory_space<vmem>> -> memref<16xi32, #tpu.memory_space<vmem>>
    %dma_start3A_765 = tpu.memref_slice %arg3[%dma_start3A_760, %add3A_734] : memref<2x4096xi32, #tpu.memory_space<hbm>> -> memref<1x16xi32, #tpu.memory_space<hbm>>
    %dma_start3A_766 = tpu.memref_squeeze %dma_start3A_765 : memref<1x16xi32, #tpu.memory_space<hbm>> -> memref<16xi32, #tpu.memory_space<hbm>>
    %dma_start3A_767 = arith.constant 0 : i32
    %dma_start3A_768 = tpu.memref_slice %arg7[%dma_start3A_761, %dma_start3A_767] : memref<2x16xi32, #tpu.memory_space<vmem>> -> memref<1x16xi32, #tpu.memory_space<vmem>>
    %dma_start3A_769 = tpu.memref_squeeze %dma_start3A_768 : memref<1x16xi32, #tpu.memory_space<vmem>> -> memref<16xi32, #tpu.memory_space<vmem>>
    %dma_start3A_770 = tpu.memref_slice %arg3[%dma_start3A_760, %add3A_734] : memref<2x4096xi32, #tpu.memory_space<hbm>> -> memref<1x16xi32, #tpu.memory_space<hbm>>
    %dma_start3A_771 = tpu.memref_squeeze %dma_start3A_770 : memref<1x16xi32, #tpu.memory_space<hbm>> -> memref<16xi32, #tpu.memory_space<hbm>>
    tpu.enqueue_dma source(%dma_start3A_771 : memref<16xi32, #tpu.memory_space<hbm>>) target(%dma_start3A_769 : memref<16xi32, #tpu.memory_space<vmem>>) target_semaphore(%arg8 : memref<!tpu.dma_semaphore, #tpu.memory_space<semaphore_mem>>)
    %dma_wait3A_772 = arith.constant 0 : i32
    %dma_wait3A_773 = arith.constant 0 : i32
    %dma_wait3A_774 = arith.constant 0 : i32
    %dma_wait3A_775 = tpu.memref_slice %arg5[%dma_wait3A_772, %dma_wait3A_773, %dma_wait3A_774] : memref<2x16x2304xf32, #tpu.memory_space<vmem>> -> memref<1x16x2304xf32, #tpu.memory_space<vmem>>
    %dma_wait3A_776 = tpu.memref_squeeze %dma_wait3A_775 : memref<1x16x2304xf32, #tpu.memory_space<vmem>> -> memref<16x2304xf32, #tpu.memory_space<vmem>>
    %dma_wait3A_777 = arith.constant 0 : i32
    %dma_wait3A_778 = tpu.memref_slice %arg2[%add3A_734, %dma_wait3A_777] : memref<4096x2304xf32, #tpu.memory_space<hbm>> -> memref<16x2304xf32, #tpu.memory_space<hbm>>
    %dma_wait3A_779 = arith.constant 0 : i32
    %dma_wait3A_780 = arith.constant 0 : i32
    %dma_wait3A_781 = tpu.memref_slice %arg5[%dma_wait3A_772, %dma_wait3A_779, %dma_wait3A_780] : memref<2x16x2304xf32, #tpu.memory_space<vmem>> -> memref<1x16x2304xf32, #tpu.memory_space<vmem>>
    %dma_wait3A_782 = tpu.memref_squeeze %dma_wait3A_781 : memref<1x16x2304xf32, #tpu.memory_space<vmem>> -> memref<16x2304xf32, #tpu.memory_space<vmem>>
    %dma_wait3A_783 = arith.constant 0 : i32
    %dma_wait3A_784 = tpu.memref_slice %arg2[%add3A_734, %dma_wait3A_783] : memref<4096x2304xf32, #tpu.memory_space<hbm>> -> memref<16x2304xf32, #tpu.memory_space<hbm>>
    tpu.wait_dma2 semaphore(%arg8 : memref<!tpu.dma_semaphore, #tpu.memory_space<semaphore_mem>>) src(%dma_wait3A_784 : memref<16x2304xf32, #tpu.memory_space<hbm>>) dst(%dma_wait3A_782 : memref<16x2304xf32, #tpu.memory_space<vmem>>)
    %dma_wait3A_785 = arith.constant 0 : i32
    %dma_wait3A_786 = arith.constant 0 : i32
    %dma_wait3A_787 = arith.constant 0 : i32
    %dma_wait3A_788 = tpu.memref_slice %arg6[%dma_wait3A_786, %dma_wait3A_787] : memref<2x16xi32, #tpu.memory_space<vmem>> -> memref<1x16xi32, #tpu.memory_space<vmem>>
    %dma_wait3A_789 = tpu.memref_squeeze %dma_wait3A_788 : memref<1x16xi32, #tpu.memory_space<vmem>> -> memref<16xi32, #tpu.memory_space<vmem>>
    %dma_wait3A_790 = tpu.memref_slice %arg3[%dma_wait3A_785, %add3A_734] : memref<2x4096xi32, #tpu.memory_space<hbm>> -> memref<1x16xi32, #tpu.memory_space<hbm>>
    %dma_wait3A_791 = tpu.memref_squeeze %dma_wait3A_790 : memref<1x16xi32, #tpu.memory_space<hbm>> -> memref<16xi32, #tpu.memory_space<hbm>>
    %dma_wait3A_792 = arith.constant 0 : i32
    %dma_wait3A_793 = tpu.memref_slice %arg6[%dma_wait3A_786, %dma_wait3A_792] : memref<2x16xi32, #tpu.memory_space<vmem>> -> memref<1x16xi32, #tpu.memory_space<vmem>>
    %dma_wait3A_794 = tpu.memref_squeeze %dma_wait3A_793 : memref<1x16xi32, #tpu.memory_space<vmem>> -> memref<16xi32, #tpu.memory_space<vmem>>
    %dma_wait3A_795 = tpu.memref_slice %arg3[%dma_wait3A_785, %add3A_734] : memref<2x4096xi32, #tpu.memory_space<hbm>> -> memref<1x16xi32, #tpu.memory_space<hbm>>
    %dma_wait3A_796 = tpu.memref_squeeze %dma_wait3A_795 : memref<1x16xi32, #tpu.memory_space<hbm>> -> memref<16xi32, #tpu.memory_space<hbm>>
    tpu.wait_dma2 semaphore(%arg8 : memref<!tpu.dma_semaphore, #tpu.memory_space<semaphore_mem>>) src(%dma_wait3A_796 : memref<16xi32, #tpu.memory_space<hbm>>) dst(%dma_wait3A_794 : memref<16xi32, #tpu.memory_space<vmem>>)
    %dma_wait3A_797 = arith.constant 1 : i32
    %dma_wait3A_798 = arith.constant 0 : i32
    %dma_wait3A_799 = arith.constant 0 : i32
    %dma_wait3A_800 = tpu.memref_slice %arg7[%dma_wait3A_798, %dma_wait3A_799] : memref<2x16xi32, #tpu.memory_space<vmem>> -> memref<1x16xi32, #tpu.memory_space<vmem>>
    %dma_wait3A_801 = tpu.memref_squeeze %dma_wait3A_800 : memref<1x16xi32, #tpu.memory_space<vmem>> -> memref<16xi32, #tpu.memory_space<vmem>>
    %dma_wait3A_802 = tpu.memref_slice %arg3[%dma_wait3A_797, %add3A_734] : memref<2x4096xi32, #tpu.memory_space<hbm>> -> memref<1x16xi32, #tpu.memory_space<hbm>>
    %dma_wait3A_803 = tpu.memref_squeeze %dma_wait3A_802 : memref<1x16xi32, #tpu.memory_space<hbm>> -> memref<16xi32, #tpu.memory_space<hbm>>
    %dma_wait3A_804 = arith.constant 0 : i32
    %dma_wait3A_805 = tpu.memref_slice %arg7[%dma_wait3A_798, %dma_wait3A_804] : memref<2x16xi32, #tpu.memory_space<vmem>> -> memref<1x16xi32, #tpu.memory_space<vmem>>
    %dma_wait3A_806 = tpu.memref_squeeze %dma_wait3A_805 : memref<1x16xi32, #tpu.memory_space<vmem>> -> memref<16xi32, #tpu.memory_space<vmem>>
    %dma_wait3A_807 = tpu.memref_slice %arg3[%dma_wait3A_797, %add3A_734] : memref<2x4096xi32, #tpu.memory_space<hbm>> -> memref<1x16xi32, #tpu.memory_space<hbm>>
    %dma_wait3A_808 = tpu.memref_squeeze %dma_wait3A_807 : memref<1x16xi32, #tpu.memory_space<hbm>> -> memref<16xi32, #tpu.memory_space<hbm>>
    tpu.wait_dma2 semaphore(%arg8 : memref<!tpu.dma_semaphore, #tpu.memory_space<semaphore_mem>>) src(%dma_wait3A_808 : memref<16xi32, #tpu.memory_space<hbm>>) dst(%dma_wait3A_806 : memref<16xi32, #tpu.memory_space<vmem>>)
    %dma_start3A_809 = arith.constant 0 : i32
    %dma_start3A_810 = arith.constant 0 : i32
    %dma_start3A_811 = arith.constant 0 : i32
    %dma_start3A_812 = arith.constant 0 : i32
    %dma_start3A_813 = tpu.memref_slice %arg5[%dma_start3A_809, %dma_start3A_811, %dma_start3A_812] : memref<2x16x2304xf32, #tpu.memory_space<vmem>> -> memref<1x16x2304xf32, #tpu.memory_space<vmem>>
    %dma_start3A_814 = tpu.memref_squeeze %dma_start3A_813 : memref<1x16x2304xf32, #tpu.memory_space<vmem>> -> memref<16x2304xf32, #tpu.memory_space<vmem>>
    %dma_start3A_815 = arith.constant 0 : i32
    %dma_start3A_816 = tpu.memref_slice %arg6[%dma_start3A_810, %dma_start3A_815] : memref<2x16xi32, #tpu.memory_space<vmem>> -> memref<1x16xi32, #tpu.memory_space<vmem>>
    %dma_start3A_817 = tpu.memref_squeeze %dma_start3A_816 : memref<1x16xi32, #tpu.memory_space<vmem>> -> memref<16xi32, #tpu.memory_space<vmem>>
    %dma_start3A_818 = arith.constant 0 : i32
    %dma_start3A_819 = arith.constant 0 : i32
    %dma_start3A_820 = tpu.memref_slice %arg4[%dma_start3A_818, %dma_start3A_819] : memref<10240x2304xf32, #tpu.memory_space<hbm>> -> memref<10240x2304xf32, #tpu.memory_space<hbm>>
    tpu.enqueue_indirect_dma source(%dma_start3A_814 : memref<16x2304xf32, #tpu.memory_space<vmem>>) target(%dma_start3A_820 : memref<10240x2304xf32, #tpu.memory_space<hbm>>) offsets(%dma_start3A_817 : memref<16xi32, #tpu.memory_space<vmem>>) semaphore(%arg9 : memref<!tpu.dma_semaphore, #tpu.memory_space<semaphore_mem>>)
    %dma_start3A_821 = arith.constant 0 : i32
    %dma_start3A_822 = arith.constant 0 : i32
    %dma_start3A_823 = arith.constant 0 : i32
    %dma_start3A_824 = arith.constant 0 : i32
    %dma_start3A_825 = tpu.memref_slice %arg5[%dma_start3A_821, %dma_start3A_823, %dma_start3A_824] : memref<2x16x2304xf32, #tpu.memory_space<vmem>> -> memref<1x16x2304xf32, #tpu.memory_space<vmem>>
    %dma_start3A_826 = tpu.memref_squeeze %dma_start3A_825 : memref<1x16x2304xf32, #tpu.memory_space<vmem>> -> memref<16x2304xf32, #tpu.memory_space<vmem>>
    %dma_start3A_827 = arith.constant 0 : i32
    %dma_start3A_828 = tpu.memref_slice %arg7[%dma_start3A_822, %dma_start3A_827] : memref<2x16xi32, #tpu.memory_space<vmem>> -> memref<1x16xi32, #tpu.memory_space<vmem>>
    %dma_start3A_829 = tpu.memref_squeeze %dma_start3A_828 : memref<1x16xi32, #tpu.memory_space<vmem>> -> memref<16xi32, #tpu.memory_space<vmem>>
    %dma_start3A_830 = arith.constant 0 : i32
    %dma_start3A_831 = arith.constant 0 : i32
    %dma_start3A_832 = tpu.memref_slice %arg4[%dma_start3A_830, %dma_start3A_831] : memref<10240x2304xf32, #tpu.memory_space<hbm>> -> memref<10240x2304xf32, #tpu.memory_space<hbm>>
    tpu.enqueue_indirect_dma source(%dma_start3A_826 : memref<16x2304xf32, #tpu.memory_space<vmem>>) target(%dma_start3A_832 : memref<10240x2304xf32, #tpu.memory_space<hbm>>) offsets(%dma_start3A_829 : memref<16xi32, #tpu.memory_space<vmem>>) semaphore(%arg10 : memref<!tpu.dma_semaphore, #tpu.memory_space<semaphore_mem>>)
    %dma_wait3A_833 = arith.constant 1 : i32
    %dma_wait3A_834 = arith.constant 1 : i32
    %dma_wait3A_835 = arith.constant 0 : i32
    %dma_wait3A_836 = arith.constant 0 : i32
    %dma_wait3A_837 = tpu.memref_slice %arg5[%dma_wait3A_833, %dma_wait3A_835, %dma_wait3A_836] : memref<2x16x2304xf32, #tpu.memory_space<vmem>> -> memref<1x16x2304xf32, #tpu.memory_space<vmem>>
    %dma_wait3A_838 = tpu.memref_squeeze %dma_wait3A_837 : memref<1x16x2304xf32, #tpu.memory_space<vmem>> -> memref<16x2304xf32, #tpu.memory_space<vmem>>
    %dma_wait3A_839 = arith.constant 0 : i32
    %dma_wait3A_840 = tpu.memref_slice %arg6[%dma_wait3A_834, %dma_wait3A_839] : memref<2x16xi32, #tpu.memory_space<vmem>> -> memref<1x16xi32, #tpu.memory_space<vmem>>
    %dma_wait3A_841 = tpu.memref_squeeze %dma_wait3A_840 : memref<1x16xi32, #tpu.memory_space<vmem>> -> memref<16xi32, #tpu.memory_space<vmem>>
    %dma_wait3A_842 = arith.constant 0 : i32
    %dma_wait3A_843 = arith.constant 0 : i32
    %dma_wait3A_844 = tpu.memref_slice %arg4[%dma_wait3A_842, %dma_wait3A_843] : memref<10240x2304xf32, #tpu.memory_space<hbm>> -> memref<10240x2304xf32, #tpu.memory_space<hbm>>
    tpu.wait_indirect_dma semaphore(%arg9 : memref<!tpu.dma_semaphore, #tpu.memory_space<semaphore_mem>>) src(%dma_wait3A_838 : memref<16x2304xf32, #tpu.memory_space<vmem>>) dst(%dma_wait3A_844 : memref<10240x2304xf32, #tpu.memory_space<hbm>>)
    %dma_wait3A_845 = arith.constant 1 : i32
    %dma_wait3A_846 = arith.constant 1 : i32
    %dma_wait3A_847 = arith.constant 0 : i32
    %dma_wait3A_848 = arith.constant 0 : i32
    %dma_wait3A_849 = tpu.memref_slice %arg5[%dma_wait3A_845, %dma_wait3A_847, %dma_wait3A_848] : memref<2x16x2304xf32, #tpu.memory_space<vmem>> -> memref<1x16x2304xf32, #tpu.memory_space<vmem>>
    %dma_wait3A_850 = tpu.memref_squeeze %dma_wait3A_849 : memref<1x16x2304xf32, #tpu.memory_space<vmem>> -> memref<16x2304xf32, #tpu.memory_space<vmem>>
    %dma_wait3A_851 = arith.constant 0 : i32
    %dma_wait3A_852 = tpu.memref_slice %arg7[%dma_wait3A_846, %dma_wait3A_851] : memref<2x16xi32, #tpu.memory_space<vmem>> -> memref<1x16xi32, #tpu.memory_space<vmem>>
    %dma_wait3A_853 = tpu.memref_squeeze %dma_wait3A_852 : memref<1x16xi32, #tpu.memory_space<vmem>> -> memref<16xi32, #tpu.memory_space<vmem>>
    %dma_wait3A_854 = arith.constant 0 : i32
    %dma_wait3A_855 = arith.constant 0 : i32
    %dma_wait3A_856 = tpu.memref_slice %arg4[%dma_wait3A_854, %dma_wait3A_855] : memref<10240x2304xf32, #tpu.memory_space<hbm>> -> memref<10240x2304xf32, #tpu.memory_space<hbm>>
    tpu.wait_indirect_dma semaphore(%arg10 : memref<!tpu.dma_semaphore, #tpu.memory_space<semaphore_mem>>) src(%dma_wait3A_850 : memref<16x2304xf32, #tpu.memory_space<vmem>>) dst(%dma_wait3A_856 : memref<10240x2304xf32, #tpu.memory_space<hbm>>)
    %mul3A_857 = arith.constant 128 : i32
    %mul3A_858 = arith.muli %add3A, %mul3A_857 : i32
    %add3A_859 = arith.constant 112 : i32
    %add3A_860 = arith.addi %mul3A_858, %add3A_859 : i32
    %dma_start3A_861 = arith.constant 1 : i32
    %dma_start3A_862 = arith.constant 0 : i32
    %dma_start3A_863 = arith.constant 0 : i32
    %dma_start3A_864 = tpu.memref_slice %arg5[%dma_start3A_861, %dma_start3A_862, %dma_start3A_863] : memref<2x16x2304xf32, #tpu.memory_space<vmem>> -> memref<1x16x2304xf32, #tpu.memory_space<vmem>>
    %dma_start3A_865 = tpu.memref_squeeze %dma_start3A_864 : memref<1x16x2304xf32, #tpu.memory_space<vmem>> -> memref<16x2304xf32, #tpu.memory_space<vmem>>
    %dma_start3A_866 = arith.constant 0 : i32
    %dma_start3A_867 = tpu.memref_slice %arg2[%add3A_860, %dma_start3A_866] : memref<4096x2304xf32, #tpu.memory_space<hbm>> -> memref<16x2304xf32, #tpu.memory_space<hbm>>
    %dma_start3A_868 = arith.constant 0 : i32
    %dma_start3A_869 = arith.constant 0 : i32
    %dma_start3A_870 = tpu.memref_slice %arg5[%dma_start3A_861, %dma_start3A_868, %dma_start3A_869] : memref<2x16x2304xf32, #tpu.memory_space<vmem>> -> memref<1x16x2304xf32, #tpu.memory_space<vmem>>
    %dma_start3A_871 = tpu.memref_squeeze %dma_start3A_870 : memref<1x16x2304xf32, #tpu.memory_space<vmem>> -> memref<16x2304xf32, #tpu.memory_space<vmem>>
    %dma_start3A_872 = arith.constant 0 : i32
    %dma_start3A_873 = tpu.memref_slice %arg2[%add3A_860, %dma_start3A_872] : memref<4096x2304xf32, #tpu.memory_space<hbm>> -> memref<16x2304xf32, #tpu.memory_space<hbm>>
    tpu.enqueue_dma source(%dma_start3A_873 : memref<16x2304xf32, #tpu.memory_space<hbm>>) target(%dma_start3A_871 : memref<16x2304xf32, #tpu.memory_space<vmem>>) target_semaphore(%arg8 : memref<!tpu.dma_semaphore, #tpu.memory_space<semaphore_mem>>)
    %dma_start3A_874 = arith.constant 0 : i32
    %dma_start3A_875 = arith.constant 1 : i32
    %dma_start3A_876 = arith.constant 0 : i32
    %dma_start3A_877 = tpu.memref_slice %arg6[%dma_start3A_875, %dma_start3A_876] : memref<2x16xi32, #tpu.memory_space<vmem>> -> memref<1x16xi32, #tpu.memory_space<vmem>>
    %dma_start3A_878 = tpu.memref_squeeze %dma_start3A_877 : memref<1x16xi32, #tpu.memory_space<vmem>> -> memref<16xi32, #tpu.memory_space<vmem>>
    %dma_start3A_879 = tpu.memref_slice %arg3[%dma_start3A_874, %add3A_860] : memref<2x4096xi32, #tpu.memory_space<hbm>> -> memref<1x16xi32, #tpu.memory_space<hbm>>
    %dma_start3A_880 = tpu.memref_squeeze %dma_start3A_879 : memref<1x16xi32, #tpu.memory_space<hbm>> -> memref<16xi32, #tpu.memory_space<hbm>>
    %dma_start3A_881 = arith.constant 0 : i32
    %dma_start3A_882 = tpu.memref_slice %arg6[%dma_start3A_875, %dma_start3A_881] : memref<2x16xi32, #tpu.memory_space<vmem>> -> memref<1x16xi32, #tpu.memory_space<vmem>>
    %dma_start3A_883 = tpu.memref_squeeze %dma_start3A_882 : memref<1x16xi32, #tpu.memory_space<vmem>> -> memref<16xi32, #tpu.memory_space<vmem>>
    %dma_start3A_884 = tpu.memref_slice %arg3[%dma_start3A_874, %add3A_860] : memref<2x4096xi32, #tpu.memory_space<hbm>> -> memref<1x16xi32, #tpu.memory_space<hbm>>
    %dma_start3A_885 = tpu.memref_squeeze %dma_start3A_884 : memref<1x16xi32, #tpu.memory_space<hbm>> -> memref<16xi32, #tpu.memory_space<hbm>>
    tpu.enqueue_dma source(%dma_start3A_885 : memref<16xi32, #tpu.memory_space<hbm>>) target(%dma_start3A_883 : memref<16xi32, #tpu.memory_space<vmem>>) target_semaphore(%arg8 : memref<!tpu.dma_semaphore, #tpu.memory_space<semaphore_mem>>)
    %dma_start3A_886 = arith.constant 1 : i32
    %dma_start3A_887 = arith.constant 1 : i32
    %dma_start3A_888 = arith.constant 0 : i32
    %dma_start3A_889 = tpu.memref_slice %arg7[%dma_start3A_887, %dma_start3A_888] : memref<2x16xi32, #tpu.memory_space<vmem>> -> memref<1x16xi32, #tpu.memory_space<vmem>>
    %dma_start3A_890 = tpu.memref_squeeze %dma_start3A_889 : memref<1x16xi32, #tpu.memory_space<vmem>> -> memref<16xi32, #tpu.memory_space<vmem>>
    %dma_start3A_891 = tpu.memref_slice %arg3[%dma_start3A_886, %add3A_860] : memref<2x4096xi32, #tpu.memory_space<hbm>> -> memref<1x16xi32, #tpu.memory_space<hbm>>
    %dma_start3A_892 = tpu.memref_squeeze %dma_start3A_891 : memref<1x16xi32, #tpu.memory_space<hbm>> -> memref<16xi32, #tpu.memory_space<hbm>>
    %dma_start3A_893 = arith.constant 0 : i32
    %dma_start3A_894 = tpu.memref_slice %arg7[%dma_start3A_887, %dma_start3A_893] : memref<2x16xi32, #tpu.memory_space<vmem>> -> memref<1x16xi32, #tpu.memory_space<vmem>>
    %dma_start3A_895 = tpu.memref_squeeze %dma_start3A_894 : memref<1x16xi32, #tpu.memory_space<vmem>> -> memref<16xi32, #tpu.memory_space<vmem>>
    %dma_start3A_896 = tpu.memref_slice %arg3[%dma_start3A_886, %add3A_860] : memref<2x4096xi32, #tpu.memory_space<hbm>> -> memref<1x16xi32, #tpu.memory_space<hbm>>
    %dma_start3A_897 = tpu.memref_squeeze %dma_start3A_896 : memref<1x16xi32, #tpu.memory_space<hbm>> -> memref<16xi32, #tpu.memory_space<hbm>>
    tpu.enqueue_dma source(%dma_start3A_897 : memref<16xi32, #tpu.memory_space<hbm>>) target(%dma_start3A_895 : memref<16xi32, #tpu.memory_space<vmem>>) target_semaphore(%arg8 : memref<!tpu.dma_semaphore, #tpu.memory_space<semaphore_mem>>)
    %dma_wait3A_898 = arith.constant 1 : i32
    %dma_wait3A_899 = arith.constant 0 : i32
    %dma_wait3A_900 = arith.constant 0 : i32
    %dma_wait3A_901 = tpu.memref_slice %arg5[%dma_wait3A_898, %dma_wait3A_899, %dma_wait3A_900] : memref<2x16x2304xf32, #tpu.memory_space<vmem>> -> memref<1x16x2304xf32, #tpu.memory_space<vmem>>
    %dma_wait3A_902 = tpu.memref_squeeze %dma_wait3A_901 : memref<1x16x2304xf32, #tpu.memory_space<vmem>> -> memref<16x2304xf32, #tpu.memory_space<vmem>>
    %dma_wait3A_903 = arith.constant 0 : i32
    %dma_wait3A_904 = tpu.memref_slice %arg2[%add3A_860, %dma_wait3A_903] : memref<4096x2304xf32, #tpu.memory_space<hbm>> -> memref<16x2304xf32, #tpu.memory_space<hbm>>
    %dma_wait3A_905 = arith.constant 0 : i32
    %dma_wait3A_906 = arith.constant 0 : i32
    %dma_wait3A_907 = tpu.memref_slice %arg5[%dma_wait3A_898, %dma_wait3A_905, %dma_wait3A_906] : memref<2x16x2304xf32, #tpu.memory_space<vmem>> -> memref<1x16x2304xf32, #tpu.memory_space<vmem>>
    %dma_wait3A_908 = tpu.memref_squeeze %dma_wait3A_907 : memref<1x16x2304xf32, #tpu.memory_space<vmem>> -> memref<16x2304xf32, #tpu.memory_space<vmem>>
    %dma_wait3A_909 = arith.constant 0 : i32
    %dma_wait3A_910 = tpu.memref_slice %arg2[%add3A_860, %dma_wait3A_909] : memref<4096x2304xf32, #tpu.memory_space<hbm>> -> memref<16x2304xf32, #tpu.memory_space<hbm>>
    tpu.wait_dma2 semaphore(%arg8 : memref<!tpu.dma_semaphore, #tpu.memory_space<semaphore_mem>>) src(%dma_wait3A_910 : memref<16x2304xf32, #tpu.memory_space<hbm>>) dst(%dma_wait3A_908 : memref<16x2304xf32, #tpu.memory_space<vmem>>)
    %dma_wait3A_911 = arith.constant 0 : i32
    %dma_wait3A_912 = arith.constant 1 : i32
    %dma_wait3A_913 = arith.constant 0 : i32
    %dma_wait3A_914 = tpu.memref_slice %arg6[%dma_wait3A_912, %dma_wait3A_913] : memref<2x16xi32, #tpu.memory_space<vmem>> -> memref<1x16xi32, #tpu.memory_space<vmem>>
    %dma_wait3A_915 = tpu.memref_squeeze %dma_wait3A_914 : memref<1x16xi32, #tpu.memory_space<vmem>> -> memref<16xi32, #tpu.memory_space<vmem>>
    %dma_wait3A_916 = tpu.memref_slice %arg3[%dma_wait3A_911, %add3A_860] : memref<2x4096xi32, #tpu.memory_space<hbm>> -> memref<1x16xi32, #tpu.memory_space<hbm>>
    %dma_wait3A_917 = tpu.memref_squeeze %dma_wait3A_916 : memref<1x16xi32, #tpu.memory_space<hbm>> -> memref<16xi32, #tpu.memory_space<hbm>>
    %dma_wait3A_918 = arith.constant 0 : i32
    %dma_wait3A_919 = tpu.memref_slice %arg6[%dma_wait3A_912, %dma_wait3A_918] : memref<2x16xi32, #tpu.memory_space<vmem>> -> memref<1x16xi32, #tpu.memory_space<vmem>>
    %dma_wait3A_920 = tpu.memref_squeeze %dma_wait3A_919 : memref<1x16xi32, #tpu.memory_space<vmem>> -> memref<16xi32, #tpu.memory_space<vmem>>
    %dma_wait3A_921 = tpu.memref_slice %arg3[%dma_wait3A_911, %add3A_860] : memref<2x4096xi32, #tpu.memory_space<hbm>> -> memref<1x16xi32, #tpu.memory_space<hbm>>
    %dma_wait3A_922 = tpu.memref_squeeze %dma_wait3A_921 : memref<1x16xi32, #tpu.memory_space<hbm>> -> memref<16xi32, #tpu.memory_space<hbm>>
    tpu.wait_dma2 semaphore(%arg8 : memref<!tpu.dma_semaphore, #tpu.memory_space<semaphore_mem>>) src(%dma_wait3A_922 : memref<16xi32, #tpu.memory_space<hbm>>) dst(%dma_wait3A_920 : memref<16xi32, #tpu.memory_space<vmem>>)
    %dma_wait3A_923 = arith.constant 1 : i32
    %dma_wait3A_924 = arith.constant 1 : i32
    %dma_wait3A_925 = arith.constant 0 : i32
    %dma_wait3A_926 = tpu.memref_slice %arg7[%dma_wait3A_924, %dma_wait3A_925] : memref<2x16xi32, #tpu.memory_space<vmem>> -> memref<1x16xi32, #tpu.memory_space<vmem>>
    %dma_wait3A_927 = tpu.memref_squeeze %dma_wait3A_926 : memref<1x16xi32, #tpu.memory_space<vmem>> -> memref<16xi32, #tpu.memory_space<vmem>>
    %dma_wait3A_928 = tpu.memref_slice %arg3[%dma_wait3A_923, %add3A_860] : memref<2x4096xi32, #tpu.memory_space<hbm>> -> memref<1x16xi32, #tpu.memory_space<hbm>>
    %dma_wait3A_929 = tpu.memref_squeeze %dma_wait3A_928 : memref<1x16xi32, #tpu.memory_space<hbm>> -> memref<16xi32, #tpu.memory_space<hbm>>
    %dma_wait3A_930 = arith.constant 0 : i32
    %dma_wait3A_931 = tpu.memref_slice %arg7[%dma_wait3A_924, %dma_wait3A_930] : memref<2x16xi32, #tpu.memory_space<vmem>> -> memref<1x16xi32, #tpu.memory_space<vmem>>
    %dma_wait3A_932 = tpu.memref_squeeze %dma_wait3A_931 : memref<1x16xi32, #tpu.memory_space<vmem>> -> memref<16xi32, #tpu.memory_space<vmem>>
    %dma_wait3A_933 = tpu.memref_slice %arg3[%dma_wait3A_923, %add3A_860] : memref<2x4096xi32, #tpu.memory_space<hbm>> -> memref<1x16xi32, #tpu.memory_space<hbm>>
    %dma_wait3A_934 = tpu.memref_squeeze %dma_wait3A_933 : memref<1x16xi32, #tpu.memory_space<hbm>> -> memref<16xi32, #tpu.memory_space<hbm>>
    tpu.wait_dma2 semaphore(%arg8 : memref<!tpu.dma_semaphore, #tpu.memory_space<semaphore_mem>>) src(%dma_wait3A_934 : memref<16xi32, #tpu.memory_space<hbm>>) dst(%dma_wait3A_932 : memref<16xi32, #tpu.memory_space<vmem>>)
    %dma_start3A_935 = arith.constant 1 : i32
    %dma_start3A_936 = arith.constant 1 : i32
    %dma_start3A_937 = arith.constant 0 : i32
    %dma_start3A_938 = arith.constant 0 : i32
    %dma_start3A_939 = tpu.memref_slice %arg5[%dma_start3A_935, %dma_start3A_937, %dma_start3A_938] : memref<2x16x2304xf32, #tpu.memory_space<vmem>> -> memref<1x16x2304xf32, #tpu.memory_space<vmem>>
    %dma_start3A_940 = tpu.memref_squeeze %dma_start3A_939 : memref<1x16x2304xf32, #tpu.memory_space<vmem>> -> memref<16x2304xf32, #tpu.memory_space<vmem>>
    %dma_start3A_941 = arith.constant 0 : i32
    %dma_start3A_942 = tpu.memref_slice %arg6[%dma_start3A_936, %dma_start3A_941] : memref<2x16xi32, #tpu.memory_space<vmem>> -> memref<1x16xi32, #tpu.memory_space<vmem>>
    %dma_start3A_943 = tpu.memref_squeeze %dma_start3A_942 : memref<1x16xi32, #tpu.memory_space<vmem>> -> memref<16xi32, #tpu.memory_space<vmem>>
    %dma_start3A_944 = arith.constant 0 : i32
    %dma_start3A_945 = arith.constant 0 : i32
    %dma_start3A_946 = tpu.memref_slice %arg4[%dma_start3A_944, %dma_start3A_945] : memref<10240x2304xf32, #tpu.memory_space<hbm>> -> memref<10240x2304xf32, #tpu.memory_space<hbm>>
    tpu.enqueue_indirect_dma source(%dma_start3A_940 : memref<16x2304xf32, #tpu.memory_space<vmem>>) target(%dma_start3A_946 : memref<10240x2304xf32, #tpu.memory_space<hbm>>) offsets(%dma_start3A_943 : memref<16xi32, #tpu.memory_space<vmem>>) semaphore(%arg9 : memref<!tpu.dma_semaphore, #tpu.memory_space<semaphore_mem>>)
    %dma_start3A_947 = arith.constant 1 : i32
    %dma_start3A_948 = arith.constant 1 : i32
    %dma_start3A_949 = arith.constant 0 : i32
    %dma_start3A_950 = arith.constant 0 : i32
    %dma_start3A_951 = tpu.memref_slice %arg5[%dma_start3A_947, %dma_start3A_949, %dma_start3A_950] : memref<2x16x2304xf32, #tpu.memory_space<vmem>> -> memref<1x16x2304xf32, #tpu.memory_space<vmem>>
    %dma_start3A_952 = tpu.memref_squeeze %dma_start3A_951 : memref<1x16x2304xf32, #tpu.memory_space<vmem>> -> memref<16x2304xf32, #tpu.memory_space<vmem>>
    %dma_start3A_953 = arith.constant 0 : i32
    %dma_start3A_954 = tpu.memref_slice %arg7[%dma_start3A_948, %dma_start3A_953] : memref<2x16xi32, #tpu.memory_space<vmem>> -> memref<1x16xi32, #tpu.memory_space<vmem>>
    %dma_start3A_955 = tpu.memref_squeeze %dma_start3A_954 : memref<1x16xi32, #tpu.memory_space<vmem>> -> memref<16xi32, #tpu.memory_space<vmem>>
    %dma_start3A_956 = arith.constant 0 : i32
    %dma_start3A_957 = arith.constant 0 : i32
    %dma_start3A_958 = tpu.memref_slice %arg4[%dma_start3A_956, %dma_start3A_957] : memref<10240x2304xf32, #tpu.memory_space<hbm>> -> memref<10240x2304xf32, #tpu.memory_space<hbm>>
    tpu.enqueue_indirect_dma source(%dma_start3A_952 : memref<16x2304xf32, #tpu.memory_space<vmem>>) target(%dma_start3A_958 : memref<10240x2304xf32, #tpu.memory_space<hbm>>) offsets(%dma_start3A_955 : memref<16xi32, #tpu.memory_space<vmem>>) semaphore(%arg10 : memref<!tpu.dma_semaphore, #tpu.memory_space<semaphore_mem>>)
    %dma_wait3A_959 = arith.constant 0 : i32
    %dma_wait3A_960 = arith.constant 0 : i32
    %dma_wait3A_961 = arith.constant 0 : i32
    %dma_wait3A_962 = arith.constant 0 : i32
    %dma_wait3A_963 = tpu.memref_slice %arg5[%dma_wait3A_959, %dma_wait3A_961, %dma_wait3A_962] : memref<2x16x2304xf32, #tpu.memory_space<vmem>> -> memref<1x16x2304xf32, #tpu.memory_space<vmem>>
    %dma_wait3A_964 = tpu.memref_squeeze %dma_wait3A_963 : memref<1x16x2304xf32, #tpu.memory_space<vmem>> -> memref<16x2304xf32, #tpu.memory_space<vmem>>
    %dma_wait3A_965 = arith.constant 0 : i32
    %dma_wait3A_966 = tpu.memref_slice %arg6[%dma_wait3A_960, %dma_wait3A_965] : memref<2x16xi32, #tpu.memory_space<vmem>> -> memref<1x16xi32, #tpu.memory_space<vmem>>
    %dma_wait3A_967 = tpu.memref_squeeze %dma_wait3A_966 : memref<1x16xi32, #tpu.memory_space<vmem>> -> memref<16xi32, #tpu.memory_space<vmem>>
    %dma_wait3A_968 = arith.constant 0 : i32
    %dma_wait3A_969 = arith.constant 0 : i32
    %dma_wait3A_970 = tpu.memref_slice %arg4[%dma_wait3A_968, %dma_wait3A_969] : memref<10240x2304xf32, #tpu.memory_space<hbm>> -> memref<10240x2304xf32, #tpu.memory_space<hbm>>
    tpu.wait_indirect_dma semaphore(%arg9 : memref<!tpu.dma_semaphore, #tpu.memory_space<semaphore_mem>>) src(%dma_wait3A_964 : memref<16x2304xf32, #tpu.memory_space<vmem>>) dst(%dma_wait3A_970 : memref<10240x2304xf32, #tpu.memory_space<hbm>>)
    %dma_wait3A_971 = arith.constant 0 : i32
    %dma_wait3A_972 = arith.constant 0 : i32
    %dma_wait3A_973 = arith.constant 0 : i32
    %dma_wait3A_974 = arith.constant 0 : i32
    %dma_wait3A_975 = tpu.memref_slice %arg5[%dma_wait3A_971, %dma_wait3A_973, %dma_wait3A_974] : memref<2x16x2304xf32, #tpu.memory_space<vmem>> -> memref<1x16x2304xf32, #tpu.memory_space<vmem>>
    %dma_wait3A_976 = tpu.memref_squeeze %dma_wait3A_975 : memref<1x16x2304xf32, #tpu.memory_space<vmem>> -> memref<16x2304xf32, #tpu.memory_space<vmem>>
    %dma_wait3A_977 = arith.constant 0 : i32
    %dma_wait3A_978 = tpu.memref_slice %arg7[%dma_wait3A_972, %dma_wait3A_977] : memref<2x16xi32, #tpu.memory_space<vmem>> -> memref<1x16xi32, #tpu.memory_space<vmem>>
    %dma_wait3A_979 = tpu.memref_squeeze %dma_wait3A_978 : memref<1x16xi32, #tpu.memory_space<vmem>> -> memref<16xi32, #tpu.memory_space<vmem>>
    %dma_wait3A_980 = arith.constant 0 : i32
    %dma_wait3A_981 = arith.constant 0 : i32
    %dma_wait3A_982 = tpu.memref_slice %arg4[%dma_wait3A_980, %dma_wait3A_981] : memref<10240x2304xf32, #tpu.memory_space<hbm>> -> memref<10240x2304xf32, #tpu.memory_space<hbm>>
    tpu.wait_indirect_dma semaphore(%arg10 : memref<!tpu.dma_semaphore, #tpu.memory_space<semaphore_mem>>) src(%dma_wait3A_976 : memref<16x2304xf32, #tpu.memory_space<vmem>>) dst(%dma_wait3A_982 : memref<10240x2304xf32, #tpu.memory_space<hbm>>)
    %dma_wait3A_983 = arith.constant 1 : i32
    %dma_wait3A_984 = arith.constant 1 : i32
    %dma_wait3A_985 = arith.constant 0 : i32
    %dma_wait3A_986 = arith.constant 0 : i32
    %dma_wait3A_987 = tpu.memref_slice %arg5[%dma_wait3A_983, %dma_wait3A_985, %dma_wait3A_986] : memref<2x16x2304xf32, #tpu.memory_space<vmem>> -> memref<1x16x2304xf32, #tpu.memory_space<vmem>>
    %dma_wait3A_988 = tpu.memref_squeeze %dma_wait3A_987 : memref<1x16x2304xf32, #tpu.memory_space<vmem>> -> memref<16x2304xf32, #tpu.memory_space<vmem>>
    %dma_wait3A_989 = arith.constant 0 : i32
    %dma_wait3A_990 = tpu.memref_slice %arg6[%dma_wait3A_984, %dma_wait3A_989] : memref<2x16xi32, #tpu.memory_space<vmem>> -> memref<1x16xi32, #tpu.memory_space<vmem>>
    %dma_wait3A_991 = tpu.memref_squeeze %dma_wait3A_990 : memref<1x16xi32, #tpu.memory_space<vmem>> -> memref<16xi32, #tpu.memory_space<vmem>>
    %dma_wait3A_992 = arith.constant 0 : i32
    %dma_wait3A_993 = arith.constant 0 : i32
    %dma_wait3A_994 = tpu.memref_slice %arg4[%dma_wait3A_992, %dma_wait3A_993] : memref<10240x2304xf32, #tpu.memory_space<hbm>> -> memref<10240x2304xf32, #tpu.memory_space<hbm>>
    tpu.wait_indirect_dma semaphore(%arg9 : memref<!tpu.dma_semaphore, #tpu.memory_space<semaphore_mem>>) src(%dma_wait3A_988 : memref<16x2304xf32, #tpu.memory_space<vmem>>) dst(%dma_wait3A_994 : memref<10240x2304xf32, #tpu.memory_space<hbm>>)
    %dma_wait3A_995 = arith.constant 1 : i32
    %dma_wait3A_996 = arith.constant 1 : i32
    %dma_wait3A_997 = arith.constant 0 : i32
    %dma_wait3A_998 = arith.constant 0 : i32
    %dma_wait3A_999 = tpu.memref_slice %arg5[%dma_wait3A_995, %dma_wait3A_997, %dma_wait3A_998] : memref<2x16x2304xf32, #tpu.memory_space<vmem>> -> memref<1x16x2304xf32, #tpu.memory_space<vmem>>
    %dma_wait3A_1000 = tpu.memref_squeeze %dma_wait3A_999 : memref<1x16x2304xf32, #tpu.memory_space<vmem>> -> memref<16x2304xf32, #tpu.memory_space<vmem>>
    %dma_wait3A_1001 = arith.constant 0 : i32
    %dma_wait3A_1002 = tpu.memref_slice %arg7[%dma_wait3A_996, %dma_wait3A_1001] : memref<2x16xi32, #tpu.memory_space<vmem>> -> memref<1x16xi32, #tpu.memory_space<vmem>>
    %dma_wait3A_1003 = tpu.memref_squeeze %dma_wait3A_1002 : memref<1x16xi32, #tpu.memory_space<vmem>> -> memref<16xi32, #tpu.memory_space<vmem>>
    %dma_wait3A_1004 = arith.constant 0 : i32
    %dma_wait3A_1005 = arith.constant 0 : i32
    %dma_wait3A_1006 = tpu.memref_slice %arg4[%dma_wait3A_1004, %dma_wait3A_1005] : memref<10240x2304xf32, #tpu.memory_space<hbm>> -> memref<10240x2304xf32, #tpu.memory_space<hbm>>
    tpu.wait_indirect_dma semaphore(%arg10 : memref<!tpu.dma_semaphore, #tpu.memory_space<semaphore_mem>>) src(%dma_wait3A_1000 : memref<16x2304xf32, #tpu.memory_space<vmem>>) dst(%dma_wait3A_1006 : memref<10240x2304xf32, #tpu.memory_space<hbm>>)
    return
  }
}

module attributes {stable_mosaic.version = 14 : i64} {
  func.func @_gate_body(%arg0: i32, %arg1: memref<1024x2304xf32, #tpu.memory_space<vmem>>, %arg2: memref<2304x8xf32, #tpu.memory_space<vmem>>, %arg3: memref<1x8xf32, #tpu.memory_space<vmem>>, %arg4: memref<1024x2xf32, #tpu.memory_space<vmem>>, %arg5: memref<2x4096x1xi32, #tpu.memory_space<vmem>>, %arg6: memref<1x40xi32, #tpu.memory_space<vmem>>, %arg7: memref<1x8xi32, #tpu.memory_space<vmem>>, %arg8: memref<2x4096x1xi32, #tpu.memory_space<vmem>>, %arg9: memref<2x4096x1xi32, #tpu.memory_space<vmem>>) attributes {dimension_semantics = [#tpu.dimension_semantics<arbitrary>], iteration_bounds = array<i64: 4>, scalar_prefetch = 0 : i64, scratch_operands = 3 : i64, tpu.core_type = #tpu.core_type<tc>, window_params = [{transform_indices = @transform_0, window_bounds = array<i64: 1024, 2304>}, {pipeline_mode = #tpu.pipeline_mode<synchronous>, transform_indices = @transform_1, window_bounds = array<i64: 2304, 8>}, {pipeline_mode = #tpu.pipeline_mode<synchronous>, transform_indices = @transform_2, window_bounds = array<i64: 1, 8>}, {transform_indices = @transform_3, window_bounds = array<i64: 1024, 2>}, {pipeline_mode = #tpu.pipeline_mode<synchronous>, transform_indices = @transform_4, window_bounds = array<i64: 2, 4096, 1>}, {pipeline_mode = #tpu.pipeline_mode<synchronous>, transform_indices = @transform_5, window_bounds = array<i64: 1, 40>}]} {
    %eq3A = arith.constant 0 : i32
    %eq3A_0 = arith.cmpi eq, %arg0, %eq3A : i32
    %convert_element_type3A = arith.extui %eq3A_0 : i1 to i32
    %cond3A = arith.constant 0 : i32
    %cond3A_1 = arith.cmpi ne, %convert_element_type3A, %cond3A : i32
    scf.if %cond3A_1 {
      %broadcast_in_dim3A_136 = arith.constant 0 : i32
      %broadcast_in_dim3A_137 = vector.broadcast %broadcast_in_dim3A_136 : i32 to vector<1x8xi32>
      %swap3A_138 = arith.constant 0 : index
      %swap3A_139 = arith.constant 0 : index
      %swap3A_140 = vector.load %arg7[%swap3A_138, %swap3A_139] : memref<1x8xi32, #tpu.memory_space<vmem>>, vector<1x8xi32>
      tpu.vector_store %arg7[%swap3A_138, %swap3A_139], %broadcast_in_dim3A_137 {strides = array<i32>} : memref<1x8xi32, #tpu.memory_space<vmem>>, vector<1x8xi32>,
    } else {
    }
    %get3A = arith.constant 0 : index
    %get3A_2 = arith.constant 0 : index
    %get3A_3 = vector.load %arg1[%get3A, %get3A_2] : memref<1024x2304xf32, #tpu.memory_space<vmem>>, vector<1024x2304xf32>
    %get3A_4 = arith.constant 0 : index
    %get3A_5 = arith.constant 0 : index
    %get3A_6 = vector.load %arg2[%get3A_4, %get3A_5] : memref<2304x8xf32, #tpu.memory_space<vmem>>, vector<2304x8xf32>
    %dot_general3A = arith.constant dense<0.000000e+00> : vector<1024x8xf32>
    %dot_general3A_7 = tpu.matmul %get3A_3, %get3A_6, %dot_general3A {dimension_numbers = #tpu.dot_dimension_numbers<[1], [0], [0], [1], [0, 0, 1, 1], [], []>, transpose_lhs_hint = false} : vector<1024x2304xf32>, vector<2304x8xf32>, vector<1024x8xf32> -> vector<1024x8xf32>
    %get3A_8 = arith.constant 0 : index
    %get3A_9 = arith.constant 0 : index
    %get3A_10 = vector.load %arg3[%get3A_8, %get3A_9] : memref<1x8xf32, #tpu.memory_space<vmem>>, vector<1x8xf32>
    %add3A = vector.broadcast %get3A_10 : vector<1x8xf32> to vector<1024x8xf32>
    %add3A_11 = arith.addf %dot_general3A_7, %add3A : vector<1024x8xf32>
    %iota3A = tpu.iota {dimensions = array<i32: 1>} : vector<1024x8xi32>
    %reduce_max3A = arith.constant dense<0xFF800000> : vector<1024xf32>
    %reduce_max3A_12 = vector.multi_reduction <maximumf>, %add3A_11, %reduce_max3A [1] : vector<1024x8xf32> to vector<1024xf32>
    %broadcast_in_dim3A = vector.shape_cast %reduce_max3A_12 : vector<1024xf32> to vector<1024x1xf32>
    %eq3A_13 = vector.broadcast %broadcast_in_dim3A : vector<1024x1xf32> to vector<1024x8xf32>
    %eq3A_14 = arith.cmpf oeq, %add3A_11, %eq3A_13 : vector<1024x8xf32>
    %jit3A = arith.constant 8 : i32
    %broadcast_in_dim3A_15 = vector.broadcast %jit3A : i32 to vector<1024x8xi32>
    %select_n3A = arith.select %eq3A_14, %iota3A, %broadcast_in_dim3A_15 : vector<1024x8xi1>, vector<1024x8xi32>
    %reduce_min3A = arith.constant dense<2147483647> : vector<1024xi32>
    %reduce_min3A_16 = vector.multi_reduction <minsi>, %select_n3A, %reduce_min3A [1] : vector<1024x8xi32> to vector<1024xi32>
    %broadcast_in_dim3A_17 = vector.shape_cast %reduce_min3A_16 : vector<1024xi32> to vector<1024x1xi32>
    %eq3A_18 = vector.broadcast %broadcast_in_dim3A_17 : vector<1024x1xi32> to vector<1024x8xi32>
    %eq3A_19 = arith.cmpi eq, %iota3A, %eq3A_18 : vector<1024x8xi32>
    %jit3A_20 = arith.constant 0xFF800000 : f32
    %broadcast_in_dim3A_21 = vector.broadcast %jit3A_20 : f32 to vector<1024x8xf32>
    %select_n3A_22 = arith.select %eq3A_19, %broadcast_in_dim3A_21, %add3A_11 : vector<1024x8xi1>, vector<1024x8xf32>
    %reduce_max3A_23 = arith.constant dense<0xFF800000> : vector<1024xf32>
    %reduce_max3A_24 = vector.multi_reduction <maximumf>, %select_n3A_22, %reduce_max3A_23 [1] : vector<1024x8xf32> to vector<1024xf32>
    %broadcast_in_dim3A_25 = vector.shape_cast %reduce_max3A_24 : vector<1024xf32> to vector<1024x1xf32>
    %eq3A_26 = vector.broadcast %broadcast_in_dim3A_25 : vector<1024x1xf32> to vector<1024x8xf32>
    %eq3A_27 = arith.cmpf oeq, %select_n3A_22, %eq3A_26 : vector<1024x8xf32>
    %jit3A_28 = arith.constant 8 : i32
    %broadcast_in_dim3A_29 = vector.broadcast %jit3A_28 : i32 to vector<1024x8xi32>
    %select_n3A_30 = arith.select %eq3A_27, %iota3A, %broadcast_in_dim3A_29 : vector<1024x8xi1>, vector<1024x8xi32>
    %reduce_min3A_31 = arith.constant dense<2147483647> : vector<1024xi32>
    %reduce_min3A_32 = vector.multi_reduction <minsi>, %select_n3A_30, %reduce_min3A_31 [1] : vector<1024x8xi32> to vector<1024xi32>
    %broadcast_in_dim3A_33 = vector.shape_cast %reduce_min3A_32 : vector<1024xi32> to vector<1024x1xi32>
    %sub3A = arith.subf %broadcast_in_dim3A_25, %broadcast_in_dim3A : vector<1024x1xf32>
    %exp3A = math.exp %sub3A : vector<1024x1xf32>
    %add3A_34 = arith.constant 1.000000e+00 : f32
    %add3A_35 = vector.broadcast %add3A_34 : f32 to vector<1024x1xf32>
    %add3A_36 = arith.addf %add3A_35, %exp3A : vector<1024x1xf32>
    %div3A = arith.constant 1.000000e+00 : f32
    %div3A_37 = vector.broadcast %div3A : f32 to vector<1024x1xf32>
    %div3A_38 = arith.divf %div3A_37, %add3A_36 : vector<1024x1xf32>
    %div3A_39 = arith.divf %exp3A, %add3A_36 : vector<1024x1xf32>
    %concatenate3A = tpu.concatenate %div3A_38, %div3A_39 in 1 : vector<1024x1xf32>, vector<1024x1xf32> -> vector<1024x2xf32>
    %swap3A = arith.constant 0 : index
    %swap3A_40 = arith.constant 0 : index
    %swap3A_41 = vector.load %arg4[%swap3A, %swap3A_40] : memref<1024x2xf32, #tpu.memory_space<vmem>>, vector<1024x2xf32>
    tpu.vector_store %arg4[%swap3A, %swap3A_40], %concatenate3A {strides = array<i32>} : memref<1024x2xf32, #tpu.memory_space<vmem>>, vector<1024x2xf32>,
    %iota3A_42 = tpu.iota {dimensions = array<i32: 0>} : vector<1024x1024xi32>
    %iota3A_43 = tpu.iota {dimensions = array<i32: 1>} : vector<1024x1024xi32>
    %ge3A = arith.cmpi sge, %iota3A_42, %iota3A_43 : vector<1024x1024xi32>
    %convert_element_type3A_44 = arith.extui %ge3A : vector<1024x1024xi1> to vector<1024x1024xi32>
    %convert_element_type3A_45 = arith.sitofp %convert_element_type3A_44 : vector<1024x1024xi32> to vector<1024x1024xf32>
    %get3A_46 = arith.constant 0 : index
    %get3A_47 = arith.constant 0 : index
    %get3A_48 = vector.load %arg7[%get3A_46, %get3A_47] : memref<1x8xi32, #tpu.memory_space<vmem>>, vector<1x8xi32>
    %eq3A_49 = vector.broadcast %broadcast_in_dim3A_17 : vector<1024x1xi32> to vector<1024x8xi32>
    %eq3A_50 = arith.cmpi eq, %iota3A, %eq3A_49 : vector<1024x8xi32>
    %convert_element_type3A_51 = arith.extui %eq3A_50 : vector<1024x8xi1> to vector<1024x8xi32>
    %convert_element_type3A_52 = arith.sitofp %convert_element_type3A_51 : vector<1024x8xi32> to vector<1024x8xf32>
    %dot_general3A_53 = arith.constant dense<0.000000e+00> : vector<1024x8xf32>
    %dot_general3A_54 = tpu.matmul %convert_element_type3A_45, %convert_element_type3A_52, %dot_general3A_53 {dimension_numbers = #tpu.dot_dimension_numbers<[1], [0], [0], [1], [0, 0, 1, 1], [], []>, transpose_lhs_hint = false} : vector<1024x1024xf32>, vector<1024x8xf32>, vector<1024x8xf32> -> vector<1024x8xf32>
    %add3A_55 = arith.constant 5.000000e-01 : f32
    %add3A_56 = vector.broadcast %add3A_55 : f32 to vector<1024x8xf32>
    %add3A_57 = arith.addf %dot_general3A_54, %add3A_56 : vector<1024x8xf32>
    %convert_element_type3A_58 = arith.fptosi %add3A_57 : vector<1024x8xf32> to vector<1024x8xi32>
    %eq3A_59 = vector.broadcast %broadcast_in_dim3A_17 : vector<1024x1xi32> to vector<1024x8xi32>
    %eq3A_60 = arith.cmpi eq, %iota3A, %eq3A_59 : vector<1024x8xi32>
    %sub3A_61 = arith.constant 1 : i32
    %sub3A_62 = vector.broadcast %sub3A_61 : i32 to vector<1024x8xi32>
    %sub3A_63 = arith.subi %convert_element_type3A_58, %sub3A_62 : vector<1024x8xi32>
    %add3A_64 = vector.broadcast %get3A_48 : vector<1x8xi32> to vector<1024x8xi32>
    %add3A_65 = arith.addi %sub3A_63, %add3A_64 : vector<1024x8xi32>
    %jit3A_66 = arith.constant 0 : i32
    %broadcast_in_dim3A_67 = vector.broadcast %jit3A_66 : i32 to vector<1024x8xi32>
    %select_n3A_68 = arith.select %eq3A_60, %add3A_65, %broadcast_in_dim3A_67 : vector<1024x8xi1>, vector<1024x8xi32>
    %reduce_sum3A = arith.constant dense<0> : vector<1024xi32>
    %reduce_sum3A_69 = vector.multi_reduction <add>, %select_n3A_68, %reduce_sum3A [1] : vector<1024x8xi32> to vector<1024xi32>
    %broadcast_in_dim3A_70 = vector.shape_cast %reduce_sum3A_69 : vector<1024xi32> to vector<1024x1xi32>
    %mul3A = arith.constant 1024 : i32
    %mul3A_71 = arith.muli %arg0, %mul3A : i32
    %swap3A_72 = arith.constant 0 : index
    %swap3A_73 = arith.index_cast %mul3A_71 : i32 to index
    %swap3A_74 = arith.constant 0 : index
    %swap3A_75 = vector.load %arg8[%swap3A_72, %swap3A_73, %swap3A_74] : memref<2x4096x1xi32, #tpu.memory_space<vmem>>, vector<1x1024x1xi32>
    %swap3A_76 = vector.shape_cast %swap3A_75 : vector<1x1024x1xi32> to vector<1024x1xi32>
    %swap3A_77 = vector.shape_cast %broadcast_in_dim3A_70 : vector<1024x1xi32> to vector<1x1024x1xi32>
    tpu.vector_store %arg8[%swap3A_72, %swap3A_73, %swap3A_74], %swap3A_77 {strides = array<i32>} : memref<2x4096x1xi32, #tpu.memory_space<vmem>>, vector<1x1024x1xi32>,
    %mul3A_78 = arith.constant 1024 : i32
    %mul3A_79 = arith.muli %arg0, %mul3A_78 : i32
    %swap3A_80 = arith.constant 0 : index
    %swap3A_81 = arith.index_cast %mul3A_79 : i32 to index
    %swap3A_82 = arith.constant 0 : index
    %swap3A_83 = vector.load %arg9[%swap3A_80, %swap3A_81, %swap3A_82] : memref<2x4096x1xi32, #tpu.memory_space<vmem>>, vector<1x1024x1xi32>
    %swap3A_84 = vector.shape_cast %swap3A_83 : vector<1x1024x1xi32> to vector<1024x1xi32>
    %swap3A_85 = vector.shape_cast %broadcast_in_dim3A_17 : vector<1024x1xi32> to vector<1x1024x1xi32>
    tpu.vector_store %arg9[%swap3A_80, %swap3A_81, %swap3A_82], %swap3A_85 {strides = array<i32>} : memref<2x4096x1xi32, #tpu.memory_space<vmem>>, vector<1x1024x1xi32>,
    %slice3A = vector.extract_strided_slice %convert_element_type3A_58 {offsets = [1023, 0], sizes = [1, 8], strides = [1, 1]} : vector<1024x8xi32> to vector<1x8xi32>
    %add3A_86 = arith.addi %get3A_48, %slice3A : vector<1x8xi32>
    %eq3A_87 = vector.broadcast %broadcast_in_dim3A_33 : vector<1024x1xi32> to vector<1024x8xi32>
    %eq3A_88 = arith.cmpi eq, %iota3A, %eq3A_87 : vector<1024x8xi32>
    %convert_element_type3A_89 = arith.extui %eq3A_88 : vector<1024x8xi1> to vector<1024x8xi32>
    %convert_element_type3A_90 = arith.sitofp %convert_element_type3A_89 : vector<1024x8xi32> to vector<1024x8xf32>
    %dot_general3A_91 = arith.constant dense<0.000000e+00> : vector<1024x8xf32>
    %dot_general3A_92 = tpu.matmul %convert_element_type3A_45, %convert_element_type3A_90, %dot_general3A_91 {dimension_numbers = #tpu.dot_dimension_numbers<[1], [0], [0], [1], [0, 0, 1, 1], [], []>, transpose_lhs_hint = false} : vector<1024x1024xf32>, vector<1024x8xf32>, vector<1024x8xf32> -> vector<1024x8xf32>
    %add3A_93 = arith.constant 5.000000e-01 : f32
    %add3A_94 = vector.broadcast %add3A_93 : f32 to vector<1024x8xf32>
    %add3A_95 = arith.addf %dot_general3A_92, %add3A_94 : vector<1024x8xf32>
    %convert_element_type3A_96 = arith.fptosi %add3A_95 : vector<1024x8xf32> to vector<1024x8xi32>
    %eq3A_97 = vector.broadcast %broadcast_in_dim3A_33 : vector<1024x1xi32> to vector<1024x8xi32>
    %eq3A_98 = arith.cmpi eq, %iota3A, %eq3A_97 : vector<1024x8xi32>
    %sub3A_99 = arith.constant 1 : i32
    %sub3A_100 = vector.broadcast %sub3A_99 : i32 to vector<1024x8xi32>
    %sub3A_101 = arith.subi %convert_element_type3A_96, %sub3A_100 : vector<1024x8xi32>
    %add3A_102 = vector.broadcast %add3A_86 : vector<1x8xi32> to vector<1024x8xi32>
    %add3A_103 = arith.addi %sub3A_101, %add3A_102 : vector<1024x8xi32>
    %jit3A_104 = arith.constant 0 : i32
    %broadcast_in_dim3A_105 = vector.broadcast %jit3A_104 : i32 to vector<1024x8xi32>
    %select_n3A_106 = arith.select %eq3A_98, %add3A_103, %broadcast_in_dim3A_105 : vector<1024x8xi1>, vector<1024x8xi32>
    %reduce_sum3A_107 = arith.constant dense<0> : vector<1024xi32>
    %reduce_sum3A_108 = vector.multi_reduction <add>, %select_n3A_106, %reduce_sum3A_107 [1] : vector<1024x8xi32> to vector<1024xi32>
    %broadcast_in_dim3A_109 = vector.shape_cast %reduce_sum3A_108 : vector<1024xi32> to vector<1024x1xi32>
    %mul3A_110 = arith.constant 1024 : i32
    %mul3A_111 = arith.muli %arg0, %mul3A_110 : i32
    %swap3A_112 = arith.constant 1 : index
    %swap3A_113 = arith.index_cast %mul3A_111 : i32 to index
    %swap3A_114 = arith.constant 0 : index
    %swap3A_115 = vector.load %arg8[%swap3A_112, %swap3A_113, %swap3A_114] : memref<2x4096x1xi32, #tpu.memory_space<vmem>>, vector<1x1024x1xi32>
    %swap3A_116 = vector.shape_cast %swap3A_115 : vector<1x1024x1xi32> to vector<1024x1xi32>
    %swap3A_117 = vector.shape_cast %broadcast_in_dim3A_109 : vector<1024x1xi32> to vector<1x1024x1xi32>
    tpu.vector_store %arg8[%swap3A_112, %swap3A_113, %swap3A_114], %swap3A_117 {strides = array<i32>} : memref<2x4096x1xi32, #tpu.memory_space<vmem>>, vector<1x1024x1xi32>,
    %mul3A_118 = arith.constant 1024 : i32
    %mul3A_119 = arith.muli %arg0, %mul3A_118 : i32
    %swap3A_120 = arith.constant 1 : index
    %swap3A_121 = arith.index_cast %mul3A_119 : i32 to index
    %swap3A_122 = arith.constant 0 : index
    %swap3A_123 = vector.load %arg9[%swap3A_120, %swap3A_121, %swap3A_122] : memref<2x4096x1xi32, #tpu.memory_space<vmem>>, vector<1x1024x1xi32>
    %swap3A_124 = vector.shape_cast %swap3A_123 : vector<1x1024x1xi32> to vector<1024x1xi32>
    %swap3A_125 = vector.shape_cast %broadcast_in_dim3A_33 : vector<1024x1xi32> to vector<1x1024x1xi32>
    tpu.vector_store %arg9[%swap3A_120, %swap3A_121, %swap3A_122], %swap3A_125 {strides = array<i32>} : memref<2x4096x1xi32, #tpu.memory_space<vmem>>, vector<1x1024x1xi32>,
    %slice3A_126 = vector.extract_strided_slice %convert_element_type3A_96 {offsets = [1023, 0], sizes = [1, 8], strides = [1, 1]} : vector<1024x8xi32> to vector<1x8xi32>
    %add3A_127 = arith.addi %add3A_86, %slice3A_126 : vector<1x8xi32>
    %swap3A_128 = arith.constant 0 : index
    %swap3A_129 = arith.constant 0 : index
    %swap3A_130 = vector.load %arg7[%swap3A_128, %swap3A_129] : memref<1x8xi32, #tpu.memory_space<vmem>>, vector<1x8xi32>
    tpu.vector_store %arg7[%swap3A_128, %swap3A_129], %add3A_127 {strides = array<i32>} : memref<1x8xi32, #tpu.memory_space<vmem>>, vector<1x8xi32>,
    %eq3A_131 = arith.constant 3 : i32
    %eq3A_132 = arith.cmpi eq, %arg0, %eq3A_131 : i32
    %convert_element_type3A_133 = arith.extui %eq3A_132 : i1 to i32
    %cond3A_134 = arith.constant 0 : i32
    %cond3A_135 = arith.cmpi ne, %convert_element_type3A_133, %cond3A_134 : i32
    scf.if %cond3A_135 {
      %add3A_136 = arith.constant 255 : i32
      %add3A_137 = vector.broadcast %add3A_136 : i32 to vector<1x8xi32>
      %add3A_138 = arith.addi %add3A_127, %add3A_137 : vector<1x8xi32>
      %shift_right_logical3A = arith.constant 8 : i32
      %shift_right_logical3A_139 = vector.broadcast %shift_right_logical3A : i32 to vector<1x8xi32>
      %shift_right_logical3A_140 = arith.shrui %add3A_138, %shift_right_logical3A_139 : vector<1x8xi32>
      %iota3A_141 = tpu.iota {dimensions = array<i32: 0>} : vector<8x8xi32>
      %iota3A_142 = tpu.iota {dimensions = array<i32: 1>} : vector<8x8xi32>
      %le3A = arith.cmpi sle, %iota3A_141, %iota3A_142 : vector<8x8xi32>
      %convert_element_type3A_143 = arith.extui %le3A : vector<8x8xi1> to vector<8x8xi32>
      %convert_element_type3A_144 = arith.sitofp %convert_element_type3A_143 : vector<8x8xi32> to vector<8x8xf32>
      %convert_element_type3A_145 = arith.sitofp %shift_right_logical3A_140 : vector<1x8xi32> to vector<1x8xf32>
      %dot_general3A_146 = arith.constant dense<0.000000e+00> : vector<1x8xf32>
      %dot_general3A_147 = tpu.matmul %convert_element_type3A_145, %convert_element_type3A_144, %dot_general3A_146 {dimension_numbers = #tpu.dot_dimension_numbers<[1], [0], [0], [1], [0, 0, 1, 1], [], []>, transpose_lhs_hint = false} : vector<1x8xf32>, vector<8x8xf32>, vector<1x8xf32> -> vector<1x8xf32>
      %add3A_148 = arith.constant 5.000000e-01 : f32
      %add3A_149 = vector.broadcast %add3A_148 : f32 to vector<1x8xf32>
      %add3A_150 = arith.addf %dot_general3A_147, %add3A_149 : vector<1x8xf32>
      %convert_element_type3A_151 = arith.fptosi %add3A_150 : vector<1x8xf32> to vector<1x8xi32>
      %sub3A_152 = arith.subi %convert_element_type3A_151, %shift_right_logical3A_140 : vector<1x8xi32>
      %mul3A_153 = arith.constant 256 : i32
      %mul3A_154 = vector.broadcast %mul3A_153 : i32 to vector<1x8xi32>
      %mul3A_155 = arith.muli %sub3A_152, %mul3A_154 : vector<1x8xi32>
      %get3A_156 = arith.constant 0 : index
      %get3A_157 = arith.constant 0 : index
      %get3A_158 = arith.constant 0 : index
      %get3A_159 = vector.load %arg8[%get3A_156, %get3A_157, %get3A_158] : memref<2x4096x1xi32, #tpu.memory_space<vmem>>, vector<1x4096x1xi32>
      %get3A_160 = vector.shape_cast %get3A_159 : vector<1x4096x1xi32> to vector<4096x1xi32>
      %get3A_161 = arith.constant 0 : index
      %get3A_162 = arith.constant 0 : index
      %get3A_163 = arith.constant 0 : index
      %get3A_164 = vector.load %arg9[%get3A_161, %get3A_162, %get3A_163] : memref<2x4096x1xi32, #tpu.memory_space<vmem>>, vector<1x4096x1xi32>
      %get3A_165 = vector.shape_cast %get3A_164 : vector<1x4096x1xi32> to vector<4096x1xi32>
      %slice3A_166 = vector.extract_strided_slice %mul3A_155 {offsets = [0, 0], sizes = [1, 1], strides = [1, 1]} : vector<1x8xi32> to vector<1x1xi32>
      %eq3A_167 = arith.constant 0 : i32
      %eq3A_168 = vector.broadcast %eq3A_167 : i32 to vector<4096x1xi32>
      %eq3A_169 = arith.cmpi eq, %get3A_165, %eq3A_168 : vector<4096x1xi32>
      %jit3A_170 = arith.constant 0 : i32
      %broadcast_in_dim3A_171 = vector.shape_cast %slice3A_166 : vector<1x1xi32> to vector<1x1xi32>
      %broadcast_in_dim3A_172 = vector.broadcast %broadcast_in_dim3A_171 : vector<1x1xi32> to vector<4096x1xi32>
      %broadcast_in_dim3A_173 = vector.broadcast %jit3A_170 : i32 to vector<4096x1xi32>
      %select_n3A_174 = arith.select %eq3A_169, %broadcast_in_dim3A_172, %broadcast_in_dim3A_173 : vector<4096x1xi1>, vector<4096x1xi32>
      %add3A_175 = arith.addi %get3A_160, %select_n3A_174 : vector<4096x1xi32>
      %slice3A_176 = vector.extract_strided_slice %mul3A_155 {offsets = [0, 1], sizes = [1, 1], strides = [1, 1]} : vector<1x8xi32> to vector<1x1xi32>
      %eq3A_177 = arith.constant 1 : i32
      %eq3A_178 = vector.broadcast %eq3A_177 : i32 to vector<4096x1xi32>
      %eq3A_179 = arith.cmpi eq, %get3A_165, %eq3A_178 : vector<4096x1xi32>
      %jit3A_180 = arith.constant 0 : i32
      %broadcast_in_dim3A_181 = vector.shape_cast %slice3A_176 : vector<1x1xi32> to vector<1x1xi32>
      %broadcast_in_dim3A_182 = vector.broadcast %broadcast_in_dim3A_181 : vector<1x1xi32> to vector<4096x1xi32>
      %broadcast_in_dim3A_183 = vector.broadcast %jit3A_180 : i32 to vector<4096x1xi32>
      %select_n3A_184 = arith.select %eq3A_179, %broadcast_in_dim3A_182, %broadcast_in_dim3A_183 : vector<4096x1xi1>, vector<4096x1xi32>
      %add3A_185 = arith.addi %add3A_175, %select_n3A_184 : vector<4096x1xi32>
      %slice3A_186 = vector.extract_strided_slice %mul3A_155 {offsets = [0, 2], sizes = [1, 1], strides = [1, 1]} : vector<1x8xi32> to vector<1x1xi32>
      %eq3A_187 = arith.constant 2 : i32
      %eq3A_188 = vector.broadcast %eq3A_187 : i32 to vector<4096x1xi32>
      %eq3A_189 = arith.cmpi eq, %get3A_165, %eq3A_188 : vector<4096x1xi32>
      %jit3A_190 = arith.constant 0 : i32
      %broadcast_in_dim3A_191 = vector.shape_cast %slice3A_186 : vector<1x1xi32> to vector<1x1xi32>
      %broadcast_in_dim3A_192 = vector.broadcast %broadcast_in_dim3A_191 : vector<1x1xi32> to vector<4096x1xi32>
      %broadcast_in_dim3A_193 = vector.broadcast %jit3A_190 : i32 to vector<4096x1xi32>
      %select_n3A_194 = arith.select %eq3A_189, %broadcast_in_dim3A_192, %broadcast_in_dim3A_193 : vector<4096x1xi1>, vector<4096x1xi32>
      %add3A_195 = arith.addi %add3A_185, %select_n3A_194 : vector<4096x1xi32>
      %slice3A_196 = vector.extract_strided_slice %mul3A_155 {offsets = [0, 3], sizes = [1, 1], strides = [1, 1]} : vector<1x8xi32> to vector<1x1xi32>
      %eq3A_197 = arith.constant 3 : i32
      %eq3A_198 = vector.broadcast %eq3A_197 : i32 to vector<4096x1xi32>
      %eq3A_199 = arith.cmpi eq, %get3A_165, %eq3A_198 : vector<4096x1xi32>
      %jit3A_200 = arith.constant 0 : i32
      %broadcast_in_dim3A_201 = vector.shape_cast %slice3A_196 : vector<1x1xi32> to vector<1x1xi32>
      %broadcast_in_dim3A_202 = vector.broadcast %broadcast_in_dim3A_201 : vector<1x1xi32> to vector<4096x1xi32>
      %broadcast_in_dim3A_203 = vector.broadcast %jit3A_200 : i32 to vector<4096x1xi32>
      %select_n3A_204 = arith.select %eq3A_199, %broadcast_in_dim3A_202, %broadcast_in_dim3A_203 : vector<4096x1xi1>, vector<4096x1xi32>
      %add3A_205 = arith.addi %add3A_195, %select_n3A_204 : vector<4096x1xi32>
      %slice3A_206 = vector.extract_strided_slice %mul3A_155 {offsets = [0, 4], sizes = [1, 1], strides = [1, 1]} : vector<1x8xi32> to vector<1x1xi32>
      %eq3A_207 = arith.constant 4 : i32
      %eq3A_208 = vector.broadcast %eq3A_207 : i32 to vector<4096x1xi32>
      %eq3A_209 = arith.cmpi eq, %get3A_165, %eq3A_208 : vector<4096x1xi32>
      %jit3A_210 = arith.constant 0 : i32
      %broadcast_in_dim3A_211 = vector.shape_cast %slice3A_206 : vector<1x1xi32> to vector<1x1xi32>
      %broadcast_in_dim3A_212 = vector.broadcast %broadcast_in_dim3A_211 : vector<1x1xi32> to vector<4096x1xi32>
      %broadcast_in_dim3A_213 = vector.broadcast %jit3A_210 : i32 to vector<4096x1xi32>
      %select_n3A_214 = arith.select %eq3A_209, %broadcast_in_dim3A_212, %broadcast_in_dim3A_213 : vector<4096x1xi1>, vector<4096x1xi32>
      %add3A_215 = arith.addi %add3A_205, %select_n3A_214 : vector<4096x1xi32>
      %slice3A_216 = vector.extract_strided_slice %mul3A_155 {offsets = [0, 5], sizes = [1, 1], strides = [1, 1]} : vector<1x8xi32> to vector<1x1xi32>
      %eq3A_217 = arith.constant 5 : i32
      %eq3A_218 = vector.broadcast %eq3A_217 : i32 to vector<4096x1xi32>
      %eq3A_219 = arith.cmpi eq, %get3A_165, %eq3A_218 : vector<4096x1xi32>
      %jit3A_220 = arith.constant 0 : i32
      %broadcast_in_dim3A_221 = vector.shape_cast %slice3A_216 : vector<1x1xi32> to vector<1x1xi32>
      %broadcast_in_dim3A_222 = vector.broadcast %broadcast_in_dim3A_221 : vector<1x1xi32> to vector<4096x1xi32>
      %broadcast_in_dim3A_223 = vector.broadcast %jit3A_220 : i32 to vector<4096x1xi32>
      %select_n3A_224 = arith.select %eq3A_219, %broadcast_in_dim3A_222, %broadcast_in_dim3A_223 : vector<4096x1xi1>, vector<4096x1xi32>
      %add3A_225 = arith.addi %add3A_215, %select_n3A_224 : vector<4096x1xi32>
      %slice3A_226 = vector.extract_strided_slice %mul3A_155 {offsets = [0, 6], sizes = [1, 1], strides = [1, 1]} : vector<1x8xi32> to vector<1x1xi32>
      %eq3A_227 = arith.constant 6 : i32
      %eq3A_228 = vector.broadcast %eq3A_227 : i32 to vector<4096x1xi32>
      %eq3A_229 = arith.cmpi eq, %get3A_165, %eq3A_228 : vector<4096x1xi32>
      %jit3A_230 = arith.constant 0 : i32
      %broadcast_in_dim3A_231 = vector.shape_cast %slice3A_226 : vector<1x1xi32> to vector<1x1xi32>
      %broadcast_in_dim3A_232 = vector.broadcast %broadcast_in_dim3A_231 : vector<1x1xi32> to vector<4096x1xi32>
      %broadcast_in_dim3A_233 = vector.broadcast %jit3A_230 : i32 to vector<4096x1xi32>
      %select_n3A_234 = arith.select %eq3A_229, %broadcast_in_dim3A_232, %broadcast_in_dim3A_233 : vector<4096x1xi1>, vector<4096x1xi32>
      %add3A_235 = arith.addi %add3A_225, %select_n3A_234 : vector<4096x1xi32>
      %slice3A_236 = vector.extract_strided_slice %mul3A_155 {offsets = [0, 7], sizes = [1, 1], strides = [1, 1]} : vector<1x8xi32> to vector<1x1xi32>
      %eq3A_237 = arith.constant 7 : i32
      %eq3A_238 = vector.broadcast %eq3A_237 : i32 to vector<4096x1xi32>
      %eq3A_239 = arith.cmpi eq, %get3A_165, %eq3A_238 : vector<4096x1xi32>
      %jit3A_240 = arith.constant 0 : i32
      %broadcast_in_dim3A_241 = vector.shape_cast %slice3A_236 : vector<1x1xi32> to vector<1x1xi32>
      %broadcast_in_dim3A_242 = vector.broadcast %broadcast_in_dim3A_241 : vector<1x1xi32> to vector<4096x1xi32>
      %broadcast_in_dim3A_243 = vector.broadcast %jit3A_240 : i32 to vector<4096x1xi32>
      %select_n3A_244 = arith.select %eq3A_239, %broadcast_in_dim3A_242, %broadcast_in_dim3A_243 : vector<4096x1xi1>, vector<4096x1xi32>
      %add3A_245 = arith.addi %add3A_235, %select_n3A_244 : vector<4096x1xi32>
      %swap3A_246 = arith.constant 0 : index
      %swap3A_247 = arith.constant 0 : index
      %swap3A_248 = arith.constant 0 : index
      %swap3A_249 = vector.load %arg5[%swap3A_246, %swap3A_247, %swap3A_248] : memref<2x4096x1xi32, #tpu.memory_space<vmem>>, vector<1x4096x1xi32>
      %swap3A_250 = vector.shape_cast %swap3A_249 : vector<1x4096x1xi32> to vector<4096x1xi32>
      %swap3A_251 = vector.shape_cast %add3A_245 : vector<4096x1xi32> to vector<1x4096x1xi32>
      tpu.vector_store %arg5[%swap3A_246, %swap3A_247, %swap3A_248], %swap3A_251 {strides = array<i32>} : memref<2x4096x1xi32, #tpu.memory_space<vmem>>, vector<1x4096x1xi32>,
      %get3A_252 = arith.constant 1 : index
      %get3A_253 = arith.constant 0 : index
      %get3A_254 = arith.constant 0 : index
      %get3A_255 = vector.load %arg8[%get3A_252, %get3A_253, %get3A_254] : memref<2x4096x1xi32, #tpu.memory_space<vmem>>, vector<1x4096x1xi32>
      %get3A_256 = vector.shape_cast %get3A_255 : vector<1x4096x1xi32> to vector<4096x1xi32>
      %get3A_257 = arith.constant 1 : index
      %get3A_258 = arith.constant 0 : index
      %get3A_259 = arith.constant 0 : index
      %get3A_260 = vector.load %arg9[%get3A_257, %get3A_258, %get3A_259] : memref<2x4096x1xi32, #tpu.memory_space<vmem>>, vector<1x4096x1xi32>
      %get3A_261 = vector.shape_cast %get3A_260 : vector<1x4096x1xi32> to vector<4096x1xi32>
      %slice3A_262 = vector.extract_strided_slice %mul3A_155 {offsets = [0, 0], sizes = [1, 1], strides = [1, 1]} : vector<1x8xi32> to vector<1x1xi32>
      %eq3A_263 = arith.constant 0 : i32
      %eq3A_264 = vector.broadcast %eq3A_263 : i32 to vector<4096x1xi32>
      %eq3A_265 = arith.cmpi eq, %get3A_261, %eq3A_264 : vector<4096x1xi32>
      %jit3A_266 = arith.constant 0 : i32
      %broadcast_in_dim3A_267 = vector.shape_cast %slice3A_262 : vector<1x1xi32> to vector<1x1xi32>
      %broadcast_in_dim3A_268 = vector.broadcast %broadcast_in_dim3A_267 : vector<1x1xi32> to vector<4096x1xi32>
      %broadcast_in_dim3A_269 = vector.broadcast %jit3A_266 : i32 to vector<4096x1xi32>
      %select_n3A_270 = arith.select %eq3A_265, %broadcast_in_dim3A_268, %broadcast_in_dim3A_269 : vector<4096x1xi1>, vector<4096x1xi32>
      %add3A_271 = arith.addi %get3A_256, %select_n3A_270 : vector<4096x1xi32>
      %slice3A_272 = vector.extract_strided_slice %mul3A_155 {offsets = [0, 1], sizes = [1, 1], strides = [1, 1]} : vector<1x8xi32> to vector<1x1xi32>
      %eq3A_273 = arith.constant 1 : i32
      %eq3A_274 = vector.broadcast %eq3A_273 : i32 to vector<4096x1xi32>
      %eq3A_275 = arith.cmpi eq, %get3A_261, %eq3A_274 : vector<4096x1xi32>
      %jit3A_276 = arith.constant 0 : i32
      %broadcast_in_dim3A_277 = vector.shape_cast %slice3A_272 : vector<1x1xi32> to vector<1x1xi32>
      %broadcast_in_dim3A_278 = vector.broadcast %broadcast_in_dim3A_277 : vector<1x1xi32> to vector<4096x1xi32>
      %broadcast_in_dim3A_279 = vector.broadcast %jit3A_276 : i32 to vector<4096x1xi32>
      %select_n3A_280 = arith.select %eq3A_275, %broadcast_in_dim3A_278, %broadcast_in_dim3A_279 : vector<4096x1xi1>, vector<4096x1xi32>
      %add3A_281 = arith.addi %add3A_271, %select_n3A_280 : vector<4096x1xi32>
      %slice3A_282 = vector.extract_strided_slice %mul3A_155 {offsets = [0, 2], sizes = [1, 1], strides = [1, 1]} : vector<1x8xi32> to vector<1x1xi32>
      %eq3A_283 = arith.constant 2 : i32
      %eq3A_284 = vector.broadcast %eq3A_283 : i32 to vector<4096x1xi32>
      %eq3A_285 = arith.cmpi eq, %get3A_261, %eq3A_284 : vector<4096x1xi32>
      %jit3A_286 = arith.constant 0 : i32
      %broadcast_in_dim3A_287 = vector.shape_cast %slice3A_282 : vector<1x1xi32> to vector<1x1xi32>
      %broadcast_in_dim3A_288 = vector.broadcast %broadcast_in_dim3A_287 : vector<1x1xi32> to vector<4096x1xi32>
      %broadcast_in_dim3A_289 = vector.broadcast %jit3A_286 : i32 to vector<4096x1xi32>
      %select_n3A_290 = arith.select %eq3A_285, %broadcast_in_dim3A_288, %broadcast_in_dim3A_289 : vector<4096x1xi1>, vector<4096x1xi32>
      %add3A_291 = arith.addi %add3A_281, %select_n3A_290 : vector<4096x1xi32>
      %slice3A_292 = vector.extract_strided_slice %mul3A_155 {offsets = [0, 3], sizes = [1, 1], strides = [1, 1]} : vector<1x8xi32> to vector<1x1xi32>
      %eq3A_293 = arith.constant 3 : i32
      %eq3A_294 = vector.broadcast %eq3A_293 : i32 to vector<4096x1xi32>
      %eq3A_295 = arith.cmpi eq, %get3A_261, %eq3A_294 : vector<4096x1xi32>
      %jit3A_296 = arith.constant 0 : i32
      %broadcast_in_dim3A_297 = vector.shape_cast %slice3A_292 : vector<1x1xi32> to vector<1x1xi32>
      %broadcast_in_dim3A_298 = vector.broadcast %broadcast_in_dim3A_297 : vector<1x1xi32> to vector<4096x1xi32>
      %broadcast_in_dim3A_299 = vector.broadcast %jit3A_296 : i32 to vector<4096x1xi32>
      %select_n3A_300 = arith.select %eq3A_295, %broadcast_in_dim3A_298, %broadcast_in_dim3A_299 : vector<4096x1xi1>, vector<4096x1xi32>
      %add3A_301 = arith.addi %add3A_291, %select_n3A_300 : vector<4096x1xi32>
      %slice3A_302 = vector.extract_strided_slice %mul3A_155 {offsets = [0, 4], sizes = [1, 1], strides = [1, 1]} : vector<1x8xi32> to vector<1x1xi32>
      %eq3A_303 = arith.constant 4 : i32
      %eq3A_304 = vector.broadcast %eq3A_303 : i32 to vector<4096x1xi32>
      %eq3A_305 = arith.cmpi eq, %get3A_261, %eq3A_304 : vector<4096x1xi32>
      %jit3A_306 = arith.constant 0 : i32
      %broadcast_in_dim3A_307 = vector.shape_cast %slice3A_302 : vector<1x1xi32> to vector<1x1xi32>
      %broadcast_in_dim3A_308 = vector.broadcast %broadcast_in_dim3A_307 : vector<1x1xi32> to vector<4096x1xi32>
      %broadcast_in_dim3A_309 = vector.broadcast %jit3A_306 : i32 to vector<4096x1xi32>
      %select_n3A_310 = arith.select %eq3A_305, %broadcast_in_dim3A_308, %broadcast_in_dim3A_309 : vector<4096x1xi1>, vector<4096x1xi32>
      %add3A_311 = arith.addi %add3A_301, %select_n3A_310 : vector<4096x1xi32>
      %slice3A_312 = vector.extract_strided_slice %mul3A_155 {offsets = [0, 5], sizes = [1, 1], strides = [1, 1]} : vector<1x8xi32> to vector<1x1xi32>
      %eq3A_313 = arith.constant 5 : i32
      %eq3A_314 = vector.broadcast %eq3A_313 : i32 to vector<4096x1xi32>
      %eq3A_315 = arith.cmpi eq, %get3A_261, %eq3A_314 : vector<4096x1xi32>
      %jit3A_316 = arith.constant 0 : i32
      %broadcast_in_dim3A_317 = vector.shape_cast %slice3A_312 : vector<1x1xi32> to vector<1x1xi32>
      %broadcast_in_dim3A_318 = vector.broadcast %broadcast_in_dim3A_317 : vector<1x1xi32> to vector<4096x1xi32>
      %broadcast_in_dim3A_319 = vector.broadcast %jit3A_316 : i32 to vector<4096x1xi32>
      %select_n3A_320 = arith.select %eq3A_315, %broadcast_in_dim3A_318, %broadcast_in_dim3A_319 : vector<4096x1xi1>, vector<4096x1xi32>
      %add3A_321 = arith.addi %add3A_311, %select_n3A_320 : vector<4096x1xi32>
      %slice3A_322 = vector.extract_strided_slice %mul3A_155 {offsets = [0, 6], sizes = [1, 1], strides = [1, 1]} : vector<1x8xi32> to vector<1x1xi32>
      %eq3A_323 = arith.constant 6 : i32
      %eq3A_324 = vector.broadcast %eq3A_323 : i32 to vector<4096x1xi32>
      %eq3A_325 = arith.cmpi eq, %get3A_261, %eq3A_324 : vector<4096x1xi32>
      %jit3A_326 = arith.constant 0 : i32
      %broadcast_in_dim3A_327 = vector.shape_cast %slice3A_322 : vector<1x1xi32> to vector<1x1xi32>
      %broadcast_in_dim3A_328 = vector.broadcast %broadcast_in_dim3A_327 : vector<1x1xi32> to vector<4096x1xi32>
      %broadcast_in_dim3A_329 = vector.broadcast %jit3A_326 : i32 to vector<4096x1xi32>
      %select_n3A_330 = arith.select %eq3A_325, %broadcast_in_dim3A_328, %broadcast_in_dim3A_329 : vector<4096x1xi1>, vector<4096x1xi32>
      %add3A_331 = arith.addi %add3A_321, %select_n3A_330 : vector<4096x1xi32>
      %slice3A_332 = vector.extract_strided_slice %mul3A_155 {offsets = [0, 7], sizes = [1, 1], strides = [1, 1]} : vector<1x8xi32> to vector<1x1xi32>
      %eq3A_333 = arith.constant 7 : i32
      %eq3A_334 = vector.broadcast %eq3A_333 : i32 to vector<4096x1xi32>
      %eq3A_335 = arith.cmpi eq, %get3A_261, %eq3A_334 : vector<4096x1xi32>
      %jit3A_336 = arith.constant 0 : i32
      %broadcast_in_dim3A_337 = vector.shape_cast %slice3A_332 : vector<1x1xi32> to vector<1x1xi32>
      %broadcast_in_dim3A_338 = vector.broadcast %broadcast_in_dim3A_337 : vector<1x1xi32> to vector<4096x1xi32>
      %broadcast_in_dim3A_339 = vector.broadcast %jit3A_336 : i32 to vector<4096x1xi32>
      %select_n3A_340 = arith.select %eq3A_335, %broadcast_in_dim3A_338, %broadcast_in_dim3A_339 : vector<4096x1xi1>, vector<4096x1xi32>
      %add3A_341 = arith.addi %add3A_331, %select_n3A_340 : vector<4096x1xi32>
      %swap3A_342 = arith.constant 1 : index
      %swap3A_343 = arith.constant 0 : index
      %swap3A_344 = arith.constant 0 : index
      %swap3A_345 = vector.load %arg5[%swap3A_342, %swap3A_343, %swap3A_344] : memref<2x4096x1xi32, #tpu.memory_space<vmem>>, vector<1x4096x1xi32>
      %swap3A_346 = vector.shape_cast %swap3A_345 : vector<1x4096x1xi32> to vector<4096x1xi32>
      %swap3A_347 = vector.shape_cast %add3A_341 : vector<4096x1xi32> to vector<1x4096x1xi32>
      tpu.vector_store %arg5[%swap3A_342, %swap3A_343, %swap3A_344], %swap3A_347 {strides = array<i32>} : memref<2x4096x1xi32, #tpu.memory_space<vmem>>, vector<1x4096x1xi32>,
      %iota3A_348 = tpu.iota {dimensions = array<i32: 1>} : vector<1x40xi32>
      %broadcast_in_dim3A_349 = arith.constant 0 : i32
      %broadcast_in_dim3A_350 = vector.broadcast %broadcast_in_dim3A_349 : i32 to vector<1x40xi32>
      %slice3A_351 = vector.extract_strided_slice %convert_element_type3A_151 {offsets = [0, 0], sizes = [1, 1], strides = [1, 1]} : vector<1x8xi32> to vector<1x1xi32>
      %ge3A_352 = vector.broadcast %slice3A_351 : vector<1x1xi32> to vector<1x40xi32>
      %ge3A_353 = arith.cmpi sge, %iota3A_348, %ge3A_352 : vector<1x40xi32>
      %jit3A_354 = arith.constant 1 : i32
      %jit3A_355 = arith.constant 0 : i32
      %broadcast_in_dim3A_356 = vector.broadcast %jit3A_354 : i32 to vector<1x40xi32>
      %broadcast_in_dim3A_357 = vector.broadcast %jit3A_355 : i32 to vector<1x40xi32>
      %select_n3A_358 = arith.select %ge3A_353, %broadcast_in_dim3A_356, %broadcast_in_dim3A_357 : vector<1x40xi1>, vector<1x40xi32>
      %add3A_359 = arith.addi %broadcast_in_dim3A_350, %select_n3A_358 : vector<1x40xi32>
      %slice3A_360 = vector.extract_strided_slice %convert_element_type3A_151 {offsets = [0, 1], sizes = [1, 1], strides = [1, 1]} : vector<1x8xi32> to vector<1x1xi32>
      %ge3A_361 = vector.broadcast %slice3A_360 : vector<1x1xi32> to vector<1x40xi32>
      %ge3A_362 = arith.cmpi sge, %iota3A_348, %ge3A_361 : vector<1x40xi32>
      %jit3A_363 = arith.constant 1 : i32
      %jit3A_364 = arith.constant 0 : i32
      %broadcast_in_dim3A_365 = vector.broadcast %jit3A_363 : i32 to vector<1x40xi32>
      %broadcast_in_dim3A_366 = vector.broadcast %jit3A_364 : i32 to vector<1x40xi32>
      %select_n3A_367 = arith.select %ge3A_362, %broadcast_in_dim3A_365, %broadcast_in_dim3A_366 : vector<1x40xi1>, vector<1x40xi32>
      %add3A_368 = arith.addi %add3A_359, %select_n3A_367 : vector<1x40xi32>
      %slice3A_369 = vector.extract_strided_slice %convert_element_type3A_151 {offsets = [0, 2], sizes = [1, 1], strides = [1, 1]} : vector<1x8xi32> to vector<1x1xi32>
      %ge3A_370 = vector.broadcast %slice3A_369 : vector<1x1xi32> to vector<1x40xi32>
      %ge3A_371 = arith.cmpi sge, %iota3A_348, %ge3A_370 : vector<1x40xi32>
      %jit3A_372 = arith.constant 1 : i32
      %jit3A_373 = arith.constant 0 : i32
      %broadcast_in_dim3A_374 = vector.broadcast %jit3A_372 : i32 to vector<1x40xi32>
      %broadcast_in_dim3A_375 = vector.broadcast %jit3A_373 : i32 to vector<1x40xi32>
      %select_n3A_376 = arith.select %ge3A_371, %broadcast_in_dim3A_374, %broadcast_in_dim3A_375 : vector<1x40xi1>, vector<1x40xi32>
      %add3A_377 = arith.addi %add3A_368, %select_n3A_376 : vector<1x40xi32>
      %slice3A_378 = vector.extract_strided_slice %convert_element_type3A_151 {offsets = [0, 3], sizes = [1, 1], strides = [1, 1]} : vector<1x8xi32> to vector<1x1xi32>
      %ge3A_379 = vector.broadcast %slice3A_378 : vector<1x1xi32> to vector<1x40xi32>
      %ge3A_380 = arith.cmpi sge, %iota3A_348, %ge3A_379 : vector<1x40xi32>
      %jit3A_381 = arith.constant 1 : i32
      %jit3A_382 = arith.constant 0 : i32
      %broadcast_in_dim3A_383 = vector.broadcast %jit3A_381 : i32 to vector<1x40xi32>
      %broadcast_in_dim3A_384 = vector.broadcast %jit3A_382 : i32 to vector<1x40xi32>
      %select_n3A_385 = arith.select %ge3A_380, %broadcast_in_dim3A_383, %broadcast_in_dim3A_384 : vector<1x40xi1>, vector<1x40xi32>
      %add3A_386 = arith.addi %add3A_377, %select_n3A_385 : vector<1x40xi32>
      %slice3A_387 = vector.extract_strided_slice %convert_element_type3A_151 {offsets = [0, 4], sizes = [1, 1], strides = [1, 1]} : vector<1x8xi32> to vector<1x1xi32>
      %ge3A_388 = vector.broadcast %slice3A_387 : vector<1x1xi32> to vector<1x40xi32>
      %ge3A_389 = arith.cmpi sge, %iota3A_348, %ge3A_388 : vector<1x40xi32>
      %jit3A_390 = arith.constant 1 : i32
      %jit3A_391 = arith.constant 0 : i32
      %broadcast_in_dim3A_392 = vector.broadcast %jit3A_390 : i32 to vector<1x40xi32>
      %broadcast_in_dim3A_393 = vector.broadcast %jit3A_391 : i32 to vector<1x40xi32>
      %select_n3A_394 = arith.select %ge3A_389, %broadcast_in_dim3A_392, %broadcast_in_dim3A_393 : vector<1x40xi1>, vector<1x40xi32>
      %add3A_395 = arith.addi %add3A_386, %select_n3A_394 : vector<1x40xi32>
      %slice3A_396 = vector.extract_strided_slice %convert_element_type3A_151 {offsets = [0, 5], sizes = [1, 1], strides = [1, 1]} : vector<1x8xi32> to vector<1x1xi32>
      %ge3A_397 = vector.broadcast %slice3A_396 : vector<1x1xi32> to vector<1x40xi32>
      %ge3A_398 = arith.cmpi sge, %iota3A_348, %ge3A_397 : vector<1x40xi32>
      %jit3A_399 = arith.constant 1 : i32
      %jit3A_400 = arith.constant 0 : i32
      %broadcast_in_dim3A_401 = vector.broadcast %jit3A_399 : i32 to vector<1x40xi32>
      %broadcast_in_dim3A_402 = vector.broadcast %jit3A_400 : i32 to vector<1x40xi32>
      %select_n3A_403 = arith.select %ge3A_398, %broadcast_in_dim3A_401, %broadcast_in_dim3A_402 : vector<1x40xi1>, vector<1x40xi32>
      %add3A_404 = arith.addi %add3A_395, %select_n3A_403 : vector<1x40xi32>
      %slice3A_405 = vector.extract_strided_slice %convert_element_type3A_151 {offsets = [0, 6], sizes = [1, 1], strides = [1, 1]} : vector<1x8xi32> to vector<1x1xi32>
      %ge3A_406 = vector.broadcast %slice3A_405 : vector<1x1xi32> to vector<1x40xi32>
      %ge3A_407 = arith.cmpi sge, %iota3A_348, %ge3A_406 : vector<1x40xi32>
      %jit3A_408 = arith.constant 1 : i32
      %jit3A_409 = arith.constant 0 : i32
      %broadcast_in_dim3A_410 = vector.broadcast %jit3A_408 : i32 to vector<1x40xi32>
      %broadcast_in_dim3A_411 = vector.broadcast %jit3A_409 : i32 to vector<1x40xi32>
      %select_n3A_412 = arith.select %ge3A_407, %broadcast_in_dim3A_410, %broadcast_in_dim3A_411 : vector<1x40xi1>, vector<1x40xi32>
      %add3A_413 = arith.addi %add3A_404, %select_n3A_412 : vector<1x40xi32>
      %slice3A_414 = vector.extract_strided_slice %convert_element_type3A_151 {offsets = [0, 7], sizes = [1, 1], strides = [1, 1]} : vector<1x8xi32> to vector<1x1xi32>
      %ge3A_415 = vector.broadcast %slice3A_414 : vector<1x1xi32> to vector<1x40xi32>
      %ge3A_416 = arith.cmpi sge, %iota3A_348, %ge3A_415 : vector<1x40xi32>
      %jit3A_417 = arith.constant 1 : i32
      %jit3A_418 = arith.constant 0 : i32
      %broadcast_in_dim3A_419 = vector.broadcast %jit3A_417 : i32 to vector<1x40xi32>
      %broadcast_in_dim3A_420 = vector.broadcast %jit3A_418 : i32 to vector<1x40xi32>
      %select_n3A_421 = arith.select %ge3A_416, %broadcast_in_dim3A_419, %broadcast_in_dim3A_420 : vector<1x40xi1>, vector<1x40xi32>
      %add3A_422 = arith.addi %add3A_413, %select_n3A_421 : vector<1x40xi32>
      %jit3A_423 = arith.constant 0 : i32
      %jit3A_424 = arith.constant 7 : i32
      %max3A = vector.broadcast %jit3A_423 : i32 to vector<1x40xi32>
      %max3A_425 = arith.maxsi %max3A, %add3A_422 : vector<1x40xi32>
      %min3A = vector.broadcast %jit3A_424 : i32 to vector<1x40xi32>
      %min3A_426 = arith.minsi %min3A, %max3A_425 : vector<1x40xi32>
      %swap3A_427 = arith.constant 0 : index
      %swap3A_428 = arith.constant 0 : index
      %swap3A_429 = vector.load %arg6[%swap3A_427, %swap3A_428] : memref<1x40xi32, #tpu.memory_space<vmem>>, vector<1x40xi32>
      tpu.vector_store %arg6[%swap3A_427, %swap3A_428], %min3A_426 {strides = array<i32>} : memref<1x40xi32, #tpu.memory_space<vmem>>, vector<1x40xi32>,
    } else {
    }
    return
  }
  func.func @transform_0(%arg0: i32) -> (i32, i32) {
    %c0_i32 = arith.constant 0 : i32
    %c0_i32_0 = arith.constant 0 : i32
    return %arg0, %c0_i32 : i32, i32
  }
  func.func @transform_1(%arg0: i32) -> (i32, i32) {
    %c0_i32 = arith.constant 0 : i32
    %c0_i32_0 = arith.constant 0 : i32
    %c0_i32_1 = arith.constant 0 : i32
    return %c0_i32, %c0_i32_0 : i32, i32
  }
  func.func @transform_2(%arg0: i32) -> (i32, i32) {
    %c0_i32 = arith.constant 0 : i32
    %c0_i32_0 = arith.constant 0 : i32
    %c0_i32_1 = arith.constant 0 : i32
    return %c0_i32, %c0_i32_0 : i32, i32
  }
  func.func @transform_3(%arg0: i32) -> (i32, i32) {
    %c0_i32 = arith.constant 0 : i32
    %c0_i32_0 = arith.constant 0 : i32
    return %arg0, %c0_i32 : i32, i32
  }
  func.func @transform_4(%arg0: i32) -> (i32, i32, i32) {
    %c0_i32 = arith.constant 0 : i32
    %c0_i32_0 = arith.constant 0 : i32
    %c0_i32_1 = arith.constant 0 : i32
    %c0_i32_2 = arith.constant 0 : i32
    return %c0_i32, %c0_i32_0, %c0_i32_1 : i32, i32, i32
  }
  func.func @transform_5(%arg0: i32) -> (i32, i32) {
    %c0_i32 = arith.constant 0 : i32
    %c0_i32_0 = arith.constant 0 : i32
    %c0_i32_1 = arith.constant 0 : i32
    return %c0_i32, %c0_i32_0 : i32, i32
  }
}

module attributes {stable_mosaic.version = 14 : i64} {
  func.func @_mlp_body(%arg0: i32, %arg1: memref<40xi32, #tpu.memory_space<smem>>, %arg2: memref<256x2304xf32, #tpu.memory_space<vmem>>, %arg3: memref<1x2304x1024xf32, #tpu.memory_space<vmem>>, %arg4: memref<1x1x1024xf32, #tpu.memory_space<vmem>>, %arg5: memref<1x1024x512xf32, #tpu.memory_space<vmem>>, %arg6: memref<1x1x512xf32, #tpu.memory_space<vmem>>, %arg7: memref<256x512xf32, #tpu.memory_space<vmem>>) attributes {dimension_semantics = [#tpu.dimension_semantics<arbitrary>], iteration_bounds = array<i64: 40>, scalar_prefetch = 1 : i64, scratch_operands = 0 : i64, tpu.core_type = #tpu.core_type<tc>, window_params = [{transform_indices = @transform_0, window_bounds = array<i64: 256, 2304>}, {transform_indices = @transform_1, window_bounds = array<i64: 1, 2304, 1024>}, {transform_indices = @transform_2, window_bounds = array<i64: 1, 1, 1024>}, {transform_indices = @transform_3, window_bounds = array<i64: 1, 1024, 512>}, {transform_indices = @transform_4, window_bounds = array<i64: 1, 1, 512>}, {transform_indices = @transform_5, window_bounds = array<i64: 256, 512>}]} {
    %get3A = arith.constant 0 : index
    %get3A_0 = arith.constant 0 : index
    %get3A_1 = vector.load %arg2[%get3A, %get3A_0] : memref<256x2304xf32, #tpu.memory_space<vmem>>, vector<256x2304xf32>
    %get3A_2 = arith.constant 0 : index
    %get3A_3 = arith.constant 0 : index
    %get3A_4 = arith.constant 0 : index
    %get3A_5 = vector.load %arg3[%get3A_2, %get3A_3, %get3A_4] : memref<1x2304x1024xf32, #tpu.memory_space<vmem>>, vector<1x2304x1024xf32>
    %get3A_6 = vector.shape_cast %get3A_5 : vector<1x2304x1024xf32> to vector<2304x1024xf32>
    %dot_general3A = arith.constant dense<0.000000e+00> : vector<256x1024xf32>
    %dot_general3A_7 = tpu.matmul %get3A_1, %get3A_6, %dot_general3A {dimension_numbers = #tpu.dot_dimension_numbers<[1], [0], [0], [1], [0, 0, 1, 1], [], []>, transpose_lhs_hint = false} : vector<256x2304xf32>, vector<2304x1024xf32>, vector<256x1024xf32> -> vector<256x1024xf32>
    %get3A_8 = arith.constant 0 : index
    %get3A_9 = arith.constant 0 : index
    %get3A_10 = arith.constant 0 : index
    %get3A_11 = vector.load %arg4[%get3A_8, %get3A_9, %get3A_10] : memref<1x1x1024xf32, #tpu.memory_space<vmem>>, vector<1x1x1024xf32>
    %get3A_12 = vector.shape_cast %get3A_11 : vector<1x1x1024xf32> to vector<1x1024xf32>
    %add3A = vector.broadcast %get3A_12 : vector<1x1024xf32> to vector<256x1024xf32>
    %add3A_13 = arith.addf %dot_general3A_7, %add3A : vector<256x1024xf32>
    %max3A = arith.constant 0.000000e+00 : f32
    %max3A_14 = vector.broadcast %max3A : f32 to vector<256x1024xf32>
    %max3A_15 = arith.maximumf %add3A_13, %max3A_14 : vector<256x1024xf32>
    %get3A_16 = arith.constant 0 : index
    %get3A_17 = arith.constant 0 : index
    %get3A_18 = arith.constant 0 : index
    %get3A_19 = vector.load %arg5[%get3A_16, %get3A_17, %get3A_18] : memref<1x1024x512xf32, #tpu.memory_space<vmem>>, vector<1x1024x512xf32>
    %get3A_20 = vector.shape_cast %get3A_19 : vector<1x1024x512xf32> to vector<1024x512xf32>
    %dot_general3A_21 = arith.constant dense<0.000000e+00> : vector<256x512xf32>
    %dot_general3A_22 = tpu.matmul %max3A_15, %get3A_20, %dot_general3A_21 {dimension_numbers = #tpu.dot_dimension_numbers<[1], [0], [0], [1], [0, 0, 1, 1], [], []>, transpose_lhs_hint = false} : vector<256x1024xf32>, vector<1024x512xf32>, vector<256x512xf32> -> vector<256x512xf32>
    %get3A_23 = arith.constant 0 : index
    %get3A_24 = arith.constant 0 : index
    %get3A_25 = arith.constant 0 : index
    %get3A_26 = vector.load %arg6[%get3A_23, %get3A_24, %get3A_25] : memref<1x1x512xf32, #tpu.memory_space<vmem>>, vector<1x1x512xf32>
    %get3A_27 = vector.shape_cast %get3A_26 : vector<1x1x512xf32> to vector<1x512xf32>
    %add3A_28 = vector.broadcast %get3A_27 : vector<1x512xf32> to vector<256x512xf32>
    %add3A_29 = arith.addf %dot_general3A_22, %add3A_28 : vector<256x512xf32>
    %swap3A = arith.constant 0 : index
    %swap3A_30 = arith.constant 0 : index
    %swap3A_31 = vector.load %arg7[%swap3A, %swap3A_30] : memref<256x512xf32, #tpu.memory_space<vmem>>, vector<256x512xf32>
    tpu.vector_store %arg7[%swap3A, %swap3A_30], %add3A_29 {strides = array<i32>} : memref<256x512xf32, #tpu.memory_space<vmem>>, vector<256x512xf32>,
    return
  }
  func.func @transform_0(%arg0: i32, %arg1: memref<40xi32, #tpu.memory_space<smem>>) -> (i32, i32) {
    %c0_i32 = arith.constant 0 : i32
    %c0_i32_0 = arith.constant 0 : i32
    return %arg0, %c0_i32 : i32, i32
  }
  func.func @transform_1(%arg0: i32, %arg1: memref<40xi32, #tpu.memory_space<smem>>) -> (i32, i32, i32) {
    %get3A = arith.index_cast %arg0 : i32 to index
    %get3A_0 = memref.load %arg1[%get3A] : memref<40xi32, #tpu.memory_space<smem>>
    %c0_i32 = arith.constant 0 : i32
    %c0_i32_1 = arith.constant 0 : i32
    %c0_i32_2 = arith.constant 0 : i32
    return %get3A_0, %c0_i32, %c0_i32_1 : i32, i32, i32
  }
  func.func @transform_2(%arg0: i32, %arg1: memref<40xi32, #tpu.memory_space<smem>>) -> (i32, i32, i32) {
    %get3A = arith.index_cast %arg0 : i32 to index
    %get3A_0 = memref.load %arg1[%get3A] : memref<40xi32, #tpu.memory_space<smem>>
    %c0_i32 = arith.constant 0 : i32
    %c0_i32_1 = arith.constant 0 : i32
    %c0_i32_2 = arith.constant 0 : i32
    return %get3A_0, %c0_i32, %c0_i32_1 : i32, i32, i32
  }
  func.func @transform_3(%arg0: i32, %arg1: memref<40xi32, #tpu.memory_space<smem>>) -> (i32, i32, i32) {
    %get3A = arith.index_cast %arg0 : i32 to index
    %get3A_0 = memref.load %arg1[%get3A] : memref<40xi32, #tpu.memory_space<smem>>
    %c0_i32 = arith.constant 0 : i32
    %c0_i32_1 = arith.constant 0 : i32
    %c0_i32_2 = arith.constant 0 : i32
    return %get3A_0, %c0_i32, %c0_i32_1 : i32, i32, i32
  }
  func.func @transform_4(%arg0: i32, %arg1: memref<40xi32, #tpu.memory_space<smem>>) -> (i32, i32, i32) {
    %get3A = arith.index_cast %arg0 : i32 to index
    %get3A_0 = memref.load %arg1[%get3A] : memref<40xi32, #tpu.memory_space<smem>>
    %c0_i32 = arith.constant 0 : i32
    %c0_i32_1 = arith.constant 0 : i32
    %c0_i32_2 = arith.constant 0 : i32
    return %get3A_0, %c0_i32, %c0_i32_1 : i32, i32, i32
  }
  func.func @transform_5(%arg0: i32, %arg1: memref<40xi32, #tpu.memory_space<smem>>) -> (i32, i32) {
    %c0_i32 = arith.constant 0 : i32
    %c0_i32_0 = arith.constant 0 : i32
    return %arg0, %c0_i32 : i32, i32
  }
}

module attributes {stable_mosaic.version = 14 : i64} {
  func.func @_final_body(%arg0: i32, %arg1: memref<1024x512xf32, #tpu.memory_space<vmem>>, %arg2: memref<1024x512xf32, #tpu.memory_space<vmem>>, %arg3: memref<1024x2xf32, #tpu.memory_space<vmem>>, %arg4: memref<1024x512xf32, #tpu.memory_space<vmem>>) attributes {dimension_semantics = [#tpu.dimension_semantics<arbitrary>], iteration_bounds = array<i64: 4>, scalar_prefetch = 0 : i64, scratch_operands = 0 : i64, tpu.core_type = #tpu.core_type<tc>, window_params = [{transform_indices = @transform_0, window_bounds = array<i64: 1024, 512>}, {transform_indices = @transform_1, window_bounds = array<i64: 1024, 512>}, {transform_indices = @transform_2, window_bounds = array<i64: 1024, 2>}, {transform_indices = @transform_3, window_bounds = array<i64: 1024, 512>}]} {
    %get3A = arith.constant 0 : index
    %get3A_0 = arith.constant 0 : index
    %get3A_1 = vector.load %arg3[%get3A, %get3A_0] : memref<1024x2xf32, #tpu.memory_space<vmem>>, vector<1024x2xf32>
    %slice3A = vector.extract_strided_slice %get3A_1 {offsets = [0, 0], sizes = [1024, 1], strides = [1, 1]} : vector<1024x2xf32> to vector<1024x1xf32>
    %get3A_2 = arith.constant 0 : index
    %get3A_3 = arith.constant 0 : index
    %get3A_4 = vector.load %arg1[%get3A_2, %get3A_3] : memref<1024x512xf32, #tpu.memory_space<vmem>>, vector<1024x512xf32>
    %mul3A = vector.broadcast %slice3A : vector<1024x1xf32> to vector<1024x512xf32>
    %mul3A_5 = arith.mulf %mul3A, %get3A_4 : vector<1024x512xf32>
    %slice3A_6 = vector.extract_strided_slice %get3A_1 {offsets = [0, 1], sizes = [1024, 1], strides = [1, 1]} : vector<1024x2xf32> to vector<1024x1xf32>
    %get3A_7 = arith.constant 0 : index
    %get3A_8 = arith.constant 0 : index
    %get3A_9 = vector.load %arg2[%get3A_7, %get3A_8] : memref<1024x512xf32, #tpu.memory_space<vmem>>, vector<1024x512xf32>
    %mul3A_10 = vector.broadcast %slice3A_6 : vector<1024x1xf32> to vector<1024x512xf32>
    %mul3A_11 = arith.mulf %mul3A_10, %get3A_9 : vector<1024x512xf32>
    %add3A = arith.addf %mul3A_5, %mul3A_11 : vector<1024x512xf32>
    %swap3A = arith.constant 0 : index
    %swap3A_12 = arith.constant 0 : index
    %swap3A_13 = vector.load %arg4[%swap3A, %swap3A_12] : memref<1024x512xf32, #tpu.memory_space<vmem>>, vector<1024x512xf32>
    tpu.vector_store %arg4[%swap3A, %swap3A_12], %add3A {strides = array<i32>} : memref<1024x512xf32, #tpu.memory_space<vmem>>, vector<1024x512xf32>,
    return
  }
  func.func @transform_0(%arg0: i32) -> (i32, i32) {
    %c0_i32 = arith.constant 0 : i32
    %c0_i32_0 = arith.constant 0 : i32
    return %arg0, %c0_i32 : i32, i32
  }
  func.func @transform_1(%arg0: i32) -> (i32, i32) {
    %add3A = arith.constant 4 : i32
    %add3A_0 = arith.addi %arg0, %add3A : i32
    %c0_i32 = arith.constant 0 : i32
    %c0_i32_1 = arith.constant 0 : i32
    return %add3A_0, %c0_i32 : i32, i32
  }
  func.func @transform_2(%arg0: i32) -> (i32, i32) {
    %c0_i32 = arith.constant 0 : i32
    %c0_i32_0 = arith.constant 0 : i32
    return %arg0, %c0_i32 : i32, i32
  }
  func.func @transform_3(%arg0: i32) -> (i32, i32) {
    %c0_i32 = arith.constant 0 : i32
    %c0_i32_0 = arith.constant 0 : i32
    return %arg0, %c0_i32 : i32, i32
  }
}

</mosaic_0001>

<sc_bundles>
// kernel: kernel.10.cloned.1.call-start
scs
__scs_entry_jumppad:
0x0: {  	(pc) =	sbr.rel $0x88, $3  }
0x1: {  	(tag) =	ssettag $0x0;
	lr =	simm.s32 $0x1  }
0x2: {  	[smem:$0x3F99] =	sst lr;
	_ =	strace $0xD0000000  }
0x3: {  	_ = 	snop  }
0x4: {  	_ = 	snop  }
0x5: {  	_ = 	snop  }
0x6: {  	_ = 	snop  }
0x7: {  	_ = 	snop  }
__scs_overlays_trampoline_lowered:
0x8: {  	[smem:$0x3FA8] =	sst s0  }
0x9: {  	[smem:$0x3FA9] =	sst s1  }
0xa: {  	[smem:$0x3FAA] =	sst s2  }
0xb: {  	[smem:$0x3FAB] =	sst s3  }
0xc: {  	[smem:$0x3FAC] =	sst s4  }
0xd: {  	[smem:$0x3FAD] =	sst s5  }
0xe: {  	[smem:$0x3FAE] =	sst s6  }
0xf: {  	[smem:$0x3FAF] =	sst s7  }
0x10: {  	[smem:$0x3FB0] =	sst s8  }
0x11: {  	[smem:$0x3FB1] =	sst s9;
	s0 =	simm.s32 @!p0 $0x0  }
0x12: {  	s1 =	sld [smem:$0x3F97];
	s0 =	simm.s32 @p0 $0x1  }
0x13: {  	[smem:$0x3FB2] =	sst s0;
	s0 =	simm.s32 @!p1 $0x0  }
0x14: {  	s2 =	sld [smem:$0x3F96];
	s0 =	simm.s32 @p1 $0x1  }
0x15: {  	[smem:$0x3FB3] =	sst s0;
	s0 =	simm.s32 @!p2 $0x0  }
0x16: {  	s3 =	sld [smem:$0x3FDB];
	s0 =	simm.s32 @p2 $0x1  }
0x17: {  	s4 =	simm.s32 $0x1BF5;
	[smem:$0x3FB5] =	sst s0  }
0x18: {  	s0 =	sld [smem:$0x3F98];
	_ =	swait.ge [sflag:s4], $0x0  }
0x19: {  	s7 =	sld [smem:$0x3F99]  }
0x1a: {  	s8 =	sadd.s32 $0xFFFFE003, lr  }
0x1b: {  	s9 =	sadd.s32 $0xFFFFFEF7, lr;
	s5 =	simm.s32 $0xFFFFFFFF;
	p2 =	slt.u32 s8, $0xFFFFF086  }
0x1c: {  	p1 =	slt.u32 s9, $0xF7A;
	s5 =	simm.s32 @!p2 $0x0  }
0x1d: {  	s5 =	simm.s32 @p1 $0x1;
	p0 =	seq.s32 s7, s2  }
0x1e: {  	s7 =	smul.u32 @!p0 $0xF7A, s2;
	p2 =	seq.s32 @!p0 s5, $0x0  }
0x1f: {  	s9 =	smul.u32 $0xF7A, s1;
	s8 =	simm.s32 @!p0 $0x1BF5;
	p2 =	por !p2, p0  }
0x20: {  	[sflag:s8] =	ssyncset.s32 @!p0 $0xFFFFF086;
	s6 =	sadd.s32 @!p0 s3, s7;
	s7 =	simm.s32 @!p0 $0x108  }
0x21: {  	s3 =	sadd.s32 s3, s9;
	s6 =	sadd.s32 @!p0 $0x88, s6;
	s7 =	simm.s32 @p2 $0x1082  }
0x22: {  	[simem:s7], [sflag:s8] =	dma.local @!p0 [hbm:s6], $0xF7A  }
0x23: {  	s9 =	sor.u32 $0xD0000000, s2;
	s6 =	simm.s32 $0x108;
	_ =	swait.ge @!p0 [sflag:s8], $0x0  }
0x24: {  	s3 =	sadd.s32 $0x88, s3;
	s6 =	simm.s32 @!p1 $0x1082;
	[sflag:s4] =	ssyncset.s32 $0xFFFFF086  }
0x25: {  	[simem:s6], [sflag:s4] =	dma.local [hbm:s3], $0xF7A  }
0x26: {  	[smem:$0x3F99] =	sst s1;
	(tag) =	ssettag s2;
	_ =	strace s9  }
0x27: {  	s1 =	sld [smem:$0x3FA9]  }
0x28: {  	s2 =	sld [smem:$0x3FAA]  }
0x29: {  	s4 =	sld [smem:$0x3FAC]  }
0x2a: {  	p0 =	seq.s32 s5, $0x0;
	s5 =	sld [smem:$0x3FAD]  }
0x2b: {  	s6 =	sld [smem:$0x3FAE]  }
0x2c: {  	s7 =	sld [smem:$0x3FAF]  }
0x2d: {  	s3 =	simm.s32 $0x108;
	s8 =	sld [smem:$0x3FB0]  }
0x2e: {  	s3 =	simm.s32 @!p0 $0x1082;
	s9 =	sld [smem:$0x3FB1]  }
0x2f: {  	lr =	sadd.s32 s0, s3;
	s0 =	sld [smem:$0x3FA8]  }
0x30: {  	s3 =	sld [smem:$0x3FAB]  }
0x31: {  	[smem:$0x3FB4] =	sst s10  }
0x32: {  	s10 =	sld [smem:$0x3FB2];
	_ =	sdelay $0x3  }
0x33: {  	p0 =	seq.s32 s10, $0x1;
	s10 =	sld [smem:$0x3FB4];
	_ =	sdelay $0x3  }
0x34: {  	[smem:$0x3FB4] =	sst s10  }
0x35: {  	s10 =	sld [smem:$0x3FB3];
	_ =	sdelay $0x3  }
0x36: {  	p1 =	seq.s32 s10, $0x1;
	s10 =	sld [smem:$0x3FB4];
	_ =	sdelay $0x3  }
0x37: {  	[smem:$0x3FB4] =	sst s10  }
0x38: {  	s10 =	sld [smem:$0x3FB5]  }
0x39: {  	_ = 	snop;
	(pc) =	sbr.ind lr, $3  }
0x3a: {  	_ = 	snop  }
0x3b: {  	_ = 	snop  }
0x3c: {  	p2 =	seq.s32 s10, $0x1;
	s10 =	sld [smem:$0x3FB4]  }
0x3d: {  	_ =	shalt  }
0x3e: {  	_ =	shalt  }
0x3f: {  	_ =	shalt  }
0x40: {  	_ =	shalt  }
0x41: {  	_ =	shalt  }
0x42: {  	_ =	shalt  }
0x43: {  	_ =	shalt  }
0x44: {  	_ =	shalt  }
0x45: {  	_ =	shalt  }
0x46: {  	_ =	shalt  }
0x47: {  	_ =	shalt  }
0x48: {  	_ =	shalt  }
0x49: {  	_ =	shalt  }
0x4a: {  	_ =	shalt  }
0x4b: {  	_ =	shalt  }
0x4c: {  	_ =	shalt  }
0x4d: {  	_ =	shalt  }
0x4e: {  	_ =	shalt  }
0x4f: {  	_ =	shalt  }
0x50: {  	_ =	shalt  }
0x51: {  	_ =	shalt  }
0x52: {  	_ =	shalt  }
0x53: {  	_ =	shalt  }
0x54: {  	_ =	shalt  }
0x55: {  	_ =	shalt  }
0x56: {  	_ =	shalt  }
0x57: {  	_ =	shalt  }
0x58: {  	_ =	shalt  }
0x59: {  	_ =	shalt  }
0x5a: {  	_ =	shalt  }
0x5b: {  	_ =	shalt  }
0x5c: {  	_ =	shalt  }
0x5d: {  	_ =	shalt  }
0x5e: {  	_ =	shalt  }
0x5f: {  	_ =	shalt  }
0x60: {  	_ =	shalt  }
0x61: {  	_ =	shalt  }
0x62: {  	_ =	shalt  }
0x63: {  	_ =	shalt  }
0x64: {  	_ =	shalt  }
0x65: {  	_ =	shalt  }
0x66: {  	_ =	shalt  }
0x67: {  	_ =	shalt  }
0x68: {  	_ =	shalt  }
0x69: {  	_ =	shalt  }
0x6a: {  	_ =	shalt  }
0x6b: {  	_ =	shalt  }
0x6c: {  	_ =	shalt  }
0x6d: {  	_ =	shalt  }
0x6e: {  	_ =	shalt  }
0x6f: {  	_ =	shalt  }
0x70: {  	_ =	shalt  }
0x71: {  	_ =	shalt  }
0x72: {  	_ =	shalt  }
0x73: {  	_ =	shalt  }
0x74: {  	_ =	shalt  }
0x75: {  	_ =	shalt  }
0x76: {  	_ =	shalt  }
0x77: {  	_ =	shalt  }
0x78: {  	_ =	shalt  }
0x79: {  	_ =	shalt  }
0x7a: {  	_ =	shalt  }
0x7b: {  	_ =	shalt  }
0x7c: {  	_ =	shalt  }
0x7d: {  	_ =	shalt  }
0x7e: {  	_ =	shalt  }
0x7f: {  	_ =	shalt  }
0x80: {  	_ =	shalt  }
0x81: {  	_ =	shalt  }
0x82: {  	_ =	shalt  }
0x83: {  	_ =	shalt  }
0x84: {  	_ =	shalt  }
0x85: {  	_ =	shalt  }
0x86: {  	_ =	shalt  }
0x87: {  	_ =	shalt  }
.Lfunc_end0:
.L_simem_size_0:
called_computation.1_lowered:
.L_overlay_start_0:
0x88: {  	s2 =	sld [smem:$0x3FD9]  }
0x89: {  	s3 =	sld [smem:$0x3FFE];
	_ =	sdelay $0x1  }
0x8a: {  	s1 =	srdreg.scid  }
0x8b: {  	s0 =	sand.u32 $0x1, s1  }
0x8c: {  	s16 =	sshll.u32 s0, $0xA;
	s2 =	sadd.s32 s3, s2  }
0x8d: {  	s2 =	sadd.s32 s2, s16  }
0x8e: {  	[smem:$0x3FC0] =	sst s2  }
0x8f: {  	_ = 	snop  }
0x90: {  	(tm) =	ssettm $0x1  }
0x91: {  	s17 =	sld [smem:$0x3FFB];
	_ =	sdelay $0x3  }
0x92: {  	_ =	strace s17  }
0x93: {  	s2 =	sld [smem:$0x3FFC];
	_ =	sdelay $0x3  }
0x94: {  	_ =	strace s2  }
0x95: {  	s2 =	sld [smem:$0x3FFD];
	_ =	sdelay $0x3  }
0x96: {  	_ =	strace s2  }
0x97: {  	_ =	strace $0x8FFFFFFF  }
0x98: {  	s18 =	sld [smem:$0x3FDB];
	_ =	sdelay $0x1  }
0x99: {  	s19 =	simm.s32 $_scs_section_size  }
0x9a: {  	s4 =	simm.s32 $_size__tile_overlayer_lowered;
	s5 =	simm.s32 $_tile_overlayer_lowered  }
0x9b: {  	s22 =	simm.s32 $0x1BFF;
	s21 =	sshll.u32 s5, $0x1;
	s2 =	sadd.s32 s19, s18  }
0x9c: {  	s6 =	simm.s32 $0x0;
	s20 =	sshll.u32 s4, $0x1;
	s4 =	sadd.s32 s21, s2  }
0x9d: {  	[timem:s6], [sflag:s22] =	dma.local [hbm:s4], s20  }
0x9e: {  	_ =	swait.ge [sflag:s22], s20  }
0x9f: {  	s3 =	ssub.s32 $0x0, s20;
	[sflag:s22] =	ssyncset.done $0x0  }
0xa0: {  	[sflag:s22] =	ssyncadd.s32 s3;
	_ =	sdelay $0x1  }
0xa1: {  	s23 =	simm.s32 $0x1B8B  }
0xa2: {  	_ =	swait.ge [sflag:s23], $0x1  }
0xa3: {  	[sflag:s23] =	ssyncset.done $0x0  }
0xa4: {  	s25 =	simm.s32 $0x1B8E;
	s24 =	sld [smem:$0x3FFE];
	[sflag:s23] =	ssyncadd.s32 $0xFFFFFFFF  }
0xa5: {  	s26 =	simm.s32 $execute0_lowered;
	[smem:$0x3FD2] =	sst s25  }
0xa6: {  	s4 =	sshll.u32 s26, $0x1;
	_ =	strace $0x80000049;
	[dreg:$0x1] =	wrdreg $0xFFFFFFFF  }
0xa7: {  	s28 =	simm.s32 $_size_execute0_lowered;
	s2 =	sadd.s32 s2, s4;
	[dreg:$0x0] =	wrdreg $0x0  }
0xa8: {  	s4 =	sshll.u32 s28, $0x1;
	[dreg:$0x2] =	wrdreg s2  }
0xa9: {  	[dreg:$0x3] =	wrdreg s4  }
0xaa: {  	[dreg:$0x4] =	wrdreg $0xC0  }
0xab: {  	_ =	task [dreg:s6], $0x5FFFF  }
0xac: {  	[dreg:$0x1] =	wrdreg $0xFFFFFFFF  }
0xad: {  	[dreg:$0x0] =	wrdreg $0x60  }
0xae: {  	[dreg:$0x2] =	wrdreg s24  }
0xaf: {  	[dreg:$0x3] =	wrdreg $0x9  }
0xb0: {  	_ =	task.clear_ibuf [dreg:s6], $0x4FFFF;
	_ =	strace $0x90000049  }
0xb1: {  	s29 =	simm.s32 $0x9;
	_ =	strace $0x8000004B  }
0xb2: {  	_ =	swait.ge [sflag:s29], $0x1  }
0xb3: {  	[sflag:s29] =	ssyncadd.s32 $0xFFFFFFFF  }
0xb4: {  	_ =	strace $0x9000004B  }
0xb5: {  	_ =	sfence  }
0xb6: {  	s30 =	sld [smem:$0x0];
	_ =	sdelay $0x2  }
0xb7: {  	s31 =	sshll.u32 s1, $0xD;
	s1 =	sshrl.u32 s1, $0x2  }
0xb8: {  	s3 =	sand.u32 $0x4000, s31;
	s1 =	sadd.s32 s1, s30  }
0xb9: {  	s0 =	sor.u32 s3, s0;
	s1 =	sshll.u32 s1, $0x11  }
0xba: {  	s0 =	sor.u32 s1, s0  }
0xbb: {  	s0 =	sadd.s32 $0x8F2B, s0  }
0xbc: {  	[sflag:s0] =	ssyncadd.remote.s32 $0x1  }
0xbd: {  	_ =	sfence.sel $0xFFFF  }
0xbe: {  	[dreg:$0x0] =	wrdreg $0xFFFFFFFF;
	(pc) =	sbr.abs _section_cstart, $3  }
0xbf: {  	[dreg:$0x1] =	wrdreg $0xFFFFFFFF  }
0xc0: {  	_ =	task.clear_ibuf [dreg:s6], $0x2FFFF;
	_ =	strace $0x9FFFFFFF  }
0xc1: {  	(tm) =	ssettm $0x7FFFFFFF  }
tec
execute0_lowered:
.L_overlay_start_1:
0x0: {  	(tag) =	ssettag $0x1  }
0x1: {  	s0 =	rddreg [dreg:$0x0];
	s2 =	simm.s32 $0x0;
	s1 =	srdreg.scid  }
0x2: {  	s3 =	stileid.u32;
	s15 =	simm.s32 $0x3;
	s28 =	simm.s32 $0x4000  }
0x3: {  	s29 =	simm.s32 $0x4800;
	s30 =	simm.s32 $0x5000;
	s31 =	simm.s32 $0x5800  }
0x4: {  	s12 =	simm.s32 $0x9800;
	s13 =	simm.s32 $0xA000;
	s14 =	simm.s32 $0xA800  }
0x5: {  	[smem:$0x7FF] =	sst s2;
	s1 =	sand.u32 $0x1, s1;
	s4 =	sshll.u32 s3, $0x9  }
0x6: {  	s3 =	sadd.s32 $0x2D2C00, s0;
	s6 =	sadd.s32 $0x2D2800, s0;
	s5 =	sshll.u32 s1, $0x8  }
0x7: {  	s17 =	sadd.s32 $0x2400, s0;
	s1 =	ssub.s32 $0x2, s1;
	s4 =	sor.u32 s5, s4  }
0x8: {  	_ =	strace $0x8000004A;
	s10 =	sshrl.u32 s1, $0x1;
	s7 =	sshrl.u32 s4, $0x3  }
0x9: {  	s8 =	sor.u32 $0x40, s4;
	s19 =	sshll.u32 s4, $0x6;
	s21 =	sor.u32 $0x80, s4  }
0xa: {  	s4 =	sor.u32 $0xC0, s4;
	s1 =	ssub.s32 s1, s10;
	s10 =	simm.s32 $0x6000  }
0xb: {  	s7 =	sadd.s32 s6, s7;
	s9 =	sshrl.u32 s8, $0x3;
	s20 =	sadd.s32 s17, s19  }
0xc: {  	s22 =	sshrl.u32 s21, $0x3;
	s8 =	sshll.u32 s8, $0x6;
	s24 =	sshrl.u32 s4, $0x3  }
0xd: {  	s25 =	sshll.u32 s21, $0x6;
	s4 =	sshll.u32 s4, $0x6;
	s19 =	simm.s32 $0x1000  }
0xe: {  	s21 =	simm.s32 $0x2000;
	[dreg:$0x2] =	wrdreg s7;
	s18 =	sadd.s32 s6, s9  }
0xf: {  	[dreg:$0x4] =	wrdreg s20;
	s7 =	sadd.s32 s6, s22;
	s23 =	sadd.s32 s17, s8  }
0x10: {  	s6 =	sadd.s32 s6, s24;
	s26 =	sadd.s32 s17, s25;
	[dreg:$0x3] =	wrdreg s18  }
0x11: {  	s5 =	sadd.s32 s17, s4;
	s4 =	sadd.s32 $0x2D2D00, s0;
	[dreg:$0x5] =	wrdreg s7  }
0x12: {  	s24 =	simm.s32 $0x2;
	s17 =	simm.s32 $0x10000;
	[dreg:$0x6] =	wrdreg s23  }
0x13: {  	s20 =	simm.s32 $0x1800;
	s22 =	simm.s32 $0x2800;
	[dreg:$0x7] =	wrdreg s6  }
0x14: {  	s8 =	simm.s32 $0x7800;
	s9 =	simm.s32 $0x10080;
	[dreg:$0x8] =	wrdreg s26  }
0x15: {  	v2 =	vlaneseq.u32;
	s0 =	simm.s32 $0x8000;
	s25 =	simm.s32 $0xB000;
	[dreg:$0x9] =	wrdreg s5  }
0x16: {  	vm0 =	vmmov $0xffff;
	v1 =	vshrl.u32 v2, $0x3;
	s5 =	smax.u32 s1, $0x1;
	s7 =	simm.s32 $0x1;
	s18 =	simm.s32 $0x800  }
0x17: {  	v0 =	vand.u32 $0x7, v2;
	v2 =	vor.u32 $0x8, v2;
	v1 =	vmul.u32 $0x8, v1;
	s23 =	simm.s32 $0x3000;
	s26 =	simm.s32 $0x3800;
	s6 =	simm.s32 $0x7000  }
.LBB2_1:
0x18: {  	s16 =	rddreg [dreg:$0x2]  }
0x19: {  	[tilespmem:s17], [sflag:$0x1] =	stream.linear.gather [hbm4b:s16+s2], $0x40, $0x38;
	[tilespmem:$0x10100] =	vst v63  }
0x1a: {  	_ =	swait.ge [sflag:s7], $0x40  }
0x1b: {  	[sflag:s7] =	ssyncset.done $0x0  }
0x1c: {  	[sflag:s7] =	ssyncadd.s32 $0xFFFFFFC0  }
0x1d: {  	v3 =	vld [tilespmem:$0x10000];
	_ =	sdelay $0x4  }
0x1e: {  	v4 =	vshll.u32 v3, $0x2  }
0x1f: {  	v3 =	vand.u32 $0x7, v3;
	v4 =	vand.u32 $0xFFFFFFE0, v4  }
0x20: {  	v3 =	vor.u32 v3, v4  }
0x21: {  	v4 =	vperm.xlane v3, v0;
	_ =	sdelay $0x1  }
0x22: {  	v4 =	vadd.s32 v1, v4;
	_ =	sdelay $0x1  }
0x23: {  	v3 =	vperm.xlane v3, v2;
	_ =	sdelay $0x1  }
0x24: {  	v3 =	vadd.s32 v1, v3  }
0x25: {  	[tilespmem:s2], [sflag:$0x2] =	stream.indirect_vreg.gather [hbm4b:s3+s2], $0x80, v4, vm0, $0xb8;
	[tilespmem:$0x10100] =	vst v63  }
0x26: {  	_ = 	snop  }
0x27: {  	[tilespmem:s18], [sflag:$0x2] =	stream.indirect_vreg.gather [hbm4b:s4+s2], $0x80, v4, vm0, $0xb8;
	[tilespmem:$0x10100] =	vst v63  }
0x28: {  	_ = 	snop  }
0x29: {  	[tilespmem:s19], [sflag:$0x2] =	stream.indirect_vreg.gather [hbm4b:s3+s2], $0x80, v3, vm0, $0xb8;
	[tilespmem:$0x10100] =	vst v63  }
0x2a: {  	_ = 	snop  }
0x2b: {  	[tilespmem:s20], [sflag:$0x2] =	stream.indirect_vreg.gather [hbm4b:s4+s2], $0x80, v3, vm0, $0xb8;
	[tilespmem:$0x10100] =	vst v63  }
0x2c: {  	v3 =	vld [tilespmem:$0x10010];
	_ =	sdelay $0x4  }
0x2d: {  	v49 =	vshll.u32 v3, $0x2  }
0x2e: {  	v3 =	vand.u32 $0x7, v3;
	v4 =	vand.u32 $0xFFFFFFE0, v49  }
0x2f: {  	v3 =	vor.u32 v3, v4  }
0x30: {  	v4 =	vperm.xlane v3, v0;
	_ =	sdelay $0x1  }
0x31: {  	v4 =	vadd.s32 v1, v4;
	_ =	sdelay $0x1  }
0x32: {  	v3 =	vperm.xlane v3, v2;
	_ =	sdelay $0x1  }
0x33: {  	v3 =	vadd.s32 v1, v3  }
0x34: {  	[tilespmem:s21], [sflag:$0x2] =	stream.indirect_vreg.gather [hbm4b:s3+s2], $0x80, v4, vm0, $0xb8;
	[tilespmem:$0x10100] =	vst v63  }
0x35: {  	_ = 	snop  }
0x36: {  	[tilespmem:s22], [sflag:$0x2] =	stream.indirect_vreg.gather [hbm4b:s4+s2], $0x80, v4, vm0, $0xb8;
	[tilespmem:$0x10100] =	vst v63  }
0x37: {  	_ = 	snop  }
0x38: {  	[tilespmem:s23], [sflag:$0x2] =	stream.indirect_vreg.gather [hbm4b:s3+s2], $0x80, v3, vm0, $0xb8;
	[tilespmem:$0x10100] =	vst v63  }
0x39: {  	_ = 	snop  }
0x3a: {  	[tilespmem:s26], [sflag:$0x2] =	stream.indirect_vreg.gather [hbm4b:s4+s2], $0x80, v3, vm0, $0xb8;
	[tilespmem:$0x10100] =	vst v63  }
0x3b: {  	v3 =	vld [tilespmem:$0x10020];
	_ =	sdelay $0x4  }
0x3c: {  	v50 =	vshll.u32 v3, $0x2  }
0x3d: {  	v3 =	vand.u32 $0x7, v3;
	v4 =	vand.u32 $0xFFFFFFE0, v50  }
0x3e: {  	v3 =	vor.u32 v3, v4  }
0x3f: {  	v4 =	vperm.xlane v3, v0;
	_ =	sdelay $0x1  }
0x40: {  	v4 =	vadd.s32 v1, v4;
	_ =	sdelay $0x1  }
0x41: {  	v3 =	vperm.xlane v3, v2;
	_ =	sdelay $0x1  }
0x42: {  	v3 =	vadd.s32 v1, v3  }
0x43: {  	[tilespmem:s28], [sflag:$0x2] =	stream.indirect_vreg.gather [hbm4b:s3+s2], $0x80, v4, vm0, $0xb8;
	[tilespmem:$0x10100] =	vst v63  }
0x44: {  	_ = 	snop  }
0x45: {  	[tilespmem:s29], [sflag:$0x2] =	stream.indirect_vreg.gather [hbm4b:s4+s2], $0x80, v4, vm0, $0xb8;
	[tilespmem:$0x10100] =	vst v63  }
0x46: {  	_ = 	snop  }
0x47: {  	[tilespmem:s30], [sflag:$0x2] =	stream.indirect_vreg.gather [hbm4b:s3+s2], $0x80, v3, vm0, $0xb8;
	[tilespmem:$0x10100] =	vst v63  }
0x48: {  	_ = 	snop  }
0x49: {  	[tilespmem:s31], [sflag:$0x2] =	stream.indirect_vreg.gather [hbm4b:s4+s2], $0x80, v3, vm0, $0xb8;
	[tilespmem:$0x10100] =	vst v63  }
0x4a: {  	v3 =	vld [tilespmem:$0x10030];
	_ =	sdelay $0x4  }
0x4b: {  	v51 =	vshll.u32 v3, $0x2  }
0x4c: {  	v3 =	vand.u32 $0x7, v3;
	v4 =	vand.u32 $0xFFFFFFE0, v51  }
0x4d: {  	v3 =	vor.u32 v3, v4  }
0x4e: {  	v4 =	vperm.xlane v3, v0;
	_ =	sdelay $0x1  }
0x4f: {  	v4 =	vadd.s32 v1, v4;
	_ =	sdelay $0x1  }
0x50: {  	v3 =	vperm.xlane v3, v2;
	_ =	sdelay $0x1  }
0x51: {  	v3 =	vadd.s32 v1, v3  }
0x52: {  	[tilespmem:s10], [sflag:$0x2] =	stream.indirect_vreg.gather [hbm4b:s3+s2], $0x80, v4, vm0, $0xb8;
	[tilespmem:$0x10100] =	vst v63  }
0x53: {  	s1 =	simm.s32 $0x6800  }
0x54: {  	[tilespmem:s1], [sflag:$0x2] =	stream.indirect_vreg.gather [hbm4b:s4+s2], $0x80, v4, vm0, $0xb8;
	[tilespmem:$0x10100] =	vst v63  }
0x55: {  	_ = 	snop  }
0x56: {  	[tilespmem:s6], [sflag:$0x2] =	stream.indirect_vreg.gather [hbm4b:s3+s2], $0x80, v3, vm0, $0xb8;
	[tilespmem:$0x10100] =	vst v63  }
0x57: {  	_ = 	snop  }
0x58: {  	[tilespmem:s8], [sflag:$0x2] =	stream.indirect_vreg.gather [hbm4b:s4+s2], $0x80, v3, vm0, $0xb8;
	[tilespmem:$0x10100] =	vst v63  }
0x59: {  	s11 =	rddreg [dreg:$0x3]  }
0x5a: {  	[tilespmem:s9], [sflag:$0x1] =	stream.linear.gather [hbm4b:s11+s2], $0x40, $0x38;
	[tilespmem:$0x10100] =	vst v63  }
0x5b: {  	_ =	swait.ge [sflag:s24], $0x8000  }
0x5c: {  	[sflag:s24] =	ssyncset.done $0x0  }
0x5d: {  	s11 =	rddreg [dreg:$0x4];
	[sflag:s24] =	ssyncadd.s32 $0xFFFF8000  }
0x5e: {  	[hbm4b:s11+s2] =	stream.linear.scatter [tilespmem:s2], [sflag:$0x3], $0x8000, $0x38;
	[tilespmem:$0x10100] =	vst v63  }
0x5f: {  	_ =	swait.ge [sflag:s7], $0x40  }
0x60: {  	[sflag:s7] =	ssyncset.done $0x0  }
0x61: {  	[sflag:s7] =	ssyncadd.s32 $0xFFFFFFC0  }
0x62: {  	v3 =	vld [tilespmem:$0x10080];
	_ =	sdelay $0x4  }
0x63: {  	v52 =	vshll.u32 v3, $0x2  }
0x64: {  	v3 =	vand.u32 $0x7, v3;
	v4 =	vand.u32 $0xFFFFFFE0, v52  }
0x65: {  	v3 =	vor.u32 v3, v4  }
0x66: {  	v4 =	vperm.xlane v3, v0;
	_ =	sdelay $0x1  }
0x67: {  	v4 =	vadd.s32 v1, v4;
	_ =	sdelay $0x1  }
0x68: {  	v3 =	vperm.xlane v3, v2;
	_ =	sdelay $0x1  }
0x69: {  	v3 =	vadd.s32 v1, v3  }
0x6a: {  	[tilespmem:s0], [sflag:$0x2] =	stream.indirect_vreg.gather [hbm4b:s3+s2], $0x80, v4, vm0, $0xb8;
	[tilespmem:$0x10100] =	vst v63  }
0x6b: {  	s11 =	simm.s32 $0x8800  }
0x6c: {  	[tilespmem:s11], [sflag:$0x2] =	stream.indirect_vreg.gather [hbm4b:s4+s2], $0x80, v4, vm0, $0xb8;
	[tilespmem:$0x10100] =	vst v63  }
0x6d: {  	s16 =	simm.s32 $0x9000  }
0x6e: {  	[tilespmem:s16], [sflag:$0x2] =	stream.indirect_vreg.gather [hbm4b:s3+s2], $0x80, v3, vm0, $0xb8;
	[tilespmem:$0x10100] =	vst v63  }
0x6f: {  	_ = 	snop  }
0x70: {  	[tilespmem:s12], [sflag:$0x2] =	stream.indirect_vreg.gather [hbm4b:s4+s2], $0x80, v3, vm0, $0xb8;
	[tilespmem:$0x10100] =	vst v63  }
0x71: {  	v3 =	vld [tilespmem:$0x10090];
	_ =	sdelay $0x4  }
0x72: {  	v53 =	vshll.u32 v3, $0x2  }
0x73: {  	v3 =	vand.u32 $0x7, v3;
	v4 =	vand.u32 $0xFFFFFFE0, v53  }
0x74: {  	v3 =	vor.u32 v3, v4  }
0x75: {  	v4 =	vperm.xlane v3, v0;
	_ =	sdelay $0x1  }
0x76: {  	v4 =	vadd.s32 v1, v4;
	_ =	sdelay $0x1  }
0x77: {  	v3 =	vperm.xlane v3, v2;
	_ =	sdelay $0x1  }
0x78: {  	v3 =	vadd.s32 v1, v3  }
0x79: {  	[tilespmem:s13], [sflag:$0x2] =	stream.indirect_vreg.gather [hbm4b:s3+s2], $0x80, v4, vm0, $0xb8;
	[tilespmem:$0x10100] =	vst v63  }
0x7a: {  	_ = 	snop  }
0x7b: {  	[tilespmem:s14], [sflag:$0x2] =	stream.indirect_vreg.gather [hbm4b:s4+s2], $0x80, v4, vm0, $0xb8;
	[tilespmem:$0x10100] =	vst v63  }
0x7c: {  	_ = 	snop  }
0x7d: {  	[tilespmem:s25], [sflag:$0x2] =	stream.indirect_vreg.gather [hbm4b:s3+s2], $0x80, v3, vm0, $0xb8;
	[tilespmem:$0x10100] =	vst v63  }
0x7e: {  	s16 =	simm.s32 $0xB800  }
0x7f: {  	[tilespmem:s16], [sflag:$0x2] =	stream.indirect_vreg.gather [hbm4b:s4+s2], $0x80, v3, vm0, $0xb8;
	[tilespmem:$0x10100] =	vst v63  }
0x80: {  	v3 =	vld [tilespmem:$0x100A0];
	_ =	sdelay $0x4  }
0x81: {  	v54 =	vshll.u32 v3, $0x2  }
0x82: {  	v3 =	vand.u32 $0x7, v3;
	v4 =	vand.u32 $0xFFFFFFE0, v54  }
0x83: {  	v3 =	vor.u32 v3, v4  }
0x84: {  	v4 =	vperm.xlane v3, v0;
	_ =	sdelay $0x1  }
0x85: {  	v4 =	vadd.s32 v1, v4;
	_ =	sdelay $0x1  }
0x86: {  	v3 =	vperm.xlane v3, v2;
	_ =	sdelay $0x1  }
0x87: {  	s16 =	simm.s32 $0xC000;
	v3 =	vadd.s32 v1, v3  }
0x88: {  	[tilespmem:s16], [sflag:$0x2] =	stream.indirect_vreg.gather [hbm4b:s3+s2], $0x80, v4, vm0, $0xb8;
	[tilespmem:$0x10100] =	vst v63  }
0x89: {  	s16 =	simm.s32 $0xC800  }
0x8a: {  	[tilespmem:s16], [sflag:$0x2] =	stream.indirect_vreg.gather [hbm4b:s4+s2], $0x80, v4, vm0, $0xb8;
	[tilespmem:$0x10100] =	vst v63  }
0x8b: {  	s16 =	simm.s32 $0xD000  }
0x8c: {  	[tilespmem:s16], [sflag:$0x2] =	stream.indirect_vreg.gather [hbm4b:s3+s2], $0x80, v3, vm0, $0xb8;
	[tilespmem:$0x10100] =	vst v63  }
0x8d: {  	s16 =	simm.s32 $0xD800  }
0x8e: {  	[tilespmem:s16], [sflag:$0x2] =	stream.indirect_vreg.gather [hbm4b:s4+s2], $0x80, v3, vm0, $0xb8;
	[tilespmem:$0x10100] =	vst v63  }
0x8f: {  	v3 =	vld [tilespmem:$0x100B0];
	_ =	sdelay $0x4  }
0x90: {  	v55 =	vshll.u32 v3, $0x2  }
0x91: {  	v3 =	vand.u32 $0x7, v3;
	v4 =	vand.u32 $0xFFFFFFE0, v55  }
0x92: {  	v3 =	vor.u32 v3, v4  }
0x93: {  	v4 =	vperm.xlane v3, v0;
	_ =	sdelay $0x1  }
0x94: {  	v4 =	vadd.s32 v1, v4;
	_ =	sdelay $0x1  }
0x95: {  	v3 =	vperm.xlane v3, v2;
	_ =	sdelay $0x1  }
0x96: {  	s16 =	simm.s32 $0xE000;
	v3 =	vadd.s32 v1, v3  }
0x97: {  	[tilespmem:s16], [sflag:$0x2] =	stream.indirect_vreg.gather [hbm4b:s3+s2], $0x80, v4, vm0, $0xb8;
	[tilespmem:$0x10100] =	vst v63  }
0x98: {  	s16 =	simm.s32 $0xE800  }
0x99: {  	[tilespmem:s16], [sflag:$0x2] =	stream.indirect_vreg.gather [hbm4b:s4+s2], $0x80, v4, vm0, $0xb8;
	[tilespmem:$0x10100] =	vst v63  }
0x9a: {  	s16 =	simm.s32 $0xF000  }
0x9b: {  	[tilespmem:s16], [sflag:$0x2] =	stream.indirect_vreg.gather [hbm4b:s3+s2], $0x80, v3, vm0, $0xb8;
	[tilespmem:$0x10100] =	vst v63  }
0x9c: {  	s11 =	simm.s32 $0xF800  }
0x9d: {  	[tilespmem:s11], [sflag:$0x2] =	stream.indirect_vreg.gather [hbm4b:s4+s2], $0x80, v3, vm0, $0xb8;
	[tilespmem:$0x10100] =	vst v63  }
0x9e: {  	s16 =	rddreg [dreg:$0x5]  }
0x9f: {  	[tilespmem:s17], [sflag:$0x1] =	stream.linear.gather [hbm4b:s16+s2], $0x40, $0x38;
	[tilespmem:$0x10100] =	vst v63  }
0xa0: {  	_ =	swait.ge [sflag:s24], $0x8000  }
0xa1: {  	[sflag:s24] =	ssyncset.done $0x0  }
0xa2: {  	s16 =	rddreg [dreg:$0x6];
	[sflag:s24] =	ssyncadd.s32 $0xFFFF8000  }
0xa3: {  	[hbm4b:s16+s2] =	stream.linear.scatter [tilespmem:s0], [sflag:$0x3], $0x8000, $0x38;
	[tilespmem:$0x10100] =	vst v63  }
0xa4: {  	_ =	swait.ge [sflag:s15], $0x8000  }
0xa5: {  	[sflag:s15] =	ssyncset.done $0x0  }
0xa6: {  	[sflag:s15] =	ssyncadd.s32 $0xFFFF8000  }
0xa7: {  	_ =	swait.ge [sflag:s7], $0x40  }
0xa8: {  	[sflag:s7] =	ssyncset.done $0x0  }
0xa9: {  	[sflag:s7] =	ssyncadd.s32 $0xFFFFFFC0  }
0xaa: {  	v3 =	vld [tilespmem:$0x10000];
	_ =	sdelay $0x4  }
0xab: {  	v56 =	vshll.u32 v3, $0x2  }
0xac: {  	v3 =	vand.u32 $0x7, v3;
	v4 =	vand.u32 $0xFFFFFFE0, v56  }
0xad: {  	v3 =	vor.u32 v3, v4  }
0xae: {  	v4 =	vperm.xlane v3, v0;
	_ =	sdelay $0x1  }
0xaf: {  	v4 =	vadd.s32 v1, v4;
	_ =	sdelay $0x1  }
0xb0: {  	v3 =	vperm.xlane v3, v2;
	_ =	sdelay $0x1  }
0xb1: {  	v3 =	vadd.s32 v1, v3  }
0xb2: {  	[tilespmem:s2], [sflag:$0x2] =	stream.indirect_vreg.gather [hbm4b:s3+s2], $0x80, v4, vm0, $0xb8;
	[tilespmem:$0x10100] =	vst v63  }
0xb3: {  	_ = 	snop  }
0xb4: {  	[tilespmem:s18], [sflag:$0x2] =	stream.indirect_vreg.gather [hbm4b:s4+s2], $0x80, v4, vm0, $0xb8;
	[tilespmem:$0x10100] =	vst v63  }
0xb5: {  	_ = 	snop  }
0xb6: {  	[tilespmem:s19], [sflag:$0x2] =	stream.indirect_vreg.gather [hbm4b:s3+s2], $0x80, v3, vm0, $0xb8;
	[tilespmem:$0x10100] =	vst v63  }
0xb7: {  	_ = 	snop  }
0xb8: {  	[tilespmem:s20], [sflag:$0x2] =	stream.indirect_vreg.gather [hbm4b:s4+s2], $0x80, v3, vm0, $0xb8;
	[tilespmem:$0x10100] =	vst v63  }
0xb9: {  	v3 =	vld [tilespmem:$0x10010];
	_ =	sdelay $0x4  }
0xba: {  	v57 =	vshll.u32 v3, $0x2  }
0xbb: {  	v3 =	vand.u32 $0x7, v3;
	v4 =	vand.u32 $0xFFFFFFE0, v57  }
0xbc: {  	v3 =	vor.u32 v3, v4  }
0xbd: {  	v4 =	vperm.xlane v3, v0;
	_ =	sdelay $0x1  }
0xbe: {  	v4 =	vadd.s32 v1, v4;
	_ =	sdelay $0x1  }
0xbf: {  	v3 =	vperm.xlane v3, v2;
	_ =	sdelay $0x1  }
0xc0: {  	v3 =	vadd.s32 v1, v3  }
0xc1: {  	[tilespmem:s21], [sflag:$0x2] =	stream.indirect_vreg.gather [hbm4b:s3+s2], $0x80, v4, vm0, $0xb8;
	[tilespmem:$0x10100] =	vst v63  }
0xc2: {  	_ = 	snop  }
0xc3: {  	[tilespmem:s22], [sflag:$0x2] =	stream.indirect_vreg.gather [hbm4b:s4+s2], $0x80, v4, vm0, $0xb8;
	[tilespmem:$0x10100] =	vst v63  }
0xc4: {  	_ = 	snop  }
0xc5: {  	[tilespmem:s23], [sflag:$0x2] =	stream.indirect_vreg.gather [hbm4b:s3+s2], $0x80, v3, vm0, $0xb8;
	[tilespmem:$0x10100] =	vst v63  }
0xc6: {  	_ = 	snop  }
0xc7: {  	[tilespmem:s26], [sflag:$0x2] =	stream.indirect_vreg.gather [hbm4b:s4+s2], $0x80, v3, vm0, $0xb8;
	[tilespmem:$0x10100] =	vst v63  }
0xc8: {  	v3 =	vld [tilespmem:$0x10020];
	_ =	sdelay $0x4  }
0xc9: {  	v58 =	vshll.u32 v3, $0x2  }
0xca: {  	v3 =	vand.u32 $0x7, v3;
	v4 =	vand.u32 $0xFFFFFFE0, v58  }
0xcb: {  	v3 =	vor.u32 v3, v4  }
0xcc: {  	v4 =	vperm.xlane v3, v0;
	_ =	sdelay $0x1  }
0xcd: {  	v4 =	vadd.s32 v1, v4;
	_ =	sdelay $0x1  }
0xce: {  	v3 =	vperm.xlane v3, v2;
	_ =	sdelay $0x1  }
0xcf: {  	v3 =	vadd.s32 v1, v3  }
0xd0: {  	[tilespmem:s28], [sflag:$0x2] =	stream.indirect_vreg.gather [hbm4b:s3+s2], $0x80, v4, vm0, $0xb8;
	[tilespmem:$0x10100] =	vst v63  }
0xd1: {  	_ = 	snop  }
0xd2: {  	[tilespmem:s29], [sflag:$0x2] =	stream.indirect_vreg.gather [hbm4b:s4+s2], $0x80, v4, vm0, $0xb8;
	[tilespmem:$0x10100] =	vst v63  }
0xd3: {  	_ = 	snop  }
0xd4: {  	[tilespmem:s30], [sflag:$0x2] =	stream.indirect_vreg.gather [hbm4b:s3+s2], $0x80, v3, vm0, $0xb8;
	[tilespmem:$0x10100] =	vst v63  }
0xd5: {  	_ = 	snop  }
0xd6: {  	[tilespmem:s31], [sflag:$0x2] =	stream.indirect_vreg.gather [hbm4b:s4+s2], $0x80, v3, vm0, $0xb8;
	[tilespmem:$0x10100] =	vst v63  }
0xd7: {  	v3 =	vld [tilespmem:$0x10030];
	_ =	sdelay $0x4  }
0xd8: {  	v59 =	vshll.u32 v3, $0x2  }
0xd9: {  	v3 =	vand.u32 $0x7, v3;
	v4 =	vand.u32 $0xFFFFFFE0, v59  }
0xda: {  	v3 =	vor.u32 v3, v4  }
0xdb: {  	v4 =	vperm.xlane v3, v0;
	_ =	sdelay $0x1  }
0xdc: {  	v4 =	vadd.s32 v1, v4;
	_ =	sdelay $0x1  }
0xdd: {  	v3 =	vperm.xlane v3, v2;
	_ =	sdelay $0x1  }
0xde: {  	v3 =	vadd.s32 v1, v3  }
0xdf: {  	[tilespmem:s10], [sflag:$0x2] =	stream.indirect_vreg.gather [hbm4b:s3+s2], $0x80, v4, vm0, $0xb8;
	[tilespmem:$0x10100] =	vst v63  }
0xe0: {  	_ = 	snop  }
0xe1: {  	[tilespmem:s1], [sflag:$0x2] =	stream.indirect_vreg.gather [hbm4b:s4+s2], $0x80, v4, vm0, $0xb8;
	[tilespmem:$0x10100] =	vst v63  }
0xe2: {  	_ = 	snop  }
0xe3: {  	[tilespmem:s6], [sflag:$0x2] =	stream.indirect_vreg.gather [hbm4b:s3+s2], $0x80, v3, vm0, $0xb8;
	[tilespmem:$0x10100] =	vst v63  }
0xe4: {  	_ = 	snop  }
0xe5: {  	[tilespmem:s8], [sflag:$0x2] =	stream.indirect_vreg.gather [hbm4b:s4+s2], $0x80, v3, vm0, $0xb8;
	[tilespmem:$0x10100] =	vst v63  }
0xe6: {  	s1 =	rddreg [dreg:$0x7]  }
0xe7: {  	[tilespmem:s9], [sflag:$0x1] =	stream.linear.gather [hbm4b:s1+s2], $0x40, $0x38;
	[tilespmem:$0x10100] =	vst v63  }
0xe8: {  	_ =	swait.ge [sflag:s24], $0x8000  }
0xe9: {  	[sflag:s24] =	ssyncset.done $0x0  }
0xea: {  	s1 =	rddreg [dreg:$0x8];
	[sflag:s24] =	ssyncadd.s32 $0xFFFF8000  }
0xeb: {  	[hbm4b:s1+s2] =	stream.linear.scatter [tilespmem:s2], [sflag:$0x3], $0x8000, $0x38;
	[tilespmem:$0x10100] =	vst v63  }
0xec: {  	_ =	swait.ge [sflag:s15], $0x8000  }
0xed: {  	[sflag:s15] =	ssyncset.done $0x0  }
0xee: {  	[sflag:s15] =	ssyncadd.s32 $0xFFFF8000  }
0xef: {  	_ =	swait.ge [sflag:s7], $0x40  }
0xf0: {  	[sflag:s7] =	ssyncset.done $0x0  }
0xf1: {  	[sflag:s7] =	ssyncadd.s32 $0xFFFFFFC0  }
0xf2: {  	v3 =	vld [tilespmem:$0x10080];
	_ =	sdelay $0x4  }
0xf3: {  	v60 =	vshll.u32 v3, $0x2  }
0xf4: {  	v3 =	vand.u32 $0x7, v3;
	v4 =	vand.u32 $0xFFFFFFE0, v60  }
0xf5: {  	v3 =	vor.u32 v3, v4  }
0xf6: {  	v4 =	vperm.xlane v3, v0;
	_ =	sdelay $0x1  }
0xf7: {  	v4 =	vadd.s32 v1, v4;
	_ =	sdelay $0x1  }
0xf8: {  	v3 =	vperm.xlane v3, v2;
	_ =	sdelay $0x1  }
0xf9: {  	v3 =	vadd.s32 v1, v3  }
0xfa: {  	[tilespmem:s0], [sflag:$0x2] =	stream.indirect_vreg.gather [hbm4b:s3+s2], $0x80, v4, vm0, $0xb8;
	[tilespmem:$0x10100] =	vst v63  }
0xfb: {  	s16 =	simm.s32 $0x8800  }
0xfc: {  	[tilespmem:s16], [sflag:$0x2] =	stream.indirect_vreg.gather [hbm4b:s4+s2], $0x80, v4, vm0, $0xb8;
	[tilespmem:$0x10100] =	vst v63  }
0xfd: {  	s16 =	simm.s32 $0x9000  }
0xfe: {  	[tilespmem:s16], [sflag:$0x2] =	stream.indirect_vreg.gather [hbm4b:s3+s2], $0x80, v3, vm0, $0xb8;
	[tilespmem:$0x10100] =	vst v63  }
0xff: {  	_ = 	snop  }
0x100: {  	[tilespmem:s12], [sflag:$0x2] =	stream.indirect_vreg.gather [hbm4b:s4+s2], $0x80, v3, vm0, $0xb8;
	[tilespmem:$0x10100] =	vst v63  }
0x101: {  	v3 =	vld [tilespmem:$0x10090];
	_ =	sdelay $0x4  }
0x102: {  	v61 =	vshll.u32 v3, $0x2  }
0x103: {  	v3 =	vand.u32 $0x7, v3;
	v4 =	vand.u32 $0xFFFFFFE0, v61  }
0x104: {  	v3 =	vor.u32 v3, v4  }
0x105: {  	v4 =	vperm.xlane v3, v0;
	_ =	sdelay $0x1  }
0x106: {  	v4 =	vadd.s32 v1, v4;
	_ =	sdelay $0x1  }
0x107: {  	v3 =	vperm.xlane v3, v2;
	_ =	sdelay $0x1  }
0x108: {  	v3 =	vadd.s32 v1, v3  }
0x109: {  	[tilespmem:s13], [sflag:$0x2] =	stream.indirect_vreg.gather [hbm4b:s3+s2], $0x80, v4, vm0, $0xb8;
	[tilespmem:$0x10100] =	vst v63  }
0x10a: {  	_ = 	snop  }
0x10b: {  	[tilespmem:s14], [sflag:$0x2] =	stream.indirect_vreg.gather [hbm4b:s4+s2], $0x80, v4, vm0, $0xb8;
	[tilespmem:$0x10100] =	vst v63  }
0x10c: {  	_ = 	snop  }
0x10d: {  	[tilespmem:s25], [sflag:$0x2] =	stream.indirect_vreg.gather [hbm4b:s3+s2], $0x80, v3, vm0, $0xb8;
	[tilespmem:$0x10100] =	vst v63  }
0x10e: {  	s16 =	simm.s32 $0xB800  }
0x10f: {  	[tilespmem:s16], [sflag:$0x2] =	stream.indirect_vreg.gather [hbm4b:s4+s2], $0x80, v3, vm0, $0xb8;
	[tilespmem:$0x10100] =	vst v63  }
0x110: {  	v3 =	vld [tilespmem:$0x100A0];
	_ =	sdelay $0x4  }
0x111: {  	v62 =	vshll.u32 v3, $0x2  }
0x112: {  	v3 =	vand.u32 $0x7, v3;
	v4 =	vand.u32 $0xFFFFFFE0, v62  }
0x113: {  	v3 =	vor.u32 v3, v4  }
0x114: {  	v4 =	vperm.xlane v3, v0;
	_ =	sdelay $0x1  }
0x115: {  	v4 =	vadd.s32 v1, v4;
	_ =	sdelay $0x1  }
0x116: {  	v3 =	vperm.xlane v3, v2;
	_ =	sdelay $0x1  }
0x117: {  	s16 =	simm.s32 $0xC000;
	v3 =	vadd.s32 v1, v3  }
0x118: {  	[tilespmem:s16], [sflag:$0x2] =	stream.indirect_vreg.gather [hbm4b:s3+s2], $0x80, v4, vm0, $0xb8;
	[tilespmem:$0x10100] =	vst v63  }
0x119: {  	s16 =	simm.s32 $0xC800  }
0x11a: {  	[tilespmem:s16], [sflag:$0x2] =	stream.indirect_vreg.gather [hbm4b:s4+s2], $0x80, v4, vm0, $0xb8;
	[tilespmem:$0x10100] =	vst v63  }
0x11b: {  	s16 =	simm.s32 $0xD000  }
0x11c: {  	[tilespmem:s16], [sflag:$0x2] =	stream.indirect_vreg.gather [hbm4b:s3+s2], $0x80, v3, vm0, $0xb8;
	[tilespmem:$0x10100] =	vst v63  }
0x11d: {  	s16 =	simm.s32 $0xD800  }
0x11e: {  	[tilespmem:s16], [sflag:$0x2] =	stream.indirect_vreg.gather [hbm4b:s4+s2], $0x80, v3, vm0, $0xb8;
	[tilespmem:$0x10100] =	vst v63  }
0x11f: {  	v3 =	vld [tilespmem:$0x100B0];
	_ =	sdelay $0x4  }
0x120: {  	v63 =	vshll.u32 v3, $0x2  }
0x121: {  	v3 =	vand.u32 $0x7, v3;
	v4 =	vand.u32 $0xFFFFFFE0, v63  }
0x122: {  	v3 =	vor.u32 v3, v4  }
0x123: {  	v4 =	vperm.xlane v3, v0;
	_ =	sdelay $0x1  }
0x124: {  	v4 =	vadd.s32 v1, v4;
	_ =	sdelay $0x1  }
0x125: {  	v3 =	vperm.xlane v3, v2;
	_ =	sdelay $0x1  }
0x126: {  	s16 =	simm.s32 $0xE000;
	v3 =	vadd.s32 v1, v3  }
0x127: {  	[tilespmem:s16], [sflag:$0x2] =	stream.indirect_vreg.gather [hbm4b:s3+s2], $0x80, v4, vm0, $0xb8;
	[tilespmem:$0x10100] =	vst v63  }
0x128: {  	s16 =	simm.s32 $0xE800  }
0x129: {  	[tilespmem:s16], [sflag:$0x2] =	stream.indirect_vreg.gather [hbm4b:s4+s2], $0x80, v4, vm0, $0xb8;
	[tilespmem:$0x10100] =	vst v63  }
0x12a: {  	s16 =	simm.s32 $0xF000  }
0x12b: {  	[tilespmem:s16], [sflag:$0x2] =	stream.indirect_vreg.gather [hbm4b:s3+s2], $0x80, v3, vm0, $0xb8;
	[tilespmem:$0x10100] =	vst v63  }
0x12c: {  	_ = 	snop  }
0x12d: {  	[tilespmem:s11], [sflag:$0x2] =	stream.indirect_vreg.gather [hbm4b:s4+s2], $0x80, v3, vm0, $0xb8;
	[tilespmem:$0x10100] =	vst v63  }
0x12e: {  	_ =	swait.ge [sflag:s24], $0x8000  }
0x12f: {  	[sflag:s24] =	ssyncset.done $0x0  }
0x130: {  	s11 =	rddreg [dreg:$0x9];
	[sflag:s24] =	ssyncadd.s32 $0xFFFF8000  }
0x131: {  	[hbm4b:s11+s2] =	stream.linear.scatter [tilespmem:s0], [sflag:$0x3], $0x8000, $0x38;
	[tilespmem:$0x10100] =	vst v63  }
0x132: {  	p0 =	sne.s32 s5, $0x1;
	_ =	swait.ge [sflag:s15], $0x8000  }
.Ltmp0:
0x133: {  	[sflag:s15] =	ssyncset.done $0x0;
	(pc) =	sbr.rel @p0 .LBB2_1-.Ltmp0, $4  }
0x134: {  	[sflag:s15] =	ssyncadd.s32 $0xFFFF8000  }
0x135: {  	_ =	swait.ge [sflag:s15], $0x8000  }
0x136: {  	[sflag:s15] =	ssyncset.done $0x0  }
0x137: {  	s5 =	sadd.s32 $0xFFFFFFFF, s5;
	[sflag:s15] =	ssyncadd.s32 $0xFFFF8000  }
0x138: {  	_ =	sfence.sel $0x180000  }
0x139: {  	[bflag:$0x0] =	sbarrier.arrive $0xFFFF  }
0x13a: {  	_ =	strace $0x9000004A  }
0x13b: {  	s0 =	stileid.u32;
	[bflag:$0x2] =	sbarrier.arrive $0xFFFF  }
0x13c: {  	p0 =	sne.s32 s0, $0x0;
	s0 =	rddreg [dreg:$0x1]  }
0x13d: {  	s0 =	sadd.s32 @!p0 $0x100000, s0  }
0x13e: {  	[sflag:s0] =	ssyncadd.tile.s32 @!p0 $0x1;
	_ =	shalt  }
.Lfunc_end2:
_tile_overlayer_lowered:
.L_overlay_start_2:
0x13f: {  	(tag) =	ssettag $0x2  }
0x140: {  	s0 =	rddreg [dreg:$0x0];
	s2 =	stileid.u32  }
0x141: {  	s1 =	rddreg [dreg:$0x1];
	p0 =	sne.s32 s2, $0x0  }
0x142: {  	s3 =	rddreg [dreg:$0x2];
	[bflag:$0x3] =	sbarrier.arrive $0xFFFF;
	s2 =	simm.s32 @!p0 $0x1C04  }
0x143: {  	[timem:s3], [sflag:s2] =	dma.local @!p0 [hbm:s0], s1  }
0x144: {  	s0 =	simm.s32 @!p0 $0x4  }
0x145: {  	_ =	swait.ge @!p0 [sflag:s0], s1  }
0x146: {  	s1 =	ssub.s32 @!p0 $0x0, s1;
	[sflag:s0] =	ssyncset.done @!p0 $0x0  }
0x147: {  	[sflag:s0] =	ssyncadd.s32 @!p0 s1  }
0x148: {  	[bflag:$0x3] =	sbarrier.arrive $0xFFFF  }
0x149: {  	_ =	shalt  }

// kernel: kernel.7.cloned.1.call-start
scs
__scs_entry_jumppad:
0x0: {  	(pc) =	sbr.rel $0x88, $3  }
0x1: {  	(tag) =	ssettag $0x0;
	lr =	simm.s32 $0x1  }
0x2: {  	[smem:$0x3F99] =	sst lr;
	_ =	strace $0xD0000000  }
0x3: {  	_ = 	snop  }
0x4: {  	_ = 	snop  }
0x5: {  	_ = 	snop  }
0x6: {  	_ = 	snop  }
0x7: {  	_ = 	snop  }
__scs_overlays_trampoline_lowered:
0x8: {  	[smem:$0x3FA8] =	sst s0  }
0x9: {  	[smem:$0x3FA9] =	sst s1  }
0xa: {  	[smem:$0x3FAA] =	sst s2  }
0xb: {  	[smem:$0x3FAB] =	sst s3  }
0xc: {  	[smem:$0x3FAC] =	sst s4  }
0xd: {  	[smem:$0x3FAD] =	sst s5  }
0xe: {  	[smem:$0x3FAE] =	sst s6  }
0xf: {  	[smem:$0x3FAF] =	sst s7  }
0x10: {  	[smem:$0x3FB0] =	sst s8  }
0x11: {  	[smem:$0x3FB1] =	sst s9;
	s0 =	simm.s32 @!p0 $0x0  }
0x12: {  	s1 =	sld [smem:$0x3F97];
	s0 =	simm.s32 @p0 $0x1  }
0x13: {  	[smem:$0x3FB2] =	sst s0;
	s0 =	simm.s32 @!p1 $0x0  }
0x14: {  	s2 =	sld [smem:$0x3F96];
	s0 =	simm.s32 @p1 $0x1  }
0x15: {  	[smem:$0x3FB3] =	sst s0;
	s0 =	simm.s32 @!p2 $0x0  }
0x16: {  	s3 =	sld [smem:$0x3FDB];
	s0 =	simm.s32 @p2 $0x1  }
0x17: {  	s4 =	simm.s32 $0x1BF5;
	[smem:$0x3FB5] =	sst s0  }
0x18: {  	s0 =	sld [smem:$0x3F98];
	_ =	swait.ge [sflag:s4], $0x0  }
0x19: {  	s7 =	sld [smem:$0x3F99]  }
0x1a: {  	s8 =	sadd.s32 $0xFFFFE003, lr  }
0x1b: {  	s9 =	sadd.s32 $0xFFFFFEF7, lr;
	s5 =	simm.s32 $0xFFFFFFFF;
	p2 =	slt.u32 s8, $0xFFFFF086  }
0x1c: {  	p1 =	slt.u32 s9, $0xF7A;
	s5 =	simm.s32 @!p2 $0x0  }
0x1d: {  	s5 =	simm.s32 @p1 $0x1;
	p0 =	seq.s32 s7, s2  }
0x1e: {  	s7 =	smul.u32 @!p0 $0xF7A, s2;
	p2 =	seq.s32 @!p0 s5, $0x0  }
0x1f: {  	s9 =	smul.u32 $0xF7A, s1;
	s8 =	simm.s32 @!p0 $0x1BF5;
	p2 =	por !p2, p0  }
0x20: {  	[sflag:s8] =	ssyncset.s32 @!p0 $0xFFFFF086;
	s6 =	sadd.s32 @!p0 s3, s7;
	s7 =	simm.s32 @!p0 $0x108  }
0x21: {  	s3 =	sadd.s32 s3, s9;
	s6 =	sadd.s32 @!p0 $0x88, s6;
	s7 =	simm.s32 @p2 $0x1082  }
0x22: {  	[simem:s7], [sflag:s8] =	dma.local @!p0 [hbm:s6], $0xF7A  }
0x23: {  	s9 =	sor.u32 $0xD0000000, s2;
	s6 =	simm.s32 $0x108;
	_ =	swait.ge @!p0 [sflag:s8], $0x0  }
0x24: {  	s3 =	sadd.s32 $0x88, s3;
	s6 =	simm.s32 @!p1 $0x1082;
	[sflag:s4] =	ssyncset.s32 $0xFFFFF086  }
0x25: {  	[simem:s6], [sflag:s4] =	dma.local [hbm:s3], $0xF7A  }
0x26: {  	[smem:$0x3F99] =	sst s1;
	(tag) =	ssettag s2;
	_ =	strace s9  }
0x27: {  	s1 =	sld [smem:$0x3FA9]  }
0x28: {  	s2 =	sld [smem:$0x3FAA]  }
0x29: {  	s4 =	sld [smem:$0x3FAC]  }
0x2a: {  	p0 =	seq.s32 s5, $0x0;
	s5 =	sld [smem:$0x3FAD]  }
0x2b: {  	s6 =	sld [smem:$0x3FAE]  }
0x2c: {  	s7 =	sld [smem:$0x3FAF]  }
0x2d: {  	s3 =	simm.s32 $0x108;
	s8 =	sld [smem:$0x3FB0]  }
0x2e: {  	s3 =	simm.s32 @!p0 $0x1082;
	s9 =	sld [smem:$0x3FB1]  }
0x2f: {  	lr =	sadd.s32 s0, s3;
	s0 =	sld [smem:$0x3FA8]  }
0x30: {  	s3 =	sld [smem:$0x3FAB]  }
0x31: {  	[smem:$0x3FB4] =	sst s10  }
0x32: {  	s10 =	sld [smem:$0x3FB2];
	_ =	sdelay $0x3  }
0x33: {  	p0 =	seq.s32 s10, $0x1;
	s10 =	sld [smem:$0x3FB4];
	_ =	sdelay $0x3  }
0x34: {  	[smem:$0x3FB4] =	sst s10  }
0x35: {  	s10 =	sld [smem:$0x3FB3];
	_ =	sdelay $0x3  }
0x36: {  	p1 =	seq.s32 s10, $0x1;
	s10 =	sld [smem:$0x3FB4];
	_ =	sdelay $0x3  }
0x37: {  	[smem:$0x3FB4] =	sst s10  }
0x38: {  	s10 =	sld [smem:$0x3FB5]  }
0x39: {  	_ = 	snop;
	(pc) =	sbr.ind lr, $3  }
0x3a: {  	_ = 	snop  }
0x3b: {  	_ = 	snop  }
0x3c: {  	p2 =	seq.s32 s10, $0x1;
	s10 =	sld [smem:$0x3FB4]  }
0x3d: {  	_ =	shalt  }
0x3e: {  	_ =	shalt  }
0x3f: {  	_ =	shalt  }
0x40: {  	_ =	shalt  }
0x41: {  	_ =	shalt  }
0x42: {  	_ =	shalt  }
0x43: {  	_ =	shalt  }
0x44: {  	_ =	shalt  }
0x45: {  	_ =	shalt  }
0x46: {  	_ =	shalt  }
0x47: {  	_ =	shalt  }
0x48: {  	_ =	shalt  }
0x49: {  	_ =	shalt  }
0x4a: {  	_ =	shalt  }
0x4b: {  	_ =	shalt  }
0x4c: {  	_ =	shalt  }
0x4d: {  	_ =	shalt  }
0x4e: {  	_ =	shalt  }
0x4f: {  	_ =	shalt  }
0x50: {  	_ =	shalt  }
0x51: {  	_ =	shalt  }
0x52: {  	_ =	shalt  }
0x53: {  	_ =	shalt  }
0x54: {  	_ =	shalt  }
0x55: {  	_ =	shalt  }
0x56: {  	_ =	shalt  }
0x57: {  	_ =	shalt  }
0x58: {  	_ =	shalt  }
0x59: {  	_ =	shalt  }
0x5a: {  	_ =	shalt  }
0x5b: {  	_ =	shalt  }
0x5c: {  	_ =	shalt  }
0x5d: {  	_ =	shalt  }
0x5e: {  	_ =	shalt  }
0x5f: {  	_ =	shalt  }
0x60: {  	_ =	shalt  }
0x61: {  	_ =	shalt  }
0x62: {  	_ =	shalt  }
0x63: {  	_ =	shalt  }
0x64: {  	_ =	shalt  }
0x65: {  	_ =	shalt  }
0x66: {  	_ =	shalt  }
0x67: {  	_ =	shalt  }
0x68: {  	_ =	shalt  }
0x69: {  	_ =	shalt  }
0x6a: {  	_ =	shalt  }
0x6b: {  	_ =	shalt  }
0x6c: {  	_ =	shalt  }
0x6d: {  	_ =	shalt  }
0x6e: {  	_ =	shalt  }
0x6f: {  	_ =	shalt  }
0x70: {  	_ =	shalt  }
0x71: {  	_ =	shalt  }
0x72: {  	_ =	shalt  }
0x73: {  	_ =	shalt  }
0x74: {  	_ =	shalt  }
0x75: {  	_ =	shalt  }
0x76: {  	_ =	shalt  }
0x77: {  	_ =	shalt  }
0x78: {  	_ =	shalt  }
0x79: {  	_ =	shalt  }
0x7a: {  	_ =	shalt  }
0x7b: {  	_ =	shalt  }
0x7c: {  	_ =	shalt  }
0x7d: {  	_ =	shalt  }
0x7e: {  	_ =	shalt  }
0x7f: {  	_ =	shalt  }
0x80: {  	_ =	shalt  }
0x81: {  	_ =	shalt  }
0x82: {  	_ =	shalt  }
0x83: {  	_ =	shalt  }
0x84: {  	_ =	shalt  }
0x85: {  	_ =	shalt  }
0x86: {  	_ =	shalt  }
0x87: {  	_ =	shalt  }
.Lfunc_end0:
.L_simem_size_0:
called_computation_lowered:
.L_overlay_start_0:
0x88: {  	s2 =	sld [smem:$0x3FD9]  }
0x89: {  	s3 =	sld [smem:$0x3FFE];
	_ =	sdelay $0x1  }
0x8a: {  	s1 =	srdreg.scid  }
0x8b: {  	s0 =	sand.u32 $0x1, s1  }
0x8c: {  	s17 =	sshll.u32 s0, $0xA;
	s2 =	sadd.s32 s3, s2  }
0x8d: {  	s2 =	sadd.s32 s2, s17  }
0x8e: {  	[smem:$0x3FC0] =	sst s2  }
0x8f: {  	_ = 	snop  }
0x90: {  	s2 =	sld [smem:$0x3FC9];
	(tm) =	ssettm $0x1  }
0x91: {  	s18 =	sld [smem:$0x3FFB];
	_ =	sdelay $0x3  }
0x92: {  	_ =	strace s18  }
0x93: {  	s3 =	sld [smem:$0x3FFC];
	_ =	sdelay $0x3  }
0x94: {  	_ =	strace s3  }
0x95: {  	s3 =	sld [smem:$0x3FFD];
	_ =	sdelay $0x3  }
0x96: {  	_ =	strace s3  }
0x97: {  	_ =	strace $0x8FFFFFFF  }
0x98: {  	s19 =	sld [smem:$0x3FDB];
	_ =	sdelay $0x1  }
0x99: {  	s4 =	simm.s32 $_scs_section_size  }
0x9a: {  	s5 =	simm.s32 $_size__tile_overlayer_lowered;
	s6 =	simm.s32 $_tile_overlayer_lowered  }
0x9b: {  	s22 =	simm.s32 $0x1BFF;
	s21 =	sshll.u32 s6, $0x1;
	s3 =	sadd.s32 s4, s19  }
0x9c: {  	s7 =	simm.s32 $0x0;
	s20 =	sshll.u32 s5, $0x1;
	s5 =	sadd.s32 s21, s3  }
0x9d: {  	[timem:s7], [sflag:s22] =	dma.local [hbm:s5], s20  }
0x9e: {  	_ =	swait.ge [sflag:s22], s20  }
0x9f: {  	s4 =	ssub.s32 $0x0, s20;
	[sflag:s22] =	ssyncset.done $0x0  }
0xa0: {  	[sflag:s22] =	ssyncadd.s32 s4;
	_ =	sdelay $0x1  }
0xa1: {  	s23 =	simm.s32 $0x1B8B  }
0xa2: {  	_ =	swait.ge [sflag:s23], $0x1  }
0xa3: {  	[sflag:s23] =	ssyncset.done $0x0  }
0xa4: {  	s25 =	simm.s32 $0x1B8E;
	s24 =	sld [smem:$0x3FFE];
	[sflag:s23] =	ssyncadd.s32 $0xFFFFFFFF  }
0xa5: {  	s26 =	simm.s32 $execute0_lowered;
	[smem:$0x3FD2] =	sst s25  }
0xa6: {  	s5 =	sshll.u32 s26, $0x1;
	_ =	strace $0x80000046;
	[dreg:$0x1] =	wrdreg $0xFFFFFFFF  }
0xa7: {  	s28 =	simm.s32 $_size_execute0_lowered;
	s3 =	sadd.s32 s3, s5;
	[dreg:$0x0] =	wrdreg $0x0  }
0xa8: {  	s5 =	sshll.u32 s28, $0x1;
	[dreg:$0x2] =	wrdreg s3  }
0xa9: {  	[dreg:$0x3] =	wrdreg s5  }
0xaa: {  	[dreg:$0x4] =	wrdreg $0xC0  }
0xab: {  	_ =	task [dreg:s7], $0x5FFFF  }
0xac: {  	[dreg:$0x1] =	wrdreg $0xFFFFFFFF  }
0xad: {  	[dreg:$0x0] =	wrdreg $0x60  }
0xae: {  	[dreg:$0x2] =	wrdreg s2  }
0xaf: {  	[dreg:$0x3] =	wrdreg s24  }
0xb0: {  	[dreg:$0x4] =	wrdreg $0x9  }
0xb1: {  	_ =	task.clear_ibuf [dreg:s7], $0x5FFFF;
	_ =	strace $0x90000046  }
0xb2: {  	s29 =	simm.s32 $0x9;
	_ =	strace $0x80000048  }
0xb3: {  	_ =	swait.ge [sflag:s29], $0x1  }
0xb4: {  	[sflag:s29] =	ssyncadd.s32 $0xFFFFFFFF  }
0xb5: {  	_ =	strace $0x90000048  }
0xb6: {  	_ =	sfence  }
0xb7: {  	s30 =	sld [smem:$0x0];
	_ =	sdelay $0x2  }
0xb8: {  	s31 =	sshll.u32 s1, $0xD;
	s1 =	sshrl.u32 s1, $0x2  }
0xb9: {  	s3 =	sand.u32 $0x4000, s31;
	s1 =	sadd.s32 s1, s30  }
0xba: {  	s0 =	sor.u32 s3, s0;
	s1 =	sshll.u32 s1, $0x11  }
0xbb: {  	s0 =	sor.u32 s1, s0  }
0xbc: {  	s0 =	sadd.s32 $0x8F2B, s0  }
0xbd: {  	[sflag:s0] =	ssyncadd.remote.s32 $0x1  }
0xbe: {  	_ =	sfence.sel $0xFFFF  }
0xbf: {  	[dreg:$0x0] =	wrdreg $0xFFFFFFFF;
	(pc) =	sbr.abs _section_cstart, $3  }
0xc0: {  	[dreg:$0x1] =	wrdreg $0xFFFFFFFF  }
0xc1: {  	_ =	task.clear_ibuf [dreg:s7], $0x2FFFF;
	_ =	strace $0x9FFFFFFF  }
0xc2: {  	(tm) =	ssettm $0x7FFFFFFF  }
0xc3: {  	_ =	shalt  }
tec
execute0_lowered:
.L_overlay_start_1:
0x0: {  	(tag) =	ssettag $0x1  }
0x1: {  	s0 =	srdreg.scid  }
0x2: {  	s2 =	stileid.u32;
	s3 =	sand.u32 $0x1, s0  }
0x3: {  	s2 =	sshll.u32 s2, $0x8;
	s4 =	sshll.u32 s3, $0x7  }
0x4: {  	s4 =	sor.u32 s4, s2  }
0x5: {  	s0 =	rddreg [dreg:$0x1];
	s5 =	sshrl.u32 s4, $0x2  }
0x6: {  	s1 =	rddreg [dreg:$0x0];
	s2 =	simm.s32 $0x0;
	s12 =	sadd.s32 s5, s0  }
0x7: {  	[smem:$0x7FF] =	sst s2;
	s5 =	sadd.s32 $0x2400, s12  }
0x8: {  	_ =	strace $0x80000047;
	s6 =	sadd.s32 $0x2410, s12;
	[dreg:$0x3] =	wrdreg s5  }
0x9: {  	s8 =	sadd.s32 $0x2402, s12;
	[dreg:$0x4] =	wrdreg s6  }
0xa: {  	s9 =	sadd.s32 $0x2412, s12;
	[dreg:$0x6] =	wrdreg s8  }
0xb: {  	s13 =	sadd.s32 $0x2404, s12;
	[dreg:$0x7] =	wrdreg s9  }
0xc: {  	s14 =	sadd.s32 $0x2414, s12;
	[dreg:$0x9] =	wrdreg s13  }
0xd: {  	s16 =	sadd.s32 $0x2406, s12;
	[dreg:$0xa] =	wrdreg s14  }
0xe: {  	s17 =	sadd.s32 $0x2416, s12;
	[dreg:$0xc] =	wrdreg s16  }
0xf: {  	s19 =	sadd.s32 $0x2408, s12;
	[dreg:$0xd] =	wrdreg s17  }
0x10: {  	s20 =	sadd.s32 $0x2418, s12;
	[dreg:$0xf] =	wrdreg s19  }
0x11: {  	s3 =	ssub.s32 $0x2, s3;
	s23 =	sadd.s32 $0x240A, s12;
	[dreg:$0x10] =	wrdreg s20  }
0x12: {  	s21 =	sshrl.u32 s3, $0x1;
	s24 =	sadd.s32 $0x241A, s12;
	[dreg:$0x12] =	wrdreg s23  }
0x13: {  	s4 =	sshrl.u32 s4, $0x3;
	s26 =	sadd.s32 $0x240C, s12;
	[dreg:$0x13] =	wrdreg s24  }
0x14: {  	s3 =	ssub.s32 s3, s21;
	s28 =	sadd.s32 $0x241C, s12;
	[dreg:$0x15] =	wrdreg s26  }
0x15: {  	s4 =	smul.u32 $0x900, s4;
	s30 =	sadd.s32 $0x240E, s12;
	[dreg:$0x16] =	wrdreg s28  }
0x16: {  	s31 =	sadd.s32 $0x241E, s12;
	s12 =	sadd.s32 $0x3000, s0;
	[dreg:$0x18] =	wrdreg s30  }
0x17: {  	s10 =	sadd.s32 s1, s4;
	s4 =	sadd.s32 $0x2800, s0;
	[dreg:$0x19] =	wrdreg s31  }
0x18: {  	s5 =	sadd.s32 $0x2900, s0;
	s7 =	sadd.s32 $0x1200, s10;
	[dreg:$0x1a] =	wrdreg s10  }
0x19: {  	s6 =	sadd.s32 $0x2A00, s0;
	s11 =	sadd.s32 $0x2400, s10;
	[dreg:$0x5] =	wrdreg s7  }
0x1a: {  	s8 =	sadd.s32 $0x2C00, s0;
	s15 =	sadd.s32 $0x3600, s10;
	[dreg:$0x8] =	wrdreg s11  }
0x1b: {  	s9 =	sadd.s32 $0x2D00, s0;
	s18 =	sadd.s32 $0x4800, s10;
	[dreg:$0xb] =	wrdreg s15  }
0x1c: {  	s16 =	simm.s32 $0x1;
	s22 =	sadd.s32 $0x5A00, s10;
	[dreg:$0xe] =	wrdreg s18  }
0x1d: {  	v2 =	vlaneseq.u32;
	s25 =	sadd.s32 $0x6C00, s10;
	s29 =	sadd.s32 $0x7E00, s10;
	[dreg:$0x11] =	wrdreg s22  }
0x1e: {  	vm0 =	vmmov $0xffff;
	v1 =	vshrl.u32 v2, $0x3;
	s10 =	sadd.s32 $0x2E00, s0;
	s7 =	sadd.s32 $0x2B00, s0;
	[dreg:$0x14] =	wrdreg s25  }
0x1f: {  	v0 =	vand.u32 $0x7, v2;
	v2 =	vor.u32 $0x8, v2;
	v1 =	vmul.u32 $0x8, v1;
	[dreg:$0x17] =	wrdreg s29;
	s11 =	sadd.s32 $0x2F00, s0;
	s0 =	smax.u32 s3, $0x1  }
.LBB2_1:
0x20: {  	[dreg:$0x1b] =	wrdreg s0  }
0x21: {  	s18 =	rddreg [dreg:$0x1a]  }
0x22: {  	[tilespmem:s2], [sflag:$0x1] =	stream.linear.gather [hbm4b:s18+s2], $0x9000, $0x38;
	[tilespmem:$0x12200] =	vst v63  }
0x23: {  	s17 =	rddreg [dreg:$0x3];
	s28 =	simm.s32 $0x12000  }
0x24: {  	[tilespmem:s28], [sflag:$0x1] =	stream.linear.gather [hbm4b:s17+s2], $0x10, $0x38;
	[tilespmem:$0x12200] =	vst v63  }
0x25: {  	s26 =	rddreg [dreg:$0x4];
	s29 =	simm.s32 $0x12100  }
0x26: {  	[tilespmem:s29], [sflag:$0x1] =	stream.linear.gather [hbm4b:s26+s2], $0x10, $0x38;
	[tilespmem:$0x12200] =	vst v63  }
0x27: {  	_ =	swait.ge [sflag:s16], $0x9000  }
0x28: {  	[sflag:s16] =	ssyncset.done $0x0  }
0x29: {  	[sflag:s16] =	ssyncadd.s32 $0xFFFF7000  }
0x2a: {  	_ =	swait.ge [sflag:s16], $0x10  }
0x2b: {  	[sflag:s16] =	ssyncset.done $0x0  }
0x2c: {  	[sflag:s16] =	ssyncadd.s32 $0xFFFFFFF0  }
0x2d: {  	_ =	swait.ge [sflag:s16], $0x10  }
0x2e: {  	[sflag:s16] =	ssyncset.done $0x0  }
0x2f: {  	[sflag:s16] =	ssyncadd.s32 $0xFFFFFFF0  }
0x30: {  	v3 =	vld [tilespmem:$0x12000];
	_ =	sdelay $0x4  }
0x31: {  	v4 =	vshrl.u32 v3, $0x3  }
0x32: {  	v4 =	vmul.u32 $0x90, v4  }
0x33: {  	v3 =	vand.u32 $0x7, v3  }
0x34: {  	v3 =	vor.u32 v3, v4  }
0x35: {  	v4 =	vperm.xlane v3, v0;
	_ =	sdelay $0x1  }
0x36: {  	v4 =	vadd.s32 v1, v4;
	_ =	sdelay $0x4  }
0x37: {  	[hbm4b:s4+s2] =	stream.indirect_vreg.scatter [tilespmem:s2], [sflag:$0x2], $0x80, v4, vm0, $0xb8;
	[tilespmem:$0x12200] =	vst v63  }
0x38: {  	s30 =	simm.s32 $0x800  }
0x39: {  	[hbm4b:s5+s2] =	stream.indirect_vreg.scatter [tilespmem:s30], [sflag:$0x2], $0x80, v4, vm0, $0xb8;
	[tilespmem:$0x12200] =	vst v63  }
0x3a: {  	s31 =	simm.s32 $0x1000  }
0x3b: {  	[hbm4b:s6+s2] =	stream.indirect_vreg.scatter [tilespmem:s31], [sflag:$0x2], $0x80, v4, vm0, $0xb8;
	[tilespmem:$0x12200] =	vst v63  }
0x3c: {  	s3 =	simm.s32 $0x1800  }
0x3d: {  	[hbm4b:s7+s2] =	stream.indirect_vreg.scatter [tilespmem:s3], [sflag:$0x2], $0x80, v4, vm0, $0xb8;
	[tilespmem:$0x12200] =	vst v63  }
0x3e: {  	s13 =	simm.s32 $0x2000  }
0x3f: {  	[hbm4b:s8+s2] =	stream.indirect_vreg.scatter [tilespmem:s13], [sflag:$0x2], $0x80, v4, vm0, $0xb8;
	[tilespmem:$0x12200] =	vst v63  }
0x40: {  	s14 =	simm.s32 $0x2800  }
0x41: {  	[hbm4b:s9+s2] =	stream.indirect_vreg.scatter [tilespmem:s14], [sflag:$0x2], $0x80, v4, vm0, $0xb8;
	[tilespmem:$0x12200] =	vst v63  }
0x42: {  	s15 =	simm.s32 $0x3000;
	v3 =	vperm.xlane v3, v2  }
0x43: {  	[hbm4b:s10+s2] =	stream.indirect_vreg.scatter [tilespmem:s15], [sflag:$0x2], $0x80, v4, vm0, $0xb8;
	[tilespmem:$0x12200] =	vst v63  }
0x44: {  	s17 =	simm.s32 $0x3800;
	v3 =	vadd.s32 v1, v3  }
0x45: {  	[hbm4b:s11+s2] =	stream.indirect_vreg.scatter [tilespmem:s17], [sflag:$0x2], $0x80, v4, vm0, $0xb8;
	[tilespmem:$0x12200] =	vst v63  }
0x46: {  	s18 =	simm.s32 $0x4000  }
0x47: {  	[hbm4b:s12+s2] =	stream.indirect_vreg.scatter [tilespmem:s18], [sflag:$0x2], $0x80, v4, vm0, $0xb8;
	[tilespmem:$0x12200] =	vst v63  }
0x48: {  	s19 =	simm.s32 $0x4800  }
0x49: {  	[hbm4b:s4+s2] =	stream.indirect_vreg.scatter [tilespmem:s19], [sflag:$0x2], $0x80, v3, vm0, $0xb8;
	[tilespmem:$0x12200] =	vst v63  }
0x4a: {  	s20 =	simm.s32 $0x5000  }
0x4b: {  	[hbm4b:s5+s2] =	stream.indirect_vreg.scatter [tilespmem:s20], [sflag:$0x2], $0x80, v3, vm0, $0xb8;
	[tilespmem:$0x12200] =	vst v63  }
0x4c: {  	s21 =	simm.s32 $0x5800  }
0x4d: {  	[hbm4b:s6+s2] =	stream.indirect_vreg.scatter [tilespmem:s21], [sflag:$0x2], $0x80, v3, vm0, $0xb8;
	[tilespmem:$0x12200] =	vst v63  }
0x4e: {  	s22 =	simm.s32 $0x6000  }
0x4f: {  	[hbm4b:s7+s2] =	stream.indirect_vreg.scatter [tilespmem:s22], [sflag:$0x2], $0x80, v3, vm0, $0xb8;
	[tilespmem:$0x12200] =	vst v63  }
0x50: {  	s23 =	simm.s32 $0x6800  }
0x51: {  	[hbm4b:s8+s2] =	stream.indirect_vreg.scatter [tilespmem:s23], [sflag:$0x2], $0x80, v3, vm0, $0xb8;
	[tilespmem:$0x12200] =	vst v63  }
0x52: {  	s24 =	simm.s32 $0x7000  }
0x53: {  	[hbm4b:s9+s2] =	stream.indirect_vreg.scatter [tilespmem:s24], [sflag:$0x2], $0x80, v3, vm0, $0xb8;
	[tilespmem:$0x12200] =	vst v63  }
0x54: {  	s25 =	simm.s32 $0x7800  }
0x55: {  	[hbm4b:s10+s2] =	stream.indirect_vreg.scatter [tilespmem:s25], [sflag:$0x2], $0x80, v3, vm0, $0xb8;
	[tilespmem:$0x12200] =	vst v63  }
0x56: {  	s15 =	simm.s32 $0x8000  }
0x57: {  	[hbm4b:s11+s2] =	stream.indirect_vreg.scatter [tilespmem:s15], [sflag:$0x2], $0x80, v3, vm0, $0xb8;
	[tilespmem:$0x12200] =	vst v63  }
0x58: {  	s19 =	simm.s32 $0x8800  }
0x59: {  	[hbm4b:s12+s2] =	stream.indirect_vreg.scatter [tilespmem:s19], [sflag:$0x2], $0x80, v3, vm0, $0xb8;
	[tilespmem:$0x12200] =	vst v63  }
0x5a: {  	v3 =	vld [tilespmem:$0x12100];
	_ =	sdelay $0x4  }
0x5b: {  	v49 =	vshrl.u32 v3, $0x3  }
0x5c: {  	v4 =	vmul.u32 $0x90, v49  }
0x5d: {  	v3 =	vand.u32 $0x7, v3  }
0x5e: {  	v3 =	vor.u32 v3, v4  }
0x5f: {  	v4 =	vperm.xlane v3, v0;
	_ =	sdelay $0x1  }
0x60: {  	v4 =	vadd.s32 v1, v4;
	_ =	sdelay $0x4  }
0x61: {  	[hbm4b:s4+s2] =	stream.indirect_vreg.scatter [tilespmem:s2], [sflag:$0x3], $0x80, v4, vm0, $0xb8;
	[tilespmem:$0x12200] =	vst v63  }
0x62: {  	s1 =	simm.s32 $0x800  }
0x63: {  	[hbm4b:s5+s2] =	stream.indirect_vreg.scatter [tilespmem:s1], [sflag:$0x3], $0x80, v4, vm0, $0xb8;
	[tilespmem:$0x12200] =	vst v63  }
0x64: {  	s30 =	simm.s32 $0x1000  }
0x65: {  	[hbm4b:s6+s2] =	stream.indirect_vreg.scatter [tilespmem:s30], [sflag:$0x3], $0x80, v4, vm0, $0xb8;
	[tilespmem:$0x12200] =	vst v63  }
0x66: {  	s3 =	simm.s32 $0x1800  }
0x67: {  	[hbm4b:s7+s2] =	stream.indirect_vreg.scatter [tilespmem:s3], [sflag:$0x3], $0x80, v4, vm0, $0xb8;
	[tilespmem:$0x12200] =	vst v63  }
0x68: {  	s31 =	simm.s32 $0x2000  }
0x69: {  	[hbm4b:s8+s2] =	stream.indirect_vreg.scatter [tilespmem:s31], [sflag:$0x3], $0x80, v4, vm0, $0xb8;
	[tilespmem:$0x12200] =	vst v63  }
0x6a: {  	s28 =	simm.s32 $0x2800  }
0x6b: {  	[hbm4b:s9+s2] =	stream.indirect_vreg.scatter [tilespmem:s28], [sflag:$0x3], $0x80, v4, vm0, $0xb8;
	[tilespmem:$0x12200] =	vst v63  }
0x6c: {  	s29 =	simm.s32 $0x3000;
	v3 =	vperm.xlane v3, v2  }
0x6d: {  	[hbm4b:s10+s2] =	stream.indirect_vreg.scatter [tilespmem:s29], [sflag:$0x3], $0x80, v4, vm0, $0xb8;
	[tilespmem:$0x12200] =	vst v63  }
0x6e: {  	s14 =	simm.s32 $0x3800;
	v3 =	vadd.s32 v1, v3  }
0x6f: {  	[hbm4b:s11+s2] =	stream.indirect_vreg.scatter [tilespmem:s14], [sflag:$0x3], $0x80, v4, vm0, $0xb8;
	[tilespmem:$0x12200] =	vst v63  }
0x70: {  	s13 =	simm.s32 $0x4000  }
0x71: {  	[hbm4b:s12+s2] =	stream.indirect_vreg.scatter [tilespmem:s13], [sflag:$0x3], $0x80, v4, vm0, $0xb8;
	[tilespmem:$0x12200] =	vst v63  }
0x72: {  	s17 =	simm.s32 $0x4800  }
0x73: {  	[hbm4b:s4+s2] =	stream.indirect_vreg.scatter [tilespmem:s17], [sflag:$0x3], $0x80, v3, vm0, $0xb8;
	[tilespmem:$0x12200] =	vst v63  }
0x74: {  	s18 =	simm.s32 $0x5000  }
0x75: {  	[hbm4b:s5+s2] =	stream.indirect_vreg.scatter [tilespmem:s18], [sflag:$0x3], $0x80, v3, vm0, $0xb8;
	[tilespmem:$0x12200] =	vst v63  }
0x76: {  	s21 =	simm.s32 $0x5800  }
0x77: {  	[hbm4b:s6+s2] =	stream.indirect_vreg.scatter [tilespmem:s21], [sflag:$0x3], $0x80, v3, vm0, $0xb8;
	[tilespmem:$0x12200] =	vst v63  }
0x78: {  	s26 =	simm.s32 $0x6000  }
0x79: {  	[hbm4b:s7+s2] =	stream.indirect_vreg.scatter [tilespmem:s26], [sflag:$0x3], $0x80, v3, vm0, $0xb8;
	[tilespmem:$0x12200] =	vst v63  }
0x7a: {  	s22 =	simm.s32 $0x6800  }
0x7b: {  	[hbm4b:s8+s2] =	stream.indirect_vreg.scatter [tilespmem:s22], [sflag:$0x3], $0x80, v3, vm0, $0xb8;
	[tilespmem:$0x12200] =	vst v63  }
0x7c: {  	s23 =	simm.s32 $0x7000  }
0x7d: {  	[hbm4b:s9+s2] =	stream.indirect_vreg.scatter [tilespmem:s23], [sflag:$0x3], $0x80, v3, vm0, $0xb8;
	[tilespmem:$0x12200] =	vst v63  }
0x7e: {  	s24 =	simm.s32 $0x7800  }
0x7f: {  	[hbm4b:s10+s2] =	stream.indirect_vreg.scatter [tilespmem:s24], [sflag:$0x3], $0x80, v3, vm0, $0xb8;
	[tilespmem:$0x12200] =	vst v63  }
0x80: {  	s25 =	simm.s32 $0x8000  }
0x81: {  	[hbm4b:s11+s2] =	stream.indirect_vreg.scatter [tilespmem:s25], [sflag:$0x3], $0x80, v3, vm0, $0xb8;
	[tilespmem:$0x12200] =	vst v63  }
0x82: {  	s20 =	simm.s32 $0x8800  }
0x83: {  	[hbm4b:s12+s2] =	stream.indirect_vreg.scatter [tilespmem:s20], [sflag:$0x3], $0x80, v3, vm0, $0xb8;
	[tilespmem:$0x12200] =	vst v63  }
0x84: {  	s28 =	simm.s32 $0x9000;
	s25 =	rddreg [dreg:$0x5]  }
0x85: {  	[tilespmem:s28], [sflag:$0x1] =	stream.linear.gather [hbm4b:s25+s2], $0x9000, $0x38;
	[tilespmem:$0x12200] =	vst v63  }
0x86: {  	s13 =	simm.s32 $0x12080;
	s26 =	rddreg [dreg:$0x6]  }
0x87: {  	[tilespmem:s13], [sflag:$0x1] =	stream.linear.gather [hbm4b:s26+s2], $0x10, $0x38;
	[tilespmem:$0x12200] =	vst v63  }
0x88: {  	s3 =	rddreg [dreg:$0x7];
	s14 =	simm.s32 $0x12180  }
0x89: {  	[tilespmem:s14], [sflag:$0x1] =	stream.linear.gather [hbm4b:s3+s2], $0x10, $0x38;
	[tilespmem:$0x12200] =	vst v63  }
0x8a: {  	_ =	swait.ge [sflag:s16], $0x9000  }
0x8b: {  	[sflag:s16] =	ssyncset.done $0x0  }
0x8c: {  	[sflag:s16] =	ssyncadd.s32 $0xFFFF7000  }
0x8d: {  	_ =	swait.ge [sflag:s16], $0x10  }
0x8e: {  	[sflag:s16] =	ssyncset.done $0x0  }
0x8f: {  	[sflag:s16] =	ssyncadd.s32 $0xFFFFFFF0  }
0x90: {  	_ =	swait.ge [sflag:s16], $0x10  }
0x91: {  	[sflag:s16] =	ssyncset.done $0x0  }
0x92: {  	[sflag:s16] =	ssyncadd.s32 $0xFFFFFFF0  }
0x93: {  	v3 =	vld [tilespmem:$0x12080];
	_ =	sdelay $0x4  }
0x94: {  	v50 =	vshrl.u32 v3, $0x3  }
0x95: {  	v4 =	vmul.u32 $0x90, v50  }
0x96: {  	v3 =	vand.u32 $0x7, v3  }
0x97: {  	v3 =	vor.u32 v3, v4  }
0x98: {  	v4 =	vperm.xlane v3, v0;
	_ =	sdelay $0x1  }
0x99: {  	v4 =	vadd.s32 v1, v4;
	_ =	sdelay $0x3  }
0x9a: {  	s29 =	simm.s32 $0x9000  }
0x9b: {  	[hbm4b:s4+s2] =	stream.indirect_vreg.scatter [tilespmem:s29], [sflag:$0x2], $0x80, v4, vm0, $0xb8;
	[tilespmem:$0x12200] =	vst v63  }
0x9c: {  	s15 =	simm.s32 $0x9800  }
0x9d: {  	[hbm4b:s5+s2] =	stream.indirect_vreg.scatter [tilespmem:s15], [sflag:$0x2], $0x80, v4, vm0, $0xb8;
	[tilespmem:$0x12200] =	vst v63  }
0x9e: {  	s18 =	simm.s32 $0xA000  }
0x9f: {  	[hbm4b:s6+s2] =	stream.indirect_vreg.scatter [tilespmem:s18], [sflag:$0x2], $0x80, v4, vm0, $0xb8;
	[tilespmem:$0x12200] =	vst v63  }
0xa0: {  	s19 =	simm.s32 $0xA800  }
0xa1: {  	[hbm4b:s7+s2] =	stream.indirect_vreg.scatter [tilespmem:s19], [sflag:$0x2], $0x80, v4, vm0, $0xb8;
	[tilespmem:$0x12200] =	vst v63  }
0xa2: {  	s21 =	simm.s32 $0xB000  }
0xa3: {  	[hbm4b:s8+s2] =	stream.indirect_vreg.scatter [tilespmem:s21], [sflag:$0x2], $0x80, v4, vm0, $0xb8;
	[tilespmem:$0x12200] =	vst v63  }
0xa4: {  	s22 =	simm.s32 $0xB800  }
0xa5: {  	[hbm4b:s9+s2] =	stream.indirect_vreg.scatter [tilespmem:s22], [sflag:$0x2], $0x80, v4, vm0, $0xb8;
	[tilespmem:$0x12200] =	vst v63  }
0xa6: {  	s23 =	simm.s32 $0xC000;
	v3 =	vperm.xlane v3, v2  }
0xa7: {  	[hbm4b:s10+s2] =	stream.indirect_vreg.scatter [tilespmem:s23], [sflag:$0x2], $0x80, v4, vm0, $0xb8;
	[tilespmem:$0x12200] =	vst v63  }
0xa8: {  	s24 =	simm.s32 $0xC800;
	v3 =	vadd.s32 v1, v3  }
0xa9: {  	[hbm4b:s11+s2] =	stream.indirect_vreg.scatter [tilespmem:s24], [sflag:$0x2], $0x80, v4, vm0, $0xb8;
	[tilespmem:$0x12200] =	vst v63  }
0xaa: {  	s25 =	simm.s32 $0xD000  }
0xab: {  	[hbm4b:s12+s2] =	stream.indirect_vreg.scatter [tilespmem:s25], [sflag:$0x2], $0x80, v4, vm0, $0xb8;
	[tilespmem:$0x12200] =	vst v63  }
0xac: {  	s26 =	simm.s32 $0xD800  }
0xad: {  	[hbm4b:s4+s2] =	stream.indirect_vreg.scatter [tilespmem:s26], [sflag:$0x2], $0x80, v3, vm0, $0xb8;
	[tilespmem:$0x12200] =	vst v63  }
0xae: {  	s0 =	simm.s32 $0xE000  }
0xaf: {  	[hbm4b:s5+s2] =	stream.indirect_vreg.scatter [tilespmem:s0], [sflag:$0x2], $0x80, v3, vm0, $0xb8;
	[tilespmem:$0x12200] =	vst v63  }
0xb0: {  	s1 =	simm.s32 $0xE800  }
0xb1: {  	[hbm4b:s6+s2] =	stream.indirect_vreg.scatter [tilespmem:s1], [sflag:$0x2], $0x80, v3, vm0, $0xb8;
	[tilespmem:$0x12200] =	vst v63  }
0xb2: {  	s22 =	simm.s32 $0xF000  }
0xb3: {  	[hbm4b:s7+s2] =	stream.indirect_vreg.scatter [tilespmem:s22], [sflag:$0x2], $0x80, v3, vm0, $0xb8;
	[tilespmem:$0x12200] =	vst v63  }
0xb4: {  	s23 =	simm.s32 $0xF800  }
0xb5: {  	[hbm4b:s8+s2] =	stream.indirect_vreg.scatter [tilespmem:s23], [sflag:$0x2], $0x80, v3, vm0, $0xb8;
	[tilespmem:$0x12200] =	vst v63  }
0xb6: {  	s24 =	simm.s32 $0x10000  }
0xb7: {  	[hbm4b:s9+s2] =	stream.indirect_vreg.scatter [tilespmem:s24], [sflag:$0x2], $0x80, v3, vm0, $0xb8;
	[tilespmem:$0x12200] =	vst v63  }
0xb8: {  	s25 =	simm.s32 $0x10800  }
0xb9: {  	[hbm4b:s10+s2] =	stream.indirect_vreg.scatter [tilespmem:s25], [sflag:$0x2], $0x80, v3, vm0, $0xb8;
	[tilespmem:$0x12200] =	vst v63  }
0xba: {  	s26 =	simm.s32 $0x11000  }
0xbb: {  	[hbm4b:s11+s2] =	stream.indirect_vreg.scatter [tilespmem:s26], [sflag:$0x2], $0x80, v3, vm0, $0xb8;
	[tilespmem:$0x12200] =	vst v63  }
0xbc: {  	s17 =	simm.s32 $0x11800  }
0xbd: {  	[hbm4b:s12+s2] =	stream.indirect_vreg.scatter [tilespmem:s17], [sflag:$0x2], $0x80, v3, vm0, $0xb8;
	[tilespmem:$0x12200] =	vst v63  }
0xbe: {  	v3 =	vld [tilespmem:$0x12180];
	_ =	sdelay $0x4  }
0xbf: {  	v51 =	vshrl.u32 v3, $0x3  }
0xc0: {  	v4 =	vmul.u32 $0x90, v51  }
0xc1: {  	v3 =	vand.u32 $0x7, v3  }
0xc2: {  	v3 =	vor.u32 v3, v4  }
0xc3: {  	v4 =	vperm.xlane v3, v0;
	_ =	sdelay $0x1  }
0xc4: {  	v4 =	vadd.s32 v1, v4;
	_ =	sdelay $0x3  }
0xc5: {  	s20 =	simm.s32 $0x9000  }
0xc6: {  	[hbm4b:s4+s2] =	stream.indirect_vreg.scatter [tilespmem:s20], [sflag:$0x3], $0x80, v4, vm0, $0xb8;
	[tilespmem:$0x12200] =	vst v63  }
0xc7: {  	s3 =	simm.s32 $0x9800  }
0xc8: {  	[hbm4b:s5+s2] =	stream.indirect_vreg.scatter [tilespmem:s3], [sflag:$0x3], $0x80, v4, vm0, $0xb8;
	[tilespmem:$0x12200] =	vst v63  }
0xc9: {  	s13 =	simm.s32 $0xA000  }
0xca: {  	[hbm4b:s6+s2] =	stream.indirect_vreg.scatter [tilespmem:s13], [sflag:$0x3], $0x80, v4, vm0, $0xb8;
	[tilespmem:$0x12200] =	vst v63  }
0xcb: {  	s14 =	simm.s32 $0xA800  }
0xcc: {  	[hbm4b:s7+s2] =	stream.indirect_vreg.scatter [tilespmem:s14], [sflag:$0x3], $0x80, v4, vm0, $0xb8;
	[tilespmem:$0x12200] =	vst v63  }
0xcd: {  	s15 =	simm.s32 $0xB000  }
0xce: {  	[hbm4b:s8+s2] =	stream.indirect_vreg.scatter [tilespmem:s15], [sflag:$0x3], $0x80, v4, vm0, $0xb8;
	[tilespmem:$0x12200] =	vst v63  }
0xcf: {  	s28 =	simm.s32 $0xB800  }
0xd0: {  	[hbm4b:s9+s2] =	stream.indirect_vreg.scatter [tilespmem:s28], [sflag:$0x3], $0x80, v4, vm0, $0xb8;
	[tilespmem:$0x12200] =	vst v63  }
0xd1: {  	s29 =	simm.s32 $0xC000;
	v3 =	vperm.xlane v3, v2  }
0xd2: {  	[hbm4b:s10+s2] =	stream.indirect_vreg.scatter [tilespmem:s29], [sflag:$0x3], $0x80, v4, vm0, $0xb8;
	[tilespmem:$0x12200] =	vst v63  }
0xd3: {  	s19 =	simm.s32 $0xC800;
	v3 =	vadd.s32 v1, v3  }
0xd4: {  	[hbm4b:s11+s2] =	stream.indirect_vreg.scatter [tilespmem:s19], [sflag:$0x3], $0x80, v4, vm0, $0xb8;
	[tilespmem:$0x12200] =	vst v63  }
0xd5: {  	s18 =	simm.s32 $0xD000  }
0xd6: {  	[hbm4b:s12+s2] =	stream.indirect_vreg.scatter [tilespmem:s18], [sflag:$0x3], $0x80, v4, vm0, $0xb8;
	[tilespmem:$0x12200] =	vst v63  }
0xd7: {  	s21 =	simm.s32 $0xD800  }
0xd8: {  	[hbm4b:s4+s2] =	stream.indirect_vreg.scatter [tilespmem:s21], [sflag:$0x3], $0x80, v3, vm0, $0xb8;
	[tilespmem:$0x12200] =	vst v63  }
0xd9: {  	s0 =	simm.s32 $0xE000  }
0xda: {  	[hbm4b:s5+s2] =	stream.indirect_vreg.scatter [tilespmem:s0], [sflag:$0x3], $0x80, v3, vm0, $0xb8;
	[tilespmem:$0x12200] =	vst v63  }
0xdb: {  	s1 =	simm.s32 $0xE800  }
0xdc: {  	[hbm4b:s6+s2] =	stream.indirect_vreg.scatter [tilespmem:s1], [sflag:$0x3], $0x80, v3, vm0, $0xb8;
	[tilespmem:$0x12200] =	vst v63  }
0xdd: {  	s22 =	simm.s32 $0xF000  }
0xde: {  	[hbm4b:s7+s2] =	stream.indirect_vreg.scatter [tilespmem:s22], [sflag:$0x3], $0x80, v3, vm0, $0xb8;
	[tilespmem:$0x12200] =	vst v63  }
0xdf: {  	s23 =	simm.s32 $0xF800  }
0xe0: {  	[hbm4b:s8+s2] =	stream.indirect_vreg.scatter [tilespmem:s23], [sflag:$0x3], $0x80, v3, vm0, $0xb8;
	[tilespmem:$0x12200] =	vst v63  }
0xe1: {  	s24 =	simm.s32 $0x10000  }
0xe2: {  	[hbm4b:s9+s2] =	stream.indirect_vreg.scatter [tilespmem:s24], [sflag:$0x3], $0x80, v3, vm0, $0xb8;
	[tilespmem:$0x12200] =	vst v63  }
0xe3: {  	s25 =	simm.s32 $0x10800  }
0xe4: {  	[hbm4b:s10+s2] =	stream.indirect_vreg.scatter [tilespmem:s25], [sflag:$0x3], $0x80, v3, vm0, $0xb8;
	[tilespmem:$0x12200] =	vst v63  }
0xe5: {  	s26 =	simm.s32 $0x11000  }
0xe6: {  	[hbm4b:s11+s2] =	stream.indirect_vreg.scatter [tilespmem:s26], [sflag:$0x3], $0x80, v3, vm0, $0xb8;
	[tilespmem:$0x12200] =	vst v63  }
0xe7: {  	s17 =	simm.s32 $0x11800;
	s19 =	simm.s32 $0x2  }
0xe8: {  	[hbm4b:s12+s2] =	stream.indirect_vreg.scatter [tilespmem:s17], [sflag:$0x3], $0x80, v3, vm0, $0xb8;
	[tilespmem:$0x12200] =	vst v63  }
0xe9: {  	_ =	swait.ge [sflag:s19], $0x9000  }
0xea: {  	[sflag:s19] =	ssyncset.done $0x0  }
0xeb: {  	s20 =	simm.s32 $0x3;
	[sflag:s19] =	ssyncadd.s32 $0xFFFF7000  }
0xec: {  	_ =	swait.ge [sflag:s20], $0x9000  }
0xed: {  	[sflag:s20] =	ssyncset.done $0x0  }
0xee: {  	s21 =	rddreg [dreg:$0x8];
	[sflag:s20] =	ssyncadd.s32 $0xFFFF7000  }
0xef: {  	[tilespmem:s2], [sflag:$0x1] =	stream.linear.gather [hbm4b:s21+s2], $0x9000, $0x38;
	[tilespmem:$0x12200] =	vst v63  }
0xf0: {  	s24 =	simm.s32 $0x12000;
	s22 =	rddreg [dreg:$0x9]  }
0xf1: {  	[tilespmem:s24], [sflag:$0x1] =	stream.linear.gather [hbm4b:s22+s2], $0x10, $0x38;
	[tilespmem:$0x12200] =	vst v63  }
0xf2: {  	s29 =	simm.s32 $0x12100;
	s23 =	rddreg [dreg:$0xa]  }
0xf3: {  	[tilespmem:s29], [sflag:$0x1] =	stream.linear.gather [hbm4b:s23+s2], $0x10, $0x38;
	[tilespmem:$0x12200] =	vst v63  }
0xf4: {  	_ =	swait.ge [sflag:s16], $0x9000  }
0xf5: {  	[sflag:s16] =	ssyncset.done $0x0  }
0xf6: {  	[sflag:s16] =	ssyncadd.s32 $0xFFFF7000  }
0xf7: {  	_ =	swait.ge [sflag:s16], $0x10  }
0xf8: {  	[sflag:s16] =	ssyncset.done $0x0  }
0xf9: {  	[sflag:s16] =	ssyncadd.s32 $0xFFFFFFF0  }
0xfa: {  	_ =	swait.ge [sflag:s16], $0x10  }
0xfb: {  	[sflag:s16] =	ssyncset.done $0x0  }
0xfc: {  	[sflag:s16] =	ssyncadd.s32 $0xFFFFFFF0  }
0xfd: {  	v3 =	vld [tilespmem:$0x12000];
	_ =	sdelay $0x4  }
0xfe: {  	v52 =	vshrl.u32 v3, $0x3  }
0xff: {  	v4 =	vmul.u32 $0x90, v52  }
0x100: {  	v3 =	vand.u32 $0x7, v3  }
0x101: {  	v3 =	vor.u32 v3, v4  }
0x102: {  	v4 =	vperm.xlane v3, v0;
	_ =	sdelay $0x1  }
0x103: {  	v4 =	vadd.s32 v1, v4;
	_ =	sdelay $0x4  }
0x104: {  	[hbm4b:s4+s2] =	stream.indirect_vreg.scatter [tilespmem:s2], [sflag:$0x2], $0x80, v4, vm0, $0xb8;
	[tilespmem:$0x12200] =	vst v63  }
0x105: {  	s22 =	simm.s32 $0x800  }
0x106: {  	[hbm4b:s5+s2] =	stream.indirect_vreg.scatter [tilespmem:s22], [sflag:$0x2], $0x80, v4, vm0, $0xb8;
	[tilespmem:$0x12200] =	vst v63  }
0x107: {  	_ = 	snop  }
0x108: {  	[hbm4b:s6+s2] =	stream.indirect_vreg.scatter [tilespmem:s30], [sflag:$0x2], $0x80, v4, vm0, $0xb8;
	[tilespmem:$0x12200] =	vst v63  }
0x109: {  	s23 =	simm.s32 $0x1800  }
0x10a: {  	[hbm4b:s7+s2] =	stream.indirect_vreg.scatter [tilespmem:s23], [sflag:$0x2], $0x80, v4, vm0, $0xb8;
	[tilespmem:$0x12200] =	vst v63  }
0x10b: {  	_ = 	snop  }
0x10c: {  	[hbm4b:s8+s2] =	stream.indirect_vreg.scatter [tilespmem:s31], [sflag:$0x2], $0x80, v4, vm0, $0xb8;
	[tilespmem:$0x12200] =	vst v63  }
0x10d: {  	s13 =	simm.s32 $0x2800  }
0x10e: {  	[hbm4b:s9+s2] =	stream.indirect_vreg.scatter [tilespmem:s13], [sflag:$0x2], $0x80, v4, vm0, $0xb8;
	[tilespmem:$0x12200] =	vst v63  }
0x10f: {  	s14 =	simm.s32 $0x3000;
	v3 =	vperm.xlane v3, v2  }
0x110: {  	[hbm4b:s10+s2] =	stream.indirect_vreg.scatter [tilespmem:s14], [sflag:$0x2], $0x80, v4, vm0, $0xb8;
	[tilespmem:$0x12200] =	vst v63  }
0x111: {  	s24 =	simm.s32 $0x3800;
	v3 =	vadd.s32 v1, v3  }
0x112: {  	[hbm4b:s11+s2] =	stream.indirect_vreg.scatter [tilespmem:s24], [sflag:$0x2], $0x80, v4, vm0, $0xb8;
	[tilespmem:$0x12200] =	vst v63  }
0x113: {  	s17 =	simm.s32 $0x4000  }
0x114: {  	[hbm4b:s12+s2] =	stream.indirect_vreg.scatter [tilespmem:s17], [sflag:$0x2], $0x80, v4, vm0, $0xb8;
	[tilespmem:$0x12200] =	vst v63  }
0x115: {  	s18 =	simm.s32 $0x4800  }
0x116: {  	[hbm4b:s4+s2] =	stream.indirect_vreg.scatter [tilespmem:s18], [sflag:$0x2], $0x80, v3, vm0, $0xb8;
	[tilespmem:$0x12200] =	vst v63  }
0x117: {  	s29 =	simm.s32 $0x5000  }
0x118: {  	[hbm4b:s5+s2] =	stream.indirect_vreg.scatter [tilespmem:s29], [sflag:$0x2], $0x80, v3, vm0, $0xb8;
	[tilespmem:$0x12200] =	vst v63  }
0x119: {  	s0 =	simm.s32 $0x5800  }
0x11a: {  	[hbm4b:s6+s2] =	stream.indirect_vreg.scatter [tilespmem:s0], [sflag:$0x2], $0x80, v3, vm0, $0xb8;
	[tilespmem:$0x12200] =	vst v63  }
0x11b: {  	s1 =	simm.s32 $0x6000  }
0x11c: {  	[hbm4b:s7+s2] =	stream.indirect_vreg.scatter [tilespmem:s1], [sflag:$0x2], $0x80, v3, vm0, $0xb8;
	[tilespmem:$0x12200] =	vst v63  }
0x11d: {  	s19 =	simm.s32 $0x6800  }
0x11e: {  	[hbm4b:s8+s2] =	stream.indirect_vreg.scatter [tilespmem:s19], [sflag:$0x2], $0x80, v3, vm0, $0xb8;
	[tilespmem:$0x12200] =	vst v63  }
0x11f: {  	s15 =	simm.s32 $0x7000  }
0x120: {  	[hbm4b:s9+s2] =	stream.indirect_vreg.scatter [tilespmem:s15], [sflag:$0x2], $0x80, v3, vm0, $0xb8;
	[tilespmem:$0x12200] =	vst v63  }
0x121: {  	s20 =	simm.s32 $0x7800  }
0x122: {  	[hbm4b:s10+s2] =	stream.indirect_vreg.scatter [tilespmem:s20], [sflag:$0x2], $0x80, v3, vm0, $0xb8;
	[tilespmem:$0x12200] =	vst v63  }
0x123: {  	s21 =	simm.s32 $0x8000  }
0x124: {  	[hbm4b:s11+s2] =	stream.indirect_vreg.scatter [tilespmem:s21], [sflag:$0x2], $0x80, v3, vm0, $0xb8;
	[tilespmem:$0x12200] =	vst v63  }
0x125: {  	s3 =	simm.s32 $0x8800  }
0x126: {  	[hbm4b:s12+s2] =	stream.indirect_vreg.scatter [tilespmem:s3], [sflag:$0x2], $0x80, v3, vm0, $0xb8;
	[tilespmem:$0x12200] =	vst v63  }
0x127: {  	v3 =	vld [tilespmem:$0x12100];
	_ =	sdelay $0x4  }
0x128: {  	v53 =	vshrl.u32 v3, $0x3  }
0x129: {  	v4 =	vmul.u32 $0x90, v53  }
0x12a: {  	v3 =	vand.u32 $0x7, v3  }
0x12b: {  	v3 =	vor.u32 v3, v4  }
0x12c: {  	v4 =	vperm.xlane v3, v0;
	_ =	sdelay $0x1  }
0x12d: {  	v4 =	vadd.s32 v1, v4;
	_ =	sdelay $0x4  }
0x12e: {  	[hbm4b:s4+s2] =	stream.indirect_vreg.scatter [tilespmem:s2], [sflag:$0x3], $0x80, v4, vm0, $0xb8;
	[tilespmem:$0x12200] =	vst v63  }
0x12f: {  	_ = 	snop  }
0x130: {  	[hbm4b:s5+s2] =	stream.indirect_vreg.scatter [tilespmem:s22], [sflag:$0x3], $0x80, v4, vm0, $0xb8;
	[tilespmem:$0x12200] =	vst v63  }
0x131: {  	_ = 	snop  }
0x132: {  	[hbm4b:s6+s2] =	stream.indirect_vreg.scatter [tilespmem:s30], [sflag:$0x3], $0x80, v4, vm0, $0xb8;
	[tilespmem:$0x12200] =	vst v63  }
0x133: {  	_ = 	snop  }
0x134: {  	[hbm4b:s7+s2] =	stream.indirect_vreg.scatter [tilespmem:s23], [sflag:$0x3], $0x80, v4, vm0, $0xb8;
	[tilespmem:$0x12200] =	vst v63  }
0x135: {  	_ = 	snop  }
0x136: {  	[hbm4b:s8+s2] =	stream.indirect_vreg.scatter [tilespmem:s31], [sflag:$0x3], $0x80, v4, vm0, $0xb8;
	[tilespmem:$0x12200] =	vst v63  }
0x137: {  	_ = 	snop  }
0x138: {  	[hbm4b:s9+s2] =	stream.indirect_vreg.scatter [tilespmem:s13], [sflag:$0x3], $0x80, v4, vm0, $0xb8;
	[tilespmem:$0x12200] =	vst v63  }
0x139: {  	v3 =	vperm.xlane v3, v2  }
0x13a: {  	[hbm4b:s10+s2] =	stream.indirect_vreg.scatter [tilespmem:s14], [sflag:$0x3], $0x80, v4, vm0, $0xb8;
	[tilespmem:$0x12200] =	vst v63  }
0x13b: {  	v3 =	vadd.s32 v1, v3  }
0x13c: {  	[hbm4b:s11+s2] =	stream.indirect_vreg.scatter [tilespmem:s24], [sflag:$0x3], $0x80, v4, vm0, $0xb8;
	[tilespmem:$0x12200] =	vst v63  }
0x13d: {  	_ = 	snop  }
0x13e: {  	[hbm4b:s12+s2] =	stream.indirect_vreg.scatter [tilespmem:s17], [sflag:$0x3], $0x80, v4, vm0, $0xb8;
	[tilespmem:$0x12200] =	vst v63  }
0x13f: {  	_ = 	snop  }
0x140: {  	[hbm4b:s4+s2] =	stream.indirect_vreg.scatter [tilespmem:s18], [sflag:$0x3], $0x80, v3, vm0, $0xb8;
	[tilespmem:$0x12200] =	vst v63  }
0x141: {  	_ = 	snop  }
0x142: {  	[hbm4b:s5+s2] =	stream.indirect_vreg.scatter [tilespmem:s29], [sflag:$0x3], $0x80, v3, vm0, $0xb8;
	[tilespmem:$0x12200] =	vst v63  }
0x143: {  	_ = 	snop  }
0x144: {  	[hbm4b:s6+s2] =	stream.indirect_vreg.scatter [tilespmem:s0], [sflag:$0x3], $0x80, v3, vm0, $0xb8;
	[tilespmem:$0x12200] =	vst v63  }
0x145: {  	_ = 	snop  }
0x146: {  	[hbm4b:s7+s2] =	stream.indirect_vreg.scatter [tilespmem:s1], [sflag:$0x3], $0x80, v3, vm0, $0xb8;
	[tilespmem:$0x12200] =	vst v63  }
0x147: {  	_ = 	snop  }
0x148: {  	[hbm4b:s8+s2] =	stream.indirect_vreg.scatter [tilespmem:s19], [sflag:$0x3], $0x80, v3, vm0, $0xb8;
	[tilespmem:$0x12200] =	vst v63  }
0x149: {  	_ = 	snop  }
0x14a: {  	[hbm4b:s9+s2] =	stream.indirect_vreg.scatter [tilespmem:s15], [sflag:$0x3], $0x80, v3, vm0, $0xb8;
	[tilespmem:$0x12200] =	vst v63  }
0x14b: {  	_ = 	snop  }
0x14c: {  	[hbm4b:s10+s2] =	stream.indirect_vreg.scatter [tilespmem:s20], [sflag:$0x3], $0x80, v3, vm0, $0xb8;
	[tilespmem:$0x12200] =	vst v63  }
0x14d: {  	_ = 	snop  }
0x14e: {  	[hbm4b:s11+s2] =	stream.indirect_vreg.scatter [tilespmem:s21], [sflag:$0x3], $0x80, v3, vm0, $0xb8;
	[tilespmem:$0x12200] =	vst v63  }
0x14f: {  	s26 =	simm.s32 $0x2  }
0x150: {  	[hbm4b:s12+s2] =	stream.indirect_vreg.scatter [tilespmem:s3], [sflag:$0x3], $0x80, v3, vm0, $0xb8;
	[tilespmem:$0x12200] =	vst v63  }
0x151: {  	_ =	swait.ge [sflag:s26], $0x9000  }
0x152: {  	[sflag:s26] =	ssyncset.done $0x0  }
0x153: {  	s25 =	simm.s32 $0x3;
	[sflag:s26] =	ssyncadd.s32 $0xFFFF7000  }
0x154: {  	_ =	swait.ge [sflag:s25], $0x9000  }
0x155: {  	[sflag:s25] =	ssyncset.done $0x0  }
0x156: {  	s13 =	simm.s32 $0x9000;
	s1 =	rddreg [dreg:$0xb];
	[sflag:s25] =	ssyncadd.s32 $0xFFFF7000  }
0x157: {  	[tilespmem:s13], [sflag:$0x1] =	stream.linear.gather [hbm4b:s1+s2], $0x9000, $0x38;
	[tilespmem:$0x12200] =	vst v63  }
0x158: {  	s15 =	simm.s32 $0x12080;
	s3 =	rddreg [dreg:$0xc]  }
0x159: {  	[tilespmem:s15], [sflag:$0x1] =	stream.linear.gather [hbm4b:s3+s2], $0x10, $0x38;
	[tilespmem:$0x12200] =	vst v63  }
0x15a: {  	s18 =	simm.s32 $0x12180;
	s14 =	rddreg [dreg:$0xd]  }
0x15b: {  	[tilespmem:s18], [sflag:$0x1] =	stream.linear.gather [hbm4b:s14+s2], $0x10, $0x38;
	[tilespmem:$0x12200] =	vst v63  }
0x15c: {  	_ =	swait.ge [sflag:s16], $0x9000  }
0x15d: {  	[sflag:s16] =	ssyncset.done $0x0  }
0x15e: {  	[sflag:s16] =	ssyncadd.s32 $0xFFFF7000  }
0x15f: {  	_ =	swait.ge [sflag:s16], $0x10  }
0x160: {  	[sflag:s16] =	ssyncset.done $0x0  }
0x161: {  	[sflag:s16] =	ssyncadd.s32 $0xFFFFFFF0  }
0x162: {  	_ =	swait.ge [sflag:s16], $0x10  }
0x163: {  	[sflag:s16] =	ssyncset.done $0x0  }
0x164: {  	[sflag:s16] =	ssyncadd.s32 $0xFFFFFFF0  }
0x165: {  	v3 =	vld [tilespmem:$0x12080];
	_ =	sdelay $0x4  }
0x166: {  	v54 =	vshrl.u32 v3, $0x3  }
0x167: {  	v4 =	vmul.u32 $0x90, v54  }
0x168: {  	v3 =	vand.u32 $0x7, v3  }
0x169: {  	v3 =	vor.u32 v3, v4  }
0x16a: {  	v4 =	vperm.xlane v3, v0;
	_ =	sdelay $0x1  }
0x16b: {  	v4 =	vadd.s32 v1, v4;
	_ =	sdelay $0x4  }
0x16c: {  	[hbm4b:s4+s2] =	stream.indirect_vreg.scatter [tilespmem:s13], [sflag:$0x2], $0x80, v4, vm0, $0xb8;
	[tilespmem:$0x12200] =	vst v63  }
0x16d: {  	s3 =	simm.s32 $0x9800  }
0x16e: {  	[hbm4b:s5+s2] =	stream.indirect_vreg.scatter [tilespmem:s3], [sflag:$0x2], $0x80, v4, vm0, $0xb8;
	[tilespmem:$0x12200] =	vst v63  }
0x16f: {  	s31 =	simm.s32 $0xA000  }
0x170: {  	[hbm4b:s6+s2] =	stream.indirect_vreg.scatter [tilespmem:s31], [sflag:$0x2], $0x80, v4, vm0, $0xb8;
	[tilespmem:$0x12200] =	vst v63  }
0x171: {  	s15 =	simm.s32 $0xA800  }
0x172: {  	[hbm4b:s7+s2] =	stream.indirect_vreg.scatter [tilespmem:s15], [sflag:$0x2], $0x80, v4, vm0, $0xb8;
	[tilespmem:$0x12200] =	vst v63  }
0x173: {  	s13 =	simm.s32 $0xB000  }
0x174: {  	[hbm4b:s8+s2] =	stream.indirect_vreg.scatter [tilespmem:s13], [sflag:$0x2], $0x80, v4, vm0, $0xb8;
	[tilespmem:$0x12200] =	vst v63  }
0x175: {  	s14 =	simm.s32 $0xB800  }
0x176: {  	[hbm4b:s9+s2] =	stream.indirect_vreg.scatter [tilespmem:s14], [sflag:$0x2], $0x80, v4, vm0, $0xb8;
	[tilespmem:$0x12200] =	vst v63  }
0x177: {  	s19 =	simm.s32 $0xC000;
	v3 =	vperm.xlane v3, v2  }
0x178: {  	[hbm4b:s10+s2] =	stream.indirect_vreg.scatter [tilespmem:s19], [sflag:$0x2], $0x80, v4, vm0, $0xb8;
	[tilespmem:$0x12200] =	vst v63  }
0x179: {  	s17 =	simm.s32 $0xC800;
	v3 =	vadd.s32 v1, v3  }
0x17a: {  	[hbm4b:s11+s2] =	stream.indirect_vreg.scatter [tilespmem:s17], [sflag:$0x2], $0x80, v4, vm0, $0xb8;
	[tilespmem:$0x12200] =	vst v63  }
0x17b: {  	s18 =	simm.s32 $0xD000  }
0x17c: {  	[hbm4b:s12+s2] =	stream.indirect_vreg.scatter [tilespmem:s18], [sflag:$0x2], $0x80, v4, vm0, $0xb8;
	[tilespmem:$0x12200] =	vst v63  }
0x17d: {  	s0 =	simm.s32 $0xD800  }
0x17e: {  	[hbm4b:s4+s2] =	stream.indirect_vreg.scatter [tilespmem:s0], [sflag:$0x2], $0x80, v3, vm0, $0xb8;
	[tilespmem:$0x12200] =	vst v63  }
0x17f: {  	s1 =	simm.s32 $0xE000  }
0x180: {  	[hbm4b:s5+s2] =	stream.indirect_vreg.scatter [tilespmem:s1], [sflag:$0x2], $0x80, v3, vm0, $0xb8;
	[tilespmem:$0x12200] =	vst v63  }
0x181: {  	s21 =	simm.s32 $0xE800  }
0x182: {  	[hbm4b:s6+s2] =	stream.indirect_vreg.scatter [tilespmem:s21], [sflag:$0x2], $0x80, v3, vm0, $0xb8;
	[tilespmem:$0x12200] =	vst v63  }
0x183: {  	s22 =	simm.s32 $0xF000  }
0x184: {  	[hbm4b:s7+s2] =	stream.indirect_vreg.scatter [tilespmem:s22], [sflag:$0x2], $0x80, v3, vm0, $0xb8;
	[tilespmem:$0x12200] =	vst v63  }
0x185: {  	s28 =	simm.s32 $0xF800  }
0x186: {  	[hbm4b:s8+s2] =	stream.indirect_vreg.scatter [tilespmem:s28], [sflag:$0x2], $0x80, v3, vm0, $0xb8;
	[tilespmem:$0x12200] =	vst v63  }
0x187: {  	s23 =	simm.s32 $0x10000  }
0x188: {  	[hbm4b:s9+s2] =	stream.indirect_vreg.scatter [tilespmem:s23], [sflag:$0x2], $0x80, v3, vm0, $0xb8;
	[tilespmem:$0x12200] =	vst v63  }
0x189: {  	s24 =	simm.s32 $0x10800  }
0x18a: {  	[hbm4b:s10+s2] =	stream.indirect_vreg.scatter [tilespmem:s24], [sflag:$0x2], $0x80, v3, vm0, $0xb8;
	[tilespmem:$0x12200] =	vst v63  }
0x18b: {  	s25 =	simm.s32 $0x11000  }
0x18c: {  	[hbm4b:s11+s2] =	stream.indirect_vreg.scatter [tilespmem:s25], [sflag:$0x2], $0x80, v3, vm0, $0xb8;
	[tilespmem:$0x12200] =	vst v63  }
0x18d: {  	s26 =	simm.s32 $0x11800  }
0x18e: {  	[hbm4b:s12+s2] =	stream.indirect_vreg.scatter [tilespmem:s26], [sflag:$0x2], $0x80, v3, vm0, $0xb8;
	[tilespmem:$0x12200] =	vst v63  }
0x18f: {  	v3 =	vld [tilespmem:$0x12180];
	_ =	sdelay $0x4  }
0x190: {  	v55 =	vshrl.u32 v3, $0x3  }
0x191: {  	v4 =	vmul.u32 $0x90, v55  }
0x192: {  	v3 =	vand.u32 $0x7, v3  }
0x193: {  	v3 =	vor.u32 v3, v4  }
0x194: {  	v4 =	vperm.xlane v3, v0;
	_ =	sdelay $0x1  }
0x195: {  	v4 =	vadd.s32 v1, v4;
	_ =	sdelay $0x3  }
0x196: {  	s20 =	simm.s32 $0x9000  }
0x197: {  	[hbm4b:s4+s2] =	stream.indirect_vreg.scatter [tilespmem:s20], [sflag:$0x3], $0x80, v4, vm0, $0xb8;
	[tilespmem:$0x12200] =	vst v63  }
0x198: {  	_ = 	snop  }
0x199: {  	[hbm4b:s5+s2] =	stream.indirect_vreg.scatter [tilespmem:s3], [sflag:$0x3], $0x80, v4, vm0, $0xb8;
	[tilespmem:$0x12200] =	vst v63  }
0x19a: {  	_ = 	snop  }
0x19b: {  	[hbm4b:s6+s2] =	stream.indirect_vreg.scatter [tilespmem:s31], [sflag:$0x3], $0x80, v4, vm0, $0xb8;
	[tilespmem:$0x12200] =	vst v63  }
0x19c: {  	_ = 	snop  }
0x19d: {  	[hbm4b:s7+s2] =	stream.indirect_vreg.scatter [tilespmem:s15], [sflag:$0x3], $0x80, v4, vm0, $0xb8;
	[tilespmem:$0x12200] =	vst v63  }
0x19e: {  	_ = 	snop  }
0x19f: {  	[hbm4b:s8+s2] =	stream.indirect_vreg.scatter [tilespmem:s13], [sflag:$0x3], $0x80, v4, vm0, $0xb8;
	[tilespmem:$0x12200] =	vst v63  }
0x1a0: {  	_ = 	snop  }
0x1a1: {  	[hbm4b:s9+s2] =	stream.indirect_vreg.scatter [tilespmem:s14], [sflag:$0x3], $0x80, v4, vm0, $0xb8;
	[tilespmem:$0x12200] =	vst v63  }
0x1a2: {  	v3 =	vperm.xlane v3, v2  }
0x1a3: {  	[hbm4b:s10+s2] =	stream.indirect_vreg.scatter [tilespmem:s19], [sflag:$0x3], $0x80, v4, vm0, $0xb8;
	[tilespmem:$0x12200] =	vst v63  }
0x1a4: {  	v3 =	vadd.s32 v1, v3  }
0x1a5: {  	[hbm4b:s11+s2] =	stream.indirect_vreg.scatter [tilespmem:s17], [sflag:$0x3], $0x80, v4, vm0, $0xb8;
	[tilespmem:$0x12200] =	vst v63  }
0x1a6: {  	_ = 	snop  }
0x1a7: {  	[hbm4b:s12+s2] =	stream.indirect_vreg.scatter [tilespmem:s18], [sflag:$0x3], $0x80, v4, vm0, $0xb8;
	[tilespmem:$0x12200] =	vst v63  }
0x1a8: {  	_ = 	snop  }
0x1a9: {  	[hbm4b:s4+s2] =	stream.indirect_vreg.scatter [tilespmem:s0], [sflag:$0x3], $0x80, v3, vm0, $0xb8;
	[tilespmem:$0x12200] =	vst v63  }
0x1aa: {  	_ = 	snop  }
0x1ab: {  	[hbm4b:s5+s2] =	stream.indirect_vreg.scatter [tilespmem:s1], [sflag:$0x3], $0x80, v3, vm0, $0xb8;
	[tilespmem:$0x12200] =	vst v63  }
0x1ac: {  	_ = 	snop  }
0x1ad: {  	[hbm4b:s6+s2] =	stream.indirect_vreg.scatter [tilespmem:s21], [sflag:$0x3], $0x80, v3, vm0, $0xb8;
	[tilespmem:$0x12200] =	vst v63  }
0x1ae: {  	_ = 	snop  }
0x1af: {  	[hbm4b:s7+s2] =	stream.indirect_vreg.scatter [tilespmem:s22], [sflag:$0x3], $0x80, v3, vm0, $0xb8;
	[tilespmem:$0x12200] =	vst v63  }
0x1b0: {  	_ = 	snop  }
0x1b1: {  	[hbm4b:s8+s2] =	stream.indirect_vreg.scatter [tilespmem:s28], [sflag:$0x3], $0x80, v3, vm0, $0xb8;
	[tilespmem:$0x12200] =	vst v63  }
0x1b2: {  	_ = 	snop  }
0x1b3: {  	[hbm4b:s9+s2] =	stream.indirect_vreg.scatter [tilespmem:s23], [sflag:$0x3], $0x80, v3, vm0, $0xb8;
	[tilespmem:$0x12200] =	vst v63  }
0x1b4: {  	_ = 	snop  }
0x1b5: {  	[hbm4b:s10+s2] =	stream.indirect_vreg.scatter [tilespmem:s24], [sflag:$0x3], $0x80, v3, vm0, $0xb8;
	[tilespmem:$0x12200] =	vst v63  }
0x1b6: {  	_ = 	snop  }
0x1b7: {  	[hbm4b:s11+s2] =	stream.indirect_vreg.scatter [tilespmem:s25], [sflag:$0x3], $0x80, v3, vm0, $0xb8;
	[tilespmem:$0x12200] =	vst v63  }
0x1b8: {  	s21 =	simm.s32 $0x2  }
0x1b9: {  	[hbm4b:s12+s2] =	stream.indirect_vreg.scatter [tilespmem:s26], [sflag:$0x3], $0x80, v3, vm0, $0xb8;
	[tilespmem:$0x12200] =	vst v63  }
0x1ba: {  	_ =	swait.ge [sflag:s21], $0x9000  }
0x1bb: {  	[sflag:s21] =	ssyncset.done $0x0  }
0x1bc: {  	s22 =	simm.s32 $0x3;
	[sflag:s21] =	ssyncadd.s32 $0xFFFF7000  }
0x1bd: {  	_ =	swait.ge [sflag:s22], $0x9000  }
0x1be: {  	[sflag:s22] =	ssyncset.done $0x0  }
0x1bf: {  	s23 =	rddreg [dreg:$0xe];
	[sflag:s22] =	ssyncadd.s32 $0xFFFF7000  }
0x1c0: {  	[tilespmem:s2], [sflag:$0x1] =	stream.linear.gather [hbm4b:s23+s2], $0x9000, $0x38;
	[tilespmem:$0x12200] =	vst v63  }
0x1c1: {  	s26 =	simm.s32 $0x12000;
	s24 =	rddreg [dreg:$0xf]  }
0x1c2: {  	[tilespmem:s26], [sflag:$0x1] =	stream.linear.gather [hbm4b:s24+s2], $0x10, $0x38;
	[tilespmem:$0x12200] =	vst v63  }
0x1c3: {  	s28 =	simm.s32 $0x12100;
	s25 =	rddreg [dreg:$0x10]  }
0x1c4: {  	[tilespmem:s28], [sflag:$0x1] =	stream.linear.gather [hbm4b:s25+s2], $0x10, $0x38;
	[tilespmem:$0x12200] =	vst v63  }
0x1c5: {  	_ =	swait.ge [sflag:s16], $0x9000  }
0x1c6: {  	[sflag:s16] =	ssyncset.done $0x0  }
0x1c7: {  	[sflag:s16] =	ssyncadd.s32 $0xFFFF7000  }
0x1c8: {  	_ =	swait.ge [sflag:s16], $0x10  }
0x1c9: {  	[sflag:s16] =	ssyncset.done $0x0  }
0x1ca: {  	[sflag:s16] =	ssyncadd.s32 $0xFFFFFFF0  }
0x1cb: {  	_ =	swait.ge [sflag:s16], $0x10  }
0x1cc: {  	[sflag:s16] =	ssyncset.done $0x0  }
0x1cd: {  	[sflag:s16] =	ssyncadd.s32 $0xFFFFFFF0  }
0x1ce: {  	v3 =	vld [tilespmem:$0x12000];
	_ =	sdelay $0x4  }
0x1cf: {  	v56 =	vshrl.u32 v3, $0x3  }
0x1d0: {  	v4 =	vmul.u32 $0x90, v56  }
0x1d1: {  	v3 =	vand.u32 $0x7, v3  }
0x1d2: {  	v3 =	vor.u32 v3, v4  }
0x1d3: {  	v4 =	vperm.xlane v3, v0;
	_ =	sdelay $0x1  }
0x1d4: {  	v4 =	vadd.s32 v1, v4;
	_ =	sdelay $0x4  }
0x1d5: {  	[hbm4b:s4+s2] =	stream.indirect_vreg.scatter [tilespmem:s2], [sflag:$0x2], $0x80, v4, vm0, $0xb8;
	[tilespmem:$0x12200] =	vst v63  }
0x1d6: {  	s29 =	simm.s32 $0x800  }
0x1d7: {  	[hbm4b:s5+s2] =	stream.indirect_vreg.scatter [tilespmem:s29], [sflag:$0x2], $0x80, v4, vm0, $0xb8;
	[tilespmem:$0x12200] =	vst v63  }
0x1d8: {  	s1 =	simm.s32 $0x1000  }
0x1d9: {  	[hbm4b:s6+s2] =	stream.indirect_vreg.scatter [tilespmem:s1], [sflag:$0x2], $0x80, v4, vm0, $0xb8;
	[tilespmem:$0x12200] =	vst v63  }
0x1da: {  	s14 =	simm.s32 $0x1800  }
0x1db: {  	[hbm4b:s7+s2] =	stream.indirect_vreg.scatter [tilespmem:s14], [sflag:$0x2], $0x80, v4, vm0, $0xb8;
	[tilespmem:$0x12200] =	vst v63  }
0x1dc: {  	s17 =	simm.s32 $0x2000  }
0x1dd: {  	[hbm4b:s8+s2] =	stream.indirect_vreg.scatter [tilespmem:s17], [sflag:$0x2], $0x80, v4, vm0, $0xb8;
	[tilespmem:$0x12200] =	vst v63  }
0x1de: {  	s23 =	simm.s32 $0x2800  }
0x1df: {  	[hbm4b:s9+s2] =	stream.indirect_vreg.scatter [tilespmem:s23], [sflag:$0x2], $0x80, v4, vm0, $0xb8;
	[tilespmem:$0x12200] =	vst v63  }
0x1e0: {  	s24 =	simm.s32 $0x3000;
	v3 =	vperm.xlane v3, v2  }
0x1e1: {  	[hbm4b:s10+s2] =	stream.indirect_vreg.scatter [tilespmem:s24], [sflag:$0x2], $0x80, v4, vm0, $0xb8;
	[tilespmem:$0x12200] =	vst v63  }
0x1e2: {  	s18 =	simm.s32 $0x3800;
	v3 =	vadd.s32 v1, v3  }
0x1e3: {  	[hbm4b:s11+s2] =	stream.indirect_vreg.scatter [tilespmem:s18], [sflag:$0x2], $0x80, v4, vm0, $0xb8;
	[tilespmem:$0x12200] =	vst v63  }
0x1e4: {  	s25 =	simm.s32 $0x4000  }
0x1e5: {  	[hbm4b:s12+s2] =	stream.indirect_vreg.scatter [tilespmem:s25], [sflag:$0x2], $0x80, v4, vm0, $0xb8;
	[tilespmem:$0x12200] =	vst v63  }
0x1e6: {  	s26 =	simm.s32 $0x4800  }
0x1e7: {  	[hbm4b:s4+s2] =	stream.indirect_vreg.scatter [tilespmem:s26], [sflag:$0x2], $0x80, v3, vm0, $0xb8;
	[tilespmem:$0x12200] =	vst v63  }
0x1e8: {  	s28 =	simm.s32 $0x5000  }
0x1e9: {  	[hbm4b:s5+s2] =	stream.indirect_vreg.scatter [tilespmem:s28], [sflag:$0x2], $0x80, v3, vm0, $0xb8;
	[tilespmem:$0x12200] =	vst v63  }
0x1ea: {  	s30 =	simm.s32 $0x5800  }
0x1eb: {  	[hbm4b:s6+s2] =	stream.indirect_vreg.scatter [tilespmem:s30], [sflag:$0x2], $0x80, v3, vm0, $0xb8;
	[tilespmem:$0x12200] =	vst v63  }
0x1ec: {  	s20 =	simm.s32 $0x6000  }
0x1ed: {  	[hbm4b:s7+s2] =	stream.indirect_vreg.scatter [tilespmem:s20], [sflag:$0x2], $0x80, v3, vm0, $0xb8;
	[tilespmem:$0x12200] =	vst v63  }
0x1ee: {  	s3 =	simm.s32 $0x6800  }
0x1ef: {  	[hbm4b:s8+s2] =	stream.indirect_vreg.scatter [tilespmem:s3], [sflag:$0x2], $0x80, v3, vm0, $0xb8;
	[tilespmem:$0x12200] =	vst v63  }
0x1f0: {  	s31 =	simm.s32 $0x7000  }
0x1f1: {  	[hbm4b:s9+s2] =	stream.indirect_vreg.scatter [tilespmem:s31], [sflag:$0x2], $0x80, v3, vm0, $0xb8;
	[tilespmem:$0x12200] =	vst v63  }
0x1f2: {  	s15 =	simm.s32 $0x7800  }
0x1f3: {  	[hbm4b:s10+s2] =	stream.indirect_vreg.scatter [tilespmem:s15], [sflag:$0x2], $0x80, v3, vm0, $0xb8;
	[tilespmem:$0x12200] =	vst v63  }
0x1f4: {  	s13 =	simm.s32 $0x8000  }
0x1f5: {  	[hbm4b:s11+s2] =	stream.indirect_vreg.scatter [tilespmem:s13], [sflag:$0x2], $0x80, v3, vm0, $0xb8;
	[tilespmem:$0x12200] =	vst v63  }
0x1f6: {  	s19 =	simm.s32 $0x8800  }
0x1f7: {  	[hbm4b:s12+s2] =	stream.indirect_vreg.scatter [tilespmem:s19], [sflag:$0x2], $0x80, v3, vm0, $0xb8;
	[tilespmem:$0x12200] =	vst v63  }
0x1f8: {  	v3 =	vld [tilespmem:$0x12100];
	_ =	sdelay $0x4  }
0x1f9: {  	v57 =	vshrl.u32 v3, $0x3  }
0x1fa: {  	v4 =	vmul.u32 $0x90, v57  }
0x1fb: {  	v3 =	vand.u32 $0x7, v3  }
0x1fc: {  	v3 =	vor.u32 v3, v4  }
0x1fd: {  	v4 =	vperm.xlane v3, v0;
	_ =	sdelay $0x1  }
0x1fe: {  	v4 =	vadd.s32 v1, v4;
	_ =	sdelay $0x4  }
0x1ff: {  	[hbm4b:s4+s2] =	stream.indirect_vreg.scatter [tilespmem:s2], [sflag:$0x3], $0x80, v4, vm0, $0xb8;
	[tilespmem:$0x12200] =	vst v63  }
0x200: {  	_ = 	snop  }
0x201: {  	[hbm4b:s5+s2] =	stream.indirect_vreg.scatter [tilespmem:s29], [sflag:$0x3], $0x80, v4, vm0, $0xb8;
	[tilespmem:$0x12200] =	vst v63  }
0x202: {  	_ = 	snop  }
0x203: {  	[hbm4b:s6+s2] =	stream.indirect_vreg.scatter [tilespmem:s1], [sflag:$0x3], $0x80, v4, vm0, $0xb8;
	[tilespmem:$0x12200] =	vst v63  }
0x204: {  	_ = 	snop  }
0x205: {  	[hbm4b:s7+s2] =	stream.indirect_vreg.scatter [tilespmem:s14], [sflag:$0x3], $0x80, v4, vm0, $0xb8;
	[tilespmem:$0x12200] =	vst v63  }
0x206: {  	_ = 	snop  }
0x207: {  	[hbm4b:s8+s2] =	stream.indirect_vreg.scatter [tilespmem:s17], [sflag:$0x3], $0x80, v4, vm0, $0xb8;
	[tilespmem:$0x12200] =	vst v63  }
0x208: {  	_ = 	snop  }
0x209: {  	[hbm4b:s9+s2] =	stream.indirect_vreg.scatter [tilespmem:s23], [sflag:$0x3], $0x80, v4, vm0, $0xb8;
	[tilespmem:$0x12200] =	vst v63  }
0x20a: {  	v3 =	vperm.xlane v3, v2  }
0x20b: {  	[hbm4b:s10+s2] =	stream.indirect_vreg.scatter [tilespmem:s24], [sflag:$0x3], $0x80, v4, vm0, $0xb8;
	[tilespmem:$0x12200] =	vst v63  }
0x20c: {  	v3 =	vadd.s32 v1, v3  }
0x20d: {  	[hbm4b:s11+s2] =	stream.indirect_vreg.scatter [tilespmem:s18], [sflag:$0x3], $0x80, v4, vm0, $0xb8;
	[tilespmem:$0x12200] =	vst v63  }
0x20e: {  	_ = 	snop  }
0x20f: {  	[hbm4b:s12+s2] =	stream.indirect_vreg.scatter [tilespmem:s25], [sflag:$0x3], $0x80, v4, vm0, $0xb8;
	[tilespmem:$0x12200] =	vst v63  }
0x210: {  	_ = 	snop  }
0x211: {  	[hbm4b:s4+s2] =	stream.indirect_vreg.scatter [tilespmem:s26], [sflag:$0x3], $0x80, v3, vm0, $0xb8;
	[tilespmem:$0x12200] =	vst v63  }
0x212: {  	_ = 	snop  }
0x213: {  	[hbm4b:s5+s2] =	stream.indirect_vreg.scatter [tilespmem:s28], [sflag:$0x3], $0x80, v3, vm0, $0xb8;
	[tilespmem:$0x12200] =	vst v63  }
0x214: {  	_ = 	snop  }
0x215: {  	[hbm4b:s6+s2] =	stream.indirect_vreg.scatter [tilespmem:s30], [sflag:$0x3], $0x80, v3, vm0, $0xb8;
	[tilespmem:$0x12200] =	vst v63  }
0x216: {  	_ = 	snop  }
0x217: {  	[hbm4b:s7+s2] =	stream.indirect_vreg.scatter [tilespmem:s20], [sflag:$0x3], $0x80, v3, vm0, $0xb8;
	[tilespmem:$0x12200] =	vst v63  }
0x218: {  	_ = 	snop  }
0x219: {  	[hbm4b:s8+s2] =	stream.indirect_vreg.scatter [tilespmem:s3], [sflag:$0x3], $0x80, v3, vm0, $0xb8;
	[tilespmem:$0x12200] =	vst v63  }
0x21a: {  	_ = 	snop  }
0x21b: {  	[hbm4b:s9+s2] =	stream.indirect_vreg.scatter [tilespmem:s31], [sflag:$0x3], $0x80, v3, vm0, $0xb8;
	[tilespmem:$0x12200] =	vst v63  }
0x21c: {  	_ = 	snop  }
0x21d: {  	[hbm4b:s10+s2] =	stream.indirect_vreg.scatter [tilespmem:s15], [sflag:$0x3], $0x80, v3, vm0, $0xb8;
	[tilespmem:$0x12200] =	vst v63  }
0x21e: {  	_ = 	snop  }
0x21f: {  	[hbm4b:s11+s2] =	stream.indirect_vreg.scatter [tilespmem:s13], [sflag:$0x3], $0x80, v3, vm0, $0xb8;
	[tilespmem:$0x12200] =	vst v63  }
0x220: {  	s21 =	simm.s32 $0x2  }
0x221: {  	[hbm4b:s12+s2] =	stream.indirect_vreg.scatter [tilespmem:s19], [sflag:$0x3], $0x80, v3, vm0, $0xb8;
	[tilespmem:$0x12200] =	vst v63  }
0x222: {  	_ =	swait.ge [sflag:s21], $0x9000  }
0x223: {  	[sflag:s21] =	ssyncset.done $0x0  }
0x224: {  	s22 =	simm.s32 $0x3;
	[sflag:s21] =	ssyncadd.s32 $0xFFFF7000  }
0x225: {  	_ =	swait.ge [sflag:s22], $0x9000  }
0x226: {  	[sflag:s22] =	ssyncset.done $0x0  }
0x227: {  	s13 =	simm.s32 $0x9000;
	s1 =	rddreg [dreg:$0x11];
	[sflag:s22] =	ssyncadd.s32 $0xFFFF7000  }
0x228: {  	[tilespmem:s13], [sflag:$0x1] =	stream.linear.gather [hbm4b:s1+s2], $0x9000, $0x38;
	[tilespmem:$0x12200] =	vst v63  }
0x229: {  	s15 =	simm.s32 $0x12080;
	s3 =	rddreg [dreg:$0x12]  }
0x22a: {  	[tilespmem:s15], [sflag:$0x1] =	stream.linear.gather [hbm4b:s3+s2], $0x10, $0x38;
	[tilespmem:$0x12200] =	vst v63  }
0x22b: {  	s18 =	simm.s32 $0x12180;
	s14 =	rddreg [dreg:$0x13]  }
0x22c: {  	[tilespmem:s18], [sflag:$0x1] =	stream.linear.gather [hbm4b:s14+s2], $0x10, $0x38;
	[tilespmem:$0x12200] =	vst v63  }
0x22d: {  	_ =	swait.ge [sflag:s16], $0x9000  }
0x22e: {  	[sflag:s16] =	ssyncset.done $0x0  }
0x22f: {  	[sflag:s16] =	ssyncadd.s32 $0xFFFF7000  }
0x230: {  	_ =	swait.ge [sflag:s16], $0x10  }
0x231: {  	[sflag:s16] =	ssyncset.done $0x0  }
0x232: {  	[sflag:s16] =	ssyncadd.s32 $0xFFFFFFF0  }
0x233: {  	_ =	swait.ge [sflag:s16], $0x10  }
0x234: {  	[sflag:s16] =	ssyncset.done $0x0  }
0x235: {  	[sflag:s16] =	ssyncadd.s32 $0xFFFFFFF0  }
0x236: {  	v3 =	vld [tilespmem:$0x12080];
	_ =	sdelay $0x4  }
0x237: {  	v58 =	vshrl.u32 v3, $0x3  }
0x238: {  	v4 =	vmul.u32 $0x90, v58  }
0x239: {  	v3 =	vand.u32 $0x7, v3  }
0x23a: {  	v3 =	vor.u32 v3, v4  }
0x23b: {  	v4 =	vperm.xlane v3, v0;
	_ =	sdelay $0x1  }
0x23c: {  	v4 =	vadd.s32 v1, v4;
	_ =	sdelay $0x4  }
0x23d: {  	[hbm4b:s4+s2] =	stream.indirect_vreg.scatter [tilespmem:s13], [sflag:$0x2], $0x80, v4, vm0, $0xb8;
	[tilespmem:$0x12200] =	vst v63  }
0x23e: {  	s0 =	simm.s32 $0x9800  }
0x23f: {  	[hbm4b:s5+s2] =	stream.indirect_vreg.scatter [tilespmem:s0], [sflag:$0x2], $0x80, v4, vm0, $0xb8;
	[tilespmem:$0x12200] =	vst v63  }
0x240: {  	s1 =	simm.s32 $0xA000  }
0x241: {  	[hbm4b:s6+s2] =	stream.indirect_vreg.scatter [tilespmem:s1], [sflag:$0x2], $0x80, v4, vm0, $0xb8;
	[tilespmem:$0x12200] =	vst v63  }
0x242: {  	s14 =	simm.s32 $0xA800  }
0x243: {  	[hbm4b:s7+s2] =	stream.indirect_vreg.scatter [tilespmem:s14], [sflag:$0x2], $0x80, v4, vm0, $0xb8;
	[tilespmem:$0x12200] =	vst v63  }
0x244: {  	s17 =	simm.s32 $0xB000  }
0x245: {  	[hbm4b:s8+s2] =	stream.indirect_vreg.scatter [tilespmem:s17], [sflag:$0x2], $0x80, v4, vm0, $0xb8;
	[tilespmem:$0x12200] =	vst v63  }
0x246: {  	s21 =	simm.s32 $0xB800  }
0x247: {  	[hbm4b:s9+s2] =	stream.indirect_vreg.scatter [tilespmem:s21], [sflag:$0x2], $0x80, v4, vm0, $0xb8;
	[tilespmem:$0x12200] =	vst v63  }
0x248: {  	s22 =	simm.s32 $0xC000;
	v3 =	vperm.xlane v3, v2  }
0x249: {  	[hbm4b:s10+s2] =	stream.indirect_vreg.scatter [tilespmem:s22], [sflag:$0x2], $0x80, v4, vm0, $0xb8;
	[tilespmem:$0x12200] =	vst v63  }
0x24a: {  	s18 =	simm.s32 $0xC800;
	v3 =	vadd.s32 v1, v3  }
0x24b: {  	[hbm4b:s11+s2] =	stream.indirect_vreg.scatter [tilespmem:s18], [sflag:$0x2], $0x80, v4, vm0, $0xb8;
	[tilespmem:$0x12200] =	vst v63  }
0x24c: {  	s30 =	simm.s32 $0xD000  }
0x24d: {  	[hbm4b:s12+s2] =	stream.indirect_vreg.scatter [tilespmem:s30], [sflag:$0x2], $0x80, v4, vm0, $0xb8;
	[tilespmem:$0x12200] =	vst v63  }
0x24e: {  	s31 =	simm.s32 $0xD800  }
0x24f: {  	[hbm4b:s4+s2] =	stream.indirect_vreg.scatter [tilespmem:s31], [sflag:$0x2], $0x80, v3, vm0, $0xb8;
	[tilespmem:$0x12200] =	vst v63  }
0x250: {  	s13 =	simm.s32 $0xE000  }
0x251: {  	[hbm4b:s5+s2] =	stream.indirect_vreg.scatter [tilespmem:s13], [sflag:$0x2], $0x80, v3, vm0, $0xb8;
	[tilespmem:$0x12200] =	vst v63  }
0x252: {  	s15 =	simm.s32 $0xE800  }
0x253: {  	[hbm4b:s6+s2] =	stream.indirect_vreg.scatter [tilespmem:s15], [sflag:$0x2], $0x80, v3, vm0, $0xb8;
	[tilespmem:$0x12200] =	vst v63  }
0x254: {  	s24 =	simm.s32 $0xF000  }
0x255: {  	[hbm4b:s7+s2] =	stream.indirect_vreg.scatter [tilespmem:s24], [sflag:$0x2], $0x80, v3, vm0, $0xb8;
	[tilespmem:$0x12200] =	vst v63  }
0x256: {  	s25 =	simm.s32 $0xF800  }
0x257: {  	[hbm4b:s8+s2] =	stream.indirect_vreg.scatter [tilespmem:s25], [sflag:$0x2], $0x80, v3, vm0, $0xb8;
	[tilespmem:$0x12200] =	vst v63  }
0x258: {  	s26 =	simm.s32 $0x10000  }
0x259: {  	[hbm4b:s9+s2] =	stream.indirect_vreg.scatter [tilespmem:s26], [sflag:$0x2], $0x80, v3, vm0, $0xb8;
	[tilespmem:$0x12200] =	vst v63  }
0x25a: {  	s19 =	simm.s32 $0x10800  }
0x25b: {  	[hbm4b:s10+s2] =	stream.indirect_vreg.scatter [tilespmem:s19], [sflag:$0x2], $0x80, v3, vm0, $0xb8;
	[tilespmem:$0x12200] =	vst v63  }
0x25c: {  	s20 =	simm.s32 $0x11000  }
0x25d: {  	[hbm4b:s11+s2] =	stream.indirect_vreg.scatter [tilespmem:s20], [sflag:$0x2], $0x80, v3, vm0, $0xb8;
	[tilespmem:$0x12200] =	vst v63  }
0x25e: {  	s23 =	simm.s32 $0x11800  }
0x25f: {  	[hbm4b:s12+s2] =	stream.indirect_vreg.scatter [tilespmem:s23], [sflag:$0x2], $0x80, v3, vm0, $0xb8;
	[tilespmem:$0x12200] =	vst v63  }
0x260: {  	v3 =	vld [tilespmem:$0x12180];
	_ =	sdelay $0x4  }
0x261: {  	v59 =	vshrl.u32 v3, $0x3  }
0x262: {  	v4 =	vmul.u32 $0x90, v59  }
0x263: {  	v3 =	vand.u32 $0x7, v3  }
0x264: {  	v3 =	vor.u32 v3, v4  }
0x265: {  	v4 =	vperm.xlane v3, v0;
	_ =	sdelay $0x1  }
0x266: {  	v4 =	vadd.s32 v1, v4;
	_ =	sdelay $0x3  }
0x267: {  	s3 =	simm.s32 $0x9000  }
0x268: {  	[hbm4b:s4+s2] =	stream.indirect_vreg.scatter [tilespmem:s3], [sflag:$0x3], $0x80, v4, vm0, $0xb8;
	[tilespmem:$0x12200] =	vst v63  }
0x269: {  	_ = 	snop  }
0x26a: {  	[hbm4b:s5+s2] =	stream.indirect_vreg.scatter [tilespmem:s0], [sflag:$0x3], $0x80, v4, vm0, $0xb8;
	[tilespmem:$0x12200] =	vst v63  }
0x26b: {  	_ = 	snop  }
0x26c: {  	[hbm4b:s6+s2] =	stream.indirect_vreg.scatter [tilespmem:s1], [sflag:$0x3], $0x80, v4, vm0, $0xb8;
	[tilespmem:$0x12200] =	vst v63  }
0x26d: {  	_ = 	snop  }
0x26e: {  	[hbm4b:s7+s2] =	stream.indirect_vreg.scatter [tilespmem:s14], [sflag:$0x3], $0x80, v4, vm0, $0xb8;
	[tilespmem:$0x12200] =	vst v63  }
0x26f: {  	_ = 	snop  }
0x270: {  	[hbm4b:s8+s2] =	stream.indirect_vreg.scatter [tilespmem:s17], [sflag:$0x3], $0x80, v4, vm0, $0xb8;
	[tilespmem:$0x12200] =	vst v63  }
0x271: {  	_ = 	snop  }
0x272: {  	[hbm4b:s9+s2] =	stream.indirect_vreg.scatter [tilespmem:s21], [sflag:$0x3], $0x80, v4, vm0, $0xb8;
	[tilespmem:$0x12200] =	vst v63  }
0x273: {  	v3 =	vperm.xlane v3, v2  }
0x274: {  	[hbm4b:s10+s2] =	stream.indirect_vreg.scatter [tilespmem:s22], [sflag:$0x3], $0x80, v4, vm0, $0xb8;
	[tilespmem:$0x12200] =	vst v63  }
0x275: {  	v3 =	vadd.s32 v1, v3  }
0x276: {  	[hbm4b:s11+s2] =	stream.indirect_vreg.scatter [tilespmem:s18], [sflag:$0x3], $0x80, v4, vm0, $0xb8;
	[tilespmem:$0x12200] =	vst v63  }
0x277: {  	_ = 	snop  }
0x278: {  	[hbm4b:s12+s2] =	stream.indirect_vreg.scatter [tilespmem:s30], [sflag:$0x3], $0x80, v4, vm0, $0xb8;
	[tilespmem:$0x12200] =	vst v63  }
0x279: {  	_ = 	snop  }
0x27a: {  	[hbm4b:s4+s2] =	stream.indirect_vreg.scatter [tilespmem:s31], [sflag:$0x3], $0x80, v3, vm0, $0xb8;
	[tilespmem:$0x12200] =	vst v63  }
0x27b: {  	_ = 	snop  }
0x27c: {  	[hbm4b:s5+s2] =	stream.indirect_vreg.scatter [tilespmem:s13], [sflag:$0x3], $0x80, v3, vm0, $0xb8;
	[tilespmem:$0x12200] =	vst v63  }
0x27d: {  	_ = 	snop  }
0x27e: {  	[hbm4b:s6+s2] =	stream.indirect_vreg.scatter [tilespmem:s15], [sflag:$0x3], $0x80, v3, vm0, $0xb8;
	[tilespmem:$0x12200] =	vst v63  }
0x27f: {  	_ = 	snop  }
0x280: {  	[hbm4b:s7+s2] =	stream.indirect_vreg.scatter [tilespmem:s24], [sflag:$0x3], $0x80, v3, vm0, $0xb8;
	[tilespmem:$0x12200] =	vst v63  }
0x281: {  	_ = 	snop  }
0x282: {  	[hbm4b:s8+s2] =	stream.indirect_vreg.scatter [tilespmem:s25], [sflag:$0x3], $0x80, v3, vm0, $0xb8;
	[tilespmem:$0x12200] =	vst v63  }
0x283: {  	_ = 	snop  }
0x284: {  	[hbm4b:s9+s2] =	stream.indirect_vreg.scatter [tilespmem:s26], [sflag:$0x3], $0x80, v3, vm0, $0xb8;
	[tilespmem:$0x12200] =	vst v63  }
0x285: {  	_ = 	snop  }
0x286: {  	[hbm4b:s10+s2] =	stream.indirect_vreg.scatter [tilespmem:s19], [sflag:$0x3], $0x80, v3, vm0, $0xb8;
	[tilespmem:$0x12200] =	vst v63  }
0x287: {  	_ = 	snop  }
0x288: {  	[hbm4b:s11+s2] =	stream.indirect_vreg.scatter [tilespmem:s20], [sflag:$0x3], $0x80, v3, vm0, $0xb8;
	[tilespmem:$0x12200] =	vst v63  }
0x289: {  	s15 =	simm.s32 $0x2  }
0x28a: {  	[hbm4b:s12+s2] =	stream.indirect_vreg.scatter [tilespmem:s23], [sflag:$0x3], $0x80, v3, vm0, $0xb8;
	[tilespmem:$0x12200] =	vst v63  }
0x28b: {  	_ =	swait.ge [sflag:s15], $0x9000  }
0x28c: {  	[sflag:s15] =	ssyncset.done $0x0  }
0x28d: {  	s17 =	simm.s32 $0x3;
	[sflag:s15] =	ssyncadd.s32 $0xFFFF7000  }
0x28e: {  	_ =	swait.ge [sflag:s17], $0x9000  }
0x28f: {  	[sflag:s17] =	ssyncset.done $0x0  }
0x290: {  	s18 =	rddreg [dreg:$0x14];
	[sflag:s17] =	ssyncadd.s32 $0xFFFF7000  }
0x291: {  	[tilespmem:s2], [sflag:$0x1] =	stream.linear.gather [hbm4b:s18+s2], $0x9000, $0x38;
	[tilespmem:$0x12200] =	vst v63  }
0x292: {  	s21 =	simm.s32 $0x12000;
	s19 =	rddreg [dreg:$0x15]  }
0x293: {  	[tilespmem:s21], [sflag:$0x1] =	stream.linear.gather [hbm4b:s19+s2], $0x10, $0x38;
	[tilespmem:$0x12200] =	vst v63  }
0x294: {  	s22 =	simm.s32 $0x12100;
	s20 =	rddreg [dreg:$0x16]  }
0x295: {  	[tilespmem:s22], [sflag:$0x1] =	stream.linear.gather [hbm4b:s20+s2], $0x10, $0x38;
	[tilespmem:$0x12200] =	vst v63  }
0x296: {  	_ =	swait.ge [sflag:s16], $0x9000  }
0x297: {  	[sflag:s16] =	ssyncset.done $0x0  }
0x298: {  	[sflag:s16] =	ssyncadd.s32 $0xFFFF7000  }
0x299: {  	_ =	swait.ge [sflag:s16], $0x10  }
0x29a: {  	[sflag:s16] =	ssyncset.done $0x0  }
0x29b: {  	[sflag:s16] =	ssyncadd.s32 $0xFFFFFFF0  }
0x29c: {  	_ =	swait.ge [sflag:s16], $0x10  }
0x29d: {  	[sflag:s16] =	ssyncset.done $0x0  }
0x29e: {  	[sflag:s16] =	ssyncadd.s32 $0xFFFFFFF0  }
0x29f: {  	v3 =	vld [tilespmem:$0x12000];
	_ =	sdelay $0x4  }
0x2a0: {  	v60 =	vshrl.u32 v3, $0x3  }
0x2a1: {  	v4 =	vmul.u32 $0x90, v60  }
0x2a2: {  	v3 =	vand.u32 $0x7, v3  }
0x2a3: {  	v3 =	vor.u32 v3, v4  }
0x2a4: {  	v4 =	vperm.xlane v3, v0;
	_ =	sdelay $0x1  }
0x2a5: {  	v4 =	vadd.s32 v1, v4;
	_ =	sdelay $0x4  }
0x2a6: {  	[hbm4b:s4+s2] =	stream.indirect_vreg.scatter [tilespmem:s2], [sflag:$0x2], $0x80, v4, vm0, $0xb8;
	[tilespmem:$0x12200] =	vst v63  }
0x2a7: {  	s29 =	simm.s32 $0x800  }
0x2a8: {  	[hbm4b:s5+s2] =	stream.indirect_vreg.scatter [tilespmem:s29], [sflag:$0x2], $0x80, v4, vm0, $0xb8;
	[tilespmem:$0x12200] =	vst v63  }
0x2a9: {  	s31 =	simm.s32 $0x1000  }
0x2aa: {  	[hbm4b:s6+s2] =	stream.indirect_vreg.scatter [tilespmem:s31], [sflag:$0x2], $0x80, v4, vm0, $0xb8;
	[tilespmem:$0x12200] =	vst v63  }
0x2ab: {  	s3 =	simm.s32 $0x1800  }
0x2ac: {  	[hbm4b:s7+s2] =	stream.indirect_vreg.scatter [tilespmem:s3], [sflag:$0x2], $0x80, v4, vm0, $0xb8;
	[tilespmem:$0x12200] =	vst v63  }
0x2ad: {  	s13 =	simm.s32 $0x2000  }
0x2ae: {  	[hbm4b:s8+s2] =	stream.indirect_vreg.scatter [tilespmem:s13], [sflag:$0x2], $0x80, v4, vm0, $0xb8;
	[tilespmem:$0x12200] =	vst v63  }
0x2af: {  	s14 =	simm.s32 $0x2800  }
0x2b0: {  	[hbm4b:s9+s2] =	stream.indirect_vreg.scatter [tilespmem:s14], [sflag:$0x2], $0x80, v4, vm0, $0xb8;
	[tilespmem:$0x12200] =	vst v63  }
0x2b1: {  	s15 =	simm.s32 $0x3000;
	v3 =	vperm.xlane v3, v2  }
0x2b2: {  	[hbm4b:s10+s2] =	stream.indirect_vreg.scatter [tilespmem:s15], [sflag:$0x2], $0x80, v4, vm0, $0xb8;
	[tilespmem:$0x12200] =	vst v63  }
0x2b3: {  	s22 =	simm.s32 $0x3800;
	v3 =	vadd.s32 v1, v3  }
0x2b4: {  	[hbm4b:s11+s2] =	stream.indirect_vreg.scatter [tilespmem:s22], [sflag:$0x2], $0x80, v4, vm0, $0xb8;
	[tilespmem:$0x12200] =	vst v63  }
0x2b5: {  	s21 =	simm.s32 $0x4000  }
0x2b6: {  	[hbm4b:s12+s2] =	stream.indirect_vreg.scatter [tilespmem:s21], [sflag:$0x2], $0x80, v4, vm0, $0xb8;
	[tilespmem:$0x12200] =	vst v63  }
0x2b7: {  	s23 =	simm.s32 $0x4800  }
0x2b8: {  	[hbm4b:s4+s2] =	stream.indirect_vreg.scatter [tilespmem:s23], [sflag:$0x2], $0x80, v3, vm0, $0xb8;
	[tilespmem:$0x12200] =	vst v63  }
0x2b9: {  	s24 =	simm.s32 $0x5000  }
0x2ba: {  	[hbm4b:s5+s2] =	stream.indirect_vreg.scatter [tilespmem:s24], [sflag:$0x2], $0x80, v3, vm0, $0xb8;
	[tilespmem:$0x12200] =	vst v63  }
0x2bb: {  	s25 =	simm.s32 $0x5800  }
0x2bc: {  	[hbm4b:s6+s2] =	stream.indirect_vreg.scatter [tilespmem:s25], [sflag:$0x2], $0x80, v3, vm0, $0xb8;
	[tilespmem:$0x12200] =	vst v63  }
0x2bd: {  	s1 =	simm.s32 $0x6000  }
0x2be: {  	[hbm4b:s7+s2] =	stream.indirect_vreg.scatter [tilespmem:s1], [sflag:$0x2], $0x80, v3, vm0, $0xb8;
	[tilespmem:$0x12200] =	vst v63  }
0x2bf: {  	s18 =	simm.s32 $0x6800  }
0x2c0: {  	[hbm4b:s8+s2] =	stream.indirect_vreg.scatter [tilespmem:s18], [sflag:$0x2], $0x80, v3, vm0, $0xb8;
	[tilespmem:$0x12200] =	vst v63  }
0x2c1: {  	s19 =	simm.s32 $0x7000  }
0x2c2: {  	[hbm4b:s9+s2] =	stream.indirect_vreg.scatter [tilespmem:s19], [sflag:$0x2], $0x80, v3, vm0, $0xb8;
	[tilespmem:$0x12200] =	vst v63  }
0x2c3: {  	s20 =	simm.s32 $0x7800  }
0x2c4: {  	[hbm4b:s10+s2] =	stream.indirect_vreg.scatter [tilespmem:s20], [sflag:$0x2], $0x80, v3, vm0, $0xb8;
	[tilespmem:$0x12200] =	vst v63  }
0x2c5: {  	s0 =	simm.s32 $0x8000  }
0x2c6: {  	[hbm4b:s11+s2] =	stream.indirect_vreg.scatter [tilespmem:s0], [sflag:$0x2], $0x80, v3, vm0, $0xb8;
	[tilespmem:$0x12200] =	vst v63  }
0x2c7: {  	s17 =	simm.s32 $0x8800  }
0x2c8: {  	[hbm4b:s12+s2] =	stream.indirect_vreg.scatter [tilespmem:s17], [sflag:$0x2], $0x80, v3, vm0, $0xb8;
	[tilespmem:$0x12200] =	vst v63  }
0x2c9: {  	v3 =	vld [tilespmem:$0x12100];
	_ =	sdelay $0x4  }
0x2ca: {  	v61 =	vshrl.u32 v3, $0x3  }
0x2cb: {  	v4 =	vmul.u32 $0x90, v61  }
0x2cc: {  	v3 =	vand.u32 $0x7, v3  }
0x2cd: {  	v3 =	vor.u32 v3, v4  }
0x2ce: {  	v4 =	vperm.xlane v3, v0;
	_ =	sdelay $0x1  }
0x2cf: {  	v4 =	vadd.s32 v1, v4;
	_ =	sdelay $0x4  }
0x2d0: {  	[hbm4b:s4+s2] =	stream.indirect_vreg.scatter [tilespmem:s2], [sflag:$0x3], $0x80, v4, vm0, $0xb8;
	[tilespmem:$0x12200] =	vst v63  }
0x2d1: {  	_ = 	snop  }
0x2d2: {  	[hbm4b:s5+s2] =	stream.indirect_vreg.scatter [tilespmem:s29], [sflag:$0x3], $0x80, v4, vm0, $0xb8;
	[tilespmem:$0x12200] =	vst v63  }
0x2d3: {  	_ = 	snop  }
0x2d4: {  	[hbm4b:s6+s2] =	stream.indirect_vreg.scatter [tilespmem:s31], [sflag:$0x3], $0x80, v4, vm0, $0xb8;
	[tilespmem:$0x12200] =	vst v63  }
0x2d5: {  	_ = 	snop  }
0x2d6: {  	[hbm4b:s7+s2] =	stream.indirect_vreg.scatter [tilespmem:s3], [sflag:$0x3], $0x80, v4, vm0, $0xb8;
	[tilespmem:$0x12200] =	vst v63  }
0x2d7: {  	_ = 	snop  }
0x2d8: {  	[hbm4b:s8+s2] =	stream.indirect_vreg.scatter [tilespmem:s13], [sflag:$0x3], $0x80, v4, vm0, $0xb8;
	[tilespmem:$0x12200] =	vst v63  }
0x2d9: {  	_ = 	snop  }
0x2da: {  	[hbm4b:s9+s2] =	stream.indirect_vreg.scatter [tilespmem:s14], [sflag:$0x3], $0x80, v4, vm0, $0xb8;
	[tilespmem:$0x12200] =	vst v63  }
0x2db: {  	v3 =	vperm.xlane v3, v2  }
0x2dc: {  	[hbm4b:s10+s2] =	stream.indirect_vreg.scatter [tilespmem:s15], [sflag:$0x3], $0x80, v4, vm0, $0xb8;
	[tilespmem:$0x12200] =	vst v63  }
0x2dd: {  	v3 =	vadd.s32 v1, v3  }
0x2de: {  	[hbm4b:s11+s2] =	stream.indirect_vreg.scatter [tilespmem:s22], [sflag:$0x3], $0x80, v4, vm0, $0xb8;
	[tilespmem:$0x12200] =	vst v63  }
0x2df: {  	_ = 	snop  }
0x2e0: {  	[hbm4b:s12+s2] =	stream.indirect_vreg.scatter [tilespmem:s21], [sflag:$0x3], $0x80, v4, vm0, $0xb8;
	[tilespmem:$0x12200] =	vst v63  }
0x2e1: {  	_ = 	snop  }
0x2e2: {  	[hbm4b:s4+s2] =	stream.indirect_vreg.scatter [tilespmem:s23], [sflag:$0x3], $0x80, v3, vm0, $0xb8;
	[tilespmem:$0x12200] =	vst v63  }
0x2e3: {  	_ = 	snop  }
0x2e4: {  	[hbm4b:s5+s2] =	stream.indirect_vreg.scatter [tilespmem:s24], [sflag:$0x3], $0x80, v3, vm0, $0xb8;
	[tilespmem:$0x12200] =	vst v63  }
0x2e5: {  	_ = 	snop  }
0x2e6: {  	[hbm4b:s6+s2] =	stream.indirect_vreg.scatter [tilespmem:s25], [sflag:$0x3], $0x80, v3, vm0, $0xb8;
	[tilespmem:$0x12200] =	vst v63  }
0x2e7: {  	_ = 	snop  }
0x2e8: {  	[hbm4b:s7+s2] =	stream.indirect_vreg.scatter [tilespmem:s1], [sflag:$0x3], $0x80, v3, vm0, $0xb8;
	[tilespmem:$0x12200] =	vst v63  }
0x2e9: {  	_ = 	snop  }
0x2ea: {  	[hbm4b:s8+s2] =	stream.indirect_vreg.scatter [tilespmem:s18], [sflag:$0x3], $0x80, v3, vm0, $0xb8;
	[tilespmem:$0x12200] =	vst v63  }
0x2eb: {  	_ = 	snop  }
0x2ec: {  	[hbm4b:s9+s2] =	stream.indirect_vreg.scatter [tilespmem:s19], [sflag:$0x3], $0x80, v3, vm0, $0xb8;
	[tilespmem:$0x12200] =	vst v63  }
0x2ed: {  	_ = 	snop  }
0x2ee: {  	[hbm4b:s10+s2] =	stream.indirect_vreg.scatter [tilespmem:s20], [sflag:$0x3], $0x80, v3, vm0, $0xb8;
	[tilespmem:$0x12200] =	vst v63  }
0x2ef: {  	_ = 	snop  }
0x2f0: {  	[hbm4b:s11+s2] =	stream.indirect_vreg.scatter [tilespmem:s0], [sflag:$0x3], $0x80, v3, vm0, $0xb8;
	[tilespmem:$0x12200] =	vst v63  }
0x2f1: {  	s28 =	simm.s32 $0x2  }
0x2f2: {  	[hbm4b:s12+s2] =	stream.indirect_vreg.scatter [tilespmem:s17], [sflag:$0x3], $0x80, v3, vm0, $0xb8;
	[tilespmem:$0x12200] =	vst v63  }
0x2f3: {  	s0 =	rddreg [dreg:$0x1b];
	_ =	swait.ge [sflag:s28], $0x9000  }
0x2f4: {  	[sflag:s28] =	ssyncset.done $0x0  }
0x2f5: {  	s26 =	simm.s32 $0x3;
	[sflag:s28] =	ssyncadd.s32 $0xFFFF7000  }
0x2f6: {  	_ =	swait.ge [sflag:s26], $0x9000  }
0x2f7: {  	[sflag:s26] =	ssyncset.done $0x0  }
0x2f8: {  	s25 =	simm.s32 $0x9000;
	s23 =	rddreg [dreg:$0x17];
	[sflag:s26] =	ssyncadd.s32 $0xFFFF7000  }
0x2f9: {  	[tilespmem:s25], [sflag:$0x1] =	stream.linear.gather [hbm4b:s23+s2], $0x9000, $0x38;
	[tilespmem:$0x12200] =	vst v63  }
0x2fa: {  	s28 =	simm.s32 $0x12080;
	s24 =	rddreg [dreg:$0x18]  }
0x2fb: {  	[tilespmem:s28], [sflag:$0x1] =	stream.linear.gather [hbm4b:s24+s2], $0x10, $0x38;
	[tilespmem:$0x12200] =	vst v63  }
0x2fc: {  	s29 =	simm.s32 $0x12180;
	s26 =	rddreg [dreg:$0x19]  }
0x2fd: {  	[tilespmem:s29], [sflag:$0x1] =	stream.linear.gather [hbm4b:s26+s2], $0x10, $0x38;
	[tilespmem:$0x12200] =	vst v63  }
0x2fe: {  	_ =	swait.ge [sflag:s16], $0x9000  }
0x2ff: {  	[sflag:s16] =	ssyncset.done $0x0  }
0x300: {  	[sflag:s16] =	ssyncadd.s32 $0xFFFF7000  }
0x301: {  	_ =	swait.ge [sflag:s16], $0x10  }
0x302: {  	[sflag:s16] =	ssyncset.done $0x0  }
0x303: {  	[sflag:s16] =	ssyncadd.s32 $0xFFFFFFF0  }
0x304: {  	_ =	swait.ge [sflag:s16], $0x10  }
0x305: {  	[sflag:s16] =	ssyncset.done $0x0  }
0x306: {  	[sflag:s16] =	ssyncadd.s32 $0xFFFFFFF0  }
0x307: {  	v3 =	vld [tilespmem:$0x12080];
	_ =	sdelay $0x4  }
0x308: {  	v62 =	vshrl.u32 v3, $0x3  }
0x309: {  	v4 =	vmul.u32 $0x90, v62  }
0x30a: {  	v3 =	vand.u32 $0x7, v3  }
0x30b: {  	v3 =	vor.u32 v3, v4  }
0x30c: {  	v4 =	vperm.xlane v3, v0;
	_ =	sdelay $0x1  }
0x30d: {  	v4 =	vadd.s32 v1, v4;
	_ =	sdelay $0x4  }
0x30e: {  	[hbm4b:s4+s2] =	stream.indirect_vreg.scatter [tilespmem:s25], [sflag:$0x2], $0x80, v4, vm0, $0xb8;
	[tilespmem:$0x12200] =	vst v63  }
0x30f: {  	s3 =	simm.s32 $0x9800  }
0x310: {  	[hbm4b:s5+s2] =	stream.indirect_vreg.scatter [tilespmem:s3], [sflag:$0x2], $0x80, v4, vm0, $0xb8;
	[tilespmem:$0x12200] =	vst v63  }
0x311: {  	s13 =	simm.s32 $0xA000  }
0x312: {  	[hbm4b:s6+s2] =	stream.indirect_vreg.scatter [tilespmem:s13], [sflag:$0x2], $0x80, v4, vm0, $0xb8;
	[tilespmem:$0x12200] =	vst v63  }
0x313: {  	s14 =	simm.s32 $0xA800  }
0x314: {  	[hbm4b:s7+s2] =	stream.indirect_vreg.scatter [tilespmem:s14], [sflag:$0x2], $0x80, v4, vm0, $0xb8;
	[tilespmem:$0x12200] =	vst v63  }
0x315: {  	s1 =	simm.s32 $0xB000  }
0x316: {  	[hbm4b:s8+s2] =	stream.indirect_vreg.scatter [tilespmem:s1], [sflag:$0x2], $0x80, v4, vm0, $0xb8;
	[tilespmem:$0x12200] =	vst v63  }
0x317: {  	s19 =	simm.s32 $0xB800  }
0x318: {  	[hbm4b:s9+s2] =	stream.indirect_vreg.scatter [tilespmem:s19], [sflag:$0x2], $0x80, v4, vm0, $0xb8;
	[tilespmem:$0x12200] =	vst v63  }
0x319: {  	s21 =	simm.s32 $0xC000;
	v3 =	vperm.xlane v3, v2  }
0x31a: {  	[hbm4b:s10+s2] =	stream.indirect_vreg.scatter [tilespmem:s21], [sflag:$0x2], $0x80, v4, vm0, $0xb8;
	[tilespmem:$0x12200] =	vst v63  }
0x31b: {  	s20 =	simm.s32 $0xC800;
	v3 =	vadd.s32 v1, v3  }
0x31c: {  	[hbm4b:s11+s2] =	stream.indirect_vreg.scatter [tilespmem:s20], [sflag:$0x2], $0x80, v4, vm0, $0xb8;
	[tilespmem:$0x12200] =	vst v63  }
0x31d: {  	s15 =	simm.s32 $0xD000  }
0x31e: {  	[hbm4b:s12+s2] =	stream.indirect_vreg.scatter [tilespmem:s15], [sflag:$0x2], $0x80, v4, vm0, $0xb8;
	[tilespmem:$0x12200] =	vst v63  }
0x31f: {  	s30 =	simm.s32 $0xD800  }
0x320: {  	[hbm4b:s4+s2] =	stream.indirect_vreg.scatter [tilespmem:s30], [sflag:$0x2], $0x80, v3, vm0, $0xb8;
	[tilespmem:$0x12200] =	vst v63  }
0x321: {  	s17 =	simm.s32 $0xE000  }
0x322: {  	[hbm4b:s5+s2] =	stream.indirect_vreg.scatter [tilespmem:s17], [sflag:$0x2], $0x80, v3, vm0, $0xb8;
	[tilespmem:$0x12200] =	vst v63  }
0x323: {  	s18 =	simm.s32 $0xE800  }
0x324: {  	[hbm4b:s6+s2] =	stream.indirect_vreg.scatter [tilespmem:s18], [sflag:$0x2], $0x80, v3, vm0, $0xb8;
	[tilespmem:$0x12200] =	vst v63  }
0x325: {  	s22 =	simm.s32 $0xF000  }
0x326: {  	[hbm4b:s7+s2] =	stream.indirect_vreg.scatter [tilespmem:s22], [sflag:$0x2], $0x80, v3, vm0, $0xb8;
	[tilespmem:$0x12200] =	vst v63  }
0x327: {  	s24 =	simm.s32 $0xF800  }
0x328: {  	[hbm4b:s8+s2] =	stream.indirect_vreg.scatter [tilespmem:s24], [sflag:$0x2], $0x80, v3, vm0, $0xb8;
	[tilespmem:$0x12200] =	vst v63  }
0x329: {  	s25 =	simm.s32 $0x10000  }
0x32a: {  	[hbm4b:s9+s2] =	stream.indirect_vreg.scatter [tilespmem:s25], [sflag:$0x2], $0x80, v3, vm0, $0xb8;
	[tilespmem:$0x12200] =	vst v63  }
0x32b: {  	s26 =	simm.s32 $0x10800  }
0x32c: {  	[hbm4b:s10+s2] =	stream.indirect_vreg.scatter [tilespmem:s26], [sflag:$0x2], $0x80, v3, vm0, $0xb8;
	[tilespmem:$0x12200] =	vst v63  }
0x32d: {  	s23 =	simm.s32 $0x11000  }
0x32e: {  	[hbm4b:s11+s2] =	stream.indirect_vreg.scatter [tilespmem:s23], [sflag:$0x2], $0x80, v3, vm0, $0xb8;
	[tilespmem:$0x12200] =	vst v63  }
0x32f: {  	s31 =	simm.s32 $0x11800  }
0x330: {  	[hbm4b:s12+s2] =	stream.indirect_vreg.scatter [tilespmem:s31], [sflag:$0x2], $0x80, v3, vm0, $0xb8;
	[tilespmem:$0x12200] =	vst v63  }
0x331: {  	v3 =	vld [tilespmem:$0x12180];
	_ =	sdelay $0x4  }
0x332: {  	v63 =	vshrl.u32 v3, $0x3  }
0x333: {  	v4 =	vmul.u32 $0x90, v63  }
0x334: {  	v3 =	vand.u32 $0x7, v3  }
0x335: {  	v3 =	vor.u32 v3, v4  }
0x336: {  	v4 =	vperm.xlane v3, v0;
	_ =	sdelay $0x1  }
0x337: {  	v4 =	vadd.s32 v1, v4;
	_ =	sdelay $0x3  }
0x338: {  	s28 =	simm.s32 $0x9000  }
0x339: {  	[hbm4b:s4+s2] =	stream.indirect_vreg.scatter [tilespmem:s28], [sflag:$0x3], $0x80, v4, vm0, $0xb8;
	[tilespmem:$0x12200] =	vst v63  }
0x33a: {  	_ = 	snop  }
0x33b: {  	[hbm4b:s5+s2] =	stream.indirect_vreg.scatter [tilespmem:s3], [sflag:$0x3], $0x80, v4, vm0, $0xb8;
	[tilespmem:$0x12200] =	vst v63  }
0x33c: {  	_ = 	snop  }
0x33d: {  	[hbm4b:s6+s2] =	stream.indirect_vreg.scatter [tilespmem:s13], [sflag:$0x3], $0x80, v4, vm0, $0xb8;
	[tilespmem:$0x12200] =	vst v63  }
0x33e: {  	_ = 	snop  }
0x33f: {  	[hbm4b:s7+s2] =	stream.indirect_vreg.scatter [tilespmem:s14], [sflag:$0x3], $0x80, v4, vm0, $0xb8;
	[tilespmem:$0x12200] =	vst v63  }
0x340: {  	_ = 	snop  }
0x341: {  	[hbm4b:s8+s2] =	stream.indirect_vreg.scatter [tilespmem:s1], [sflag:$0x3], $0x80, v4, vm0, $0xb8;
	[tilespmem:$0x12200] =	vst v63  }
0x342: {  	_ = 	snop  }
0x343: {  	[hbm4b:s9+s2] =	stream.indirect_vreg.scatter [tilespmem:s19], [sflag:$0x3], $0x80, v4, vm0, $0xb8;
	[tilespmem:$0x12200] =	vst v63  }
0x344: {  	v3 =	vperm.xlane v3, v2  }
0x345: {  	[hbm4b:s10+s2] =	stream.indirect_vreg.scatter [tilespmem:s21], [sflag:$0x3], $0x80, v4, vm0, $0xb8;
	[tilespmem:$0x12200] =	vst v63  }
0x346: {  	v3 =	vadd.s32 v1, v3  }
0x347: {  	[hbm4b:s11+s2] =	stream.indirect_vreg.scatter [tilespmem:s20], [sflag:$0x3], $0x80, v4, vm0, $0xb8;
	[tilespmem:$0x12200] =	vst v63  }
0x348: {  	_ = 	snop  }
0x349: {  	[hbm4b:s12+s2] =	stream.indirect_vreg.scatter [tilespmem:s15], [sflag:$0x3], $0x80, v4, vm0, $0xb8;
	[tilespmem:$0x12200] =	vst v63  }
0x34a: {  	_ = 	snop  }
0x34b: {  	[hbm4b:s4+s2] =	stream.indirect_vreg.scatter [tilespmem:s30], [sflag:$0x3], $0x80, v3, vm0, $0xb8;
	[tilespmem:$0x12200] =	vst v63  }
0x34c: {  	_ = 	snop  }
0x34d: {  	[hbm4b:s5+s2] =	stream.indirect_vreg.scatter [tilespmem:s17], [sflag:$0x3], $0x80, v3, vm0, $0xb8;
	[tilespmem:$0x12200] =	vst v63  }
0x34e: {  	_ = 	snop  }
0x34f: {  	[hbm4b:s6+s2] =	stream.indirect_vreg.scatter [tilespmem:s18], [sflag:$0x3], $0x80, v3, vm0, $0xb8;
	[tilespmem:$0x12200] =	vst v63  }
0x350: {  	_ = 	snop  }
0x351: {  	[hbm4b:s7+s2] =	stream.indirect_vreg.scatter [tilespmem:s22], [sflag:$0x3], $0x80, v3, vm0, $0xb8;
	[tilespmem:$0x12200] =	vst v63  }
0x352: {  	_ = 	snop  }
0x353: {  	[hbm4b:s8+s2] =	stream.indirect_vreg.scatter [tilespmem:s24], [sflag:$0x3], $0x80, v3, vm0, $0xb8;
	[tilespmem:$0x12200] =	vst v63  }
0x354: {  	_ = 	snop  }
0x355: {  	[hbm4b:s9+s2] =	stream.indirect_vreg.scatter [tilespmem:s25], [sflag:$0x3], $0x80, v3, vm0, $0xb8;
	[tilespmem:$0x12200] =	vst v63  }
0x356: {  	_ = 	snop  }
0x357: {  	[hbm4b:s10+s2] =	stream.indirect_vreg.scatter [tilespmem:s26], [sflag:$0x3], $0x80, v3, vm0, $0xb8;
	[tilespmem:$0x12200] =	vst v63  }
0x358: {  	_ = 	snop  }
0x359: {  	[hbm4b:s11+s2] =	stream.indirect_vreg.scatter [tilespmem:s23], [sflag:$0x3], $0x80, v3, vm0, $0xb8;
	[tilespmem:$0x12200] =	vst v63  }
0x35a: {  	s29 =	simm.s32 $0x2  }
0x35b: {  	[hbm4b:s12+s2] =	stream.indirect_vreg.scatter [tilespmem:s31], [sflag:$0x3], $0x80, v3, vm0, $0xb8;
	[tilespmem:$0x12200] =	vst v63  }
0x35c: {  	_ =	swait.ge [sflag:s29], $0x9000  }
0x35d: {  	[sflag:s29] =	ssyncset.done $0x0  }
0x35e: {  	s30 =	simm.s32 $0x3;
	[sflag:s29] =	ssyncadd.s32 $0xFFFF7000  }
0x35f: {  	_ =	swait.ge [sflag:s30], $0x9000  }
0x360: {  	[sflag:s30] =	ssyncset.done $0x0  }
0x361: {  	[sflag:s30] =	ssyncadd.s32 $0xFFFF7000  }
0x362: {  	p0 =	sne.s32 s0, $0x1;
	_ =	swait.ge [sflag:s29], $0x9000  }
.Ltmp0:
0x363: {  	[sflag:s29] =	ssyncset.done $0x0;
	(pc) =	sbr.rel @p0 .LBB2_1-.Ltmp0, $4  }
0x364: {  	[sflag:s29] =	ssyncadd.s32 $0xFFFF7000  }
0x365: {  	_ =	swait.ge [sflag:s30], $0x9000  }
0x366: {  	s31 =	simm.s32 $0x3;
	[sflag:s30] =	ssyncset.done $0x0  }
0x367: {  	s0 =	sadd.s32 $0xFFFFFFFF, s0;
	[sflag:s31] =	ssyncadd.s32 $0xFFFF7000  }
0x368: {  	_ =	sfence.sel $0x180000  }
0x369: {  	[bflag:$0x0] =	sbarrier.arrive $0xFFFF  }
0x36a: {  	_ =	strace $0x90000047  }
0x36b: {  	s0 =	stileid.u32;
	[bflag:$0x2] =	sbarrier.arrive $0xFFFF  }
0x36c: {  	p0 =	sne.s32 s0, $0x0;
	s0 =	rddreg [dreg:$0x2]  }
0x36d: {  	s0 =	sadd.s32 @!p0 $0x100000, s0  }
0x36e: {  	[sflag:s0] =	ssyncadd.tile.s32 @!p0 $0x1;
	_ =	shalt  }
.Lfunc_end2:
_tile_overlayer_lowered:
.L_overlay_start_2:
0x36f: {  	(tag) =	ssettag $0x2  }
0x370: {  	s0 =	rddreg [dreg:$0x0];
	s2 =	stileid.u32  }
0x371: {  	s1 =	rddreg [dreg:$0x1];
	p0 =	sne.s32 s2, $0x0  }
0x372: {  	s3 =	rddreg [dreg:$0x2];
	[bflag:$0x3] =	sbarrier.arrive $0xFFFF;
	s2 =	simm.s32 @!p0 $0x1C04  }
0x373: {  	[timem:s3], [sflag:s2] =	dma.local @!p0 [hbm:s0], s1  }
0x374: {  	s0 =	simm.s32 @!p0 $0x4  }
0x375: {  	_ =	swait.ge @!p0 [sflag:s0], s1  }
0x376: {  	s1 =	ssub.s32 @!p0 $0x0, s1;
	[sflag:s0] =	ssyncset.done @!p0 $0x0  }
0x377: {  	[sflag:s0] =	ssyncadd.s32 @!p0 s1  }
0x378: {  	[bflag:$0x3] =	sbarrier.arrive $0xFFFF  }
0x379: {  	_ =	shalt  }

</sc_bundles>
